<compile_context>
chip_gen: v7x
topology: tpu7x:2x2x1
jax: 0.10.2.dev20260603
libtpu: 0.0.44.dev20260713+nightly
codegen_flags: <defaults>
</compile_context>

<pallas_src>
import functools

import jax
import jax.numpy as jnp
from jax import lax
from jax.experimental import pallas as pl
from jax.experimental.pallas import tpu as pltpu
from jax.experimental.pallas import tpu_sc as plsc

T = 4
N = 10000
E = 320000
H = 128
ED = 64
G = 64

NC = 2
NS = 16
NW = NC * NS

C = 80
NB = 4
EPW = 10240
EPAD = NW * EPW
NCHUNK = EPW // C
NP = 10240
ZR = 64
RPT_Z = NP // NS // ZR
RPT_OUT = NP // NS

def _edge_agg_body(idx_hbm, h_hbm, out_hbm, idx_bufs, rows_bufs, agg_sh,
                   isems, gsems, ssems, zsem):
    cid = lax.axis_index("c")
    sid = lax.axis_index("s")
    wid = cid * NS + sid

    rows_a = rows_bufs[0]

    def _zrow(i, carry):
        for j in range(H // 16):
            rows_a[i, pl.ds(j * 16, 16)] = jnp.zeros((16,), jnp.float32)
        return carry

    lax.fori_loop(0, C, _zrow, 0)

    zbase = sid * RPT_OUT
    for i in range(RPT_OUT // C):
        pltpu.async_copy(rows_a, agg_sh.at[pl.ds(zbase + i * C, C)], zsem)

    for b in range(NB - 1):
        pltpu.async_copy(idx_hbm.at[wid, b], idx_bufs[b], isems[b])

    for i in range(RPT_OUT // C):
        pltpu.make_async_copy(rows_a, agg_sh.at[pl.ds(zbase + i * C, C)],
                              zsem).wait()
    plsc.subcore_barrier()

    for b in range(NB - 2):
        pltpu.make_async_copy(idx_hbm.at[wid, b], idx_bufs[b],
                              isems[b]).wait()
        pltpu.async_copy(h_hbm.at[idx_bufs[b].at[0]], rows_bufs[b], gsems[b])

    def _group(i, carry):
        for b in range(NB):
            c = i * NB + b
            pb = (b + NB - 1) % NB
            gb = (b + NB - 2) % NB

            @pl.when(c >= 1)
            def _():
                pltpu.make_async_copy(rows_bufs[pb],
                                      agg_sh.at[idx_bufs[pb].at[1]],
                                      ssems[pb]).wait()

            @pl.when(c + NB - 1 < NCHUNK)
            def _():
                pltpu.async_copy(idx_hbm.at[wid, c + NB - 1], idx_bufs[pb],
                                 isems[pb])

            @pl.when(c + NB - 2 < NCHUNK)
            def _():
                pltpu.make_async_copy(idx_hbm.at[wid, 0], idx_bufs[gb],
                                      isems[gb]).wait()
                pltpu.async_copy(h_hbm.at[idx_bufs[gb].at[0]], rows_bufs[gb],
                                 gsems[gb])

            pltpu.make_async_copy(h_hbm.at[idx_bufs[b].at[0]], rows_bufs[b],
                                  gsems[b]).wait()
            pltpu.async_copy(rows_bufs[b], agg_sh.at[idx_bufs[b].at[1]],
                             ssems[b], add=True)

        return carry

    lax.fori_loop(0, NCHUNK // NB, _group, 0)
    lb = (NCHUNK - 1) % NB
    pltpu.make_async_copy(rows_bufs[lb], agg_sh.at[idx_bufs[lb].at[1]],
                          ssems[lb]).wait()
    plsc.subcore_barrier()

    obase = sid * RPT_OUT
    pltpu.sync_copy(agg_sh.at[pl.ds(obase, RPT_OUT)],
                    out_hbm.at[cid, pl.ds(obase, RPT_OUT)])


@functools.cache
def _build_edge_agg():
    mesh = plsc.VectorSubcoreMesh(core_axis_name="c", subcore_axis_name="s")
    return pl.kernel(
        _edge_agg_body,
        out_type=jax.ShapeDtypeStruct((NC, NP, H), jnp.float32),
        mesh=mesh,
        scratch_types=[
            [pltpu.VMEM((2, C), jnp.int32) for _ in range(NB)],
            [pltpu.VMEM((C, H), jnp.float32) for _ in range(NB)],
            pltpu.VMEM_SHARED((NP, H), jnp.float32),
            [pltpu.SemaphoreType.DMA for _ in range(NB)],
            [pltpu.SemaphoreType.DMA for _ in range(NB)],
            [pltpu.SemaphoreType.DMA for _ in range(NB)],
            pltpu.SemaphoreType.DMA,
        ],
    )


def _edge_agg(idx, h):
    return _build_edge_agg()(idx, h)


R = 1000
GRID = N // R


def _gru_math(agg_ref, h_ref, A_ref, Wzrh_ref, Uzr_ref, Uh_ref, bzrh_ref):
    dot = functools.partial(jnp.dot, preferred_element_type=jnp.float32)
    agg = agg_ref[0] + agg_ref[1]
    hh = h_ref[...]
    m = dot(agg, A_ref[...])
    mW = dot(m, Wzrh_ref[...]) + bzrh_ref[...]
    hU = dot(hh, Uzr_ref[...])
    z = jax.nn.sigmoid(mW[:, 0:H] + hU[:, 0:H])
    r = jax.nn.sigmoid(mW[:, H:2 * H] + hU[:, H:2 * H])
    ht = jnp.tanh(mW[:, 2 * H:3 * H] + dot(r * hh, Uh_ref[...]))
    return (1.0 - z) * hh + z * ht


def _gru_body(agg_ref, h_ref, A_ref, Wzrh_ref, Uzr_ref, Uh_ref, bzrh_ref,
              out_ref):
    out_ref[...] = _gru_math(agg_ref, h_ref, A_ref, Wzrh_ref, Uzr_ref,
                             Uh_ref, bzrh_ref)


_GRU_SPECS = [
    pl.BlockSpec((NC, R, H), lambda i: (0, i, 0)),
    pl.BlockSpec((R, H), lambda i: (i, 0)),
    pl.BlockSpec((H, H), lambda i: (0, 0)),
    pl.BlockSpec((H, 3 * H), lambda i: (0, 0)),
    pl.BlockSpec((H, 2 * H), lambda i: (0, 0)),
    pl.BlockSpec((H, H), lambda i: (0, 0)),
    pl.BlockSpec((1, 3 * H), lambda i: (0, 0)),
]


def _gru_round(agg, h, A, Wzrh, Uzr, Uh, bzrh):
    return pl.pallas_call(
        _gru_body,
        grid=(GRID,),
        in_specs=_GRU_SPECS,
        out_specs=pl.BlockSpec((R, H), lambda i: (i, 0)),
        out_shape=jax.ShapeDtypeStruct((N, H), jnp.float32),
    )(agg, h, A, Wzrh, Uzr, Uh, bzrh)


def _gru_readout_body(agg_ref, h_ref, A_ref, Wzrh_ref, Uzr_ref, Uh_ref,
                      bzrh_ref, ids_ref, Wup_ref, bup_ref, Wgate_ref,
                      bgate_ref, out_ref):
    dot = functools.partial(jnp.dot, preferred_element_type=jnp.float32)
    hn = _gru_math(agg_ref, h_ref, A_ref, Wzrh_ref, Uzr_ref, Uh_ref,
                   bzrh_ref)
    proj = dot(hn, Wup_ref[...]) + bup_ref[...]
    gate = jax.nn.sigmoid(dot(hn, Wgate_ref[...]) + bgate_ref[...])
    gated = gate * proj
    ids = ids_ref[0, 0, :].reshape(1, R)
    ohT = (lax.broadcasted_iota(jnp.int32, (G, R), 0) == ids).astype(
        jnp.float32)
    contrib = dot(ohT, gated)

    @pl.when(pl.program_id(0) == 0)
    def _():
        out_ref[...] = jnp.zeros_like(out_ref)

    out_ref[...] += contrib


def _gru_readout(agg, h, A, Wzrh, Uzr, Uh, bzrh, ids3d, Wup, bup, Wgate,
                 bgate):
    return pl.pallas_call(
        _gru_readout_body,
        grid=(GRID,),
        in_specs=_GRU_SPECS + [
            pl.BlockSpec((1, 1, R), lambda i: (i, 0, 0)),
            pl.BlockSpec((H, ED), lambda i: (0, 0)),
            pl.BlockSpec((1, ED), lambda i: (0, 0)),
            pl.BlockSpec((H, ED), lambda i: (0, 0)),
            pl.BlockSpec((1, ED), lambda i: (0, 0)),
        ],
        out_specs=pl.BlockSpec((G, ED), lambda i: (0, 0)),
        out_shape=jax.ShapeDtypeStruct((G, ED), jnp.float32),
    )(agg, h, A, Wzrh, Uzr, Uh, bzrh, ids3d, Wup, bup, Wgate, bgate)


def kernel(node_features, edge_index, node_to_graph_id, A, Wz, Uz, bz, Wr,
           Ur, br, Wh, Uh, bh, Wup, bup, Wgate, bgate):
    src = edge_index[0].astype(jnp.int32)
    dst = edge_index[1].astype(jnp.int32)
    npad = EPAD - E
    pad_i = jnp.arange(npad, dtype=jnp.int32)
    src = jnp.concatenate([src, pad_i % N])
    dst = jnp.concatenate([dst, N + pad_i % (NP - N)])
    idx = jnp.stack([src.reshape(NW, NCHUNK, C),
                     dst.reshape(NW, NCHUNK, C)], axis=2)
    ids3d = node_to_graph_id.astype(jnp.int32).reshape(GRID, 1, R)
    Wzrh = jnp.concatenate([Wz, Wr, Wh], axis=1)
    Uzr = jnp.concatenate([Uz, Ur], axis=1)
    bzrh = jnp.concatenate([bz, br, bh]).reshape(1, 3 * H)
    bup2, bgate2 = bup.reshape(1, ED), bgate.reshape(1, ED)

    h = node_features
    for _ in range(T - 1):
        agg = _edge_agg(idx, h)
        h = _gru_round(agg, h, A, Wzrh, Uzr, Uh, bzrh)
    agg = _edge_agg(idx, h)
    return _gru_readout(agg, h, A, Wzrh, Uzr, Uh, bzrh, ids3d, Wup, bup2,
                        Wgate, bgate2)

# --- scband reference (transcript-rebuilt; emitter-appended) ---
"""Pipeline reference for scband-graph-embedder-83811991814272 (READ-ONLY COPY).

The authoritative reference and input builder live on the scoring server;
editing this copy changes nothing except your own understanding.
"""

import jax, jax.numpy as jnp
import numpy as np

T = 4
N = 10000
E = 320000
H = 128
ED = 64
G = 64


def setup_inputs(seed: int = 0) -> dict:
    key = jax.random.key(seed)
    ks = jax.random.split(key, 16)
    s = 1.0 / np.sqrt(H)
    inp = {
        "node_features": jax.random.normal(ks[0], (N, H), dtype=jnp.float32),
        "edge_index": jax.random.randint(ks[1], (2, E), 0, N),
        "node_to_graph_id": jnp.sort(jax.random.randint(ks[2], (N,), 0, G)),
        "A": jax.random.normal(ks[3], (H, H), dtype=jnp.float32) * s,
        "Wz": jax.random.normal(ks[4], (H, H), dtype=jnp.float32) * s,
        "Uz": jax.random.normal(ks[5], (H, H), dtype=jnp.float32) * s,
        "bz": jnp.zeros((H,), dtype=jnp.float32),
        "Wr": jax.random.normal(ks[6], (H, H), dtype=jnp.float32) * s,
        "Ur": jax.random.normal(ks[7], (H, H), dtype=jnp.float32) * s,
        "br": jnp.zeros((H,), dtype=jnp.float32),
        "Wh": jax.random.normal(ks[8], (H, H), dtype=jnp.float32) * s,
        "Uh": jax.random.normal(ks[9], (H, H), dtype=jnp.float32) * s,
        "bh": jnp.zeros((H,), dtype=jnp.float32),
        "Wup": jax.random.normal(ks[10], (H, ED), dtype=jnp.float32) * s,
        "bup": jnp.zeros((ED,), dtype=jnp.float32),
        "Wgate": jax.random.normal(ks[11], (H, ED), dtype=jnp.float32) * s,
        "bgate": jnp.zeros((ED,), dtype=jnp.float32),
    }
    return inp


def _ggnn_forward(node_features, A, Wz, Uz, bz, Wr, Ur, br, Wh, Uh, bh,
                  Wup, bup, Wgate, bgate, edge_index, node_to_graph_id):
    src = edge_index[0]
    dst = edge_index[1]
    h = node_features
    # GGNN sparse propagation: T rounds of edge-type message passing + GRU cell
    for _ in range(T):
        msgs = h[src] @ A                               # gather + per-edge-type linear
        m = jnp.zeros_like(h).at[dst].add(msgs)         # scatter-add aggregation
        z = jax.nn.sigmoid(m @ Wz + h @ Uz + bz)
        r = jax.nn.sigmoid(m @ Wr + h @ Ur + br)
        htil = jnp.tanh(m @ Wh + (r * h) @ Uh + bh)
        h = (1.0 - z) * h + z * htil
    # GraphFeaturesStackIndexAdd readout: gated projection + index_add by graph id
    proj = h @ Wup + bup          # mlp_project_up (no hidden layers -> linear)
    gate = jax.nn.sigmoid(h @ Wgate + bgate)  # mlp_gate
    gated = gate * proj           # mlp_down = identity
    graph_feats = jax.ops.segment_sum(gated, node_to_graph_id, num_segments=G)
    return graph_feats


def reference(node_features, edge_index, node_to_graph_id, A, Wz, Uz, bz,
              Wr, Ur, br, Wh, Uh, bh, Wup, bup, Wgate, bgate):
    return _ggnn_forward(node_features, A, Wz, Uz, bz, Wr, Ur, br, Wh, Uh, bh,
                         Wup, bup, Wgate, bgate, edge_index, node_to_graph_id)

if __name__ == "__main__":
    import jax
    _d = setup_inputs()
    print(jax.jit(kernel)(*tuple(_d.values())))

</pallas_src>

<mosaic_0001>
#map = affine_map<(d0, d1) -> (0, 0, 0, 0)>
#map1 = affine_map<(d0, d1) -> (0, 0)>
#map2 = affine_map<(d0, d1) -> (0, 0, 0)>
module attributes {stable_mosaic.version = 14 : i64} {
  func.func @_edge_agg_body(%arg0: i32, %arg1: i32, %arg2: memref<32x128x2x80xi32, #tpu.memory_space<hbm>>, %arg3: memref<10000x128xf32, #tpu.memory_space<hbm>>, %arg4: memref<2x10240x128xf32, #tpu.memory_space<hbm>>, %arg5: memref<2x80xi32, #tpu.memory_space<vmem>>, %arg6: memref<2x80xi32, #tpu.memory_space<vmem>>, %arg7: memref<2x80xi32, #tpu.memory_space<vmem>>, %arg8: memref<2x80xi32, #tpu.memory_space<vmem>>, %arg9: memref<80x128xf32, #tpu.memory_space<vmem>>, %arg10: memref<80x128xf32, #tpu.memory_space<vmem>>, %arg11: memref<80x128xf32, #tpu.memory_space<vmem>>, %arg12: memref<80x128xf32, #tpu.memory_space<vmem>>, %arg13: memref<10240x128xf32, #tpu.memory_space<vmem_shared>>, %arg14: memref<!tpu.dma_semaphore, #tpu.memory_space<semaphore_mem>>, %arg15: memref<!tpu.dma_semaphore, #tpu.memory_space<semaphore_mem>>, %arg16: memref<!tpu.dma_semaphore, #tpu.memory_space<semaphore_mem>>, %arg17: memref<!tpu.dma_semaphore, #tpu.memory_space<semaphore_mem>>, %arg18: memref<!tpu.dma_semaphore, #tpu.memory_space<semaphore_mem>>, %arg19: memref<!tpu.dma_semaphore, #tpu.memory_space<semaphore_mem>>, %arg20: memref<!tpu.dma_semaphore, #tpu.memory_space<semaphore_mem>>, %arg21: memref<!tpu.dma_semaphore, #tpu.memory_space<semaphore_mem>>, %arg22: memref<!tpu.dma_semaphore, #tpu.memory_space<semaphore_mem>>, %arg23: memref<!tpu.dma_semaphore, #tpu.memory_space<semaphore_mem>>, %arg24: memref<!tpu.dma_semaphore, #tpu.memory_space<semaphore_mem>>, %arg25: memref<!tpu.dma_semaphore, #tpu.memory_space<semaphore_mem>>, %arg26: memref<!tpu.dma_semaphore, #tpu.memory_space<semaphore_mem>>) attributes {dimension_semantics = [#tpu.dimension_semantics<core_parallel>, #tpu.dimension_semantics<subcore_parallel>], iteration_bounds = array<i64: 2, 16>, scalar_prefetch = 0 : i64, scratch_operands = 22 : i64, tpu.core_type = #tpu.core_type<sc_vector_subcore>, window_params = [{transform_indices = #map}, {transform_indices = #map1}, {transform_indices = #map2}]} {
    %mul3A = arith.constant 16 : i32
    %mul3A_0 = arith.muli %arg0, %mul3A : i32
    %add3A = arith.addi %mul3A_0, %arg1 : i32
    %scan3A = arith.constant 0 : i32
    %scan3A_1 = arith.constant 0 : i32
    %scan3A_2 = arith.constant 80 : i32
    %scan3A_3 = arith.addi %scan3A_1, %scan3A_2 : i32
    %scan3A_4 = arith.constant 1 : i32
    scf.for %scan3A_177 = %scan3A_1 to %scan3A_3 step %scan3A_4  : i32 {
      %broadcast_in_dim3A = arith.constant 0.000000e+00 : f32
      %broadcast_in_dim3A_178 = vector.broadcast %broadcast_in_dim3A : f32 to vector<16xf32>
      %swap3A = arith.index_cast %scan3A_177 : i32 to index
      %swap3A_179 = arith.constant 0 : index
      %swap3A_180 = tpu.vector_load %arg9[%swap3A, %swap3A_179] {strides = array<i32>} : memref<80x128xf32, #tpu.memory_space<vmem>>, vector<1x16xf32>,
      %swap3A_181 = vector.shape_cast %swap3A_180 : vector<1x16xf32> to vector<16xf32>
      %swap3A_182 = vector.shape_cast %broadcast_in_dim3A_178 : vector<16xf32> to vector<1x16xf32>
      tpu.vector_store %arg9[%swap3A, %swap3A_179], %swap3A_182 {strides = array<i32>} : memref<80x128xf32, #tpu.memory_space<vmem>>, vector<1x16xf32>,
      %broadcast_in_dim3A_183 = arith.constant 0.000000e+00 : f32
      %broadcast_in_dim3A_184 = vector.broadcast %broadcast_in_dim3A_183 : f32 to vector<16xf32>
      %swap3A_185 = arith.index_cast %scan3A_177 : i32 to index
      %swap3A_186 = arith.constant 16 : index
      %swap3A_187 = tpu.vector_load %arg9[%swap3A_185, %swap3A_186] {strides = array<i32>} : memref<80x128xf32, #tpu.memory_space<vmem>>, vector<1x16xf32>,
      %swap3A_188 = vector.shape_cast %swap3A_187 : vector<1x16xf32> to vector<16xf32>
      %swap3A_189 = vector.shape_cast %broadcast_in_dim3A_184 : vector<16xf32> to vector<1x16xf32>
      tpu.vector_store %arg9[%swap3A_185, %swap3A_186], %swap3A_189 {strides = array<i32>} : memref<80x128xf32, #tpu.memory_space<vmem>>, vector<1x16xf32>,
      %broadcast_in_dim3A_190 = arith.constant 0.000000e+00 : f32
      %broadcast_in_dim3A_191 = vector.broadcast %broadcast_in_dim3A_190 : f32 to vector<16xf32>
      %swap3A_192 = arith.index_cast %scan3A_177 : i32 to index
      %swap3A_193 = arith.constant 32 : index
      %swap3A_194 = tpu.vector_load %arg9[%swap3A_192, %swap3A_193] {strides = array<i32>} : memref<80x128xf32, #tpu.memory_space<vmem>>, vector<1x16xf32>,
      %swap3A_195 = vector.shape_cast %swap3A_194 : vector<1x16xf32> to vector<16xf32>
      %swap3A_196 = vector.shape_cast %broadcast_in_dim3A_191 : vector<16xf32> to vector<1x16xf32>
      tpu.vector_store %arg9[%swap3A_192, %swap3A_193], %swap3A_196 {strides = array<i32>} : memref<80x128xf32, #tpu.memory_space<vmem>>, vector<1x16xf32>,
      %broadcast_in_dim3A_197 = arith.constant 0.000000e+00 : f32
      %broadcast_in_dim3A_198 = vector.broadcast %broadcast_in_dim3A_197 : f32 to vector<16xf32>
      %swap3A_199 = arith.index_cast %scan3A_177 : i32 to index
      %swap3A_200 = arith.constant 48 : index
      %swap3A_201 = tpu.vector_load %arg9[%swap3A_199, %swap3A_200] {strides = array<i32>} : memref<80x128xf32, #tpu.memory_space<vmem>>, vector<1x16xf32>,
      %swap3A_202 = vector.shape_cast %swap3A_201 : vector<1x16xf32> to vector<16xf32>
      %swap3A_203 = vector.shape_cast %broadcast_in_dim3A_198 : vector<16xf32> to vector<1x16xf32>
      tpu.vector_store %arg9[%swap3A_199, %swap3A_200], %swap3A_203 {strides = array<i32>} : memref<80x128xf32, #tpu.memory_space<vmem>>, vector<1x16xf32>,
      %broadcast_in_dim3A_204 = arith.constant 0.000000e+00 : f32
      %broadcast_in_dim3A_205 = vector.broadcast %broadcast_in_dim3A_204 : f32 to vector<16xf32>
      %swap3A_206 = arith.index_cast %scan3A_177 : i32 to index
      %swap3A_207 = arith.constant 64 : index
      %swap3A_208 = tpu.vector_load %arg9[%swap3A_206, %swap3A_207] {strides = array<i32>} : memref<80x128xf32, #tpu.memory_space<vmem>>, vector<1x16xf32>,
      %swap3A_209 = vector.shape_cast %swap3A_208 : vector<1x16xf32> to vector<16xf32>
      %swap3A_210 = vector.shape_cast %broadcast_in_dim3A_205 : vector<16xf32> to vector<1x16xf32>
      tpu.vector_store %arg9[%swap3A_206, %swap3A_207], %swap3A_210 {strides = array<i32>} : memref<80x128xf32, #tpu.memory_space<vmem>>, vector<1x16xf32>,
      %broadcast_in_dim3A_211 = arith.constant 0.000000e+00 : f32
      %broadcast_in_dim3A_212 = vector.broadcast %broadcast_in_dim3A_211 : f32 to vector<16xf32>
      %swap3A_213 = arith.index_cast %scan3A_177 : i32 to index
      %swap3A_214 = arith.constant 80 : index
      %swap3A_215 = tpu.vector_load %arg9[%swap3A_213, %swap3A_214] {strides = array<i32>} : memref<80x128xf32, #tpu.memory_space<vmem>>, vector<1x16xf32>,
      %swap3A_216 = vector.shape_cast %swap3A_215 : vector<1x16xf32> to vector<16xf32>
      %swap3A_217 = vector.shape_cast %broadcast_in_dim3A_212 : vector<16xf32> to vector<1x16xf32>
      tpu.vector_store %arg9[%swap3A_213, %swap3A_214], %swap3A_217 {strides = array<i32>} : memref<80x128xf32, #tpu.memory_space<vmem>>, vector<1x16xf32>,
      %broadcast_in_dim3A_218 = arith.constant 0.000000e+00 : f32
      %broadcast_in_dim3A_219 = vector.broadcast %broadcast_in_dim3A_218 : f32 to vector<16xf32>
      %swap3A_220 = arith.index_cast %scan3A_177 : i32 to index
      %swap3A_221 = arith.constant 96 : index
      %swap3A_222 = tpu.vector_load %arg9[%swap3A_220, %swap3A_221] {strides = array<i32>} : memref<80x128xf32, #tpu.memory_space<vmem>>, vector<1x16xf32>,
      %swap3A_223 = vector.shape_cast %swap3A_222 : vector<1x16xf32> to vector<16xf32>
      %swap3A_224 = vector.shape_cast %broadcast_in_dim3A_219 : vector<16xf32> to vector<1x16xf32>
      tpu.vector_store %arg9[%swap3A_220, %swap3A_221], %swap3A_224 {strides = array<i32>} : memref<80x128xf32, #tpu.memory_space<vmem>>, vector<1x16xf32>,
      %broadcast_in_dim3A_225 = arith.constant 0.000000e+00 : f32
      %broadcast_in_dim3A_226 = vector.broadcast %broadcast_in_dim3A_225 : f32 to vector<16xf32>
      %swap3A_227 = arith.index_cast %scan3A_177 : i32 to index
      %swap3A_228 = arith.constant 112 : index
      %swap3A_229 = tpu.vector_load %arg9[%swap3A_227, %swap3A_228] {strides = array<i32>} : memref<80x128xf32, #tpu.memory_space<vmem>>, vector<1x16xf32>,
      %swap3A_230 = vector.shape_cast %swap3A_229 : vector<1x16xf32> to vector<16xf32>
      %swap3A_231 = vector.shape_cast %broadcast_in_dim3A_226 : vector<16xf32> to vector<1x16xf32>
      tpu.vector_store %arg9[%swap3A_227, %swap3A_228], %swap3A_231 {strides = array<i32>} : memref<80x128xf32, #tpu.memory_space<vmem>>, vector<1x16xf32>,
    }
    %scan3A_5 = arith.constant 80 : i32
    %mul3A_6 = arith.constant 640 : i32
    %mul3A_7 = arith.muli %arg1, %mul3A_6 : i32
    %add3A_8 = arith.constant 0 : i32
    %add3A_9 = arith.addi %mul3A_7, %add3A_8 : i32
    %dma_start3A = arith.constant 0 : i32
    %dma_start3A_10 = tpu.memref_slice %arg13[%add3A_9, %dma_start3A] : memref<10240x128xf32, #tpu.memory_space<vmem_shared>> -> memref<80x128xf32, #tpu.memory_space<vmem_shared>>
    %dma_start3A_11 = arith.constant 0 : i32
    %dma_start3A_12 = tpu.memref_slice %arg13[%add3A_9, %dma_start3A_11] : memref<10240x128xf32, #tpu.memory_space<vmem_shared>> -> memref<80x128xf32, #tpu.memory_space<vmem_shared>>
    tpu.enqueue_dma source(%arg9 : memref<80x128xf32, #tpu.memory_space<vmem>>) target(%dma_start3A_12 : memref<80x128xf32, #tpu.memory_space<vmem_shared>>) target_semaphore(%arg26 : memref<!tpu.dma_semaphore, #tpu.memory_space<semaphore_mem>>)
    %add3A_13 = arith.constant 80 : i32
    %add3A_14 = arith.addi %mul3A_7, %add3A_13 : i32
    %dma_start3A_15 = arith.constant 0 : i32
    %dma_start3A_16 = tpu.memref_slice %arg13[%add3A_14, %dma_start3A_15] : memref<10240x128xf32, #tpu.memory_space<vmem_shared>> -> memref<80x128xf32, #tpu.memory_space<vmem_shared>>
    %dma_start3A_17 = arith.constant 0 : i32
    %dma_start3A_18 = tpu.memref_slice %arg13[%add3A_14, %dma_start3A_17] : memref<10240x128xf32, #tpu.memory_space<vmem_shared>> -> memref<80x128xf32, #tpu.memory_space<vmem_shared>>
    tpu.enqueue_dma source(%arg9 : memref<80x128xf32, #tpu.memory_space<vmem>>) target(%dma_start3A_18 : memref<80x128xf32, #tpu.memory_space<vmem_shared>>) target_semaphore(%arg26 : memref<!tpu.dma_semaphore, #tpu.memory_space<semaphore_mem>>)
    %add3A_19 = arith.constant 160 : i32
    %add3A_20 = arith.addi %mul3A_7, %add3A_19 : i32
    %dma_start3A_21 = arith.constant 0 : i32
    %dma_start3A_22 = tpu.memref_slice %arg13[%add3A_20, %dma_start3A_21] : memref<10240x128xf32, #tpu.memory_space<vmem_shared>> -> memref<80x128xf32, #tpu.memory_space<vmem_shared>>
    %dma_start3A_23 = arith.constant 0 : i32
    %dma_start3A_24 = tpu.memref_slice %arg13[%add3A_20, %dma_start3A_23] : memref<10240x128xf32, #tpu.memory_space<vmem_shared>> -> memref<80x128xf32, #tpu.memory_space<vmem_shared>>
    tpu.enqueue_dma source(%arg9 : memref<80x128xf32, #tpu.memory_space<vmem>>) target(%dma_start3A_24 : memref<80x128xf32, #tpu.memory_space<vmem_shared>>) target_semaphore(%arg26 : memref<!tpu.dma_semaphore, #tpu.memory_space<semaphore_mem>>)
    %add3A_25 = arith.constant 240 : i32
    %add3A_26 = arith.addi %mul3A_7, %add3A_25 : i32
    %dma_start3A_27 = arith.constant 0 : i32
    %dma_start3A_28 = tpu.memref_slice %arg13[%add3A_26, %dma_start3A_27] : memref<10240x128xf32, #tpu.memory_space<vmem_shared>> -> memref<80x128xf32, #tpu.memory_space<vmem_shared>>
    %dma_start3A_29 = arith.constant 0 : i32
    %dma_start3A_30 = tpu.memref_slice %arg13[%add3A_26, %dma_start3A_29] : memref<10240x128xf32, #tpu.memory_space<vmem_shared>> -> memref<80x128xf32, #tpu.memory_space<vmem_shared>>
    tpu.enqueue_dma source(%arg9 : memref<80x128xf32, #tpu.memory_space<vmem>>) target(%dma_start3A_30 : memref<80x128xf32, #tpu.memory_space<vmem_shared>>) target_semaphore(%arg26 : memref<!tpu.dma_semaphore, #tpu.memory_space<semaphore_mem>>)
    %add3A_31 = arith.constant 320 : i32
    %add3A_32 = arith.addi %mul3A_7, %add3A_31 : i32
    %dma_start3A_33 = arith.constant 0 : i32
    %dma_start3A_34 = tpu.memref_slice %arg13[%add3A_32, %dma_start3A_33] : memref<10240x128xf32, #tpu.memory_space<vmem_shared>> -> memref<80x128xf32, #tpu.memory_space<vmem_shared>>
    %dma_start3A_35 = arith.constant 0 : i32
    %dma_start3A_36 = tpu.memref_slice %arg13[%add3A_32, %dma_start3A_35] : memref<10240x128xf32, #tpu.memory_space<vmem_shared>> -> memref<80x128xf32, #tpu.memory_space<vmem_shared>>
    tpu.enqueue_dma source(%arg9 : memref<80x128xf32, #tpu.memory_space<vmem>>) target(%dma_start3A_36 : memref<80x128xf32, #tpu.memory_space<vmem_shared>>) target_semaphore(%arg26 : memref<!tpu.dma_semaphore, #tpu.memory_space<semaphore_mem>>)
    %add3A_37 = arith.constant 400 : i32
    %add3A_38 = arith.addi %mul3A_7, %add3A_37 : i32
    %dma_start3A_39 = arith.constant 0 : i32
    %dma_start3A_40 = tpu.memref_slice %arg13[%add3A_38, %dma_start3A_39] : memref<10240x128xf32, #tpu.memory_space<vmem_shared>> -> memref<80x128xf32, #tpu.memory_space<vmem_shared>>
    %dma_start3A_41 = arith.constant 0 : i32
    %dma_start3A_42 = tpu.memref_slice %arg13[%add3A_38, %dma_start3A_41] : memref<10240x128xf32, #tpu.memory_space<vmem_shared>> -> memref<80x128xf32, #tpu.memory_space<vmem_shared>>
    tpu.enqueue_dma source(%arg9 : memref<80x128xf32, #tpu.memory_space<vmem>>) target(%dma_start3A_42 : memref<80x128xf32, #tpu.memory_space<vmem_shared>>) target_semaphore(%arg26 : memref<!tpu.dma_semaphore, #tpu.memory_space<semaphore_mem>>)
    %add3A_43 = arith.constant 480 : i32
    %add3A_44 = arith.addi %mul3A_7, %add3A_43 : i32
    %dma_start3A_45 = arith.constant 0 : i32
    %dma_start3A_46 = tpu.memref_slice %arg13[%add3A_44, %dma_start3A_45] : memref<10240x128xf32, #tpu.memory_space<vmem_shared>> -> memref<80x128xf32, #tpu.memory_space<vmem_shared>>
    %dma_start3A_47 = arith.constant 0 : i32
    %dma_start3A_48 = tpu.memref_slice %arg13[%add3A_44, %dma_start3A_47] : memref<10240x128xf32, #tpu.memory_space<vmem_shared>> -> memref<80x128xf32, #tpu.memory_space<vmem_shared>>
    tpu.enqueue_dma source(%arg9 : memref<80x128xf32, #tpu.memory_space<vmem>>) target(%dma_start3A_48 : memref<80x128xf32, #tpu.memory_space<vmem_shared>>) target_semaphore(%arg26 : memref<!tpu.dma_semaphore, #tpu.memory_space<semaphore_mem>>)
    %add3A_49 = arith.constant 560 : i32
    %add3A_50 = arith.addi %mul3A_7, %add3A_49 : i32
    %dma_start3A_51 = arith.constant 0 : i32
    %dma_start3A_52 = tpu.memref_slice %arg13[%add3A_50, %dma_start3A_51] : memref<10240x128xf32, #tpu.memory_space<vmem_shared>> -> memref<80x128xf32, #tpu.memory_space<vmem_shared>>
    %dma_start3A_53 = arith.constant 0 : i32
    %dma_start3A_54 = tpu.memref_slice %arg13[%add3A_50, %dma_start3A_53] : memref<10240x128xf32, #tpu.memory_space<vmem_shared>> -> memref<80x128xf32, #tpu.memory_space<vmem_shared>>
    tpu.enqueue_dma source(%arg9 : memref<80x128xf32, #tpu.memory_space<vmem>>) target(%dma_start3A_54 : memref<80x128xf32, #tpu.memory_space<vmem_shared>>) target_semaphore(%arg26 : memref<!tpu.dma_semaphore, #tpu.memory_space<semaphore_mem>>)
    %dma_start3A_55 = arith.constant 0 : i32
    %dma_start3A_56 = arith.constant 0 : i32
    %dma_start3A_57 = arith.constant 0 : i32
    %dma_start3A_58 = tpu.memref_slice %arg2[%add3A, %dma_start3A_55, %dma_start3A_56, %dma_start3A_57] : memref<32x128x2x80xi32, #tpu.memory_space<hbm>> -> memref<1x1x2x80xi32, #tpu.memory_space<hbm>>
    %dma_start3A_59 = tpu.memref_squeeze %dma_start3A_58 : memref<1x1x2x80xi32, #tpu.memory_space<hbm>> -> memref<2x80xi32, #tpu.memory_space<hbm>>
    %dma_start3A_60 = arith.constant 0 : i32
    %dma_start3A_61 = arith.constant 0 : i32
    %dma_start3A_62 = tpu.memref_slice %arg2[%add3A, %dma_start3A_55, %dma_start3A_60, %dma_start3A_61] : memref<32x128x2x80xi32, #tpu.memory_space<hbm>> -> memref<1x1x2x80xi32, #tpu.memory_space<hbm>>
    %dma_start3A_63 = tpu.memref_squeeze %dma_start3A_62 : memref<1x1x2x80xi32, #tpu.memory_space<hbm>> -> memref<2x80xi32, #tpu.memory_space<hbm>>
    tpu.enqueue_dma source(%dma_start3A_63 : memref<2x80xi32, #tpu.memory_space<hbm>>) target(%arg5 : memref<2x80xi32, #tpu.memory_space<vmem>>) target_semaphore(%arg14 : memref<!tpu.dma_semaphore, #tpu.memory_space<semaphore_mem>>)
    %dma_start3A_64 = arith.constant 1 : i32
    %dma_start3A_65 = arith.constant 0 : i32
    %dma_start3A_66 = arith.constant 0 : i32
    %dma_start3A_67 = tpu.memref_slice %arg2[%add3A, %dma_start3A_64, %dma_start3A_65, %dma_start3A_66] : memref<32x128x2x80xi32, #tpu.memory_space<hbm>> -> memref<1x1x2x80xi32, #tpu.memory_space<hbm>>
    %dma_start3A_68 = tpu.memref_squeeze %dma_start3A_67 : memref<1x1x2x80xi32, #tpu.memory_space<hbm>> -> memref<2x80xi32, #tpu.memory_space<hbm>>
    %dma_start3A_69 = arith.constant 0 : i32
    %dma_start3A_70 = arith.constant 0 : i32
    %dma_start3A_71 = tpu.memref_slice %arg2[%add3A, %dma_start3A_64, %dma_start3A_69, %dma_start3A_70] : memref<32x128x2x80xi32, #tpu.memory_space<hbm>> -> memref<1x1x2x80xi32, #tpu.memory_space<hbm>>
    %dma_start3A_72 = tpu.memref_squeeze %dma_start3A_71 : memref<1x1x2x80xi32, #tpu.memory_space<hbm>> -> memref<2x80xi32, #tpu.memory_space<hbm>>
    tpu.enqueue_dma source(%dma_start3A_72 : memref<2x80xi32, #tpu.memory_space<hbm>>) target(%arg6 : memref<2x80xi32, #tpu.memory_space<vmem>>) target_semaphore(%arg15 : memref<!tpu.dma_semaphore, #tpu.memory_space<semaphore_mem>>)
    %dma_start3A_73 = arith.constant 2 : i32
    %dma_start3A_74 = arith.constant 0 : i32
    %dma_start3A_75 = arith.constant 0 : i32
    %dma_start3A_76 = tpu.memref_slice %arg2[%add3A, %dma_start3A_73, %dma_start3A_74, %dma_start3A_75] : memref<32x128x2x80xi32, #tpu.memory_space<hbm>> -> memref<1x1x2x80xi32, #tpu.memory_space<hbm>>
    %dma_start3A_77 = tpu.memref_squeeze %dma_start3A_76 : memref<1x1x2x80xi32, #tpu.memory_space<hbm>> -> memref<2x80xi32, #tpu.memory_space<hbm>>
    %dma_start3A_78 = arith.constant 0 : i32
    %dma_start3A_79 = arith.constant 0 : i32
    %dma_start3A_80 = tpu.memref_slice %arg2[%add3A, %dma_start3A_73, %dma_start3A_78, %dma_start3A_79] : memref<32x128x2x80xi32, #tpu.memory_space<hbm>> -> memref<1x1x2x80xi32, #tpu.memory_space<hbm>>
    %dma_start3A_81 = tpu.memref_squeeze %dma_start3A_80 : memref<1x1x2x80xi32, #tpu.memory_space<hbm>> -> memref<2x80xi32, #tpu.memory_space<hbm>>
    tpu.enqueue_dma source(%dma_start3A_81 : memref<2x80xi32, #tpu.memory_space<hbm>>) target(%arg7 : memref<2x80xi32, #tpu.memory_space<vmem>>) target_semaphore(%arg16 : memref<!tpu.dma_semaphore, #tpu.memory_space<semaphore_mem>>)
    %add3A_82 = arith.constant 0 : i32
    %add3A_83 = arith.addi %mul3A_7, %add3A_82 : i32
    %dma_wait3A = arith.constant 0 : i32
    %dma_wait3A_84 = tpu.memref_slice %arg13[%add3A_83, %dma_wait3A] : memref<10240x128xf32, #tpu.memory_space<vmem_shared>> -> memref<80x128xf32, #tpu.memory_space<vmem_shared>>
    %dma_wait3A_85 = arith.constant 0 : i32
    %dma_wait3A_86 = tpu.memref_slice %arg13[%add3A_83, %dma_wait3A_85] : memref<10240x128xf32, #tpu.memory_space<vmem_shared>> -> memref<80x128xf32, #tpu.memory_space<vmem_shared>>
    tpu.wait_dma2 semaphore(%arg26 : memref<!tpu.dma_semaphore, #tpu.memory_space<semaphore_mem>>) src(%arg9 : memref<80x128xf32, #tpu.memory_space<vmem>>) dst(%dma_wait3A_86 : memref<80x128xf32, #tpu.memory_space<vmem_shared>>)
    %add3A_87 = arith.constant 80 : i32
    %add3A_88 = arith.addi %mul3A_7, %add3A_87 : i32
    %dma_wait3A_89 = arith.constant 0 : i32
    %dma_wait3A_90 = tpu.memref_slice %arg13[%add3A_88, %dma_wait3A_89] : memref<10240x128xf32, #tpu.memory_space<vmem_shared>> -> memref<80x128xf32, #tpu.memory_space<vmem_shared>>
    %dma_wait3A_91 = arith.constant 0 : i32
    %dma_wait3A_92 = tpu.memref_slice %arg13[%add3A_88, %dma_wait3A_91] : memref<10240x128xf32, #tpu.memory_space<vmem_shared>> -> memref<80x128xf32, #tpu.memory_space<vmem_shared>>
    tpu.wait_dma2 semaphore(%arg26 : memref<!tpu.dma_semaphore, #tpu.memory_space<semaphore_mem>>) src(%arg9 : memref<80x128xf32, #tpu.memory_space<vmem>>) dst(%dma_wait3A_92 : memref<80x128xf32, #tpu.memory_space<vmem_shared>>)
    %add3A_93 = arith.constant 160 : i32
    %add3A_94 = arith.addi %mul3A_7, %add3A_93 : i32
    %dma_wait3A_95 = arith.constant 0 : i32
    %dma_wait3A_96 = tpu.memref_slice %arg13[%add3A_94, %dma_wait3A_95] : memref<10240x128xf32, #tpu.memory_space<vmem_shared>> -> memref<80x128xf32, #tpu.memory_space<vmem_shared>>
    %dma_wait3A_97 = arith.constant 0 : i32
    %dma_wait3A_98 = tpu.memref_slice %arg13[%add3A_94, %dma_wait3A_97] : memref<10240x128xf32, #tpu.memory_space<vmem_shared>> -> memref<80x128xf32, #tpu.memory_space<vmem_shared>>
    tpu.wait_dma2 semaphore(%arg26 : memref<!tpu.dma_semaphore, #tpu.memory_space<semaphore_mem>>) src(%arg9 : memref<80x128xf32, #tpu.memory_space<vmem>>) dst(%dma_wait3A_98 : memref<80x128xf32, #tpu.memory_space<vmem_shared>>)
    %add3A_99 = arith.constant 240 : i32
    %add3A_100 = arith.addi %mul3A_7, %add3A_99 : i32
    %dma_wait3A_101 = arith.constant 0 : i32
    %dma_wait3A_102 = tpu.memref_slice %arg13[%add3A_100, %dma_wait3A_101] : memref<10240x128xf32, #tpu.memory_space<vmem_shared>> -> memref<80x128xf32, #tpu.memory_space<vmem_shared>>
    %dma_wait3A_103 = arith.constant 0 : i32
    %dma_wait3A_104 = tpu.memref_slice %arg13[%add3A_100, %dma_wait3A_103] : memref<10240x128xf32, #tpu.memory_space<vmem_shared>> -> memref<80x128xf32, #tpu.memory_space<vmem_shared>>
    tpu.wait_dma2 semaphore(%arg26 : memref<!tpu.dma_semaphore, #tpu.memory_space<semaphore_mem>>) src(%arg9 : memref<80x128xf32, #tpu.memory_space<vmem>>) dst(%dma_wait3A_104 : memref<80x128xf32, #tpu.memory_space<vmem_shared>>)
    %add3A_105 = arith.constant 320 : i32
    %add3A_106 = arith.addi %mul3A_7, %add3A_105 : i32
    %dma_wait3A_107 = arith.constant 0 : i32
    %dma_wait3A_108 = tpu.memref_slice %arg13[%add3A_106, %dma_wait3A_107] : memref<10240x128xf32, #tpu.memory_space<vmem_shared>> -> memref<80x128xf32, #tpu.memory_space<vmem_shared>>
    %dma_wait3A_109 = arith.constant 0 : i32
    %dma_wait3A_110 = tpu.memref_slice %arg13[%add3A_106, %dma_wait3A_109] : memref<10240x128xf32, #tpu.memory_space<vmem_shared>> -> memref<80x128xf32, #tpu.memory_space<vmem_shared>>
    tpu.wait_dma2 semaphore(%arg26 : memref<!tpu.dma_semaphore, #tpu.memory_space<semaphore_mem>>) src(%arg9 : memref<80x128xf32, #tpu.memory_space<vmem>>) dst(%dma_wait3A_110 : memref<80x128xf32, #tpu.memory_space<vmem_shared>>)
    %add3A_111 = arith.constant 400 : i32
    %add3A_112 = arith.addi %mul3A_7, %add3A_111 : i32
    %dma_wait3A_113 = arith.constant 0 : i32
    %dma_wait3A_114 = tpu.memref_slice %arg13[%add3A_112, %dma_wait3A_113] : memref<10240x128xf32, #tpu.memory_space<vmem_shared>> -> memref<80x128xf32, #tpu.memory_space<vmem_shared>>
    %dma_wait3A_115 = arith.constant 0 : i32
    %dma_wait3A_116 = tpu.memref_slice %arg13[%add3A_112, %dma_wait3A_115] : memref<10240x128xf32, #tpu.memory_space<vmem_shared>> -> memref<80x128xf32, #tpu.memory_space<vmem_shared>>
    tpu.wait_dma2 semaphore(%arg26 : memref<!tpu.dma_semaphore, #tpu.memory_space<semaphore_mem>>) src(%arg9 : memref<80x128xf32, #tpu.memory_space<vmem>>) dst(%dma_wait3A_116 : memref<80x128xf32, #tpu.memory_space<vmem_shared>>)
    %add3A_117 = arith.constant 480 : i32
    %add3A_118 = arith.addi %mul3A_7, %add3A_117 : i32
    %dma_wait3A_119 = arith.constant 0 : i32
    %dma_wait3A_120 = tpu.memref_slice %arg13[%add3A_118, %dma_wait3A_119] : memref<10240x128xf32, #tpu.memory_space<vmem_shared>> -> memref<80x128xf32, #tpu.memory_space<vmem_shared>>
    %dma_wait3A_121 = arith.constant 0 : i32
    %dma_wait3A_122 = tpu.memref_slice %arg13[%add3A_118, %dma_wait3A_121] : memref<10240x128xf32, #tpu.memory_space<vmem_shared>> -> memref<80x128xf32, #tpu.memory_space<vmem_shared>>
    tpu.wait_dma2 semaphore(%arg26 : memref<!tpu.dma_semaphore, #tpu.memory_space<semaphore_mem>>) src(%arg9 : memref<80x128xf32, #tpu.memory_space<vmem>>) dst(%dma_wait3A_122 : memref<80x128xf32, #tpu.memory_space<vmem_shared>>)
    %add3A_123 = arith.constant 560 : i32
    %add3A_124 = arith.addi %mul3A_7, %add3A_123 : i32
    %dma_wait3A_125 = arith.constant 0 : i32
    %dma_wait3A_126 = tpu.memref_slice %arg13[%add3A_124, %dma_wait3A_125] : memref<10240x128xf32, #tpu.memory_space<vmem_shared>> -> memref<80x128xf32, #tpu.memory_space<vmem_shared>>
    %dma_wait3A_127 = arith.constant 0 : i32
    %dma_wait3A_128 = tpu.memref_slice %arg13[%add3A_124, %dma_wait3A_127] : memref<10240x128xf32, #tpu.memory_space<vmem_shared>> -> memref<80x128xf32, #tpu.memory_space<vmem_shared>>
    tpu.wait_dma2 semaphore(%arg26 : memref<!tpu.dma_semaphore, #tpu.memory_space<semaphore_mem>>) src(%arg9 : memref<80x128xf32, #tpu.memory_space<vmem>>) dst(%dma_wait3A_128 : memref<80x128xf32, #tpu.memory_space<vmem_shared>>)
    %barrier3A = arith.constant 0 : index
    tpu.barrier barrier_id(%barrier3A)
    %dma_wait3A_129 = arith.constant 0 : i32
    %dma_wait3A_130 = arith.constant 0 : i32
    %dma_wait3A_131 = arith.constant 0 : i32
    %dma_wait3A_132 = tpu.memref_slice %arg2[%add3A, %dma_wait3A_129, %dma_wait3A_130, %dma_wait3A_131] : memref<32x128x2x80xi32, #tpu.memory_space<hbm>> -> memref<1x1x2x80xi32, #tpu.memory_space<hbm>>
    %dma_wait3A_133 = tpu.memref_squeeze %dma_wait3A_132 : memref<1x1x2x80xi32, #tpu.memory_space<hbm>> -> memref<2x80xi32, #tpu.memory_space<hbm>>
    %dma_wait3A_134 = arith.constant 0 : i32
    %dma_wait3A_135 = arith.constant 0 : i32
    %dma_wait3A_136 = tpu.memref_slice %arg2[%add3A, %dma_wait3A_129, %dma_wait3A_134, %dma_wait3A_135] : memref<32x128x2x80xi32, #tpu.memory_space<hbm>> -> memref<1x1x2x80xi32, #tpu.memory_space<hbm>>
    %dma_wait3A_137 = tpu.memref_squeeze %dma_wait3A_136 : memref<1x1x2x80xi32, #tpu.memory_space<hbm>> -> memref<2x80xi32, #tpu.memory_space<hbm>>
    tpu.wait_dma2 semaphore(%arg14 : memref<!tpu.dma_semaphore, #tpu.memory_space<semaphore_mem>>) src(%dma_wait3A_137 : memref<2x80xi32, #tpu.memory_space<hbm>>) dst(%arg5 : memref<2x80xi32, #tpu.memory_space<vmem>>)
    %dma_start3A_138 = arith.constant 0 : i32
    %dma_start3A_139 = arith.constant 0 : i32
    %dma_start3A_140 = tpu.memref_slice %arg5[%dma_start3A_138, %dma_start3A_139] : memref<2x80xi32, #tpu.memory_space<vmem>> -> memref<1x80xi32, #tpu.memory_space<vmem>>
    %dma_start3A_141 = tpu.memref_squeeze %dma_start3A_140 : memref<1x80xi32, #tpu.memory_space<vmem>> -> memref<80xi32, #tpu.memory_space<vmem>>
    %dma_start3A_142 = arith.constant 0 : i32
    %dma_start3A_143 = arith.constant 0 : i32
    %dma_start3A_144 = tpu.memref_slice %arg3[%dma_start3A_142, %dma_start3A_143] : memref<10000x128xf32, #tpu.memory_space<hbm>> -> memref<10000x128xf32, #tpu.memory_space<hbm>>
    tpu.enqueue_indirect_dma source(%dma_start3A_144 : memref<10000x128xf32, #tpu.memory_space<hbm>>) target(%arg9 : memref<80x128xf32, #tpu.memory_space<vmem>>) offsets(%dma_start3A_141 : memref<80xi32, #tpu.memory_space<vmem>>) semaphore(%arg18 : memref<!tpu.dma_semaphore, #tpu.memory_space<semaphore_mem>>)
    %dma_wait3A_145 = arith.constant 1 : i32
    %dma_wait3A_146 = arith.constant 0 : i32
    %dma_wait3A_147 = arith.constant 0 : i32
    %dma_wait3A_148 = tpu.memref_slice %arg2[%add3A, %dma_wait3A_145, %dma_wait3A_146, %dma_wait3A_147] : memref<32x128x2x80xi32, #tpu.memory_space<hbm>> -> memref<1x1x2x80xi32, #tpu.memory_space<hbm>>
    %dma_wait3A_149 = tpu.memref_squeeze %dma_wait3A_148 : memref<1x1x2x80xi32, #tpu.memory_space<hbm>> -> memref<2x80xi32, #tpu.memory_space<hbm>>
    %dma_wait3A_150 = arith.constant 0 : i32
    %dma_wait3A_151 = arith.constant 0 : i32
    %dma_wait3A_152 = tpu.memref_slice %arg2[%add3A, %dma_wait3A_145, %dma_wait3A_150, %dma_wait3A_151] : memref<32x128x2x80xi32, #tpu.memory_space<hbm>> -> memref<1x1x2x80xi32, #tpu.memory_space<hbm>>
    %dma_wait3A_153 = tpu.memref_squeeze %dma_wait3A_152 : memref<1x1x2x80xi32, #tpu.memory_space<hbm>> -> memref<2x80xi32, #tpu.memory_space<hbm>>
    tpu.wait_dma2 semaphore(%arg15 : memref<!tpu.dma_semaphore, #tpu.memory_space<semaphore_mem>>) src(%dma_wait3A_153 : memref<2x80xi32, #tpu.memory_space<hbm>>) dst(%arg6 : memref<2x80xi32, #tpu.memory_space<vmem>>)
    %dma_start3A_154 = arith.constant 0 : i32
    %dma_start3A_155 = arith.constant 0 : i32
    %dma_start3A_156 = tpu.memref_slice %arg6[%dma_start3A_154, %dma_start3A_155] : memref<2x80xi32, #tpu.memory_space<vmem>> -> memref<1x80xi32, #tpu.memory_space<vmem>>
    %dma_start3A_157 = tpu.memref_squeeze %dma_start3A_156 : memref<1x80xi32, #tpu.memory_space<vmem>> -> memref<80xi32, #tpu.memory_space<vmem>>
    %dma_start3A_158 = arith.constant 0 : i32
    %dma_start3A_159 = arith.constant 0 : i32
    %dma_start3A_160 = tpu.memref_slice %arg3[%dma_start3A_158, %dma_start3A_159] : memref<10000x128xf32, #tpu.memory_space<hbm>> -> memref<10000x128xf32, #tpu.memory_space<hbm>>
    tpu.enqueue_indirect_dma source(%dma_start3A_160 : memref<10000x128xf32, #tpu.memory_space<hbm>>) target(%arg10 : memref<80x128xf32, #tpu.memory_space<vmem>>) offsets(%dma_start3A_157 : memref<80xi32, #tpu.memory_space<vmem>>) semaphore(%arg19 : memref<!tpu.dma_semaphore, #tpu.memory_space<semaphore_mem>>)
    %scan3A_161 = arith.constant 0 : i32
    %scan3A_162 = arith.constant 0 : i32
    %scan3A_163 = arith.constant 32 : i32
    %scan3A_164 = arith.addi %scan3A_162, %scan3A_163 : i32
    %scan3A_165 = arith.constant 1 : i32
    scf.for %scan3A_177 = %scan3A_162 to %scan3A_164 step %scan3A_165  : i32 {
      %mul3A_178 = arith.constant 4 : i32
      %mul3A_179 = arith.muli %scan3A_177, %mul3A_178 : i32
      %add3A_180 = arith.constant 0 : i32
      %add3A_181 = arith.addi %mul3A_179, %add3A_180 : i32
      %ge3A = arith.constant 1 : i32
      %ge3A_182 = arith.cmpi sge, %add3A_181, %ge3A : i32
      %convert_element_type3A = arith.extui %ge3A_182 : i1 to i32
      %cond3A = arith.constant 0 : i32
      %cond3A_183 = arith.cmpi ne, %convert_element_type3A, %cond3A : i32
      scf.if %cond3A_183 {
        %dma_wait3A_337 = arith.constant 1 : i32
        %dma_wait3A_338 = arith.constant 0 : i32
        %dma_wait3A_339 = tpu.memref_slice %arg8[%dma_wait3A_337, %dma_wait3A_338] : memref<2x80xi32, #tpu.memory_space<vmem>> -> memref<1x80xi32, #tpu.memory_space<vmem>>
        %dma_wait3A_340 = tpu.memref_squeeze %dma_wait3A_339 : memref<1x80xi32, #tpu.memory_space<vmem>> -> memref<80xi32, #tpu.memory_space<vmem>>
        %dma_wait3A_341 = arith.constant 0 : i32
        %dma_wait3A_342 = arith.constant 0 : i32
        %dma_wait3A_343 = tpu.memref_slice %arg13[%dma_wait3A_341, %dma_wait3A_342] : memref<10240x128xf32, #tpu.memory_space<vmem_shared>> -> memref<10240x128xf32, #tpu.memory_space<vmem_shared>>
        tpu.wait_indirect_dma semaphore(%arg25 : memref<!tpu.dma_semaphore, #tpu.memory_space<semaphore_mem>>) src(%arg12 : memref<80x128xf32, #tpu.memory_space<vmem>>) dst(%dma_wait3A_343 : memref<10240x128xf32, #tpu.memory_space<vmem_shared>>)
      } else {
      }
      %add3A_184 = arith.constant 4 : i32
      %add3A_185 = arith.addi %add3A_181, %add3A_184 : i32
      %sub3A = arith.constant 1 : i32
      %sub3A_186 = arith.subi %add3A_185, %sub3A : i32
      %lt3A = arith.constant 128 : i32
      %lt3A_187 = arith.cmpi slt, %sub3A_186, %lt3A : i32
      %convert_element_type3A_188 = arith.extui %lt3A_187 : i1 to i32
      %cond3A_189 = arith.constant 0 : i32
      %cond3A_190 = arith.cmpi ne, %convert_element_type3A_188, %cond3A_189 : i32
      scf.if %cond3A_190 {
        %add3A_337 = arith.constant 4 : i32
        %add3A_338 = arith.addi %add3A_181, %add3A_337 : i32
        %sub3A_339 = arith.constant 1 : i32
        %sub3A_340 = arith.subi %add3A_338, %sub3A_339 : i32
        %dma_start3A_341 = arith.constant 0 : i32
        %dma_start3A_342 = arith.constant 0 : i32
        %dma_start3A_343 = tpu.memref_slice %arg2[%add3A, %sub3A_340, %dma_start3A_341, %dma_start3A_342] : memref<32x128x2x80xi32, #tpu.memory_space<hbm>> -> memref<1x1x2x80xi32, #tpu.memory_space<hbm>>
        %dma_start3A_344 = tpu.memref_squeeze %dma_start3A_343 : memref<1x1x2x80xi32, #tpu.memory_space<hbm>> -> memref<2x80xi32, #tpu.memory_space<hbm>>
        %dma_start3A_345 = arith.constant 0 : i32
        %dma_start3A_346 = arith.constant 0 : i32
        %dma_start3A_347 = tpu.memref_slice %arg2[%add3A, %sub3A_340, %dma_start3A_345, %dma_start3A_346] : memref<32x128x2x80xi32, #tpu.memory_space<hbm>> -> memref<1x1x2x80xi32, #tpu.memory_space<hbm>>
        %dma_start3A_348 = tpu.memref_squeeze %dma_start3A_347 : memref<1x1x2x80xi32, #tpu.memory_space<hbm>> -> memref<2x80xi32, #tpu.memory_space<hbm>>
        tpu.enqueue_dma source(%dma_start3A_348 : memref<2x80xi32, #tpu.memory_space<hbm>>) target(%arg8 : memref<2x80xi32, #tpu.memory_space<vmem>>) target_semaphore(%arg17 : memref<!tpu.dma_semaphore, #tpu.memory_space<semaphore_mem>>)
      } else {
      }
      %add3A_191 = arith.constant 4 : i32
      %add3A_192 = arith.addi %add3A_181, %add3A_191 : i32
      %sub3A_193 = arith.constant 2 : i32
      %sub3A_194 = arith.subi %add3A_192, %sub3A_193 : i32
      %lt3A_195 = arith.constant 128 : i32
      %lt3A_196 = arith.cmpi slt, %sub3A_194, %lt3A_195 : i32
      %convert_element_type3A_197 = arith.extui %lt3A_196 : i1 to i32
      %cond3A_198 = arith.constant 0 : i32
      %cond3A_199 = arith.cmpi ne, %convert_element_type3A_197, %cond3A_198 : i32
      scf.if %cond3A_199 {
        %dma_wait3A_337 = arith.constant 0 : i32
        %dma_wait3A_338 = arith.constant 0 : i32
        %dma_wait3A_339 = arith.constant 0 : i32
        %dma_wait3A_340 = tpu.memref_slice %arg2[%add3A, %dma_wait3A_337, %dma_wait3A_338, %dma_wait3A_339] : memref<32x128x2x80xi32, #tpu.memory_space<hbm>> -> memref<1x1x2x80xi32, #tpu.memory_space<hbm>>
        %dma_wait3A_341 = tpu.memref_squeeze %dma_wait3A_340 : memref<1x1x2x80xi32, #tpu.memory_space<hbm>> -> memref<2x80xi32, #tpu.memory_space<hbm>>
        %dma_wait3A_342 = arith.constant 0 : i32
        %dma_wait3A_343 = arith.constant 0 : i32
        %dma_wait3A_344 = tpu.memref_slice %arg2[%add3A, %dma_wait3A_337, %dma_wait3A_342, %dma_wait3A_343] : memref<32x128x2x80xi32, #tpu.memory_space<hbm>> -> memref<1x1x2x80xi32, #tpu.memory_space<hbm>>
        %dma_wait3A_345 = tpu.memref_squeeze %dma_wait3A_344 : memref<1x1x2x80xi32, #tpu.memory_space<hbm>> -> memref<2x80xi32, #tpu.memory_space<hbm>>
        tpu.wait_dma2 semaphore(%arg16 : memref<!tpu.dma_semaphore, #tpu.memory_space<semaphore_mem>>) src(%dma_wait3A_345 : memref<2x80xi32, #tpu.memory_space<hbm>>) dst(%arg7 : memref<2x80xi32, #tpu.memory_space<vmem>>)
        %dma_start3A_346 = arith.constant 0 : i32
        %dma_start3A_347 = arith.constant 0 : i32
        %dma_start3A_348 = tpu.memref_slice %arg7[%dma_start3A_346, %dma_start3A_347] : memref<2x80xi32, #tpu.memory_space<vmem>> -> memref<1x80xi32, #tpu.memory_space<vmem>>
        %dma_start3A_349 = tpu.memref_squeeze %dma_start3A_348 : memref<1x80xi32, #tpu.memory_space<vmem>> -> memref<80xi32, #tpu.memory_space<vmem>>
        %dma_start3A_350 = arith.constant 0 : i32
        %dma_start3A_351 = arith.constant 0 : i32
        %dma_start3A_352 = tpu.memref_slice %arg3[%dma_start3A_350, %dma_start3A_351] : memref<10000x128xf32, #tpu.memory_space<hbm>> -> memref<10000x128xf32, #tpu.memory_space<hbm>>
        tpu.enqueue_indirect_dma source(%dma_start3A_352 : memref<10000x128xf32, #tpu.memory_space<hbm>>) target(%arg11 : memref<80x128xf32, #tpu.memory_space<vmem>>) offsets(%dma_start3A_349 : memref<80xi32, #tpu.memory_space<vmem>>) semaphore(%arg20 : memref<!tpu.dma_semaphore, #tpu.memory_space<semaphore_mem>>)
      } else {
      }
      %dma_wait3A_200 = arith.constant 0 : i32
      %dma_wait3A_201 = arith.constant 0 : i32
      %dma_wait3A_202 = tpu.memref_slice %arg5[%dma_wait3A_200, %dma_wait3A_201] : memref<2x80xi32, #tpu.memory_space<vmem>> -> memref<1x80xi32, #tpu.memory_space<vmem>>
      %dma_wait3A_203 = tpu.memref_squeeze %dma_wait3A_202 : memref<1x80xi32, #tpu.memory_space<vmem>> -> memref<80xi32, #tpu.memory_space<vmem>>
      %dma_wait3A_204 = arith.constant 0 : i32
      %dma_wait3A_205 = arith.constant 0 : i32
      %dma_wait3A_206 = tpu.memref_slice %arg3[%dma_wait3A_204, %dma_wait3A_205] : memref<10000x128xf32, #tpu.memory_space<hbm>> -> memref<10000x128xf32, #tpu.memory_space<hbm>>
      tpu.wait_indirect_dma semaphore(%arg18 : memref<!tpu.dma_semaphore, #tpu.memory_space<semaphore_mem>>) src(%dma_wait3A_206 : memref<10000x128xf32, #tpu.memory_space<hbm>>) dst(%arg9 : memref<80x128xf32, #tpu.memory_space<vmem>>)
      %dma_start3A_207 = arith.constant 1 : i32
      %dma_start3A_208 = arith.constant 0 : i32
      %dma_start3A_209 = tpu.memref_slice %arg5[%dma_start3A_207, %dma_start3A_208] : memref<2x80xi32, #tpu.memory_space<vmem>> -> memref<1x80xi32, #tpu.memory_space<vmem>>
      %dma_start3A_210 = tpu.memref_squeeze %dma_start3A_209 : memref<1x80xi32, #tpu.memory_space<vmem>> -> memref<80xi32, #tpu.memory_space<vmem>>
      %dma_start3A_211 = arith.constant 0 : i32
      %dma_start3A_212 = arith.constant 0 : i32
      %dma_start3A_213 = tpu.memref_slice %arg13[%dma_start3A_211, %dma_start3A_212] : memref<10240x128xf32, #tpu.memory_space<vmem_shared>> -> memref<10240x128xf32, #tpu.memory_space<vmem_shared>>
      tpu.enqueue_indirect_dma source(%arg9 : memref<80x128xf32, #tpu.memory_space<vmem>>) target(%dma_start3A_213 : memref<10240x128xf32, #tpu.memory_space<vmem_shared>>) offsets(%dma_start3A_210 : memref<80xi32, #tpu.memory_space<vmem>>) semaphore(%arg22 : memref<!tpu.dma_semaphore, #tpu.memory_space<semaphore_mem>>) {add = true}
      %mul3A_214 = arith.constant 4 : i32
      %mul3A_215 = arith.muli %scan3A_177, %mul3A_214 : i32
      %add3A_216 = arith.constant 1 : i32
      %add3A_217 = arith.addi %mul3A_215, %add3A_216 : i32
      %ge3A_218 = arith.constant 1 : i32
      %ge3A_219 = arith.cmpi sge, %add3A_217, %ge3A_218 : i32
      %convert_element_type3A_220 = arith.extui %ge3A_219 : i1 to i32
      %cond3A_221 = arith.constant 0 : i32
      %cond3A_222 = arith.cmpi ne, %convert_element_type3A_220, %cond3A_221 : i32
      scf.if %cond3A_222 {
        %dma_wait3A_337 = arith.constant 1 : i32
        %dma_wait3A_338 = arith.constant 0 : i32
        %dma_wait3A_339 = tpu.memref_slice %arg5[%dma_wait3A_337, %dma_wait3A_338] : memref<2x80xi32, #tpu.memory_space<vmem>> -> memref<1x80xi32, #tpu.memory_space<vmem>>
        %dma_wait3A_340 = tpu.memref_squeeze %dma_wait3A_339 : memref<1x80xi32, #tpu.memory_space<vmem>> -> memref<80xi32, #tpu.memory_space<vmem>>
        %dma_wait3A_341 = arith.constant 0 : i32
        %dma_wait3A_342 = arith.constant 0 : i32
        %dma_wait3A_343 = tpu.memref_slice %arg13[%dma_wait3A_341, %dma_wait3A_342] : memref<10240x128xf32, #tpu.memory_space<vmem_shared>> -> memref<10240x128xf32, #tpu.memory_space<vmem_shared>>
        tpu.wait_indirect_dma semaphore(%arg22 : memref<!tpu.dma_semaphore, #tpu.memory_space<semaphore_mem>>) src(%arg9 : memref<80x128xf32, #tpu.memory_space<vmem>>) dst(%dma_wait3A_343 : memref<10240x128xf32, #tpu.memory_space<vmem_shared>>)
      } else {
      }
      %add3A_223 = arith.constant 4 : i32
      %add3A_224 = arith.addi %add3A_217, %add3A_223 : i32
      %sub3A_225 = arith.constant 1 : i32
      %sub3A_226 = arith.subi %add3A_224, %sub3A_225 : i32
      %lt3A_227 = arith.constant 128 : i32
      %lt3A_228 = arith.cmpi slt, %sub3A_226, %lt3A_227 : i32
      %convert_element_type3A_229 = arith.extui %lt3A_228 : i1 to i32
      %cond3A_230 = arith.constant 0 : i32
      %cond3A_231 = arith.cmpi ne, %convert_element_type3A_229, %cond3A_230 : i32
      scf.if %cond3A_231 {
        %add3A_337 = arith.constant 4 : i32
        %add3A_338 = arith.addi %add3A_217, %add3A_337 : i32
        %sub3A_339 = arith.constant 1 : i32
        %sub3A_340 = arith.subi %add3A_338, %sub3A_339 : i32
        %dma_start3A_341 = arith.constant 0 : i32
        %dma_start3A_342 = arith.constant 0 : i32
        %dma_start3A_343 = tpu.memref_slice %arg2[%add3A, %sub3A_340, %dma_start3A_341, %dma_start3A_342] : memref<32x128x2x80xi32, #tpu.memory_space<hbm>> -> memref<1x1x2x80xi32, #tpu.memory_space<hbm>>
        %dma_start3A_344 = tpu.memref_squeeze %dma_start3A_343 : memref<1x1x2x80xi32, #tpu.memory_space<hbm>> -> memref<2x80xi32, #tpu.memory_space<hbm>>
        %dma_start3A_345 = arith.constant 0 : i32
        %dma_start3A_346 = arith.constant 0 : i32
        %dma_start3A_347 = tpu.memref_slice %arg2[%add3A, %sub3A_340, %dma_start3A_345, %dma_start3A_346] : memref<32x128x2x80xi32, #tpu.memory_space<hbm>> -> memref<1x1x2x80xi32, #tpu.memory_space<hbm>>
        %dma_start3A_348 = tpu.memref_squeeze %dma_start3A_347 : memref<1x1x2x80xi32, #tpu.memory_space<hbm>> -> memref<2x80xi32, #tpu.memory_space<hbm>>
        tpu.enqueue_dma source(%dma_start3A_348 : memref<2x80xi32, #tpu.memory_space<hbm>>) target(%arg5 : memref<2x80xi32, #tpu.memory_space<vmem>>) target_semaphore(%arg14 : memref<!tpu.dma_semaphore, #tpu.memory_space<semaphore_mem>>)
      } else {
      }
      %add3A_232 = arith.constant 4 : i32
      %add3A_233 = arith.addi %add3A_217, %add3A_232 : i32
      %sub3A_234 = arith.constant 2 : i32
      %sub3A_235 = arith.subi %add3A_233, %sub3A_234 : i32
      %lt3A_236 = arith.constant 128 : i32
      %lt3A_237 = arith.cmpi slt, %sub3A_235, %lt3A_236 : i32
      %convert_element_type3A_238 = arith.extui %lt3A_237 : i1 to i32
      %cond3A_239 = arith.constant 0 : i32
      %cond3A_240 = arith.cmpi ne, %convert_element_type3A_238, %cond3A_239 : i32
      scf.if %cond3A_240 {
        %dma_wait3A_337 = arith.constant 0 : i32
        %dma_wait3A_338 = arith.constant 0 : i32
        %dma_wait3A_339 = arith.constant 0 : i32
        %dma_wait3A_340 = tpu.memref_slice %arg2[%add3A, %dma_wait3A_337, %dma_wait3A_338, %dma_wait3A_339] : memref<32x128x2x80xi32, #tpu.memory_space<hbm>> -> memref<1x1x2x80xi32, #tpu.memory_space<hbm>>
        %dma_wait3A_341 = tpu.memref_squeeze %dma_wait3A_340 : memref<1x1x2x80xi32, #tpu.memory_space<hbm>> -> memref<2x80xi32, #tpu.memory_space<hbm>>
        %dma_wait3A_342 = arith.constant 0 : i32
        %dma_wait3A_343 = arith.constant 0 : i32
        %dma_wait3A_344 = tpu.memref_slice %arg2[%add3A, %dma_wait3A_337, %dma_wait3A_342, %dma_wait3A_343] : memref<32x128x2x80xi32, #tpu.memory_space<hbm>> -> memref<1x1x2x80xi32, #tpu.memory_space<hbm>>
        %dma_wait3A_345 = tpu.memref_squeeze %dma_wait3A_344 : memref<1x1x2x80xi32, #tpu.memory_space<hbm>> -> memref<2x80xi32, #tpu.memory_space<hbm>>
        tpu.wait_dma2 semaphore(%arg17 : memref<!tpu.dma_semaphore, #tpu.memory_space<semaphore_mem>>) src(%dma_wait3A_345 : memref<2x80xi32, #tpu.memory_space<hbm>>) dst(%arg8 : memref<2x80xi32, #tpu.memory_space<vmem>>)
        %dma_start3A_346 = arith.constant 0 : i32
        %dma_start3A_347 = arith.constant 0 : i32
        %dma_start3A_348 = tpu.memref_slice %arg8[%dma_start3A_346, %dma_start3A_347] : memref<2x80xi32, #tpu.memory_space<vmem>> -> memref<1x80xi32, #tpu.memory_space<vmem>>
        %dma_start3A_349 = tpu.memref_squeeze %dma_start3A_348 : memref<1x80xi32, #tpu.memory_space<vmem>> -> memref<80xi32, #tpu.memory_space<vmem>>
        %dma_start3A_350 = arith.constant 0 : i32
        %dma_start3A_351 = arith.constant 0 : i32
        %dma_start3A_352 = tpu.memref_slice %arg3[%dma_start3A_350, %dma_start3A_351] : memref<10000x128xf32, #tpu.memory_space<hbm>> -> memref<10000x128xf32, #tpu.memory_space<hbm>>
        tpu.enqueue_indirect_dma source(%dma_start3A_352 : memref<10000x128xf32, #tpu.memory_space<hbm>>) target(%arg12 : memref<80x128xf32, #tpu.memory_space<vmem>>) offsets(%dma_start3A_349 : memref<80xi32, #tpu.memory_space<vmem>>) semaphore(%arg21 : memref<!tpu.dma_semaphore, #tpu.memory_space<semaphore_mem>>)
      } else {
      }
      %dma_wait3A_241 = arith.constant 0 : i32
      %dma_wait3A_242 = arith.constant 0 : i32
      %dma_wait3A_243 = tpu.memref_slice %arg6[%dma_wait3A_241, %dma_wait3A_242] : memref<2x80xi32, #tpu.memory_space<vmem>> -> memref<1x80xi32, #tpu.memory_space<vmem>>
      %dma_wait3A_244 = tpu.memref_squeeze %dma_wait3A_243 : memref<1x80xi32, #tpu.memory_space<vmem>> -> memref<80xi32, #tpu.memory_space<vmem>>
      %dma_wait3A_245 = arith.constant 0 : i32
      %dma_wait3A_246 = arith.constant 0 : i32
      %dma_wait3A_247 = tpu.memref_slice %arg3[%dma_wait3A_245, %dma_wait3A_246] : memref<10000x128xf32, #tpu.memory_space<hbm>> -> memref<10000x128xf32, #tpu.memory_space<hbm>>
      tpu.wait_indirect_dma semaphore(%arg19 : memref<!tpu.dma_semaphore, #tpu.memory_space<semaphore_mem>>) src(%dma_wait3A_247 : memref<10000x128xf32, #tpu.memory_space<hbm>>) dst(%arg10 : memref<80x128xf32, #tpu.memory_space<vmem>>)
      %dma_start3A_248 = arith.constant 1 : i32
      %dma_start3A_249 = arith.constant 0 : i32
      %dma_start3A_250 = tpu.memref_slice %arg6[%dma_start3A_248, %dma_start3A_249] : memref<2x80xi32, #tpu.memory_space<vmem>> -> memref<1x80xi32, #tpu.memory_space<vmem>>
      %dma_start3A_251 = tpu.memref_squeeze %dma_start3A_250 : memref<1x80xi32, #tpu.memory_space<vmem>> -> memref<80xi32, #tpu.memory_space<vmem>>
      %dma_start3A_252 = arith.constant 0 : i32
      %dma_start3A_253 = arith.constant 0 : i32
      %dma_start3A_254 = tpu.memref_slice %arg13[%dma_start3A_252, %dma_start3A_253] : memref<10240x128xf32, #tpu.memory_space<vmem_shared>> -> memref<10240x128xf32, #tpu.memory_space<vmem_shared>>
      tpu.enqueue_indirect_dma source(%arg10 : memref<80x128xf32, #tpu.memory_space<vmem>>) target(%dma_start3A_254 : memref<10240x128xf32, #tpu.memory_space<vmem_shared>>) offsets(%dma_start3A_251 : memref<80xi32, #tpu.memory_space<vmem>>) semaphore(%arg23 : memref<!tpu.dma_semaphore, #tpu.memory_space<semaphore_mem>>) {add = true}
      %mul3A_255 = arith.constant 4 : i32
      %mul3A_256 = arith.muli %scan3A_177, %mul3A_255 : i32
      %add3A_257 = arith.constant 2 : i32
      %add3A_258 = arith.addi %mul3A_256, %add3A_257 : i32
      %ge3A_259 = arith.constant 1 : i32
      %ge3A_260 = arith.cmpi sge, %add3A_258, %ge3A_259 : i32
      %convert_element_type3A_261 = arith.extui %ge3A_260 : i1 to i32
      %cond3A_262 = arith.constant 0 : i32
      %cond3A_263 = arith.cmpi ne, %convert_element_type3A_261, %cond3A_262 : i32
      scf.if %cond3A_263 {
        %dma_wait3A_337 = arith.constant 1 : i32
        %dma_wait3A_338 = arith.constant 0 : i32
        %dma_wait3A_339 = tpu.memref_slice %arg6[%dma_wait3A_337, %dma_wait3A_338] : memref<2x80xi32, #tpu.memory_space<vmem>> -> memref<1x80xi32, #tpu.memory_space<vmem>>
        %dma_wait3A_340 = tpu.memref_squeeze %dma_wait3A_339 : memref<1x80xi32, #tpu.memory_space<vmem>> -> memref<80xi32, #tpu.memory_space<vmem>>
        %dma_wait3A_341 = arith.constant 0 : i32
        %dma_wait3A_342 = arith.constant 0 : i32
        %dma_wait3A_343 = tpu.memref_slice %arg13[%dma_wait3A_341, %dma_wait3A_342] : memref<10240x128xf32, #tpu.memory_space<vmem_shared>> -> memref<10240x128xf32, #tpu.memory_space<vmem_shared>>
        tpu.wait_indirect_dma semaphore(%arg23 : memref<!tpu.dma_semaphore, #tpu.memory_space<semaphore_mem>>) src(%arg10 : memref<80x128xf32, #tpu.memory_space<vmem>>) dst(%dma_wait3A_343 : memref<10240x128xf32, #tpu.memory_space<vmem_shared>>)
      } else {
      }
      %add3A_264 = arith.constant 4 : i32
      %add3A_265 = arith.addi %add3A_258, %add3A_264 : i32
      %sub3A_266 = arith.constant 1 : i32
      %sub3A_267 = arith.subi %add3A_265, %sub3A_266 : i32
      %lt3A_268 = arith.constant 128 : i32
      %lt3A_269 = arith.cmpi slt, %sub3A_267, %lt3A_268 : i32
      %convert_element_type3A_270 = arith.extui %lt3A_269 : i1 to i32
      %cond3A_271 = arith.constant 0 : i32
      %cond3A_272 = arith.cmpi ne, %convert_element_type3A_270, %cond3A_271 : i32
      scf.if %cond3A_272 {
        %add3A_337 = arith.constant 4 : i32
        %add3A_338 = arith.addi %add3A_258, %add3A_337 : i32
        %sub3A_339 = arith.constant 1 : i32
        %sub3A_340 = arith.subi %add3A_338, %sub3A_339 : i32
        %dma_start3A_341 = arith.constant 0 : i32
        %dma_start3A_342 = arith.constant 0 : i32
        %dma_start3A_343 = tpu.memref_slice %arg2[%add3A, %sub3A_340, %dma_start3A_341, %dma_start3A_342] : memref<32x128x2x80xi32, #tpu.memory_space<hbm>> -> memref<1x1x2x80xi32, #tpu.memory_space<hbm>>
        %dma_start3A_344 = tpu.memref_squeeze %dma_start3A_343 : memref<1x1x2x80xi32, #tpu.memory_space<hbm>> -> memref<2x80xi32, #tpu.memory_space<hbm>>
        %dma_start3A_345 = arith.constant 0 : i32
        %dma_start3A_346 = arith.constant 0 : i32
        %dma_start3A_347 = tpu.memref_slice %arg2[%add3A, %sub3A_340, %dma_start3A_345, %dma_start3A_346] : memref<32x128x2x80xi32, #tpu.memory_space<hbm>> -> memref<1x1x2x80xi32, #tpu.memory_space<hbm>>
        %dma_start3A_348 = tpu.memref_squeeze %dma_start3A_347 : memref<1x1x2x80xi32, #tpu.memory_space<hbm>> -> memref<2x80xi32, #tpu.memory_space<hbm>>
        tpu.enqueue_dma source(%dma_start3A_348 : memref<2x80xi32, #tpu.memory_space<hbm>>) target(%arg6 : memref<2x80xi32, #tpu.memory_space<vmem>>) target_semaphore(%arg15 : memref<!tpu.dma_semaphore, #tpu.memory_space<semaphore_mem>>)
      } else {
      }
      %add3A_273 = arith.constant 4 : i32
      %add3A_274 = arith.addi %add3A_258, %add3A_273 : i32
      %sub3A_275 = arith.constant 2 : i32
      %sub3A_276 = arith.subi %add3A_274, %sub3A_275 : i32
      %lt3A_277 = arith.constant 128 : i32
      %lt3A_278 = arith.cmpi slt, %sub3A_276, %lt3A_277 : i32
      %convert_element_type3A_279 = arith.extui %lt3A_278 : i1 to i32
      %cond3A_280 = arith.constant 0 : i32
      %cond3A_281 = arith.cmpi ne, %convert_element_type3A_279, %cond3A_280 : i32
      scf.if %cond3A_281 {
        %dma_wait3A_337 = arith.constant 0 : i32
        %dma_wait3A_338 = arith.constant 0 : i32
        %dma_wait3A_339 = arith.constant 0 : i32
        %dma_wait3A_340 = tpu.memref_slice %arg2[%add3A, %dma_wait3A_337, %dma_wait3A_338, %dma_wait3A_339] : memref<32x128x2x80xi32, #tpu.memory_space<hbm>> -> memref<1x1x2x80xi32, #tpu.memory_space<hbm>>
        %dma_wait3A_341 = tpu.memref_squeeze %dma_wait3A_340 : memref<1x1x2x80xi32, #tpu.memory_space<hbm>> -> memref<2x80xi32, #tpu.memory_space<hbm>>
        %dma_wait3A_342 = arith.constant 0 : i32
        %dma_wait3A_343 = arith.constant 0 : i32
        %dma_wait3A_344 = tpu.memref_slice %arg2[%add3A, %dma_wait3A_337, %dma_wait3A_342, %dma_wait3A_343] : memref<32x128x2x80xi32, #tpu.memory_space<hbm>> -> memref<1x1x2x80xi32, #tpu.memory_space<hbm>>
        %dma_wait3A_345 = tpu.memref_squeeze %dma_wait3A_344 : memref<1x1x2x80xi32, #tpu.memory_space<hbm>> -> memref<2x80xi32, #tpu.memory_space<hbm>>
        tpu.wait_dma2 semaphore(%arg14 : memref<!tpu.dma_semaphore, #tpu.memory_space<semaphore_mem>>) src(%dma_wait3A_345 : memref<2x80xi32, #tpu.memory_space<hbm>>) dst(%arg5 : memref<2x80xi32, #tpu.memory_space<vmem>>)
        %dma_start3A_346 = arith.constant 0 : i32
        %dma_start3A_347 = arith.constant 0 : i32
        %dma_start3A_348 = tpu.memref_slice %arg5[%dma_start3A_346, %dma_start3A_347] : memref<2x80xi32, #tpu.memory_space<vmem>> -> memref<1x80xi32, #tpu.memory_space<vmem>>
        %dma_start3A_349 = tpu.memref_squeeze %dma_start3A_348 : memref<1x80xi32, #tpu.memory_space<vmem>> -> memref<80xi32, #tpu.memory_space<vmem>>
        %dma_start3A_350 = arith.constant 0 : i32
        %dma_start3A_351 = arith.constant 0 : i32
        %dma_start3A_352 = tpu.memref_slice %arg3[%dma_start3A_350, %dma_start3A_351] : memref<10000x128xf32, #tpu.memory_space<hbm>> -> memref<10000x128xf32, #tpu.memory_space<hbm>>
        tpu.enqueue_indirect_dma source(%dma_start3A_352 : memref<10000x128xf32, #tpu.memory_space<hbm>>) target(%arg9 : memref<80x128xf32, #tpu.memory_space<vmem>>) offsets(%dma_start3A_349 : memref<80xi32, #tpu.memory_space<vmem>>) semaphore(%arg18 : memref<!tpu.dma_semaphore, #tpu.memory_space<semaphore_mem>>)
      } else {
      }
      %dma_wait3A_282 = arith.constant 0 : i32
      %dma_wait3A_283 = arith.constant 0 : i32
      %dma_wait3A_284 = tpu.memref_slice %arg7[%dma_wait3A_282, %dma_wait3A_283] : memref<2x80xi32, #tpu.memory_space<vmem>> -> memref<1x80xi32, #tpu.memory_space<vmem>>
      %dma_wait3A_285 = tpu.memref_squeeze %dma_wait3A_284 : memref<1x80xi32, #tpu.memory_space<vmem>> -> memref<80xi32, #tpu.memory_space<vmem>>
      %dma_wait3A_286 = arith.constant 0 : i32
      %dma_wait3A_287 = arith.constant 0 : i32
      %dma_wait3A_288 = tpu.memref_slice %arg3[%dma_wait3A_286, %dma_wait3A_287] : memref<10000x128xf32, #tpu.memory_space<hbm>> -> memref<10000x128xf32, #tpu.memory_space<hbm>>
      tpu.wait_indirect_dma semaphore(%arg20 : memref<!tpu.dma_semaphore, #tpu.memory_space<semaphore_mem>>) src(%dma_wait3A_288 : memref<10000x128xf32, #tpu.memory_space<hbm>>) dst(%arg11 : memref<80x128xf32, #tpu.memory_space<vmem>>)
      %dma_start3A_289 = arith.constant 1 : i32
      %dma_start3A_290 = arith.constant 0 : i32
      %dma_start3A_291 = tpu.memref_slice %arg7[%dma_start3A_289, %dma_start3A_290] : memref<2x80xi32, #tpu.memory_space<vmem>> -> memref<1x80xi32, #tpu.memory_space<vmem>>
      %dma_start3A_292 = tpu.memref_squeeze %dma_start3A_291 : memref<1x80xi32, #tpu.memory_space<vmem>> -> memref<80xi32, #tpu.memory_space<vmem>>
      %dma_start3A_293 = arith.constant 0 : i32
      %dma_start3A_294 = arith.constant 0 : i32
      %dma_start3A_295 = tpu.memref_slice %arg13[%dma_start3A_293, %dma_start3A_294] : memref<10240x128xf32, #tpu.memory_space<vmem_shared>> -> memref<10240x128xf32, #tpu.memory_space<vmem_shared>>
      tpu.enqueue_indirect_dma source(%arg11 : memref<80x128xf32, #tpu.memory_space<vmem>>) target(%dma_start3A_295 : memref<10240x128xf32, #tpu.memory_space<vmem_shared>>) offsets(%dma_start3A_292 : memref<80xi32, #tpu.memory_space<vmem>>) semaphore(%arg24 : memref<!tpu.dma_semaphore, #tpu.memory_space<semaphore_mem>>) {add = true}
      %mul3A_296 = arith.constant 4 : i32
      %mul3A_297 = arith.muli %scan3A_177, %mul3A_296 : i32
      %add3A_298 = arith.constant 3 : i32
      %add3A_299 = arith.addi %mul3A_297, %add3A_298 : i32
      %ge3A_300 = arith.constant 1 : i32
      %ge3A_301 = arith.cmpi sge, %add3A_299, %ge3A_300 : i32
      %convert_element_type3A_302 = arith.extui %ge3A_301 : i1 to i32
      %cond3A_303 = arith.constant 0 : i32
      %cond3A_304 = arith.cmpi ne, %convert_element_type3A_302, %cond3A_303 : i32
      scf.if %cond3A_304 {
        %dma_wait3A_337 = arith.constant 1 : i32
        %dma_wait3A_338 = arith.constant 0 : i32
        %dma_wait3A_339 = tpu.memref_slice %arg7[%dma_wait3A_337, %dma_wait3A_338] : memref<2x80xi32, #tpu.memory_space<vmem>> -> memref<1x80xi32, #tpu.memory_space<vmem>>
        %dma_wait3A_340 = tpu.memref_squeeze %dma_wait3A_339 : memref<1x80xi32, #tpu.memory_space<vmem>> -> memref<80xi32, #tpu.memory_space<vmem>>
        %dma_wait3A_341 = arith.constant 0 : i32
        %dma_wait3A_342 = arith.constant 0 : i32
        %dma_wait3A_343 = tpu.memref_slice %arg13[%dma_wait3A_341, %dma_wait3A_342] : memref<10240x128xf32, #tpu.memory_space<vmem_shared>> -> memref<10240x128xf32, #tpu.memory_space<vmem_shared>>
        tpu.wait_indirect_dma semaphore(%arg24 : memref<!tpu.dma_semaphore, #tpu.memory_space<semaphore_mem>>) src(%arg11 : memref<80x128xf32, #tpu.memory_space<vmem>>) dst(%dma_wait3A_343 : memref<10240x128xf32, #tpu.memory_space<vmem_shared>>)
      } else {
      }
      %add3A_305 = arith.constant 4 : i32
      %add3A_306 = arith.addi %add3A_299, %add3A_305 : i32
      %sub3A_307 = arith.constant 1 : i32
      %sub3A_308 = arith.subi %add3A_306, %sub3A_307 : i32
      %lt3A_309 = arith.constant 128 : i32
      %lt3A_310 = arith.cmpi slt, %sub3A_308, %lt3A_309 : i32
      %convert_element_type3A_311 = arith.extui %lt3A_310 : i1 to i32
      %cond3A_312 = arith.constant 0 : i32
      %cond3A_313 = arith.cmpi ne, %convert_element_type3A_311, %cond3A_312 : i32
      scf.if %cond3A_313 {
        %add3A_337 = arith.constant 4 : i32
        %add3A_338 = arith.addi %add3A_299, %add3A_337 : i32
        %sub3A_339 = arith.constant 1 : i32
        %sub3A_340 = arith.subi %add3A_338, %sub3A_339 : i32
        %dma_start3A_341 = arith.constant 0 : i32
        %dma_start3A_342 = arith.constant 0 : i32
        %dma_start3A_343 = tpu.memref_slice %arg2[%add3A, %sub3A_340, %dma_start3A_341, %dma_start3A_342] : memref<32x128x2x80xi32, #tpu.memory_space<hbm>> -> memref<1x1x2x80xi32, #tpu.memory_space<hbm>>
        %dma_start3A_344 = tpu.memref_squeeze %dma_start3A_343 : memref<1x1x2x80xi32, #tpu.memory_space<hbm>> -> memref<2x80xi32, #tpu.memory_space<hbm>>
        %dma_start3A_345 = arith.constant 0 : i32
        %dma_start3A_346 = arith.constant 0 : i32
        %dma_start3A_347 = tpu.memref_slice %arg2[%add3A, %sub3A_340, %dma_start3A_345, %dma_start3A_346] : memref<32x128x2x80xi32, #tpu.memory_space<hbm>> -> memref<1x1x2x80xi32, #tpu.memory_space<hbm>>
        %dma_start3A_348 = tpu.memref_squeeze %dma_start3A_347 : memref<1x1x2x80xi32, #tpu.memory_space<hbm>> -> memref<2x80xi32, #tpu.memory_space<hbm>>
        tpu.enqueue_dma source(%dma_start3A_348 : memref<2x80xi32, #tpu.memory_space<hbm>>) target(%arg7 : memref<2x80xi32, #tpu.memory_space<vmem>>) target_semaphore(%arg16 : memref<!tpu.dma_semaphore, #tpu.memory_space<semaphore_mem>>)
      } else {
      }
      %add3A_314 = arith.constant 4 : i32
      %add3A_315 = arith.addi %add3A_299, %add3A_314 : i32
      %sub3A_316 = arith.constant 2 : i32
      %sub3A_317 = arith.subi %add3A_315, %sub3A_316 : i32
      %lt3A_318 = arith.constant 128 : i32
      %lt3A_319 = arith.cmpi slt, %sub3A_317, %lt3A_318 : i32
      %convert_element_type3A_320 = arith.extui %lt3A_319 : i1 to i32
      %cond3A_321 = arith.constant 0 : i32
      %cond3A_322 = arith.cmpi ne, %convert_element_type3A_320, %cond3A_321 : i32
      scf.if %cond3A_322 {
        %dma_wait3A_337 = arith.constant 0 : i32
        %dma_wait3A_338 = arith.constant 0 : i32
        %dma_wait3A_339 = arith.constant 0 : i32
        %dma_wait3A_340 = tpu.memref_slice %arg2[%add3A, %dma_wait3A_337, %dma_wait3A_338, %dma_wait3A_339] : memref<32x128x2x80xi32, #tpu.memory_space<hbm>> -> memref<1x1x2x80xi32, #tpu.memory_space<hbm>>
        %dma_wait3A_341 = tpu.memref_squeeze %dma_wait3A_340 : memref<1x1x2x80xi32, #tpu.memory_space<hbm>> -> memref<2x80xi32, #tpu.memory_space<hbm>>
        %dma_wait3A_342 = arith.constant 0 : i32
        %dma_wait3A_343 = arith.constant 0 : i32
        %dma_wait3A_344 = tpu.memref_slice %arg2[%add3A, %dma_wait3A_337, %dma_wait3A_342, %dma_wait3A_343] : memref<32x128x2x80xi32, #tpu.memory_space<hbm>> -> memref<1x1x2x80xi32, #tpu.memory_space<hbm>>
        %dma_wait3A_345 = tpu.memref_squeeze %dma_wait3A_344 : memref<1x1x2x80xi32, #tpu.memory_space<hbm>> -> memref<2x80xi32, #tpu.memory_space<hbm>>
        tpu.wait_dma2 semaphore(%arg15 : memref<!tpu.dma_semaphore, #tpu.memory_space<semaphore_mem>>) src(%dma_wait3A_345 : memref<2x80xi32, #tpu.memory_space<hbm>>) dst(%arg6 : memref<2x80xi32, #tpu.memory_space<vmem>>)
        %dma_start3A_346 = arith.constant 0 : i32
        %dma_start3A_347 = arith.constant 0 : i32
        %dma_start3A_348 = tpu.memref_slice %arg6[%dma_start3A_346, %dma_start3A_347] : memref<2x80xi32, #tpu.memory_space<vmem>> -> memref<1x80xi32, #tpu.memory_space<vmem>>
        %dma_start3A_349 = tpu.memref_squeeze %dma_start3A_348 : memref<1x80xi32, #tpu.memory_space<vmem>> -> memref<80xi32, #tpu.memory_space<vmem>>
        %dma_start3A_350 = arith.constant 0 : i32
        %dma_start3A_351 = arith.constant 0 : i32
        %dma_start3A_352 = tpu.memref_slice %arg3[%dma_start3A_350, %dma_start3A_351] : memref<10000x128xf32, #tpu.memory_space<hbm>> -> memref<10000x128xf32, #tpu.memory_space<hbm>>
        tpu.enqueue_indirect_dma source(%dma_start3A_352 : memref<10000x128xf32, #tpu.memory_space<hbm>>) target(%arg10 : memref<80x128xf32, #tpu.memory_space<vmem>>) offsets(%dma_start3A_349 : memref<80xi32, #tpu.memory_space<vmem>>) semaphore(%arg19 : memref<!tpu.dma_semaphore, #tpu.memory_space<semaphore_mem>>)
      } else {
      }
      %dma_wait3A_323 = arith.constant 0 : i32
      %dma_wait3A_324 = arith.constant 0 : i32
      %dma_wait3A_325 = tpu.memref_slice %arg8[%dma_wait3A_323, %dma_wait3A_324] : memref<2x80xi32, #tpu.memory_space<vmem>> -> memref<1x80xi32, #tpu.memory_space<vmem>>
      %dma_wait3A_326 = tpu.memref_squeeze %dma_wait3A_325 : memref<1x80xi32, #tpu.memory_space<vmem>> -> memref<80xi32, #tpu.memory_space<vmem>>
      %dma_wait3A_327 = arith.constant 0 : i32
      %dma_wait3A_328 = arith.constant 0 : i32
      %dma_wait3A_329 = tpu.memref_slice %arg3[%dma_wait3A_327, %dma_wait3A_328] : memref<10000x128xf32, #tpu.memory_space<hbm>> -> memref<10000x128xf32, #tpu.memory_space<hbm>>
      tpu.wait_indirect_dma semaphore(%arg21 : memref<!tpu.dma_semaphore, #tpu.memory_space<semaphore_mem>>) src(%dma_wait3A_329 : memref<10000x128xf32, #tpu.memory_space<hbm>>) dst(%arg12 : memref<80x128xf32, #tpu.memory_space<vmem>>)
      %dma_start3A_330 = arith.constant 1 : i32
      %dma_start3A_331 = arith.constant 0 : i32
      %dma_start3A_332 = tpu.memref_slice %arg8[%dma_start3A_330, %dma_start3A_331] : memref<2x80xi32, #tpu.memory_space<vmem>> -> memref<1x80xi32, #tpu.memory_space<vmem>>
      %dma_start3A_333 = tpu.memref_squeeze %dma_start3A_332 : memref<1x80xi32, #tpu.memory_space<vmem>> -> memref<80xi32, #tpu.memory_space<vmem>>
      %dma_start3A_334 = arith.constant 0 : i32
      %dma_start3A_335 = arith.constant 0 : i32
      %dma_start3A_336 = tpu.memref_slice %arg13[%dma_start3A_334, %dma_start3A_335] : memref<10240x128xf32, #tpu.memory_space<vmem_shared>> -> memref<10240x128xf32, #tpu.memory_space<vmem_shared>>
      tpu.enqueue_indirect_dma source(%arg12 : memref<80x128xf32, #tpu.memory_space<vmem>>) target(%dma_start3A_336 : memref<10240x128xf32, #tpu.memory_space<vmem_shared>>) offsets(%dma_start3A_333 : memref<80xi32, #tpu.memory_space<vmem>>) semaphore(%arg25 : memref<!tpu.dma_semaphore, #tpu.memory_space<semaphore_mem>>) {add = true}
    }
    %scan3A_166 = arith.constant 32 : i32
    %dma_wait3A_167 = arith.constant 1 : i32
    %dma_wait3A_168 = arith.constant 0 : i32
    %dma_wait3A_169 = tpu.memref_slice %arg8[%dma_wait3A_167, %dma_wait3A_168] : memref<2x80xi32, #tpu.memory_space<vmem>> -> memref<1x80xi32, #tpu.memory_space<vmem>>
    %dma_wait3A_170 = tpu.memref_squeeze %dma_wait3A_169 : memref<1x80xi32, #tpu.memory_space<vmem>> -> memref<80xi32, #tpu.memory_space<vmem>>
    %dma_wait3A_171 = arith.constant 0 : i32
    %dma_wait3A_172 = arith.constant 0 : i32
    %dma_wait3A_173 = tpu.memref_slice %arg13[%dma_wait3A_171, %dma_wait3A_172] : memref<10240x128xf32, #tpu.memory_space<vmem_shared>> -> memref<10240x128xf32, #tpu.memory_space<vmem_shared>>
    tpu.wait_indirect_dma semaphore(%arg25 : memref<!tpu.dma_semaphore, #tpu.memory_space<semaphore_mem>>) src(%arg12 : memref<80x128xf32, #tpu.memory_space<vmem>>) dst(%dma_wait3A_173 : memref<10240x128xf32, #tpu.memory_space<vmem_shared>>)
    %barrier3A_174 = arith.constant 0 : index
    tpu.barrier barrier_id(%barrier3A_174)
    %mul3A_175 = arith.constant 640 : i32
    %mul3A_176 = arith.muli %arg1, %mul3A_175 : i32
    "tpu.region"() ({
      %run_scoped3A = tpu.sem_alloc : memref<!tpu.dma_semaphore, #tpu.memory_space<semaphore_mem>>
      %dma_start3A_177 = arith.constant 0 : i32
      %dma_start3A_178 = tpu.memref_slice %arg4[%arg0, %mul3A_176, %dma_start3A_177] : memref<2x10240x128xf32, #tpu.memory_space<hbm>> -> memref<1x640x128xf32, #tpu.memory_space<hbm>>
      %dma_start3A_179 = tpu.memref_squeeze %dma_start3A_178 : memref<1x640x128xf32, #tpu.memory_space<hbm>> -> memref<640x128xf32, #tpu.memory_space<hbm>>
      %dma_start3A_180 = arith.constant 0 : i32
      %dma_start3A_181 = tpu.memref_slice %arg13[%mul3A_176, %dma_start3A_180] : memref<10240x128xf32, #tpu.memory_space<vmem_shared>> -> memref<640x128xf32, #tpu.memory_space<vmem_shared>>
      tpu.enqueue_dma source(%dma_start3A_181 : memref<640x128xf32, #tpu.memory_space<vmem_shared>>) target(%dma_start3A_179 : memref<640x128xf32, #tpu.memory_space<hbm>>) target_semaphore(%run_scoped3A : memref<!tpu.dma_semaphore, #tpu.memory_space<semaphore_mem>>)
      %dma_wait3A_182 = arith.constant 0 : i32
      %dma_wait3A_183 = tpu.memref_slice %arg4[%arg0, %mul3A_176, %dma_wait3A_182] : memref<2x10240x128xf32, #tpu.memory_space<hbm>> -> memref<1x640x128xf32, #tpu.memory_space<hbm>>
      %dma_wait3A_184 = tpu.memref_squeeze %dma_wait3A_183 : memref<1x640x128xf32, #tpu.memory_space<hbm>> -> memref<640x128xf32, #tpu.memory_space<hbm>>
      %dma_wait3A_185 = arith.constant 0 : i32
      %dma_wait3A_186 = tpu.memref_slice %arg13[%mul3A_176, %dma_wait3A_185] : memref<10240x128xf32, #tpu.memory_space<vmem_shared>> -> memref<640x128xf32, #tpu.memory_space<vmem_shared>>
      tpu.wait_dma2 semaphore(%run_scoped3A : memref<!tpu.dma_semaphore, #tpu.memory_space<semaphore_mem>>) src(%dma_wait3A_186 : memref<640x128xf32, #tpu.memory_space<vmem_shared>>) dst(%dma_wait3A_184 : memref<640x128xf32, #tpu.memory_space<hbm>>)
      tpu.yield
    }) : () -> ()
    return
  }
}

#map = affine_map<(d0, d1) -> (0, 0, 0, 0)>
#map1 = affine_map<(d0, d1) -> (0, 0)>
#map2 = affine_map<(d0, d1) -> (0, 0, 0)>
module attributes {stable_mosaic.version = 14 : i64} {
  func.func @_edge_agg_body(%arg0: i32, %arg1: i32, %arg2: memref<32x128x2x80xi32, #tpu.memory_space<hbm>>, %arg3: memref<10000x128xf32, #tpu.memory_space<hbm>>, %arg4: memref<2x10240x128xf32, #tpu.memory_space<hbm>>, %arg5: memref<2x80xi32, #tpu.memory_space<vmem>>, %arg6: memref<2x80xi32, #tpu.memory_space<vmem>>, %arg7: memref<2x80xi32, #tpu.memory_space<vmem>>, %arg8: memref<2x80xi32, #tpu.memory_space<vmem>>, %arg9: memref<80x128xf32, #tpu.memory_space<vmem>>, %arg10: memref<80x128xf32, #tpu.memory_space<vmem>>, %arg11: memref<80x128xf32, #tpu.memory_space<vmem>>, %arg12: memref<80x128xf32, #tpu.memory_space<vmem>>, %arg13: memref<10240x128xf32, #tpu.memory_space<vmem_shared>>, %arg14: memref<!tpu.dma_semaphore, #tpu.memory_space<semaphore_mem>>, %arg15: memref<!tpu.dma_semaphore, #tpu.memory_space<semaphore_mem>>, %arg16: memref<!tpu.dma_semaphore, #tpu.memory_space<semaphore_mem>>, %arg17: memref<!tpu.dma_semaphore, #tpu.memory_space<semaphore_mem>>, %arg18: memref<!tpu.dma_semaphore, #tpu.memory_space<semaphore_mem>>, %arg19: memref<!tpu.dma_semaphore, #tpu.memory_space<semaphore_mem>>, %arg20: memref<!tpu.dma_semaphore, #tpu.memory_space<semaphore_mem>>, %arg21: memref<!tpu.dma_semaphore, #tpu.memory_space<semaphore_mem>>, %arg22: memref<!tpu.dma_semaphore, #tpu.memory_space<semaphore_mem>>, %arg23: memref<!tpu.dma_semaphore, #tpu.memory_space<semaphore_mem>>, %arg24: memref<!tpu.dma_semaphore, #tpu.memory_space<semaphore_mem>>, %arg25: memref<!tpu.dma_semaphore, #tpu.memory_space<semaphore_mem>>, %arg26: memref<!tpu.dma_semaphore, #tpu.memory_space<semaphore_mem>>) attributes {dimension_semantics = [#tpu.dimension_semantics<core_parallel>, #tpu.dimension_semantics<subcore_parallel>], iteration_bounds = array<i64: 2, 16>, scalar_prefetch = 0 : i64, scratch_operands = 22 : i64, tpu.core_type = #tpu.core_type<sc_vector_subcore>, window_params = [{transform_indices = #map}, {transform_indices = #map1}, {transform_indices = #map2}]} {
    %mul3A = arith.constant 16 : i32
    %mul3A_0 = arith.muli %arg0, %mul3A : i32
    %add3A = arith.addi %mul3A_0, %arg1 : i32
    %scan3A = arith.constant 0 : i32
    %scan3A_1 = arith.constant 0 : i32
    %scan3A_2 = arith.constant 80 : i32
    %scan3A_3 = arith.addi %scan3A_1, %scan3A_2 : i32
    %scan3A_4 = arith.constant 1 : i32
    scf.for %scan3A_177 = %scan3A_1 to %scan3A_3 step %scan3A_4  : i32 {
      %broadcast_in_dim3A = arith.constant 0.000000e+00 : f32
      %broadcast_in_dim3A_178 = vector.broadcast %broadcast_in_dim3A : f32 to vector<16xf32>
      %swap3A = arith.index_cast %scan3A_177 : i32 to index
      %swap3A_179 = arith.constant 0 : index
      %swap3A_180 = tpu.vector_load %arg9[%swap3A, %swap3A_179] {strides = array<i32>} : memref<80x128xf32, #tpu.memory_space<vmem>>, vector<1x16xf32>,
      %swap3A_181 = vector.shape_cast %swap3A_180 : vector<1x16xf32> to vector<16xf32>
      %swap3A_182 = vector.shape_cast %broadcast_in_dim3A_178 : vector<16xf32> to vector<1x16xf32>
      tpu.vector_store %arg9[%swap3A, %swap3A_179], %swap3A_182 {strides = array<i32>} : memref<80x128xf32, #tpu.memory_space<vmem>>, vector<1x16xf32>,
      %broadcast_in_dim3A_183 = arith.constant 0.000000e+00 : f32
      %broadcast_in_dim3A_184 = vector.broadcast %broadcast_in_dim3A_183 : f32 to vector<16xf32>
      %swap3A_185 = arith.index_cast %scan3A_177 : i32 to index
      %swap3A_186 = arith.constant 16 : index
      %swap3A_187 = tpu.vector_load %arg9[%swap3A_185, %swap3A_186] {strides = array<i32>} : memref<80x128xf32, #tpu.memory_space<vmem>>, vector<1x16xf32>,
      %swap3A_188 = vector.shape_cast %swap3A_187 : vector<1x16xf32> to vector<16xf32>
      %swap3A_189 = vector.shape_cast %broadcast_in_dim3A_184 : vector<16xf32> to vector<1x16xf32>
      tpu.vector_store %arg9[%swap3A_185, %swap3A_186], %swap3A_189 {strides = array<i32>} : memref<80x128xf32, #tpu.memory_space<vmem>>, vector<1x16xf32>,
      %broadcast_in_dim3A_190 = arith.constant 0.000000e+00 : f32
      %broadcast_in_dim3A_191 = vector.broadcast %broadcast_in_dim3A_190 : f32 to vector<16xf32>
      %swap3A_192 = arith.index_cast %scan3A_177 : i32 to index
      %swap3A_193 = arith.constant 32 : index
      %swap3A_194 = tpu.vector_load %arg9[%swap3A_192, %swap3A_193] {strides = array<i32>} : memref<80x128xf32, #tpu.memory_space<vmem>>, vector<1x16xf32>,
      %swap3A_195 = vector.shape_cast %swap3A_194 : vector<1x16xf32> to vector<16xf32>
      %swap3A_196 = vector.shape_cast %broadcast_in_dim3A_191 : vector<16xf32> to vector<1x16xf32>
      tpu.vector_store %arg9[%swap3A_192, %swap3A_193], %swap3A_196 {strides = array<i32>} : memref<80x128xf32, #tpu.memory_space<vmem>>, vector<1x16xf32>,
      %broadcast_in_dim3A_197 = arith.constant 0.000000e+00 : f32
      %broadcast_in_dim3A_198 = vector.broadcast %broadcast_in_dim3A_197 : f32 to vector<16xf32>
      %swap3A_199 = arith.index_cast %scan3A_177 : i32 to index
      %swap3A_200 = arith.constant 48 : index
      %swap3A_201 = tpu.vector_load %arg9[%swap3A_199, %swap3A_200] {strides = array<i32>} : memref<80x128xf32, #tpu.memory_space<vmem>>, vector<1x16xf32>,
      %swap3A_202 = vector.shape_cast %swap3A_201 : vector<1x16xf32> to vector<16xf32>
      %swap3A_203 = vector.shape_cast %broadcast_in_dim3A_198 : vector<16xf32> to vector<1x16xf32>
      tpu.vector_store %arg9[%swap3A_199, %swap3A_200], %swap3A_203 {strides = array<i32>} : memref<80x128xf32, #tpu.memory_space<vmem>>, vector<1x16xf32>,
      %broadcast_in_dim3A_204 = arith.constant 0.000000e+00 : f32
      %broadcast_in_dim3A_205 = vector.broadcast %broadcast_in_dim3A_204 : f32 to vector<16xf32>
      %swap3A_206 = arith.index_cast %scan3A_177 : i32 to index
      %swap3A_207 = arith.constant 64 : index
      %swap3A_208 = tpu.vector_load %arg9[%swap3A_206, %swap3A_207] {strides = array<i32>} : memref<80x128xf32, #tpu.memory_space<vmem>>, vector<1x16xf32>,
      %swap3A_209 = vector.shape_cast %swap3A_208 : vector<1x16xf32> to vector<16xf32>
      %swap3A_210 = vector.shape_cast %broadcast_in_dim3A_205 : vector<16xf32> to vector<1x16xf32>
      tpu.vector_store %arg9[%swap3A_206, %swap3A_207], %swap3A_210 {strides = array<i32>} : memref<80x128xf32, #tpu.memory_space<vmem>>, vector<1x16xf32>,
      %broadcast_in_dim3A_211 = arith.constant 0.000000e+00 : f32
      %broadcast_in_dim3A_212 = vector.broadcast %broadcast_in_dim3A_211 : f32 to vector<16xf32>
      %swap3A_213 = arith.index_cast %scan3A_177 : i32 to index
      %swap3A_214 = arith.constant 80 : index
      %swap3A_215 = tpu.vector_load %arg9[%swap3A_213, %swap3A_214] {strides = array<i32>} : memref<80x128xf32, #tpu.memory_space<vmem>>, vector<1x16xf32>,
      %swap3A_216 = vector.shape_cast %swap3A_215 : vector<1x16xf32> to vector<16xf32>
      %swap3A_217 = vector.shape_cast %broadcast_in_dim3A_212 : vector<16xf32> to vector<1x16xf32>
      tpu.vector_store %arg9[%swap3A_213, %swap3A_214], %swap3A_217 {strides = array<i32>} : memref<80x128xf32, #tpu.memory_space<vmem>>, vector<1x16xf32>,
      %broadcast_in_dim3A_218 = arith.constant 0.000000e+00 : f32
      %broadcast_in_dim3A_219 = vector.broadcast %broadcast_in_dim3A_218 : f32 to vector<16xf32>
      %swap3A_220 = arith.index_cast %scan3A_177 : i32 to index
      %swap3A_221 = arith.constant 96 : index
      %swap3A_222 = tpu.vector_load %arg9[%swap3A_220, %swap3A_221] {strides = array<i32>} : memref<80x128xf32, #tpu.memory_space<vmem>>, vector<1x16xf32>,
      %swap3A_223 = vector.shape_cast %swap3A_222 : vector<1x16xf32> to vector<16xf32>
      %swap3A_224 = vector.shape_cast %broadcast_in_dim3A_219 : vector<16xf32> to vector<1x16xf32>
      tpu.vector_store %arg9[%swap3A_220, %swap3A_221], %swap3A_224 {strides = array<i32>} : memref<80x128xf32, #tpu.memory_space<vmem>>, vector<1x16xf32>,
      %broadcast_in_dim3A_225 = arith.constant 0.000000e+00 : f32
      %broadcast_in_dim3A_226 = vector.broadcast %broadcast_in_dim3A_225 : f32 to vector<16xf32>
      %swap3A_227 = arith.index_cast %scan3A_177 : i32 to index
      %swap3A_228 = arith.constant 112 : index
      %swap3A_229 = tpu.vector_load %arg9[%swap3A_227, %swap3A_228] {strides = array<i32>} : memref<80x128xf32, #tpu.memory_space<vmem>>, vector<1x16xf32>,
      %swap3A_230 = vector.shape_cast %swap3A_229 : vector<1x16xf32> to vector<16xf32>
      %swap3A_231 = vector.shape_cast %broadcast_in_dim3A_226 : vector<16xf32> to vector<1x16xf32>
      tpu.vector_store %arg9[%swap3A_227, %swap3A_228], %swap3A_231 {strides = array<i32>} : memref<80x128xf32, #tpu.memory_space<vmem>>, vector<1x16xf32>,
    }
    %scan3A_5 = arith.constant 80 : i32
    %mul3A_6 = arith.constant 640 : i32
    %mul3A_7 = arith.muli %arg1, %mul3A_6 : i32
    %add3A_8 = arith.constant 0 : i32
    %add3A_9 = arith.addi %mul3A_7, %add3A_8 : i32
    %dma_start3A = arith.constant 0 : i32
    %dma_start3A_10 = tpu.memref_slice %arg13[%add3A_9, %dma_start3A] : memref<10240x128xf32, #tpu.memory_space<vmem_shared>> -> memref<80x128xf32, #tpu.memory_space<vmem_shared>>
    %dma_start3A_11 = arith.constant 0 : i32
    %dma_start3A_12 = tpu.memref_slice %arg13[%add3A_9, %dma_start3A_11] : memref<10240x128xf32, #tpu.memory_space<vmem_shared>> -> memref<80x128xf32, #tpu.memory_space<vmem_shared>>
    tpu.enqueue_dma source(%arg9 : memref<80x128xf32, #tpu.memory_space<vmem>>) target(%dma_start3A_12 : memref<80x128xf32, #tpu.memory_space<vmem_shared>>) target_semaphore(%arg26 : memref<!tpu.dma_semaphore, #tpu.memory_space<semaphore_mem>>)
    %add3A_13 = arith.constant 80 : i32
    %add3A_14 = arith.addi %mul3A_7, %add3A_13 : i32
    %dma_start3A_15 = arith.constant 0 : i32
    %dma_start3A_16 = tpu.memref_slice %arg13[%add3A_14, %dma_start3A_15] : memref<10240x128xf32, #tpu.memory_space<vmem_shared>> -> memref<80x128xf32, #tpu.memory_space<vmem_shared>>
    %dma_start3A_17 = arith.constant 0 : i32
    %dma_start3A_18 = tpu.memref_slice %arg13[%add3A_14, %dma_start3A_17] : memref<10240x128xf32, #tpu.memory_space<vmem_shared>> -> memref<80x128xf32, #tpu.memory_space<vmem_shared>>
    tpu.enqueue_dma source(%arg9 : memref<80x128xf32, #tpu.memory_space<vmem>>) target(%dma_start3A_18 : memref<80x128xf32, #tpu.memory_space<vmem_shared>>) target_semaphore(%arg26 : memref<!tpu.dma_semaphore, #tpu.memory_space<semaphore_mem>>)
    %add3A_19 = arith.constant 160 : i32
    %add3A_20 = arith.addi %mul3A_7, %add3A_19 : i32
    %dma_start3A_21 = arith.constant 0 : i32
    %dma_start3A_22 = tpu.memref_slice %arg13[%add3A_20, %dma_start3A_21] : memref<10240x128xf32, #tpu.memory_space<vmem_shared>> -> memref<80x128xf32, #tpu.memory_space<vmem_shared>>
    %dma_start3A_23 = arith.constant 0 : i32
    %dma_start3A_24 = tpu.memref_slice %arg13[%add3A_20, %dma_start3A_23] : memref<10240x128xf32, #tpu.memory_space<vmem_shared>> -> memref<80x128xf32, #tpu.memory_space<vmem_shared>>
    tpu.enqueue_dma source(%arg9 : memref<80x128xf32, #tpu.memory_space<vmem>>) target(%dma_start3A_24 : memref<80x128xf32, #tpu.memory_space<vmem_shared>>) target_semaphore(%arg26 : memref<!tpu.dma_semaphore, #tpu.memory_space<semaphore_mem>>)
    %add3A_25 = arith.constant 240 : i32
    %add3A_26 = arith.addi %mul3A_7, %add3A_25 : i32
    %dma_start3A_27 = arith.constant 0 : i32
    %dma_start3A_28 = tpu.memref_slice %arg13[%add3A_26, %dma_start3A_27] : memref<10240x128xf32, #tpu.memory_space<vmem_shared>> -> memref<80x128xf32, #tpu.memory_space<vmem_shared>>
    %dma_start3A_29 = arith.constant 0 : i32
    %dma_start3A_30 = tpu.memref_slice %arg13[%add3A_26, %dma_start3A_29] : memref<10240x128xf32, #tpu.memory_space<vmem_shared>> -> memref<80x128xf32, #tpu.memory_space<vmem_shared>>
    tpu.enqueue_dma source(%arg9 : memref<80x128xf32, #tpu.memory_space<vmem>>) target(%dma_start3A_30 : memref<80x128xf32, #tpu.memory_space<vmem_shared>>) target_semaphore(%arg26 : memref<!tpu.dma_semaphore, #tpu.memory_space<semaphore_mem>>)
    %add3A_31 = arith.constant 320 : i32
    %add3A_32 = arith.addi %mul3A_7, %add3A_31 : i32
    %dma_start3A_33 = arith.constant 0 : i32
    %dma_start3A_34 = tpu.memref_slice %arg13[%add3A_32, %dma_start3A_33] : memref<10240x128xf32, #tpu.memory_space<vmem_shared>> -> memref<80x128xf32, #tpu.memory_space<vmem_shared>>
    %dma_start3A_35 = arith.constant 0 : i32
    %dma_start3A_36 = tpu.memref_slice %arg13[%add3A_32, %dma_start3A_35] : memref<10240x128xf32, #tpu.memory_space<vmem_shared>> -> memref<80x128xf32, #tpu.memory_space<vmem_shared>>
    tpu.enqueue_dma source(%arg9 : memref<80x128xf32, #tpu.memory_space<vmem>>) target(%dma_start3A_36 : memref<80x128xf32, #tpu.memory_space<vmem_shared>>) target_semaphore(%arg26 : memref<!tpu.dma_semaphore, #tpu.memory_space<semaphore_mem>>)
    %add3A_37 = arith.constant 400 : i32
    %add3A_38 = arith.addi %mul3A_7, %add3A_37 : i32
    %dma_start3A_39 = arith.constant 0 : i32
    %dma_start3A_40 = tpu.memref_slice %arg13[%add3A_38, %dma_start3A_39] : memref<10240x128xf32, #tpu.memory_space<vmem_shared>> -> memref<80x128xf32, #tpu.memory_space<vmem_shared>>
    %dma_start3A_41 = arith.constant 0 : i32
    %dma_start3A_42 = tpu.memref_slice %arg13[%add3A_38, %dma_start3A_41] : memref<10240x128xf32, #tpu.memory_space<vmem_shared>> -> memref<80x128xf32, #tpu.memory_space<vmem_shared>>
    tpu.enqueue_dma source(%arg9 : memref<80x128xf32, #tpu.memory_space<vmem>>) target(%dma_start3A_42 : memref<80x128xf32, #tpu.memory_space<vmem_shared>>) target_semaphore(%arg26 : memref<!tpu.dma_semaphore, #tpu.memory_space<semaphore_mem>>)
    %add3A_43 = arith.constant 480 : i32
    %add3A_44 = arith.addi %mul3A_7, %add3A_43 : i32
    %dma_start3A_45 = arith.constant 0 : i32
    %dma_start3A_46 = tpu.memref_slice %arg13[%add3A_44, %dma_start3A_45] : memref<10240x128xf32, #tpu.memory_space<vmem_shared>> -> memref<80x128xf32, #tpu.memory_space<vmem_shared>>
    %dma_start3A_47 = arith.constant 0 : i32
    %dma_start3A_48 = tpu.memref_slice %arg13[%add3A_44, %dma_start3A_47] : memref<10240x128xf32, #tpu.memory_space<vmem_shared>> -> memref<80x128xf32, #tpu.memory_space<vmem_shared>>
    tpu.enqueue_dma source(%arg9 : memref<80x128xf32, #tpu.memory_space<vmem>>) target(%dma_start3A_48 : memref<80x128xf32, #tpu.memory_space<vmem_shared>>) target_semaphore(%arg26 : memref<!tpu.dma_semaphore, #tpu.memory_space<semaphore_mem>>)
    %add3A_49 = arith.constant 560 : i32
    %add3A_50 = arith.addi %mul3A_7, %add3A_49 : i32
    %dma_start3A_51 = arith.constant 0 : i32
    %dma_start3A_52 = tpu.memref_slice %arg13[%add3A_50, %dma_start3A_51] : memref<10240x128xf32, #tpu.memory_space<vmem_shared>> -> memref<80x128xf32, #tpu.memory_space<vmem_shared>>
    %dma_start3A_53 = arith.constant 0 : i32
    %dma_start3A_54 = tpu.memref_slice %arg13[%add3A_50, %dma_start3A_53] : memref<10240x128xf32, #tpu.memory_space<vmem_shared>> -> memref<80x128xf32, #tpu.memory_space<vmem_shared>>
    tpu.enqueue_dma source(%arg9 : memref<80x128xf32, #tpu.memory_space<vmem>>) target(%dma_start3A_54 : memref<80x128xf32, #tpu.memory_space<vmem_shared>>) target_semaphore(%arg26 : memref<!tpu.dma_semaphore, #tpu.memory_space<semaphore_mem>>)
    %dma_start3A_55 = arith.constant 0 : i32
    %dma_start3A_56 = arith.constant 0 : i32
    %dma_start3A_57 = arith.constant 0 : i32
    %dma_start3A_58 = tpu.memref_slice %arg2[%add3A, %dma_start3A_55, %dma_start3A_56, %dma_start3A_57] : memref<32x128x2x80xi32, #tpu.memory_space<hbm>> -> memref<1x1x2x80xi32, #tpu.memory_space<hbm>>
    %dma_start3A_59 = tpu.memref_squeeze %dma_start3A_58 : memref<1x1x2x80xi32, #tpu.memory_space<hbm>> -> memref<2x80xi32, #tpu.memory_space<hbm>>
    %dma_start3A_60 = arith.constant 0 : i32
    %dma_start3A_61 = arith.constant 0 : i32
    %dma_start3A_62 = tpu.memref_slice %arg2[%add3A, %dma_start3A_55, %dma_start3A_60, %dma_start3A_61] : memref<32x128x2x80xi32, #tpu.memory_space<hbm>> -> memref<1x1x2x80xi32, #tpu.memory_space<hbm>>
    %dma_start3A_63 = tpu.memref_squeeze %dma_start3A_62 : memref<1x1x2x80xi32, #tpu.memory_space<hbm>> -> memref<2x80xi32, #tpu.memory_space<hbm>>
    tpu.enqueue_dma source(%dma_start3A_63 : memref<2x80xi32, #tpu.memory_space<hbm>>) target(%arg5 : memref<2x80xi32, #tpu.memory_space<vmem>>) target_semaphore(%arg14 : memref<!tpu.dma_semaphore, #tpu.memory_space<semaphore_mem>>)
    %dma_start3A_64 = arith.constant 1 : i32
    %dma_start3A_65 = arith.constant 0 : i32
    %dma_start3A_66 = arith.constant 0 : i32
    %dma_start3A_67 = tpu.memref_slice %arg2[%add3A, %dma_start3A_64, %dma_start3A_65, %dma_start3A_66] : memref<32x128x2x80xi32, #tpu.memory_space<hbm>> -> memref<1x1x2x80xi32, #tpu.memory_space<hbm>>
    %dma_start3A_68 = tpu.memref_squeeze %dma_start3A_67 : memref<1x1x2x80xi32, #tpu.memory_space<hbm>> -> memref<2x80xi32, #tpu.memory_space<hbm>>
    %dma_start3A_69 = arith.constant 0 : i32
    %dma_start3A_70 = arith.constant 0 : i32
    %dma_start3A_71 = tpu.memref_slice %arg2[%add3A, %dma_start3A_64, %dma_start3A_69, %dma_start3A_70] : memref<32x128x2x80xi32, #tpu.memory_space<hbm>> -> memref<1x1x2x80xi32, #tpu.memory_space<hbm>>
    %dma_start3A_72 = tpu.memref_squeeze %dma_start3A_71 : memref<1x1x2x80xi32, #tpu.memory_space<hbm>> -> memref<2x80xi32, #tpu.memory_space<hbm>>
    tpu.enqueue_dma source(%dma_start3A_72 : memref<2x80xi32, #tpu.memory_space<hbm>>) target(%arg6 : memref<2x80xi32, #tpu.memory_space<vmem>>) target_semaphore(%arg15 : memref<!tpu.dma_semaphore, #tpu.memory_space<semaphore_mem>>)
    %dma_start3A_73 = arith.constant 2 : i32
    %dma_start3A_74 = arith.constant 0 : i32
    %dma_start3A_75 = arith.constant 0 : i32
    %dma_start3A_76 = tpu.memref_slice %arg2[%add3A, %dma_start3A_73, %dma_start3A_74, %dma_start3A_75] : memref<32x128x2x80xi32, #tpu.memory_space<hbm>> -> memref<1x1x2x80xi32, #tpu.memory_space<hbm>>
    %dma_start3A_77 = tpu.memref_squeeze %dma_start3A_76 : memref<1x1x2x80xi32, #tpu.memory_space<hbm>> -> memref<2x80xi32, #tpu.memory_space<hbm>>
    %dma_start3A_78 = arith.constant 0 : i32
    %dma_start3A_79 = arith.constant 0 : i32
    %dma_start3A_80 = tpu.memref_slice %arg2[%add3A, %dma_start3A_73, %dma_start3A_78, %dma_start3A_79] : memref<32x128x2x80xi32, #tpu.memory_space<hbm>> -> memref<1x1x2x80xi32, #tpu.memory_space<hbm>>
    %dma_start3A_81 = tpu.memref_squeeze %dma_start3A_80 : memref<1x1x2x80xi32, #tpu.memory_space<hbm>> -> memref<2x80xi32, #tpu.memory_space<hbm>>
    tpu.enqueue_dma source(%dma_start3A_81 : memref<2x80xi32, #tpu.memory_space<hbm>>) target(%arg7 : memref<2x80xi32, #tpu.memory_space<vmem>>) target_semaphore(%arg16 : memref<!tpu.dma_semaphore, #tpu.memory_space<semaphore_mem>>)
    %add3A_82 = arith.constant 0 : i32
    %add3A_83 = arith.addi %mul3A_7, %add3A_82 : i32
    %dma_wait3A = arith.constant 0 : i32
    %dma_wait3A_84 = tpu.memref_slice %arg13[%add3A_83, %dma_wait3A] : memref<10240x128xf32, #tpu.memory_space<vmem_shared>> -> memref<80x128xf32, #tpu.memory_space<vmem_shared>>
    %dma_wait3A_85 = arith.constant 0 : i32
    %dma_wait3A_86 = tpu.memref_slice %arg13[%add3A_83, %dma_wait3A_85] : memref<10240x128xf32, #tpu.memory_space<vmem_shared>> -> memref<80x128xf32, #tpu.memory_space<vmem_shared>>
    tpu.wait_dma2 semaphore(%arg26 : memref<!tpu.dma_semaphore, #tpu.memory_space<semaphore_mem>>) src(%arg9 : memref<80x128xf32, #tpu.memory_space<vmem>>) dst(%dma_wait3A_86 : memref<80x128xf32, #tpu.memory_space<vmem_shared>>)
    %add3A_87 = arith.constant 80 : i32
    %add3A_88 = arith.addi %mul3A_7, %add3A_87 : i32
    %dma_wait3A_89 = arith.constant 0 : i32
    %dma_wait3A_90 = tpu.memref_slice %arg13[%add3A_88, %dma_wait3A_89] : memref<10240x128xf32, #tpu.memory_space<vmem_shared>> -> memref<80x128xf32, #tpu.memory_space<vmem_shared>>
    %dma_wait3A_91 = arith.constant 0 : i32
    %dma_wait3A_92 = tpu.memref_slice %arg13[%add3A_88, %dma_wait3A_91] : memref<10240x128xf32, #tpu.memory_space<vmem_shared>> -> memref<80x128xf32, #tpu.memory_space<vmem_shared>>
    tpu.wait_dma2 semaphore(%arg26 : memref<!tpu.dma_semaphore, #tpu.memory_space<semaphore_mem>>) src(%arg9 : memref<80x128xf32, #tpu.memory_space<vmem>>) dst(%dma_wait3A_92 : memref<80x128xf32, #tpu.memory_space<vmem_shared>>)
    %add3A_93 = arith.constant 160 : i32
    %add3A_94 = arith.addi %mul3A_7, %add3A_93 : i32
    %dma_wait3A_95 = arith.constant 0 : i32
    %dma_wait3A_96 = tpu.memref_slice %arg13[%add3A_94, %dma_wait3A_95] : memref<10240x128xf32, #tpu.memory_space<vmem_shared>> -> memref<80x128xf32, #tpu.memory_space<vmem_shared>>
    %dma_wait3A_97 = arith.constant 0 : i32
    %dma_wait3A_98 = tpu.memref_slice %arg13[%add3A_94, %dma_wait3A_97] : memref<10240x128xf32, #tpu.memory_space<vmem_shared>> -> memref<80x128xf32, #tpu.memory_space<vmem_shared>>
    tpu.wait_dma2 semaphore(%arg26 : memref<!tpu.dma_semaphore, #tpu.memory_space<semaphore_mem>>) src(%arg9 : memref<80x128xf32, #tpu.memory_space<vmem>>) dst(%dma_wait3A_98 : memref<80x128xf32, #tpu.memory_space<vmem_shared>>)
    %add3A_99 = arith.constant 240 : i32
    %add3A_100 = arith.addi %mul3A_7, %add3A_99 : i32
    %dma_wait3A_101 = arith.constant 0 : i32
    %dma_wait3A_102 = tpu.memref_slice %arg13[%add3A_100, %dma_wait3A_101] : memref<10240x128xf32, #tpu.memory_space<vmem_shared>> -> memref<80x128xf32, #tpu.memory_space<vmem_shared>>
    %dma_wait3A_103 = arith.constant 0 : i32
    %dma_wait3A_104 = tpu.memref_slice %arg13[%add3A_100, %dma_wait3A_103] : memref<10240x128xf32, #tpu.memory_space<vmem_shared>> -> memref<80x128xf32, #tpu.memory_space<vmem_shared>>
    tpu.wait_dma2 semaphore(%arg26 : memref<!tpu.dma_semaphore, #tpu.memory_space<semaphore_mem>>) src(%arg9 : memref<80x128xf32, #tpu.memory_space<vmem>>) dst(%dma_wait3A_104 : memref<80x128xf32, #tpu.memory_space<vmem_shared>>)
    %add3A_105 = arith.constant 320 : i32
    %add3A_106 = arith.addi %mul3A_7, %add3A_105 : i32
    %dma_wait3A_107 = arith.constant 0 : i32
    %dma_wait3A_108 = tpu.memref_slice %arg13[%add3A_106, %dma_wait3A_107] : memref<10240x128xf32, #tpu.memory_space<vmem_shared>> -> memref<80x128xf32, #tpu.memory_space<vmem_shared>>
    %dma_wait3A_109 = arith.constant 0 : i32
    %dma_wait3A_110 = tpu.memref_slice %arg13[%add3A_106, %dma_wait3A_109] : memref<10240x128xf32, #tpu.memory_space<vmem_shared>> -> memref<80x128xf32, #tpu.memory_space<vmem_shared>>
    tpu.wait_dma2 semaphore(%arg26 : memref<!tpu.dma_semaphore, #tpu.memory_space<semaphore_mem>>) src(%arg9 : memref<80x128xf32, #tpu.memory_space<vmem>>) dst(%dma_wait3A_110 : memref<80x128xf32, #tpu.memory_space<vmem_shared>>)
    %add3A_111 = arith.constant 400 : i32
    %add3A_112 = arith.addi %mul3A_7, %add3A_111 : i32
    %dma_wait3A_113 = arith.constant 0 : i32
    %dma_wait3A_114 = tpu.memref_slice %arg13[%add3A_112, %dma_wait3A_113] : memref<10240x128xf32, #tpu.memory_space<vmem_shared>> -> memref<80x128xf32, #tpu.memory_space<vmem_shared>>
    %dma_wait3A_115 = arith.constant 0 : i32
    %dma_wait3A_116 = tpu.memref_slice %arg13[%add3A_112, %dma_wait3A_115] : memref<10240x128xf32, #tpu.memory_space<vmem_shared>> -> memref<80x128xf32, #tpu.memory_space<vmem_shared>>
    tpu.wait_dma2 semaphore(%arg26 : memref<!tpu.dma_semaphore, #tpu.memory_space<semaphore_mem>>) src(%arg9 : memref<80x128xf32, #tpu.memory_space<vmem>>) dst(%dma_wait3A_116 : memref<80x128xf32, #tpu.memory_space<vmem_shared>>)
    %add3A_117 = arith.constant 480 : i32
    %add3A_118 = arith.addi %mul3A_7, %add3A_117 : i32
    %dma_wait3A_119 = arith.constant 0 : i32
    %dma_wait3A_120 = tpu.memref_slice %arg13[%add3A_118, %dma_wait3A_119] : memref<10240x128xf32, #tpu.memory_space<vmem_shared>> -> memref<80x128xf32, #tpu.memory_space<vmem_shared>>
    %dma_wait3A_121 = arith.constant 0 : i32
    %dma_wait3A_122 = tpu.memref_slice %arg13[%add3A_118, %dma_wait3A_121] : memref<10240x128xf32, #tpu.memory_space<vmem_shared>> -> memref<80x128xf32, #tpu.memory_space<vmem_shared>>
    tpu.wait_dma2 semaphore(%arg26 : memref<!tpu.dma_semaphore, #tpu.memory_space<semaphore_mem>>) src(%arg9 : memref<80x128xf32, #tpu.memory_space<vmem>>) dst(%dma_wait3A_122 : memref<80x128xf32, #tpu.memory_space<vmem_shared>>)
    %add3A_123 = arith.constant 560 : i32
    %add3A_124 = arith.addi %mul3A_7, %add3A_123 : i32
    %dma_wait3A_125 = arith.constant 0 : i32
    %dma_wait3A_126 = tpu.memref_slice %arg13[%add3A_124, %dma_wait3A_125] : memref<10240x128xf32, #tpu.memory_space<vmem_shared>> -> memref<80x128xf32, #tpu.memory_space<vmem_shared>>
    %dma_wait3A_127 = arith.constant 0 : i32
    %dma_wait3A_128 = tpu.memref_slice %arg13[%add3A_124, %dma_wait3A_127] : memref<10240x128xf32, #tpu.memory_space<vmem_shared>> -> memref<80x128xf32, #tpu.memory_space<vmem_shared>>
    tpu.wait_dma2 semaphore(%arg26 : memref<!tpu.dma_semaphore, #tpu.memory_space<semaphore_mem>>) src(%arg9 : memref<80x128xf32, #tpu.memory_space<vmem>>) dst(%dma_wait3A_128 : memref<80x128xf32, #tpu.memory_space<vmem_shared>>)
    %barrier3A = arith.constant 0 : index
    tpu.barrier barrier_id(%barrier3A)
    %dma_wait3A_129 = arith.constant 0 : i32
    %dma_wait3A_130 = arith.constant 0 : i32
    %dma_wait3A_131 = arith.constant 0 : i32
    %dma_wait3A_132 = tpu.memref_slice %arg2[%add3A, %dma_wait3A_129, %dma_wait3A_130, %dma_wait3A_131] : memref<32x128x2x80xi32, #tpu.memory_space<hbm>> -> memref<1x1x2x80xi32, #tpu.memory_space<hbm>>
    %dma_wait3A_133 = tpu.memref_squeeze %dma_wait3A_132 : memref<1x1x2x80xi32, #tpu.memory_space<hbm>> -> memref<2x80xi32, #tpu.memory_space<hbm>>
    %dma_wait3A_134 = arith.constant 0 : i32
    %dma_wait3A_135 = arith.constant 0 : i32
    %dma_wait3A_136 = tpu.memref_slice %arg2[%add3A, %dma_wait3A_129, %dma_wait3A_134, %dma_wait3A_135] : memref<32x128x2x80xi32, #tpu.memory_space<hbm>> -> memref<1x1x2x80xi32, #tpu.memory_space<hbm>>
    %dma_wait3A_137 = tpu.memref_squeeze %dma_wait3A_136 : memref<1x1x2x80xi32, #tpu.memory_space<hbm>> -> memref<2x80xi32, #tpu.memory_space<hbm>>
    tpu.wait_dma2 semaphore(%arg14 : memref<!tpu.dma_semaphore, #tpu.memory_space<semaphore_mem>>) src(%dma_wait3A_137 : memref<2x80xi32, #tpu.memory_space<hbm>>) dst(%arg5 : memref<2x80xi32, #tpu.memory_space<vmem>>)
    %dma_start3A_138 = arith.constant 0 : i32
    %dma_start3A_139 = arith.constant 0 : i32
    %dma_start3A_140 = tpu.memref_slice %arg5[%dma_start3A_138, %dma_start3A_139] : memref<2x80xi32, #tpu.memory_space<vmem>> -> memref<1x80xi32, #tpu.memory_space<vmem>>
    %dma_start3A_141 = tpu.memref_squeeze %dma_start3A_140 : memref<1x80xi32, #tpu.memory_space<vmem>> -> memref<80xi32, #tpu.memory_space<vmem>>
    %dma_start3A_142 = arith.constant 0 : i32
    %dma_start3A_143 = arith.constant 0 : i32
    %dma_start3A_144 = tpu.memref_slice %arg3[%dma_start3A_142, %dma_start3A_143] : memref<10000x128xf32, #tpu.memory_space<hbm>> -> memref<10000x128xf32, #tpu.memory_space<hbm>>
    tpu.enqueue_indirect_dma source(%dma_start3A_144 : memref<10000x128xf32, #tpu.memory_space<hbm>>) target(%arg9 : memref<80x128xf32, #tpu.memory_space<vmem>>) offsets(%dma_start3A_141 : memref<80xi32, #tpu.memory_space<vmem>>) semaphore(%arg18 : memref<!tpu.dma_semaphore, #tpu.memory_space<semaphore_mem>>)
    %dma_wait3A_145 = arith.constant 1 : i32
    %dma_wait3A_146 = arith.constant 0 : i32
    %dma_wait3A_147 = arith.constant 0 : i32
    %dma_wait3A_148 = tpu.memref_slice %arg2[%add3A, %dma_wait3A_145, %dma_wait3A_146, %dma_wait3A_147] : memref<32x128x2x80xi32, #tpu.memory_space<hbm>> -> memref<1x1x2x80xi32, #tpu.memory_space<hbm>>
    %dma_wait3A_149 = tpu.memref_squeeze %dma_wait3A_148 : memref<1x1x2x80xi32, #tpu.memory_space<hbm>> -> memref<2x80xi32, #tpu.memory_space<hbm>>
    %dma_wait3A_150 = arith.constant 0 : i32
    %dma_wait3A_151 = arith.constant 0 : i32
    %dma_wait3A_152 = tpu.memref_slice %arg2[%add3A, %dma_wait3A_145, %dma_wait3A_150, %dma_wait3A_151] : memref<32x128x2x80xi32, #tpu.memory_space<hbm>> -> memref<1x1x2x80xi32, #tpu.memory_space<hbm>>
    %dma_wait3A_153 = tpu.memref_squeeze %dma_wait3A_152 : memref<1x1x2x80xi32, #tpu.memory_space<hbm>> -> memref<2x80xi32, #tpu.memory_space<hbm>>
    tpu.wait_dma2 semaphore(%arg15 : memref<!tpu.dma_semaphore, #tpu.memory_space<semaphore_mem>>) src(%dma_wait3A_153 : memref<2x80xi32, #tpu.memory_space<hbm>>) dst(%arg6 : memref<2x80xi32, #tpu.memory_space<vmem>>)
    %dma_start3A_154 = arith.constant 0 : i32
    %dma_start3A_155 = arith.constant 0 : i32
    %dma_start3A_156 = tpu.memref_slice %arg6[%dma_start3A_154, %dma_start3A_155] : memref<2x80xi32, #tpu.memory_space<vmem>> -> memref<1x80xi32, #tpu.memory_space<vmem>>
    %dma_start3A_157 = tpu.memref_squeeze %dma_start3A_156 : memref<1x80xi32, #tpu.memory_space<vmem>> -> memref<80xi32, #tpu.memory_space<vmem>>
    %dma_start3A_158 = arith.constant 0 : i32
    %dma_start3A_159 = arith.constant 0 : i32
    %dma_start3A_160 = tpu.memref_slice %arg3[%dma_start3A_158, %dma_start3A_159] : memref<10000x128xf32, #tpu.memory_space<hbm>> -> memref<10000x128xf32, #tpu.memory_space<hbm>>
    tpu.enqueue_indirect_dma source(%dma_start3A_160 : memref<10000x128xf32, #tpu.memory_space<hbm>>) target(%arg10 : memref<80x128xf32, #tpu.memory_space<vmem>>) offsets(%dma_start3A_157 : memref<80xi32, #tpu.memory_space<vmem>>) semaphore(%arg19 : memref<!tpu.dma_semaphore, #tpu.memory_space<semaphore_mem>>)
    %scan3A_161 = arith.constant 0 : i32
    %scan3A_162 = arith.constant 0 : i32
    %scan3A_163 = arith.constant 32 : i32
    %scan3A_164 = arith.addi %scan3A_162, %scan3A_163 : i32
    %scan3A_165 = arith.constant 1 : i32
    scf.for %scan3A_177 = %scan3A_162 to %scan3A_164 step %scan3A_165  : i32 {
      %mul3A_178 = arith.constant 4 : i32
      %mul3A_179 = arith.muli %scan3A_177, %mul3A_178 : i32
      %add3A_180 = arith.constant 0 : i32
      %add3A_181 = arith.addi %mul3A_179, %add3A_180 : i32
      %ge3A = arith.constant 1 : i32
      %ge3A_182 = arith.cmpi sge, %add3A_181, %ge3A : i32
      %convert_element_type3A = arith.extui %ge3A_182 : i1 to i32
      %cond3A = arith.constant 0 : i32
      %cond3A_183 = arith.cmpi ne, %convert_element_type3A, %cond3A : i32
      scf.if %cond3A_183 {
        %dma_wait3A_337 = arith.constant 1 : i32
        %dma_wait3A_338 = arith.constant 0 : i32
        %dma_wait3A_339 = tpu.memref_slice %arg8[%dma_wait3A_337, %dma_wait3A_338] : memref<2x80xi32, #tpu.memory_space<vmem>> -> memref<1x80xi32, #tpu.memory_space<vmem>>
        %dma_wait3A_340 = tpu.memref_squeeze %dma_wait3A_339 : memref<1x80xi32, #tpu.memory_space<vmem>> -> memref<80xi32, #tpu.memory_space<vmem>>
        %dma_wait3A_341 = arith.constant 0 : i32
        %dma_wait3A_342 = arith.constant 0 : i32
        %dma_wait3A_343 = tpu.memref_slice %arg13[%dma_wait3A_341, %dma_wait3A_342] : memref<10240x128xf32, #tpu.memory_space<vmem_shared>> -> memref<10240x128xf32, #tpu.memory_space<vmem_shared>>
        tpu.wait_indirect_dma semaphore(%arg25 : memref<!tpu.dma_semaphore, #tpu.memory_space<semaphore_mem>>) src(%arg12 : memref<80x128xf32, #tpu.memory_space<vmem>>) dst(%dma_wait3A_343 : memref<10240x128xf32, #tpu.memory_space<vmem_shared>>)
      } else {
      }
      %add3A_184 = arith.constant 4 : i32
      %add3A_185 = arith.addi %add3A_181, %add3A_184 : i32
      %sub3A = arith.constant 1 : i32
      %sub3A_186 = arith.subi %add3A_185, %sub3A : i32
      %lt3A = arith.constant 128 : i32
      %lt3A_187 = arith.cmpi slt, %sub3A_186, %lt3A : i32
      %convert_element_type3A_188 = arith.extui %lt3A_187 : i1 to i32
      %cond3A_189 = arith.constant 0 : i32
      %cond3A_190 = arith.cmpi ne, %convert_element_type3A_188, %cond3A_189 : i32
      scf.if %cond3A_190 {
        %add3A_337 = arith.constant 4 : i32
        %add3A_338 = arith.addi %add3A_181, %add3A_337 : i32
        %sub3A_339 = arith.constant 1 : i32
        %sub3A_340 = arith.subi %add3A_338, %sub3A_339 : i32
        %dma_start3A_341 = arith.constant 0 : i32
        %dma_start3A_342 = arith.constant 0 : i32
        %dma_start3A_343 = tpu.memref_slice %arg2[%add3A, %sub3A_340, %dma_start3A_341, %dma_start3A_342] : memref<32x128x2x80xi32, #tpu.memory_space<hbm>> -> memref<1x1x2x80xi32, #tpu.memory_space<hbm>>
        %dma_start3A_344 = tpu.memref_squeeze %dma_start3A_343 : memref<1x1x2x80xi32, #tpu.memory_space<hbm>> -> memref<2x80xi32, #tpu.memory_space<hbm>>
        %dma_start3A_345 = arith.constant 0 : i32
        %dma_start3A_346 = arith.constant 0 : i32
        %dma_start3A_347 = tpu.memref_slice %arg2[%add3A, %sub3A_340, %dma_start3A_345, %dma_start3A_346] : memref<32x128x2x80xi32, #tpu.memory_space<hbm>> -> memref<1x1x2x80xi32, #tpu.memory_space<hbm>>
        %dma_start3A_348 = tpu.memref_squeeze %dma_start3A_347 : memref<1x1x2x80xi32, #tpu.memory_space<hbm>> -> memref<2x80xi32, #tpu.memory_space<hbm>>
        tpu.enqueue_dma source(%dma_start3A_348 : memref<2x80xi32, #tpu.memory_space<hbm>>) target(%arg8 : memref<2x80xi32, #tpu.memory_space<vmem>>) target_semaphore(%arg17 : memref<!tpu.dma_semaphore, #tpu.memory_space<semaphore_mem>>)
      } else {
      }
      %add3A_191 = arith.constant 4 : i32
      %add3A_192 = arith.addi %add3A_181, %add3A_191 : i32
      %sub3A_193 = arith.constant 2 : i32
      %sub3A_194 = arith.subi %add3A_192, %sub3A_193 : i32
      %lt3A_195 = arith.constant 128 : i32
      %lt3A_196 = arith.cmpi slt, %sub3A_194, %lt3A_195 : i32
      %convert_element_type3A_197 = arith.extui %lt3A_196 : i1 to i32
      %cond3A_198 = arith.constant 0 : i32
      %cond3A_199 = arith.cmpi ne, %convert_element_type3A_197, %cond3A_198 : i32
      scf.if %cond3A_199 {
        %dma_wait3A_337 = arith.constant 0 : i32
        %dma_wait3A_338 = arith.constant 0 : i32
        %dma_wait3A_339 = arith.constant 0 : i32
        %dma_wait3A_340 = tpu.memref_slice %arg2[%add3A, %dma_wait3A_337, %dma_wait3A_338, %dma_wait3A_339] : memref<32x128x2x80xi32, #tpu.memory_space<hbm>> -> memref<1x1x2x80xi32, #tpu.memory_space<hbm>>
        %dma_wait3A_341 = tpu.memref_squeeze %dma_wait3A_340 : memref<1x1x2x80xi32, #tpu.memory_space<hbm>> -> memref<2x80xi32, #tpu.memory_space<hbm>>
        %dma_wait3A_342 = arith.constant 0 : i32
        %dma_wait3A_343 = arith.constant 0 : i32
        %dma_wait3A_344 = tpu.memref_slice %arg2[%add3A, %dma_wait3A_337, %dma_wait3A_342, %dma_wait3A_343] : memref<32x128x2x80xi32, #tpu.memory_space<hbm>> -> memref<1x1x2x80xi32, #tpu.memory_space<hbm>>
        %dma_wait3A_345 = tpu.memref_squeeze %dma_wait3A_344 : memref<1x1x2x80xi32, #tpu.memory_space<hbm>> -> memref<2x80xi32, #tpu.memory_space<hbm>>
        tpu.wait_dma2 semaphore(%arg16 : memref<!tpu.dma_semaphore, #tpu.memory_space<semaphore_mem>>) src(%dma_wait3A_345 : memref<2x80xi32, #tpu.memory_space<hbm>>) dst(%arg7 : memref<2x80xi32, #tpu.memory_space<vmem>>)
        %dma_start3A_346 = arith.constant 0 : i32
        %dma_start3A_347 = arith.constant 0 : i32
        %dma_start3A_348 = tpu.memref_slice %arg7[%dma_start3A_346, %dma_start3A_347] : memref<2x80xi32, #tpu.memory_space<vmem>> -> memref<1x80xi32, #tpu.memory_space<vmem>>
        %dma_start3A_349 = tpu.memref_squeeze %dma_start3A_348 : memref<1x80xi32, #tpu.memory_space<vmem>> -> memref<80xi32, #tpu.memory_space<vmem>>
        %dma_start3A_350 = arith.constant 0 : i32
        %dma_start3A_351 = arith.constant 0 : i32
        %dma_start3A_352 = tpu.memref_slice %arg3[%dma_start3A_350, %dma_start3A_351] : memref<10000x128xf32, #tpu.memory_space<hbm>> -> memref<10000x128xf32, #tpu.memory_space<hbm>>
        tpu.enqueue_indirect_dma source(%dma_start3A_352 : memref<10000x128xf32, #tpu.memory_space<hbm>>) target(%arg11 : memref<80x128xf32, #tpu.memory_space<vmem>>) offsets(%dma_start3A_349 : memref<80xi32, #tpu.memory_space<vmem>>) semaphore(%arg20 : memref<!tpu.dma_semaphore, #tpu.memory_space<semaphore_mem>>)
      } else {
      }
      %dma_wait3A_200 = arith.constant 0 : i32
      %dma_wait3A_201 = arith.constant 0 : i32
      %dma_wait3A_202 = tpu.memref_slice %arg5[%dma_wait3A_200, %dma_wait3A_201] : memref<2x80xi32, #tpu.memory_space<vmem>> -> memref<1x80xi32, #tpu.memory_space<vmem>>
      %dma_wait3A_203 = tpu.memref_squeeze %dma_wait3A_202 : memref<1x80xi32, #tpu.memory_space<vmem>> -> memref<80xi32, #tpu.memory_space<vmem>>
      %dma_wait3A_204 = arith.constant 0 : i32
      %dma_wait3A_205 = arith.constant 0 : i32
      %dma_wait3A_206 = tpu.memref_slice %arg3[%dma_wait3A_204, %dma_wait3A_205] : memref<10000x128xf32, #tpu.memory_space<hbm>> -> memref<10000x128xf32, #tpu.memory_space<hbm>>
      tpu.wait_indirect_dma semaphore(%arg18 : memref<!tpu.dma_semaphore, #tpu.memory_space<semaphore_mem>>) src(%dma_wait3A_206 : memref<10000x128xf32, #tpu.memory_space<hbm>>) dst(%arg9 : memref<80x128xf32, #tpu.memory_space<vmem>>)
      %dma_start3A_207 = arith.constant 1 : i32
      %dma_start3A_208 = arith.constant 0 : i32
      %dma_start3A_209 = tpu.memref_slice %arg5[%dma_start3A_207, %dma_start3A_208] : memref<2x80xi32, #tpu.memory_space<vmem>> -> memref<1x80xi32, #tpu.memory_space<vmem>>
      %dma_start3A_210 = tpu.memref_squeeze %dma_start3A_209 : memref<1x80xi32, #tpu.memory_space<vmem>> -> memref<80xi32, #tpu.memory_space<vmem>>
      %dma_start3A_211 = arith.constant 0 : i32
      %dma_start3A_212 = arith.constant 0 : i32
      %dma_start3A_213 = tpu.memref_slice %arg13[%dma_start3A_211, %dma_start3A_212] : memref<10240x128xf32, #tpu.memory_space<vmem_shared>> -> memref<10240x128xf32, #tpu.memory_space<vmem_shared>>
      tpu.enqueue_indirect_dma source(%arg9 : memref<80x128xf32, #tpu.memory_space<vmem>>) target(%dma_start3A_213 : memref<10240x128xf32, #tpu.memory_space<vmem_shared>>) offsets(%dma_start3A_210 : memref<80xi32, #tpu.memory_space<vmem>>) semaphore(%arg22 : memref<!tpu.dma_semaphore, #tpu.memory_space<semaphore_mem>>) {add = true}
      %mul3A_214 = arith.constant 4 : i32
      %mul3A_215 = arith.muli %scan3A_177, %mul3A_214 : i32
      %add3A_216 = arith.constant 1 : i32
      %add3A_217 = arith.addi %mul3A_215, %add3A_216 : i32
      %ge3A_218 = arith.constant 1 : i32
      %ge3A_219 = arith.cmpi sge, %add3A_217, %ge3A_218 : i32
      %convert_element_type3A_220 = arith.extui %ge3A_219 : i1 to i32
      %cond3A_221 = arith.constant 0 : i32
      %cond3A_222 = arith.cmpi ne, %convert_element_type3A_220, %cond3A_221 : i32
      scf.if %cond3A_222 {
        %dma_wait3A_337 = arith.constant 1 : i32
        %dma_wait3A_338 = arith.constant 0 : i32
        %dma_wait3A_339 = tpu.memref_slice %arg5[%dma_wait3A_337, %dma_wait3A_338] : memref<2x80xi32, #tpu.memory_space<vmem>> -> memref<1x80xi32, #tpu.memory_space<vmem>>
        %dma_wait3A_340 = tpu.memref_squeeze %dma_wait3A_339 : memref<1x80xi32, #tpu.memory_space<vmem>> -> memref<80xi32, #tpu.memory_space<vmem>>
        %dma_wait3A_341 = arith.constant 0 : i32
        %dma_wait3A_342 = arith.constant 0 : i32
        %dma_wait3A_343 = tpu.memref_slice %arg13[%dma_wait3A_341, %dma_wait3A_342] : memref<10240x128xf32, #tpu.memory_space<vmem_shared>> -> memref<10240x128xf32, #tpu.memory_space<vmem_shared>>
        tpu.wait_indirect_dma semaphore(%arg22 : memref<!tpu.dma_semaphore, #tpu.memory_space<semaphore_mem>>) src(%arg9 : memref<80x128xf32, #tpu.memory_space<vmem>>) dst(%dma_wait3A_343 : memref<10240x128xf32, #tpu.memory_space<vmem_shared>>)
      } else {
      }
      %add3A_223 = arith.constant 4 : i32
      %add3A_224 = arith.addi %add3A_217, %add3A_223 : i32
      %sub3A_225 = arith.constant 1 : i32
      %sub3A_226 = arith.subi %add3A_224, %sub3A_225 : i32
      %lt3A_227 = arith.constant 128 : i32
      %lt3A_228 = arith.cmpi slt, %sub3A_226, %lt3A_227 : i32
      %convert_element_type3A_229 = arith.extui %lt3A_228 : i1 to i32
      %cond3A_230 = arith.constant 0 : i32
      %cond3A_231 = arith.cmpi ne, %convert_element_type3A_229, %cond3A_230 : i32
      scf.if %cond3A_231 {
        %add3A_337 = arith.constant 4 : i32
        %add3A_338 = arith.addi %add3A_217, %add3A_337 : i32
        %sub3A_339 = arith.constant 1 : i32
        %sub3A_340 = arith.subi %add3A_338, %sub3A_339 : i32
        %dma_start3A_341 = arith.constant 0 : i32
        %dma_start3A_342 = arith.constant 0 : i32
        %dma_start3A_343 = tpu.memref_slice %arg2[%add3A, %sub3A_340, %dma_start3A_341, %dma_start3A_342] : memref<32x128x2x80xi32, #tpu.memory_space<hbm>> -> memref<1x1x2x80xi32, #tpu.memory_space<hbm>>
        %dma_start3A_344 = tpu.memref_squeeze %dma_start3A_343 : memref<1x1x2x80xi32, #tpu.memory_space<hbm>> -> memref<2x80xi32, #tpu.memory_space<hbm>>
        %dma_start3A_345 = arith.constant 0 : i32
        %dma_start3A_346 = arith.constant 0 : i32
        %dma_start3A_347 = tpu.memref_slice %arg2[%add3A, %sub3A_340, %dma_start3A_345, %dma_start3A_346] : memref<32x128x2x80xi32, #tpu.memory_space<hbm>> -> memref<1x1x2x80xi32, #tpu.memory_space<hbm>>
        %dma_start3A_348 = tpu.memref_squeeze %dma_start3A_347 : memref<1x1x2x80xi32, #tpu.memory_space<hbm>> -> memref<2x80xi32, #tpu.memory_space<hbm>>
        tpu.enqueue_dma source(%dma_start3A_348 : memref<2x80xi32, #tpu.memory_space<hbm>>) target(%arg5 : memref<2x80xi32, #tpu.memory_space<vmem>>) target_semaphore(%arg14 : memref<!tpu.dma_semaphore, #tpu.memory_space<semaphore_mem>>)
      } else {
      }
      %add3A_232 = arith.constant 4 : i32
      %add3A_233 = arith.addi %add3A_217, %add3A_232 : i32
      %sub3A_234 = arith.constant 2 : i32
      %sub3A_235 = arith.subi %add3A_233, %sub3A_234 : i32
      %lt3A_236 = arith.constant 128 : i32
      %lt3A_237 = arith.cmpi slt, %sub3A_235, %lt3A_236 : i32
      %convert_element_type3A_238 = arith.extui %lt3A_237 : i1 to i32
      %cond3A_239 = arith.constant 0 : i32
      %cond3A_240 = arith.cmpi ne, %convert_element_type3A_238, %cond3A_239 : i32
      scf.if %cond3A_240 {
        %dma_wait3A_337 = arith.constant 0 : i32
        %dma_wait3A_338 = arith.constant 0 : i32
        %dma_wait3A_339 = arith.constant 0 : i32
        %dma_wait3A_340 = tpu.memref_slice %arg2[%add3A, %dma_wait3A_337, %dma_wait3A_338, %dma_wait3A_339] : memref<32x128x2x80xi32, #tpu.memory_space<hbm>> -> memref<1x1x2x80xi32, #tpu.memory_space<hbm>>
        %dma_wait3A_341 = tpu.memref_squeeze %dma_wait3A_340 : memref<1x1x2x80xi32, #tpu.memory_space<hbm>> -> memref<2x80xi32, #tpu.memory_space<hbm>>
        %dma_wait3A_342 = arith.constant 0 : i32
        %dma_wait3A_343 = arith.constant 0 : i32
        %dma_wait3A_344 = tpu.memref_slice %arg2[%add3A, %dma_wait3A_337, %dma_wait3A_342, %dma_wait3A_343] : memref<32x128x2x80xi32, #tpu.memory_space<hbm>> -> memref<1x1x2x80xi32, #tpu.memory_space<hbm>>
        %dma_wait3A_345 = tpu.memref_squeeze %dma_wait3A_344 : memref<1x1x2x80xi32, #tpu.memory_space<hbm>> -> memref<2x80xi32, #tpu.memory_space<hbm>>
        tpu.wait_dma2 semaphore(%arg17 : memref<!tpu.dma_semaphore, #tpu.memory_space<semaphore_mem>>) src(%dma_wait3A_345 : memref<2x80xi32, #tpu.memory_space<hbm>>) dst(%arg8 : memref<2x80xi32, #tpu.memory_space<vmem>>)
        %dma_start3A_346 = arith.constant 0 : i32
        %dma_start3A_347 = arith.constant 0 : i32
        %dma_start3A_348 = tpu.memref_slice %arg8[%dma_start3A_346, %dma_start3A_347] : memref<2x80xi32, #tpu.memory_space<vmem>> -> memref<1x80xi32, #tpu.memory_space<vmem>>
        %dma_start3A_349 = tpu.memref_squeeze %dma_start3A_348 : memref<1x80xi32, #tpu.memory_space<vmem>> -> memref<80xi32, #tpu.memory_space<vmem>>
        %dma_start3A_350 = arith.constant 0 : i32
        %dma_start3A_351 = arith.constant 0 : i32
        %dma_start3A_352 = tpu.memref_slice %arg3[%dma_start3A_350, %dma_start3A_351] : memref<10000x128xf32, #tpu.memory_space<hbm>> -> memref<10000x128xf32, #tpu.memory_space<hbm>>
        tpu.enqueue_indirect_dma source(%dma_start3A_352 : memref<10000x128xf32, #tpu.memory_space<hbm>>) target(%arg12 : memref<80x128xf32, #tpu.memory_space<vmem>>) offsets(%dma_start3A_349 : memref<80xi32, #tpu.memory_space<vmem>>) semaphore(%arg21 : memref<!tpu.dma_semaphore, #tpu.memory_space<semaphore_mem>>)
      } else {
      }
      %dma_wait3A_241 = arith.constant 0 : i32
      %dma_wait3A_242 = arith.constant 0 : i32
      %dma_wait3A_243 = tpu.memref_slice %arg6[%dma_wait3A_241, %dma_wait3A_242] : memref<2x80xi32, #tpu.memory_space<vmem>> -> memref<1x80xi32, #tpu.memory_space<vmem>>
      %dma_wait3A_244 = tpu.memref_squeeze %dma_wait3A_243 : memref<1x80xi32, #tpu.memory_space<vmem>> -> memref<80xi32, #tpu.memory_space<vmem>>
      %dma_wait3A_245 = arith.constant 0 : i32
      %dma_wait3A_246 = arith.constant 0 : i32
      %dma_wait3A_247 = tpu.memref_slice %arg3[%dma_wait3A_245, %dma_wait3A_246] : memref<10000x128xf32, #tpu.memory_space<hbm>> -> memref<10000x128xf32, #tpu.memory_space<hbm>>
      tpu.wait_indirect_dma semaphore(%arg19 : memref<!tpu.dma_semaphore, #tpu.memory_space<semaphore_mem>>) src(%dma_wait3A_247 : memref<10000x128xf32, #tpu.memory_space<hbm>>) dst(%arg10 : memref<80x128xf32, #tpu.memory_space<vmem>>)
      %dma_start3A_248 = arith.constant 1 : i32
      %dma_start3A_249 = arith.constant 0 : i32
      %dma_start3A_250 = tpu.memref_slice %arg6[%dma_start3A_248, %dma_start3A_249] : memref<2x80xi32, #tpu.memory_space<vmem>> -> memref<1x80xi32, #tpu.memory_space<vmem>>
      %dma_start3A_251 = tpu.memref_squeeze %dma_start3A_250 : memref<1x80xi32, #tpu.memory_space<vmem>> -> memref<80xi32, #tpu.memory_space<vmem>>
      %dma_start3A_252 = arith.constant 0 : i32
      %dma_start3A_253 = arith.constant 0 : i32
      %dma_start3A_254 = tpu.memref_slice %arg13[%dma_start3A_252, %dma_start3A_253] : memref<10240x128xf32, #tpu.memory_space<vmem_shared>> -> memref<10240x128xf32, #tpu.memory_space<vmem_shared>>
      tpu.enqueue_indirect_dma source(%arg10 : memref<80x128xf32, #tpu.memory_space<vmem>>) target(%dma_start3A_254 : memref<10240x128xf32, #tpu.memory_space<vmem_shared>>) offsets(%dma_start3A_251 : memref<80xi32, #tpu.memory_space<vmem>>) semaphore(%arg23 : memref<!tpu.dma_semaphore, #tpu.memory_space<semaphore_mem>>) {add = true}
      %mul3A_255 = arith.constant 4 : i32
      %mul3A_256 = arith.muli %scan3A_177, %mul3A_255 : i32
      %add3A_257 = arith.constant 2 : i32
      %add3A_258 = arith.addi %mul3A_256, %add3A_257 : i32
      %ge3A_259 = arith.constant 1 : i32
      %ge3A_260 = arith.cmpi sge, %add3A_258, %ge3A_259 : i32
      %convert_element_type3A_261 = arith.extui %ge3A_260 : i1 to i32
      %cond3A_262 = arith.constant 0 : i32
      %cond3A_263 = arith.cmpi ne, %convert_element_type3A_261, %cond3A_262 : i32
      scf.if %cond3A_263 {
        %dma_wait3A_337 = arith.constant 1 : i32
        %dma_wait3A_338 = arith.constant 0 : i32
        %dma_wait3A_339 = tpu.memref_slice %arg6[%dma_wait3A_337, %dma_wait3A_338] : memref<2x80xi32, #tpu.memory_space<vmem>> -> memref<1x80xi32, #tpu.memory_space<vmem>>
        %dma_wait3A_340 = tpu.memref_squeeze %dma_wait3A_339 : memref<1x80xi32, #tpu.memory_space<vmem>> -> memref<80xi32, #tpu.memory_space<vmem>>
        %dma_wait3A_341 = arith.constant 0 : i32
        %dma_wait3A_342 = arith.constant 0 : i32
        %dma_wait3A_343 = tpu.memref_slice %arg13[%dma_wait3A_341, %dma_wait3A_342] : memref<10240x128xf32, #tpu.memory_space<vmem_shared>> -> memref<10240x128xf32, #tpu.memory_space<vmem_shared>>
        tpu.wait_indirect_dma semaphore(%arg23 : memref<!tpu.dma_semaphore, #tpu.memory_space<semaphore_mem>>) src(%arg10 : memref<80x128xf32, #tpu.memory_space<vmem>>) dst(%dma_wait3A_343 : memref<10240x128xf32, #tpu.memory_space<vmem_shared>>)
      } else {
      }
      %add3A_264 = arith.constant 4 : i32
      %add3A_265 = arith.addi %add3A_258, %add3A_264 : i32
      %sub3A_266 = arith.constant 1 : i32
      %sub3A_267 = arith.subi %add3A_265, %sub3A_266 : i32
      %lt3A_268 = arith.constant 128 : i32
      %lt3A_269 = arith.cmpi slt, %sub3A_267, %lt3A_268 : i32
      %convert_element_type3A_270 = arith.extui %lt3A_269 : i1 to i32
      %cond3A_271 = arith.constant 0 : i32
      %cond3A_272 = arith.cmpi ne, %convert_element_type3A_270, %cond3A_271 : i32
      scf.if %cond3A_272 {
        %add3A_337 = arith.constant 4 : i32
        %add3A_338 = arith.addi %add3A_258, %add3A_337 : i32
        %sub3A_339 = arith.constant 1 : i32
        %sub3A_340 = arith.subi %add3A_338, %sub3A_339 : i32
        %dma_start3A_341 = arith.constant 0 : i32
        %dma_start3A_342 = arith.constant 0 : i32
        %dma_start3A_343 = tpu.memref_slice %arg2[%add3A, %sub3A_340, %dma_start3A_341, %dma_start3A_342] : memref<32x128x2x80xi32, #tpu.memory_space<hbm>> -> memref<1x1x2x80xi32, #tpu.memory_space<hbm>>
        %dma_start3A_344 = tpu.memref_squeeze %dma_start3A_343 : memref<1x1x2x80xi32, #tpu.memory_space<hbm>> -> memref<2x80xi32, #tpu.memory_space<hbm>>
        %dma_start3A_345 = arith.constant 0 : i32
        %dma_start3A_346 = arith.constant 0 : i32
        %dma_start3A_347 = tpu.memref_slice %arg2[%add3A, %sub3A_340, %dma_start3A_345, %dma_start3A_346] : memref<32x128x2x80xi32, #tpu.memory_space<hbm>> -> memref<1x1x2x80xi32, #tpu.memory_space<hbm>>
        %dma_start3A_348 = tpu.memref_squeeze %dma_start3A_347 : memref<1x1x2x80xi32, #tpu.memory_space<hbm>> -> memref<2x80xi32, #tpu.memory_space<hbm>>
        tpu.enqueue_dma source(%dma_start3A_348 : memref<2x80xi32, #tpu.memory_space<hbm>>) target(%arg6 : memref<2x80xi32, #tpu.memory_space<vmem>>) target_semaphore(%arg15 : memref<!tpu.dma_semaphore, #tpu.memory_space<semaphore_mem>>)
      } else {
      }
      %add3A_273 = arith.constant 4 : i32
      %add3A_274 = arith.addi %add3A_258, %add3A_273 : i32
      %sub3A_275 = arith.constant 2 : i32
      %sub3A_276 = arith.subi %add3A_274, %sub3A_275 : i32
      %lt3A_277 = arith.constant 128 : i32
      %lt3A_278 = arith.cmpi slt, %sub3A_276, %lt3A_277 : i32
      %convert_element_type3A_279 = arith.extui %lt3A_278 : i1 to i32
      %cond3A_280 = arith.constant 0 : i32
      %cond3A_281 = arith.cmpi ne, %convert_element_type3A_279, %cond3A_280 : i32
      scf.if %cond3A_281 {
        %dma_wait3A_337 = arith.constant 0 : i32
        %dma_wait3A_338 = arith.constant 0 : i32
        %dma_wait3A_339 = arith.constant 0 : i32
        %dma_wait3A_340 = tpu.memref_slice %arg2[%add3A, %dma_wait3A_337, %dma_wait3A_338, %dma_wait3A_339] : memref<32x128x2x80xi32, #tpu.memory_space<hbm>> -> memref<1x1x2x80xi32, #tpu.memory_space<hbm>>
        %dma_wait3A_341 = tpu.memref_squeeze %dma_wait3A_340 : memref<1x1x2x80xi32, #tpu.memory_space<hbm>> -> memref<2x80xi32, #tpu.memory_space<hbm>>
        %dma_wait3A_342 = arith.constant 0 : i32
        %dma_wait3A_343 = arith.constant 0 : i32
        %dma_wait3A_344 = tpu.memref_slice %arg2[%add3A, %dma_wait3A_337, %dma_wait3A_342, %dma_wait3A_343] : memref<32x128x2x80xi32, #tpu.memory_space<hbm>> -> memref<1x1x2x80xi32, #tpu.memory_space<hbm>>
        %dma_wait3A_345 = tpu.memref_squeeze %dma_wait3A_344 : memref<1x1x2x80xi32, #tpu.memory_space<hbm>> -> memref<2x80xi32, #tpu.memory_space<hbm>>
        tpu.wait_dma2 semaphore(%arg14 : memref<!tpu.dma_semaphore, #tpu.memory_space<semaphore_mem>>) src(%dma_wait3A_345 : memref<2x80xi32, #tpu.memory_space<hbm>>) dst(%arg5 : memref<2x80xi32, #tpu.memory_space<vmem>>)
        %dma_start3A_346 = arith.constant 0 : i32
        %dma_start3A_347 = arith.constant 0 : i32
        %dma_start3A_348 = tpu.memref_slice %arg5[%dma_start3A_346, %dma_start3A_347] : memref<2x80xi32, #tpu.memory_space<vmem>> -> memref<1x80xi32, #tpu.memory_space<vmem>>
        %dma_start3A_349 = tpu.memref_squeeze %dma_start3A_348 : memref<1x80xi32, #tpu.memory_space<vmem>> -> memref<80xi32, #tpu.memory_space<vmem>>
        %dma_start3A_350 = arith.constant 0 : i32
        %dma_start3A_351 = arith.constant 0 : i32
        %dma_start3A_352 = tpu.memref_slice %arg3[%dma_start3A_350, %dma_start3A_351] : memref<10000x128xf32, #tpu.memory_space<hbm>> -> memref<10000x128xf32, #tpu.memory_space<hbm>>
        tpu.enqueue_indirect_dma source(%dma_start3A_352 : memref<10000x128xf32, #tpu.memory_space<hbm>>) target(%arg9 : memref<80x128xf32, #tpu.memory_space<vmem>>) offsets(%dma_start3A_349 : memref<80xi32, #tpu.memory_space<vmem>>) semaphore(%arg18 : memref<!tpu.dma_semaphore, #tpu.memory_space<semaphore_mem>>)
      } else {
      }
      %dma_wait3A_282 = arith.constant 0 : i32
      %dma_wait3A_283 = arith.constant 0 : i32
      %dma_wait3A_284 = tpu.memref_slice %arg7[%dma_wait3A_282, %dma_wait3A_283] : memref<2x80xi32, #tpu.memory_space<vmem>> -> memref<1x80xi32, #tpu.memory_space<vmem>>
      %dma_wait3A_285 = tpu.memref_squeeze %dma_wait3A_284 : memref<1x80xi32, #tpu.memory_space<vmem>> -> memref<80xi32, #tpu.memory_space<vmem>>
      %dma_wait3A_286 = arith.constant 0 : i32
      %dma_wait3A_287 = arith.constant 0 : i32
      %dma_wait3A_288 = tpu.memref_slice %arg3[%dma_wait3A_286, %dma_wait3A_287] : memref<10000x128xf32, #tpu.memory_space<hbm>> -> memref<10000x128xf32, #tpu.memory_space<hbm>>
      tpu.wait_indirect_dma semaphore(%arg20 : memref<!tpu.dma_semaphore, #tpu.memory_space<semaphore_mem>>) src(%dma_wait3A_288 : memref<10000x128xf32, #tpu.memory_space<hbm>>) dst(%arg11 : memref<80x128xf32, #tpu.memory_space<vmem>>)
      %dma_start3A_289 = arith.constant 1 : i32
      %dma_start3A_290 = arith.constant 0 : i32
      %dma_start3A_291 = tpu.memref_slice %arg7[%dma_start3A_289, %dma_start3A_290] : memref<2x80xi32, #tpu.memory_space<vmem>> -> memref<1x80xi32, #tpu.memory_space<vmem>>
      %dma_start3A_292 = tpu.memref_squeeze %dma_start3A_291 : memref<1x80xi32, #tpu.memory_space<vmem>> -> memref<80xi32, #tpu.memory_space<vmem>>
      %dma_start3A_293 = arith.constant 0 : i32
      %dma_start3A_294 = arith.constant 0 : i32
      %dma_start3A_295 = tpu.memref_slice %arg13[%dma_start3A_293, %dma_start3A_294] : memref<10240x128xf32, #tpu.memory_space<vmem_shared>> -> memref<10240x128xf32, #tpu.memory_space<vmem_shared>>
      tpu.enqueue_indirect_dma source(%arg11 : memref<80x128xf32, #tpu.memory_space<vmem>>) target(%dma_start3A_295 : memref<10240x128xf32, #tpu.memory_space<vmem_shared>>) offsets(%dma_start3A_292 : memref<80xi32, #tpu.memory_space<vmem>>) semaphore(%arg24 : memref<!tpu.dma_semaphore, #tpu.memory_space<semaphore_mem>>) {add = true}
      %mul3A_296 = arith.constant 4 : i32
      %mul3A_297 = arith.muli %scan3A_177, %mul3A_296 : i32
      %add3A_298 = arith.constant 3 : i32
      %add3A_299 = arith.addi %mul3A_297, %add3A_298 : i32
      %ge3A_300 = arith.constant 1 : i32
      %ge3A_301 = arith.cmpi sge, %add3A_299, %ge3A_300 : i32
      %convert_element_type3A_302 = arith.extui %ge3A_301 : i1 to i32
      %cond3A_303 = arith.constant 0 : i32
      %cond3A_304 = arith.cmpi ne, %convert_element_type3A_302, %cond3A_303 : i32
      scf.if %cond3A_304 {
        %dma_wait3A_337 = arith.constant 1 : i32
        %dma_wait3A_338 = arith.constant 0 : i32
        %dma_wait3A_339 = tpu.memref_slice %arg7[%dma_wait3A_337, %dma_wait3A_338] : memref<2x80xi32, #tpu.memory_space<vmem>> -> memref<1x80xi32, #tpu.memory_space<vmem>>
        %dma_wait3A_340 = tpu.memref_squeeze %dma_wait3A_339 : memref<1x80xi32, #tpu.memory_space<vmem>> -> memref<80xi32, #tpu.memory_space<vmem>>
        %dma_wait3A_341 = arith.constant 0 : i32
        %dma_wait3A_342 = arith.constant 0 : i32
        %dma_wait3A_343 = tpu.memref_slice %arg13[%dma_wait3A_341, %dma_wait3A_342] : memref<10240x128xf32, #tpu.memory_space<vmem_shared>> -> memref<10240x128xf32, #tpu.memory_space<vmem_shared>>
        tpu.wait_indirect_dma semaphore(%arg24 : memref<!tpu.dma_semaphore, #tpu.memory_space<semaphore_mem>>) src(%arg11 : memref<80x128xf32, #tpu.memory_space<vmem>>) dst(%dma_wait3A_343 : memref<10240x128xf32, #tpu.memory_space<vmem_shared>>)
      } else {
      }
      %add3A_305 = arith.constant 4 : i32
      %add3A_306 = arith.addi %add3A_299, %add3A_305 : i32
      %sub3A_307 = arith.constant 1 : i32
      %sub3A_308 = arith.subi %add3A_306, %sub3A_307 : i32
      %lt3A_309 = arith.constant 128 : i32
      %lt3A_310 = arith.cmpi slt, %sub3A_308, %lt3A_309 : i32
      %convert_element_type3A_311 = arith.extui %lt3A_310 : i1 to i32
      %cond3A_312 = arith.constant 0 : i32
      %cond3A_313 = arith.cmpi ne, %convert_element_type3A_311, %cond3A_312 : i32
      scf.if %cond3A_313 {
        %add3A_337 = arith.constant 4 : i32
        %add3A_338 = arith.addi %add3A_299, %add3A_337 : i32
        %sub3A_339 = arith.constant 1 : i32
        %sub3A_340 = arith.subi %add3A_338, %sub3A_339 : i32
        %dma_start3A_341 = arith.constant 0 : i32
        %dma_start3A_342 = arith.constant 0 : i32
        %dma_start3A_343 = tpu.memref_slice %arg2[%add3A, %sub3A_340, %dma_start3A_341, %dma_start3A_342] : memref<32x128x2x80xi32, #tpu.memory_space<hbm>> -> memref<1x1x2x80xi32, #tpu.memory_space<hbm>>
        %dma_start3A_344 = tpu.memref_squeeze %dma_start3A_343 : memref<1x1x2x80xi32, #tpu.memory_space<hbm>> -> memref<2x80xi32, #tpu.memory_space<hbm>>
        %dma_start3A_345 = arith.constant 0 : i32
        %dma_start3A_346 = arith.constant 0 : i32
        %dma_start3A_347 = tpu.memref_slice %arg2[%add3A, %sub3A_340, %dma_start3A_345, %dma_start3A_346] : memref<32x128x2x80xi32, #tpu.memory_space<hbm>> -> memref<1x1x2x80xi32, #tpu.memory_space<hbm>>
        %dma_start3A_348 = tpu.memref_squeeze %dma_start3A_347 : memref<1x1x2x80xi32, #tpu.memory_space<hbm>> -> memref<2x80xi32, #tpu.memory_space<hbm>>
        tpu.enqueue_dma source(%dma_start3A_348 : memref<2x80xi32, #tpu.memory_space<hbm>>) target(%arg7 : memref<2x80xi32, #tpu.memory_space<vmem>>) target_semaphore(%arg16 : memref<!tpu.dma_semaphore, #tpu.memory_space<semaphore_mem>>)
      } else {
      }
      %add3A_314 = arith.constant 4 : i32
      %add3A_315 = arith.addi %add3A_299, %add3A_314 : i32
      %sub3A_316 = arith.constant 2 : i32
      %sub3A_317 = arith.subi %add3A_315, %sub3A_316 : i32
      %lt3A_318 = arith.constant 128 : i32
      %lt3A_319 = arith.cmpi slt, %sub3A_317, %lt3A_318 : i32
      %convert_element_type3A_320 = arith.extui %lt3A_319 : i1 to i32
      %cond3A_321 = arith.constant 0 : i32
      %cond3A_322 = arith.cmpi ne, %convert_element_type3A_320, %cond3A_321 : i32
      scf.if %cond3A_322 {
        %dma_wait3A_337 = arith.constant 0 : i32
        %dma_wait3A_338 = arith.constant 0 : i32
        %dma_wait3A_339 = arith.constant 0 : i32
        %dma_wait3A_340 = tpu.memref_slice %arg2[%add3A, %dma_wait3A_337, %dma_wait3A_338, %dma_wait3A_339] : memref<32x128x2x80xi32, #tpu.memory_space<hbm>> -> memref<1x1x2x80xi32, #tpu.memory_space<hbm>>
        %dma_wait3A_341 = tpu.memref_squeeze %dma_wait3A_340 : memref<1x1x2x80xi32, #tpu.memory_space<hbm>> -> memref<2x80xi32, #tpu.memory_space<hbm>>
        %dma_wait3A_342 = arith.constant 0 : i32
        %dma_wait3A_343 = arith.constant 0 : i32
        %dma_wait3A_344 = tpu.memref_slice %arg2[%add3A, %dma_wait3A_337, %dma_wait3A_342, %dma_wait3A_343] : memref<32x128x2x80xi32, #tpu.memory_space<hbm>> -> memref<1x1x2x80xi32, #tpu.memory_space<hbm>>
        %dma_wait3A_345 = tpu.memref_squeeze %dma_wait3A_344 : memref<1x1x2x80xi32, #tpu.memory_space<hbm>> -> memref<2x80xi32, #tpu.memory_space<hbm>>
        tpu.wait_dma2 semaphore(%arg15 : memref<!tpu.dma_semaphore, #tpu.memory_space<semaphore_mem>>) src(%dma_wait3A_345 : memref<2x80xi32, #tpu.memory_space<hbm>>) dst(%arg6 : memref<2x80xi32, #tpu.memory_space<vmem>>)
        %dma_start3A_346 = arith.constant 0 : i32
        %dma_start3A_347 = arith.constant 0 : i32
        %dma_start3A_348 = tpu.memref_slice %arg6[%dma_start3A_346, %dma_start3A_347] : memref<2x80xi32, #tpu.memory_space<vmem>> -> memref<1x80xi32, #tpu.memory_space<vmem>>
        %dma_start3A_349 = tpu.memref_squeeze %dma_start3A_348 : memref<1x80xi32, #tpu.memory_space<vmem>> -> memref<80xi32, #tpu.memory_space<vmem>>
        %dma_start3A_350 = arith.constant 0 : i32
        %dma_start3A_351 = arith.constant 0 : i32
        %dma_start3A_352 = tpu.memref_slice %arg3[%dma_start3A_350, %dma_start3A_351] : memref<10000x128xf32, #tpu.memory_space<hbm>> -> memref<10000x128xf32, #tpu.memory_space<hbm>>
        tpu.enqueue_indirect_dma source(%dma_start3A_352 : memref<10000x128xf32, #tpu.memory_space<hbm>>) target(%arg10 : memref<80x128xf32, #tpu.memory_space<vmem>>) offsets(%dma_start3A_349 : memref<80xi32, #tpu.memory_space<vmem>>) semaphore(%arg19 : memref<!tpu.dma_semaphore, #tpu.memory_space<semaphore_mem>>)
      } else {
      }
      %dma_wait3A_323 = arith.constant 0 : i32
      %dma_wait3A_324 = arith.constant 0 : i32
      %dma_wait3A_325 = tpu.memref_slice %arg8[%dma_wait3A_323, %dma_wait3A_324] : memref<2x80xi32, #tpu.memory_space<vmem>> -> memref<1x80xi32, #tpu.memory_space<vmem>>
      %dma_wait3A_326 = tpu.memref_squeeze %dma_wait3A_325 : memref<1x80xi32, #tpu.memory_space<vmem>> -> memref<80xi32, #tpu.memory_space<vmem>>
      %dma_wait3A_327 = arith.constant 0 : i32
      %dma_wait3A_328 = arith.constant 0 : i32
      %dma_wait3A_329 = tpu.memref_slice %arg3[%dma_wait3A_327, %dma_wait3A_328] : memref<10000x128xf32, #tpu.memory_space<hbm>> -> memref<10000x128xf32, #tpu.memory_space<hbm>>
      tpu.wait_indirect_dma semaphore(%arg21 : memref<!tpu.dma_semaphore, #tpu.memory_space<semaphore_mem>>) src(%dma_wait3A_329 : memref<10000x128xf32, #tpu.memory_space<hbm>>) dst(%arg12 : memref<80x128xf32, #tpu.memory_space<vmem>>)
      %dma_start3A_330 = arith.constant 1 : i32
      %dma_start3A_331 = arith.constant 0 : i32
      %dma_start3A_332 = tpu.memref_slice %arg8[%dma_start3A_330, %dma_start3A_331] : memref<2x80xi32, #tpu.memory_space<vmem>> -> memref<1x80xi32, #tpu.memory_space<vmem>>
      %dma_start3A_333 = tpu.memref_squeeze %dma_start3A_332 : memref<1x80xi32, #tpu.memory_space<vmem>> -> memref<80xi32, #tpu.memory_space<vmem>>
      %dma_start3A_334 = arith.constant 0 : i32
      %dma_start3A_335 = arith.constant 0 : i32
      %dma_start3A_336 = tpu.memref_slice %arg13[%dma_start3A_334, %dma_start3A_335] : memref<10240x128xf32, #tpu.memory_space<vmem_shared>> -> memref<10240x128xf32, #tpu.memory_space<vmem_shared>>
      tpu.enqueue_indirect_dma source(%arg12 : memref<80x128xf32, #tpu.memory_space<vmem>>) target(%dma_start3A_336 : memref<10240x128xf32, #tpu.memory_space<vmem_shared>>) offsets(%dma_start3A_333 : memref<80xi32, #tpu.memory_space<vmem>>) semaphore(%arg25 : memref<!tpu.dma_semaphore, #tpu.memory_space<semaphore_mem>>) {add = true}
    }
    %scan3A_166 = arith.constant 32 : i32
    %dma_wait3A_167 = arith.constant 1 : i32
    %dma_wait3A_168 = arith.constant 0 : i32
    %dma_wait3A_169 = tpu.memref_slice %arg8[%dma_wait3A_167, %dma_wait3A_168] : memref<2x80xi32, #tpu.memory_space<vmem>> -> memref<1x80xi32, #tpu.memory_space<vmem>>
    %dma_wait3A_170 = tpu.memref_squeeze %dma_wait3A_169 : memref<1x80xi32, #tpu.memory_space<vmem>> -> memref<80xi32, #tpu.memory_space<vmem>>
    %dma_wait3A_171 = arith.constant 0 : i32
    %dma_wait3A_172 = arith.constant 0 : i32
    %dma_wait3A_173 = tpu.memref_slice %arg13[%dma_wait3A_171, %dma_wait3A_172] : memref<10240x128xf32, #tpu.memory_space<vmem_shared>> -> memref<10240x128xf32, #tpu.memory_space<vmem_shared>>
    tpu.wait_indirect_dma semaphore(%arg25 : memref<!tpu.dma_semaphore, #tpu.memory_space<semaphore_mem>>) src(%arg12 : memref<80x128xf32, #tpu.memory_space<vmem>>) dst(%dma_wait3A_173 : memref<10240x128xf32, #tpu.memory_space<vmem_shared>>)
    %barrier3A_174 = arith.constant 0 : index
    tpu.barrier barrier_id(%barrier3A_174)
    %mul3A_175 = arith.constant 640 : i32
    %mul3A_176 = arith.muli %arg1, %mul3A_175 : i32
    "tpu.region"() ({
      %run_scoped3A = tpu.sem_alloc : memref<!tpu.dma_semaphore, #tpu.memory_space<semaphore_mem>>
      %dma_start3A_177 = arith.constant 0 : i32
      %dma_start3A_178 = tpu.memref_slice %arg4[%arg0, %mul3A_176, %dma_start3A_177] : memref<2x10240x128xf32, #tpu.memory_space<hbm>> -> memref<1x640x128xf32, #tpu.memory_space<hbm>>
      %dma_start3A_179 = tpu.memref_squeeze %dma_start3A_178 : memref<1x640x128xf32, #tpu.memory_space<hbm>> -> memref<640x128xf32, #tpu.memory_space<hbm>>
      %dma_start3A_180 = arith.constant 0 : i32
      %dma_start3A_181 = tpu.memref_slice %arg13[%mul3A_176, %dma_start3A_180] : memref<10240x128xf32, #tpu.memory_space<vmem_shared>> -> memref<640x128xf32, #tpu.memory_space<vmem_shared>>
      tpu.enqueue_dma source(%dma_start3A_181 : memref<640x128xf32, #tpu.memory_space<vmem_shared>>) target(%dma_start3A_179 : memref<640x128xf32, #tpu.memory_space<hbm>>) target_semaphore(%run_scoped3A : memref<!tpu.dma_semaphore, #tpu.memory_space<semaphore_mem>>)
      %dma_wait3A_182 = arith.constant 0 : i32
      %dma_wait3A_183 = tpu.memref_slice %arg4[%arg0, %mul3A_176, %dma_wait3A_182] : memref<2x10240x128xf32, #tpu.memory_space<hbm>> -> memref<1x640x128xf32, #tpu.memory_space<hbm>>
      %dma_wait3A_184 = tpu.memref_squeeze %dma_wait3A_183 : memref<1x640x128xf32, #tpu.memory_space<hbm>> -> memref<640x128xf32, #tpu.memory_space<hbm>>
      %dma_wait3A_185 = arith.constant 0 : i32
      %dma_wait3A_186 = tpu.memref_slice %arg13[%mul3A_176, %dma_wait3A_185] : memref<10240x128xf32, #tpu.memory_space<vmem_shared>> -> memref<640x128xf32, #tpu.memory_space<vmem_shared>>
      tpu.wait_dma2 semaphore(%run_scoped3A : memref<!tpu.dma_semaphore, #tpu.memory_space<semaphore_mem>>) src(%dma_wait3A_186 : memref<640x128xf32, #tpu.memory_space<vmem_shared>>) dst(%dma_wait3A_184 : memref<640x128xf32, #tpu.memory_space<hbm>>)
      tpu.yield
    }) : () -> ()
    return
  }
}

#map = affine_map<(d0, d1) -> (0, 0, 0, 0)>
#map1 = affine_map<(d0, d1) -> (0, 0)>
#map2 = affine_map<(d0, d1) -> (0, 0, 0)>
module attributes {stable_mosaic.version = 14 : i64} {
  func.func @_edge_agg_body(%arg0: i32, %arg1: i32, %arg2: memref<32x128x2x80xi32, #tpu.memory_space<hbm>>, %arg3: memref<10000x128xf32, #tpu.memory_space<hbm>>, %arg4: memref<2x10240x128xf32, #tpu.memory_space<hbm>>, %arg5: memref<2x80xi32, #tpu.memory_space<vmem>>, %arg6: memref<2x80xi32, #tpu.memory_space<vmem>>, %arg7: memref<2x80xi32, #tpu.memory_space<vmem>>, %arg8: memref<2x80xi32, #tpu.memory_space<vmem>>, %arg9: memref<80x128xf32, #tpu.memory_space<vmem>>, %arg10: memref<80x128xf32, #tpu.memory_space<vmem>>, %arg11: memref<80x128xf32, #tpu.memory_space<vmem>>, %arg12: memref<80x128xf32, #tpu.memory_space<vmem>>, %arg13: memref<10240x128xf32, #tpu.memory_space<vmem_shared>>, %arg14: memref<!tpu.dma_semaphore, #tpu.memory_space<semaphore_mem>>, %arg15: memref<!tpu.dma_semaphore, #tpu.memory_space<semaphore_mem>>, %arg16: memref<!tpu.dma_semaphore, #tpu.memory_space<semaphore_mem>>, %arg17: memref<!tpu.dma_semaphore, #tpu.memory_space<semaphore_mem>>, %arg18: memref<!tpu.dma_semaphore, #tpu.memory_space<semaphore_mem>>, %arg19: memref<!tpu.dma_semaphore, #tpu.memory_space<semaphore_mem>>, %arg20: memref<!tpu.dma_semaphore, #tpu.memory_space<semaphore_mem>>, %arg21: memref<!tpu.dma_semaphore, #tpu.memory_space<semaphore_mem>>, %arg22: memref<!tpu.dma_semaphore, #tpu.memory_space<semaphore_mem>>, %arg23: memref<!tpu.dma_semaphore, #tpu.memory_space<semaphore_mem>>, %arg24: memref<!tpu.dma_semaphore, #tpu.memory_space<semaphore_mem>>, %arg25: memref<!tpu.dma_semaphore, #tpu.memory_space<semaphore_mem>>, %arg26: memref<!tpu.dma_semaphore, #tpu.memory_space<semaphore_mem>>) attributes {dimension_semantics = [#tpu.dimension_semantics<core_parallel>, #tpu.dimension_semantics<subcore_parallel>], iteration_bounds = array<i64: 2, 16>, scalar_prefetch = 0 : i64, scratch_operands = 22 : i64, tpu.core_type = #tpu.core_type<sc_vector_subcore>, window_params = [{transform_indices = #map}, {transform_indices = #map1}, {transform_indices = #map2}]} {
    %mul3A = arith.constant 16 : i32
    %mul3A_0 = arith.muli %arg0, %mul3A : i32
    %add3A = arith.addi %mul3A_0, %arg1 : i32
    %scan3A = arith.constant 0 : i32
    %scan3A_1 = arith.constant 0 : i32
    %scan3A_2 = arith.constant 80 : i32
    %scan3A_3 = arith.addi %scan3A_1, %scan3A_2 : i32
    %scan3A_4 = arith.constant 1 : i32
    scf.for %scan3A_177 = %scan3A_1 to %scan3A_3 step %scan3A_4  : i32 {
      %broadcast_in_dim3A = arith.constant 0.000000e+00 : f32
      %broadcast_in_dim3A_178 = vector.broadcast %broadcast_in_dim3A : f32 to vector<16xf32>
      %swap3A = arith.index_cast %scan3A_177 : i32 to index
      %swap3A_179 = arith.constant 0 : index
      %swap3A_180 = tpu.vector_load %arg9[%swap3A, %swap3A_179] {strides = array<i32>} : memref<80x128xf32, #tpu.memory_space<vmem>>, vector<1x16xf32>,
      %swap3A_181 = vector.shape_cast %swap3A_180 : vector<1x16xf32> to vector<16xf32>
      %swap3A_182 = vector.shape_cast %broadcast_in_dim3A_178 : vector<16xf32> to vector<1x16xf32>
      tpu.vector_store %arg9[%swap3A, %swap3A_179], %swap3A_182 {strides = array<i32>} : memref<80x128xf32, #tpu.memory_space<vmem>>, vector<1x16xf32>,
      %broadcast_in_dim3A_183 = arith.constant 0.000000e+00 : f32
      %broadcast_in_dim3A_184 = vector.broadcast %broadcast_in_dim3A_183 : f32 to vector<16xf32>
      %swap3A_185 = arith.index_cast %scan3A_177 : i32 to index
      %swap3A_186 = arith.constant 16 : index
      %swap3A_187 = tpu.vector_load %arg9[%swap3A_185, %swap3A_186] {strides = array<i32>} : memref<80x128xf32, #tpu.memory_space<vmem>>, vector<1x16xf32>,
      %swap3A_188 = vector.shape_cast %swap3A_187 : vector<1x16xf32> to vector<16xf32>
      %swap3A_189 = vector.shape_cast %broadcast_in_dim3A_184 : vector<16xf32> to vector<1x16xf32>
      tpu.vector_store %arg9[%swap3A_185, %swap3A_186], %swap3A_189 {strides = array<i32>} : memref<80x128xf32, #tpu.memory_space<vmem>>, vector<1x16xf32>,
      %broadcast_in_dim3A_190 = arith.constant 0.000000e+00 : f32
      %broadcast_in_dim3A_191 = vector.broadcast %broadcast_in_dim3A_190 : f32 to vector<16xf32>
      %swap3A_192 = arith.index_cast %scan3A_177 : i32 to index
      %swap3A_193 = arith.constant 32 : index
      %swap3A_194 = tpu.vector_load %arg9[%swap3A_192, %swap3A_193] {strides = array<i32>} : memref<80x128xf32, #tpu.memory_space<vmem>>, vector<1x16xf32>,
      %swap3A_195 = vector.shape_cast %swap3A_194 : vector<1x16xf32> to vector<16xf32>
      %swap3A_196 = vector.shape_cast %broadcast_in_dim3A_191 : vector<16xf32> to vector<1x16xf32>
      tpu.vector_store %arg9[%swap3A_192, %swap3A_193], %swap3A_196 {strides = array<i32>} : memref<80x128xf32, #tpu.memory_space<vmem>>, vector<1x16xf32>,
      %broadcast_in_dim3A_197 = arith.constant 0.000000e+00 : f32
      %broadcast_in_dim3A_198 = vector.broadcast %broadcast_in_dim3A_197 : f32 to vector<16xf32>
      %swap3A_199 = arith.index_cast %scan3A_177 : i32 to index
      %swap3A_200 = arith.constant 48 : index
      %swap3A_201 = tpu.vector_load %arg9[%swap3A_199, %swap3A_200] {strides = array<i32>} : memref<80x128xf32, #tpu.memory_space<vmem>>, vector<1x16xf32>,
      %swap3A_202 = vector.shape_cast %swap3A_201 : vector<1x16xf32> to vector<16xf32>
      %swap3A_203 = vector.shape_cast %broadcast_in_dim3A_198 : vector<16xf32> to vector<1x16xf32>
      tpu.vector_store %arg9[%swap3A_199, %swap3A_200], %swap3A_203 {strides = array<i32>} : memref<80x128xf32, #tpu.memory_space<vmem>>, vector<1x16xf32>,
      %broadcast_in_dim3A_204 = arith.constant 0.000000e+00 : f32
      %broadcast_in_dim3A_205 = vector.broadcast %broadcast_in_dim3A_204 : f32 to vector<16xf32>
      %swap3A_206 = arith.index_cast %scan3A_177 : i32 to index
      %swap3A_207 = arith.constant 64 : index
      %swap3A_208 = tpu.vector_load %arg9[%swap3A_206, %swap3A_207] {strides = array<i32>} : memref<80x128xf32, #tpu.memory_space<vmem>>, vector<1x16xf32>,
      %swap3A_209 = vector.shape_cast %swap3A_208 : vector<1x16xf32> to vector<16xf32>
      %swap3A_210 = vector.shape_cast %broadcast_in_dim3A_205 : vector<16xf32> to vector<1x16xf32>
      tpu.vector_store %arg9[%swap3A_206, %swap3A_207], %swap3A_210 {strides = array<i32>} : memref<80x128xf32, #tpu.memory_space<vmem>>, vector<1x16xf32>,
      %broadcast_in_dim3A_211 = arith.constant 0.000000e+00 : f32
      %broadcast_in_dim3A_212 = vector.broadcast %broadcast_in_dim3A_211 : f32 to vector<16xf32>
      %swap3A_213 = arith.index_cast %scan3A_177 : i32 to index
      %swap3A_214 = arith.constant 80 : index
      %swap3A_215 = tpu.vector_load %arg9[%swap3A_213, %swap3A_214] {strides = array<i32>} : memref<80x128xf32, #tpu.memory_space<vmem>>, vector<1x16xf32>,
      %swap3A_216 = vector.shape_cast %swap3A_215 : vector<1x16xf32> to vector<16xf32>
      %swap3A_217 = vector.shape_cast %broadcast_in_dim3A_212 : vector<16xf32> to vector<1x16xf32>
      tpu.vector_store %arg9[%swap3A_213, %swap3A_214], %swap3A_217 {strides = array<i32>} : memref<80x128xf32, #tpu.memory_space<vmem>>, vector<1x16xf32>,
      %broadcast_in_dim3A_218 = arith.constant 0.000000e+00 : f32
      %broadcast_in_dim3A_219 = vector.broadcast %broadcast_in_dim3A_218 : f32 to vector<16xf32>
      %swap3A_220 = arith.index_cast %scan3A_177 : i32 to index
      %swap3A_221 = arith.constant 96 : index
      %swap3A_222 = tpu.vector_load %arg9[%swap3A_220, %swap3A_221] {strides = array<i32>} : memref<80x128xf32, #tpu.memory_space<vmem>>, vector<1x16xf32>,
      %swap3A_223 = vector.shape_cast %swap3A_222 : vector<1x16xf32> to vector<16xf32>
      %swap3A_224 = vector.shape_cast %broadcast_in_dim3A_219 : vector<16xf32> to vector<1x16xf32>
      tpu.vector_store %arg9[%swap3A_220, %swap3A_221], %swap3A_224 {strides = array<i32>} : memref<80x128xf32, #tpu.memory_space<vmem>>, vector<1x16xf32>,
      %broadcast_in_dim3A_225 = arith.constant 0.000000e+00 : f32
      %broadcast_in_dim3A_226 = vector.broadcast %broadcast_in_dim3A_225 : f32 to vector<16xf32>
      %swap3A_227 = arith.index_cast %scan3A_177 : i32 to index
      %swap3A_228 = arith.constant 112 : index
      %swap3A_229 = tpu.vector_load %arg9[%swap3A_227, %swap3A_228] {strides = array<i32>} : memref<80x128xf32, #tpu.memory_space<vmem>>, vector<1x16xf32>,
      %swap3A_230 = vector.shape_cast %swap3A_229 : vector<1x16xf32> to vector<16xf32>
      %swap3A_231 = vector.shape_cast %broadcast_in_dim3A_226 : vector<16xf32> to vector<1x16xf32>
      tpu.vector_store %arg9[%swap3A_227, %swap3A_228], %swap3A_231 {strides = array<i32>} : memref<80x128xf32, #tpu.memory_space<vmem>>, vector<1x16xf32>,
    }
    %scan3A_5 = arith.constant 80 : i32
    %mul3A_6 = arith.constant 640 : i32
    %mul3A_7 = arith.muli %arg1, %mul3A_6 : i32
    %add3A_8 = arith.constant 0 : i32
    %add3A_9 = arith.addi %mul3A_7, %add3A_8 : i32
    %dma_start3A = arith.constant 0 : i32
    %dma_start3A_10 = tpu.memref_slice %arg13[%add3A_9, %dma_start3A] : memref<10240x128xf32, #tpu.memory_space<vmem_shared>> -> memref<80x128xf32, #tpu.memory_space<vmem_shared>>
    %dma_start3A_11 = arith.constant 0 : i32
    %dma_start3A_12 = tpu.memref_slice %arg13[%add3A_9, %dma_start3A_11] : memref<10240x128xf32, #tpu.memory_space<vmem_shared>> -> memref<80x128xf32, #tpu.memory_space<vmem_shared>>
    tpu.enqueue_dma source(%arg9 : memref<80x128xf32, #tpu.memory_space<vmem>>) target(%dma_start3A_12 : memref<80x128xf32, #tpu.memory_space<vmem_shared>>) target_semaphore(%arg26 : memref<!tpu.dma_semaphore, #tpu.memory_space<semaphore_mem>>)
    %add3A_13 = arith.constant 80 : i32
    %add3A_14 = arith.addi %mul3A_7, %add3A_13 : i32
    %dma_start3A_15 = arith.constant 0 : i32
    %dma_start3A_16 = tpu.memref_slice %arg13[%add3A_14, %dma_start3A_15] : memref<10240x128xf32, #tpu.memory_space<vmem_shared>> -> memref<80x128xf32, #tpu.memory_space<vmem_shared>>
    %dma_start3A_17 = arith.constant 0 : i32
    %dma_start3A_18 = tpu.memref_slice %arg13[%add3A_14, %dma_start3A_17] : memref<10240x128xf32, #tpu.memory_space<vmem_shared>> -> memref<80x128xf32, #tpu.memory_space<vmem_shared>>
    tpu.enqueue_dma source(%arg9 : memref<80x128xf32, #tpu.memory_space<vmem>>) target(%dma_start3A_18 : memref<80x128xf32, #tpu.memory_space<vmem_shared>>) target_semaphore(%arg26 : memref<!tpu.dma_semaphore, #tpu.memory_space<semaphore_mem>>)
    %add3A_19 = arith.constant 160 : i32
    %add3A_20 = arith.addi %mul3A_7, %add3A_19 : i32
    %dma_start3A_21 = arith.constant 0 : i32
    %dma_start3A_22 = tpu.memref_slice %arg13[%add3A_20, %dma_start3A_21] : memref<10240x128xf32, #tpu.memory_space<vmem_shared>> -> memref<80x128xf32, #tpu.memory_space<vmem_shared>>
    %dma_start3A_23 = arith.constant 0 : i32
    %dma_start3A_24 = tpu.memref_slice %arg13[%add3A_20, %dma_start3A_23] : memref<10240x128xf32, #tpu.memory_space<vmem_shared>> -> memref<80x128xf32, #tpu.memory_space<vmem_shared>>
    tpu.enqueue_dma source(%arg9 : memref<80x128xf32, #tpu.memory_space<vmem>>) target(%dma_start3A_24 : memref<80x128xf32, #tpu.memory_space<vmem_shared>>) target_semaphore(%arg26 : memref<!tpu.dma_semaphore, #tpu.memory_space<semaphore_mem>>)
    %add3A_25 = arith.constant 240 : i32
    %add3A_26 = arith.addi %mul3A_7, %add3A_25 : i32
    %dma_start3A_27 = arith.constant 0 : i32
    %dma_start3A_28 = tpu.memref_slice %arg13[%add3A_26, %dma_start3A_27] : memref<10240x128xf32, #tpu.memory_space<vmem_shared>> -> memref<80x128xf32, #tpu.memory_space<vmem_shared>>
    %dma_start3A_29 = arith.constant 0 : i32
    %dma_start3A_30 = tpu.memref_slice %arg13[%add3A_26, %dma_start3A_29] : memref<10240x128xf32, #tpu.memory_space<vmem_shared>> -> memref<80x128xf32, #tpu.memory_space<vmem_shared>>
    tpu.enqueue_dma source(%arg9 : memref<80x128xf32, #tpu.memory_space<vmem>>) target(%dma_start3A_30 : memref<80x128xf32, #tpu.memory_space<vmem_shared>>) target_semaphore(%arg26 : memref<!tpu.dma_semaphore, #tpu.memory_space<semaphore_mem>>)
    %add3A_31 = arith.constant 320 : i32
    %add3A_32 = arith.addi %mul3A_7, %add3A_31 : i32
    %dma_start3A_33 = arith.constant 0 : i32
    %dma_start3A_34 = tpu.memref_slice %arg13[%add3A_32, %dma_start3A_33] : memref<10240x128xf32, #tpu.memory_space<vmem_shared>> -> memref<80x128xf32, #tpu.memory_space<vmem_shared>>
    %dma_start3A_35 = arith.constant 0 : i32
    %dma_start3A_36 = tpu.memref_slice %arg13[%add3A_32, %dma_start3A_35] : memref<10240x128xf32, #tpu.memory_space<vmem_shared>> -> memref<80x128xf32, #tpu.memory_space<vmem_shared>>
    tpu.enqueue_dma source(%arg9 : memref<80x128xf32, #tpu.memory_space<vmem>>) target(%dma_start3A_36 : memref<80x128xf32, #tpu.memory_space<vmem_shared>>) target_semaphore(%arg26 : memref<!tpu.dma_semaphore, #tpu.memory_space<semaphore_mem>>)
    %add3A_37 = arith.constant 400 : i32
    %add3A_38 = arith.addi %mul3A_7, %add3A_37 : i32
    %dma_start3A_39 = arith.constant 0 : i32
    %dma_start3A_40 = tpu.memref_slice %arg13[%add3A_38, %dma_start3A_39] : memref<10240x128xf32, #tpu.memory_space<vmem_shared>> -> memref<80x128xf32, #tpu.memory_space<vmem_shared>>
    %dma_start3A_41 = arith.constant 0 : i32
    %dma_start3A_42 = tpu.memref_slice %arg13[%add3A_38, %dma_start3A_41] : memref<10240x128xf32, #tpu.memory_space<vmem_shared>> -> memref<80x128xf32, #tpu.memory_space<vmem_shared>>
    tpu.enqueue_dma source(%arg9 : memref<80x128xf32, #tpu.memory_space<vmem>>) target(%dma_start3A_42 : memref<80x128xf32, #tpu.memory_space<vmem_shared>>) target_semaphore(%arg26 : memref<!tpu.dma_semaphore, #tpu.memory_space<semaphore_mem>>)
    %add3A_43 = arith.constant 480 : i32
    %add3A_44 = arith.addi %mul3A_7, %add3A_43 : i32
    %dma_start3A_45 = arith.constant 0 : i32
    %dma_start3A_46 = tpu.memref_slice %arg13[%add3A_44, %dma_start3A_45] : memref<10240x128xf32, #tpu.memory_space<vmem_shared>> -> memref<80x128xf32, #tpu.memory_space<vmem_shared>>
    %dma_start3A_47 = arith.constant 0 : i32
    %dma_start3A_48 = tpu.memref_slice %arg13[%add3A_44, %dma_start3A_47] : memref<10240x128xf32, #tpu.memory_space<vmem_shared>> -> memref<80x128xf32, #tpu.memory_space<vmem_shared>>
    tpu.enqueue_dma source(%arg9 : memref<80x128xf32, #tpu.memory_space<vmem>>) target(%dma_start3A_48 : memref<80x128xf32, #tpu.memory_space<vmem_shared>>) target_semaphore(%arg26 : memref<!tpu.dma_semaphore, #tpu.memory_space<semaphore_mem>>)
    %add3A_49 = arith.constant 560 : i32
    %add3A_50 = arith.addi %mul3A_7, %add3A_49 : i32
    %dma_start3A_51 = arith.constant 0 : i32
    %dma_start3A_52 = tpu.memref_slice %arg13[%add3A_50, %dma_start3A_51] : memref<10240x128xf32, #tpu.memory_space<vmem_shared>> -> memref<80x128xf32, #tpu.memory_space<vmem_shared>>
    %dma_start3A_53 = arith.constant 0 : i32
    %dma_start3A_54 = tpu.memref_slice %arg13[%add3A_50, %dma_start3A_53] : memref<10240x128xf32, #tpu.memory_space<vmem_shared>> -> memref<80x128xf32, #tpu.memory_space<vmem_shared>>
    tpu.enqueue_dma source(%arg9 : memref<80x128xf32, #tpu.memory_space<vmem>>) target(%dma_start3A_54 : memref<80x128xf32, #tpu.memory_space<vmem_shared>>) target_semaphore(%arg26 : memref<!tpu.dma_semaphore, #tpu.memory_space<semaphore_mem>>)
    %dma_start3A_55 = arith.constant 0 : i32
    %dma_start3A_56 = arith.constant 0 : i32
    %dma_start3A_57 = arith.constant 0 : i32
    %dma_start3A_58 = tpu.memref_slice %arg2[%add3A, %dma_start3A_55, %dma_start3A_56, %dma_start3A_57] : memref<32x128x2x80xi32, #tpu.memory_space<hbm>> -> memref<1x1x2x80xi32, #tpu.memory_space<hbm>>
    %dma_start3A_59 = tpu.memref_squeeze %dma_start3A_58 : memref<1x1x2x80xi32, #tpu.memory_space<hbm>> -> memref<2x80xi32, #tpu.memory_space<hbm>>
    %dma_start3A_60 = arith.constant 0 : i32
    %dma_start3A_61 = arith.constant 0 : i32
    %dma_start3A_62 = tpu.memref_slice %arg2[%add3A, %dma_start3A_55, %dma_start3A_60, %dma_start3A_61] : memref<32x128x2x80xi32, #tpu.memory_space<hbm>> -> memref<1x1x2x80xi32, #tpu.memory_space<hbm>>
    %dma_start3A_63 = tpu.memref_squeeze %dma_start3A_62 : memref<1x1x2x80xi32, #tpu.memory_space<hbm>> -> memref<2x80xi32, #tpu.memory_space<hbm>>
    tpu.enqueue_dma source(%dma_start3A_63 : memref<2x80xi32, #tpu.memory_space<hbm>>) target(%arg5 : memref<2x80xi32, #tpu.memory_space<vmem>>) target_semaphore(%arg14 : memref<!tpu.dma_semaphore, #tpu.memory_space<semaphore_mem>>)
    %dma_start3A_64 = arith.constant 1 : i32
    %dma_start3A_65 = arith.constant 0 : i32
    %dma_start3A_66 = arith.constant 0 : i32
    %dma_start3A_67 = tpu.memref_slice %arg2[%add3A, %dma_start3A_64, %dma_start3A_65, %dma_start3A_66] : memref<32x128x2x80xi32, #tpu.memory_space<hbm>> -> memref<1x1x2x80xi32, #tpu.memory_space<hbm>>
    %dma_start3A_68 = tpu.memref_squeeze %dma_start3A_67 : memref<1x1x2x80xi32, #tpu.memory_space<hbm>> -> memref<2x80xi32, #tpu.memory_space<hbm>>
    %dma_start3A_69 = arith.constant 0 : i32
    %dma_start3A_70 = arith.constant 0 : i32
    %dma_start3A_71 = tpu.memref_slice %arg2[%add3A, %dma_start3A_64, %dma_start3A_69, %dma_start3A_70] : memref<32x128x2x80xi32, #tpu.memory_space<hbm>> -> memref<1x1x2x80xi32, #tpu.memory_space<hbm>>
    %dma_start3A_72 = tpu.memref_squeeze %dma_start3A_71 : memref<1x1x2x80xi32, #tpu.memory_space<hbm>> -> memref<2x80xi32, #tpu.memory_space<hbm>>
    tpu.enqueue_dma source(%dma_start3A_72 : memref<2x80xi32, #tpu.memory_space<hbm>>) target(%arg6 : memref<2x80xi32, #tpu.memory_space<vmem>>) target_semaphore(%arg15 : memref<!tpu.dma_semaphore, #tpu.memory_space<semaphore_mem>>)
    %dma_start3A_73 = arith.constant 2 : i32
    %dma_start3A_74 = arith.constant 0 : i32
    %dma_start3A_75 = arith.constant 0 : i32
    %dma_start3A_76 = tpu.memref_slice %arg2[%add3A, %dma_start3A_73, %dma_start3A_74, %dma_start3A_75] : memref<32x128x2x80xi32, #tpu.memory_space<hbm>> -> memref<1x1x2x80xi32, #tpu.memory_space<hbm>>
    %dma_start3A_77 = tpu.memref_squeeze %dma_start3A_76 : memref<1x1x2x80xi32, #tpu.memory_space<hbm>> -> memref<2x80xi32, #tpu.memory_space<hbm>>
    %dma_start3A_78 = arith.constant 0 : i32
    %dma_start3A_79 = arith.constant 0 : i32
    %dma_start3A_80 = tpu.memref_slice %arg2[%add3A, %dma_start3A_73, %dma_start3A_78, %dma_start3A_79] : memref<32x128x2x80xi32, #tpu.memory_space<hbm>> -> memref<1x1x2x80xi32, #tpu.memory_space<hbm>>
    %dma_start3A_81 = tpu.memref_squeeze %dma_start3A_80 : memref<1x1x2x80xi32, #tpu.memory_space<hbm>> -> memref<2x80xi32, #tpu.memory_space<hbm>>
    tpu.enqueue_dma source(%dma_start3A_81 : memref<2x80xi32, #tpu.memory_space<hbm>>) target(%arg7 : memref<2x80xi32, #tpu.memory_space<vmem>>) target_semaphore(%arg16 : memref<!tpu.dma_semaphore, #tpu.memory_space<semaphore_mem>>)
    %add3A_82 = arith.constant 0 : i32
    %add3A_83 = arith.addi %mul3A_7, %add3A_82 : i32
    %dma_wait3A = arith.constant 0 : i32
    %dma_wait3A_84 = tpu.memref_slice %arg13[%add3A_83, %dma_wait3A] : memref<10240x128xf32, #tpu.memory_space<vmem_shared>> -> memref<80x128xf32, #tpu.memory_space<vmem_shared>>
    %dma_wait3A_85 = arith.constant 0 : i32
    %dma_wait3A_86 = tpu.memref_slice %arg13[%add3A_83, %dma_wait3A_85] : memref<10240x128xf32, #tpu.memory_space<vmem_shared>> -> memref<80x128xf32, #tpu.memory_space<vmem_shared>>
    tpu.wait_dma2 semaphore(%arg26 : memref<!tpu.dma_semaphore, #tpu.memory_space<semaphore_mem>>) src(%arg9 : memref<80x128xf32, #tpu.memory_space<vmem>>) dst(%dma_wait3A_86 : memref<80x128xf32, #tpu.memory_space<vmem_shared>>)
    %add3A_87 = arith.constant 80 : i32
    %add3A_88 = arith.addi %mul3A_7, %add3A_87 : i32
    %dma_wait3A_89 = arith.constant 0 : i32
    %dma_wait3A_90 = tpu.memref_slice %arg13[%add3A_88, %dma_wait3A_89] : memref<10240x128xf32, #tpu.memory_space<vmem_shared>> -> memref<80x128xf32, #tpu.memory_space<vmem_shared>>
    %dma_wait3A_91 = arith.constant 0 : i32
    %dma_wait3A_92 = tpu.memref_slice %arg13[%add3A_88, %dma_wait3A_91] : memref<10240x128xf32, #tpu.memory_space<vmem_shared>> -> memref<80x128xf32, #tpu.memory_space<vmem_shared>>
    tpu.wait_dma2 semaphore(%arg26 : memref<!tpu.dma_semaphore, #tpu.memory_space<semaphore_mem>>) src(%arg9 : memref<80x128xf32, #tpu.memory_space<vmem>>) dst(%dma_wait3A_92 : memref<80x128xf32, #tpu.memory_space<vmem_shared>>)
    %add3A_93 = arith.constant 160 : i32
    %add3A_94 = arith.addi %mul3A_7, %add3A_93 : i32
    %dma_wait3A_95 = arith.constant 0 : i32
    %dma_wait3A_96 = tpu.memref_slice %arg13[%add3A_94, %dma_wait3A_95] : memref<10240x128xf32, #tpu.memory_space<vmem_shared>> -> memref<80x128xf32, #tpu.memory_space<vmem_shared>>
    %dma_wait3A_97 = arith.constant 0 : i32
    %dma_wait3A_98 = tpu.memref_slice %arg13[%add3A_94, %dma_wait3A_97] : memref<10240x128xf32, #tpu.memory_space<vmem_shared>> -> memref<80x128xf32, #tpu.memory_space<vmem_shared>>
    tpu.wait_dma2 semaphore(%arg26 : memref<!tpu.dma_semaphore, #tpu.memory_space<semaphore_mem>>) src(%arg9 : memref<80x128xf32, #tpu.memory_space<vmem>>) dst(%dma_wait3A_98 : memref<80x128xf32, #tpu.memory_space<vmem_shared>>)
    %add3A_99 = arith.constant 240 : i32
    %add3A_100 = arith.addi %mul3A_7, %add3A_99 : i32
    %dma_wait3A_101 = arith.constant 0 : i32
    %dma_wait3A_102 = tpu.memref_slice %arg13[%add3A_100, %dma_wait3A_101] : memref<10240x128xf32, #tpu.memory_space<vmem_shared>> -> memref<80x128xf32, #tpu.memory_space<vmem_shared>>
    %dma_wait3A_103 = arith.constant 0 : i32
    %dma_wait3A_104 = tpu.memref_slice %arg13[%add3A_100, %dma_wait3A_103] : memref<10240x128xf32, #tpu.memory_space<vmem_shared>> -> memref<80x128xf32, #tpu.memory_space<vmem_shared>>
    tpu.wait_dma2 semaphore(%arg26 : memref<!tpu.dma_semaphore, #tpu.memory_space<semaphore_mem>>) src(%arg9 : memref<80x128xf32, #tpu.memory_space<vmem>>) dst(%dma_wait3A_104 : memref<80x128xf32, #tpu.memory_space<vmem_shared>>)
    %add3A_105 = arith.constant 320 : i32
    %add3A_106 = arith.addi %mul3A_7, %add3A_105 : i32
    %dma_wait3A_107 = arith.constant 0 : i32
    %dma_wait3A_108 = tpu.memref_slice %arg13[%add3A_106, %dma_wait3A_107] : memref<10240x128xf32, #tpu.memory_space<vmem_shared>> -> memref<80x128xf32, #tpu.memory_space<vmem_shared>>
    %dma_wait3A_109 = arith.constant 0 : i32
    %dma_wait3A_110 = tpu.memref_slice %arg13[%add3A_106, %dma_wait3A_109] : memref<10240x128xf32, #tpu.memory_space<vmem_shared>> -> memref<80x128xf32, #tpu.memory_space<vmem_shared>>
    tpu.wait_dma2 semaphore(%arg26 : memref<!tpu.dma_semaphore, #tpu.memory_space<semaphore_mem>>) src(%arg9 : memref<80x128xf32, #tpu.memory_space<vmem>>) dst(%dma_wait3A_110 : memref<80x128xf32, #tpu.memory_space<vmem_shared>>)
    %add3A_111 = arith.constant 400 : i32
    %add3A_112 = arith.addi %mul3A_7, %add3A_111 : i32
    %dma_wait3A_113 = arith.constant 0 : i32
    %dma_wait3A_114 = tpu.memref_slice %arg13[%add3A_112, %dma_wait3A_113] : memref<10240x128xf32, #tpu.memory_space<vmem_shared>> -> memref<80x128xf32, #tpu.memory_space<vmem_shared>>
    %dma_wait3A_115 = arith.constant 0 : i32
    %dma_wait3A_116 = tpu.memref_slice %arg13[%add3A_112, %dma_wait3A_115] : memref<10240x128xf32, #tpu.memory_space<vmem_shared>> -> memref<80x128xf32, #tpu.memory_space<vmem_shared>>
    tpu.wait_dma2 semaphore(%arg26 : memref<!tpu.dma_semaphore, #tpu.memory_space<semaphore_mem>>) src(%arg9 : memref<80x128xf32, #tpu.memory_space<vmem>>) dst(%dma_wait3A_116 : memref<80x128xf32, #tpu.memory_space<vmem_shared>>)
    %add3A_117 = arith.constant 480 : i32
    %add3A_118 = arith.addi %mul3A_7, %add3A_117 : i32
    %dma_wait3A_119 = arith.constant 0 : i32
    %dma_wait3A_120 = tpu.memref_slice %arg13[%add3A_118, %dma_wait3A_119] : memref<10240x128xf32, #tpu.memory_space<vmem_shared>> -> memref<80x128xf32, #tpu.memory_space<vmem_shared>>
    %dma_wait3A_121 = arith.constant 0 : i32
    %dma_wait3A_122 = tpu.memref_slice %arg13[%add3A_118, %dma_wait3A_121] : memref<10240x128xf32, #tpu.memory_space<vmem_shared>> -> memref<80x128xf32, #tpu.memory_space<vmem_shared>>
    tpu.wait_dma2 semaphore(%arg26 : memref<!tpu.dma_semaphore, #tpu.memory_space<semaphore_mem>>) src(%arg9 : memref<80x128xf32, #tpu.memory_space<vmem>>) dst(%dma_wait3A_122 : memref<80x128xf32, #tpu.memory_space<vmem_shared>>)
    %add3A_123 = arith.constant 560 : i32
    %add3A_124 = arith.addi %mul3A_7, %add3A_123 : i32
    %dma_wait3A_125 = arith.constant 0 : i32
    %dma_wait3A_126 = tpu.memref_slice %arg13[%add3A_124, %dma_wait3A_125] : memref<10240x128xf32, #tpu.memory_space<vmem_shared>> -> memref<80x128xf32, #tpu.memory_space<vmem_shared>>
    %dma_wait3A_127 = arith.constant 0 : i32
    %dma_wait3A_128 = tpu.memref_slice %arg13[%add3A_124, %dma_wait3A_127] : memref<10240x128xf32, #tpu.memory_space<vmem_shared>> -> memref<80x128xf32, #tpu.memory_space<vmem_shared>>
    tpu.wait_dma2 semaphore(%arg26 : memref<!tpu.dma_semaphore, #tpu.memory_space<semaphore_mem>>) src(%arg9 : memref<80x128xf32, #tpu.memory_space<vmem>>) dst(%dma_wait3A_128 : memref<80x128xf32, #tpu.memory_space<vmem_shared>>)
    %barrier3A = arith.constant 0 : index
    tpu.barrier barrier_id(%barrier3A)
    %dma_wait3A_129 = arith.constant 0 : i32
    %dma_wait3A_130 = arith.constant 0 : i32
    %dma_wait3A_131 = arith.constant 0 : i32
    %dma_wait3A_132 = tpu.memref_slice %arg2[%add3A, %dma_wait3A_129, %dma_wait3A_130, %dma_wait3A_131] : memref<32x128x2x80xi32, #tpu.memory_space<hbm>> -> memref<1x1x2x80xi32, #tpu.memory_space<hbm>>
    %dma_wait3A_133 = tpu.memref_squeeze %dma_wait3A_132 : memref<1x1x2x80xi32, #tpu.memory_space<hbm>> -> memref<2x80xi32, #tpu.memory_space<hbm>>
    %dma_wait3A_134 = arith.constant 0 : i32
    %dma_wait3A_135 = arith.constant 0 : i32
    %dma_wait3A_136 = tpu.memref_slice %arg2[%add3A, %dma_wait3A_129, %dma_wait3A_134, %dma_wait3A_135] : memref<32x128x2x80xi32, #tpu.memory_space<hbm>> -> memref<1x1x2x80xi32, #tpu.memory_space<hbm>>
    %dma_wait3A_137 = tpu.memref_squeeze %dma_wait3A_136 : memref<1x1x2x80xi32, #tpu.memory_space<hbm>> -> memref<2x80xi32, #tpu.memory_space<hbm>>
    tpu.wait_dma2 semaphore(%arg14 : memref<!tpu.dma_semaphore, #tpu.memory_space<semaphore_mem>>) src(%dma_wait3A_137 : memref<2x80xi32, #tpu.memory_space<hbm>>) dst(%arg5 : memref<2x80xi32, #tpu.memory_space<vmem>>)
    %dma_start3A_138 = arith.constant 0 : i32
    %dma_start3A_139 = arith.constant 0 : i32
    %dma_start3A_140 = tpu.memref_slice %arg5[%dma_start3A_138, %dma_start3A_139] : memref<2x80xi32, #tpu.memory_space<vmem>> -> memref<1x80xi32, #tpu.memory_space<vmem>>
    %dma_start3A_141 = tpu.memref_squeeze %dma_start3A_140 : memref<1x80xi32, #tpu.memory_space<vmem>> -> memref<80xi32, #tpu.memory_space<vmem>>
    %dma_start3A_142 = arith.constant 0 : i32
    %dma_start3A_143 = arith.constant 0 : i32
    %dma_start3A_144 = tpu.memref_slice %arg3[%dma_start3A_142, %dma_start3A_143] : memref<10000x128xf32, #tpu.memory_space<hbm>> -> memref<10000x128xf32, #tpu.memory_space<hbm>>
    tpu.enqueue_indirect_dma source(%dma_start3A_144 : memref<10000x128xf32, #tpu.memory_space<hbm>>) target(%arg9 : memref<80x128xf32, #tpu.memory_space<vmem>>) offsets(%dma_start3A_141 : memref<80xi32, #tpu.memory_space<vmem>>) semaphore(%arg18 : memref<!tpu.dma_semaphore, #tpu.memory_space<semaphore_mem>>)
    %dma_wait3A_145 = arith.constant 1 : i32
    %dma_wait3A_146 = arith.constant 0 : i32
    %dma_wait3A_147 = arith.constant 0 : i32
    %dma_wait3A_148 = tpu.memref_slice %arg2[%add3A, %dma_wait3A_145, %dma_wait3A_146, %dma_wait3A_147] : memref<32x128x2x80xi32, #tpu.memory_space<hbm>> -> memref<1x1x2x80xi32, #tpu.memory_space<hbm>>
    %dma_wait3A_149 = tpu.memref_squeeze %dma_wait3A_148 : memref<1x1x2x80xi32, #tpu.memory_space<hbm>> -> memref<2x80xi32, #tpu.memory_space<hbm>>
    %dma_wait3A_150 = arith.constant 0 : i32
    %dma_wait3A_151 = arith.constant 0 : i32
    %dma_wait3A_152 = tpu.memref_slice %arg2[%add3A, %dma_wait3A_145, %dma_wait3A_150, %dma_wait3A_151] : memref<32x128x2x80xi32, #tpu.memory_space<hbm>> -> memref<1x1x2x80xi32, #tpu.memory_space<hbm>>
    %dma_wait3A_153 = tpu.memref_squeeze %dma_wait3A_152 : memref<1x1x2x80xi32, #tpu.memory_space<hbm>> -> memref<2x80xi32, #tpu.memory_space<hbm>>
    tpu.wait_dma2 semaphore(%arg15 : memref<!tpu.dma_semaphore, #tpu.memory_space<semaphore_mem>>) src(%dma_wait3A_153 : memref<2x80xi32, #tpu.memory_space<hbm>>) dst(%arg6 : memref<2x80xi32, #tpu.memory_space<vmem>>)
    %dma_start3A_154 = arith.constant 0 : i32
    %dma_start3A_155 = arith.constant 0 : i32
    %dma_start3A_156 = tpu.memref_slice %arg6[%dma_start3A_154, %dma_start3A_155] : memref<2x80xi32, #tpu.memory_space<vmem>> -> memref<1x80xi32, #tpu.memory_space<vmem>>
    %dma_start3A_157 = tpu.memref_squeeze %dma_start3A_156 : memref<1x80xi32, #tpu.memory_space<vmem>> -> memref<80xi32, #tpu.memory_space<vmem>>
    %dma_start3A_158 = arith.constant 0 : i32
    %dma_start3A_159 = arith.constant 0 : i32
    %dma_start3A_160 = tpu.memref_slice %arg3[%dma_start3A_158, %dma_start3A_159] : memref<10000x128xf32, #tpu.memory_space<hbm>> -> memref<10000x128xf32, #tpu.memory_space<hbm>>
    tpu.enqueue_indirect_dma source(%dma_start3A_160 : memref<10000x128xf32, #tpu.memory_space<hbm>>) target(%arg10 : memref<80x128xf32, #tpu.memory_space<vmem>>) offsets(%dma_start3A_157 : memref<80xi32, #tpu.memory_space<vmem>>) semaphore(%arg19 : memref<!tpu.dma_semaphore, #tpu.memory_space<semaphore_mem>>)
    %scan3A_161 = arith.constant 0 : i32
    %scan3A_162 = arith.constant 0 : i32
    %scan3A_163 = arith.constant 32 : i32
    %scan3A_164 = arith.addi %scan3A_162, %scan3A_163 : i32
    %scan3A_165 = arith.constant 1 : i32
    scf.for %scan3A_177 = %scan3A_162 to %scan3A_164 step %scan3A_165  : i32 {
      %mul3A_178 = arith.constant 4 : i32
      %mul3A_179 = arith.muli %scan3A_177, %mul3A_178 : i32
      %add3A_180 = arith.constant 0 : i32
      %add3A_181 = arith.addi %mul3A_179, %add3A_180 : i32
      %ge3A = arith.constant 1 : i32
      %ge3A_182 = arith.cmpi sge, %add3A_181, %ge3A : i32
      %convert_element_type3A = arith.extui %ge3A_182 : i1 to i32
      %cond3A = arith.constant 0 : i32
      %cond3A_183 = arith.cmpi ne, %convert_element_type3A, %cond3A : i32
      scf.if %cond3A_183 {
        %dma_wait3A_337 = arith.constant 1 : i32
        %dma_wait3A_338 = arith.constant 0 : i32
        %dma_wait3A_339 = tpu.memref_slice %arg8[%dma_wait3A_337, %dma_wait3A_338] : memref<2x80xi32, #tpu.memory_space<vmem>> -> memref<1x80xi32, #tpu.memory_space<vmem>>
        %dma_wait3A_340 = tpu.memref_squeeze %dma_wait3A_339 : memref<1x80xi32, #tpu.memory_space<vmem>> -> memref<80xi32, #tpu.memory_space<vmem>>
        %dma_wait3A_341 = arith.constant 0 : i32
        %dma_wait3A_342 = arith.constant 0 : i32
        %dma_wait3A_343 = tpu.memref_slice %arg13[%dma_wait3A_341, %dma_wait3A_342] : memref<10240x128xf32, #tpu.memory_space<vmem_shared>> -> memref<10240x128xf32, #tpu.memory_space<vmem_shared>>
        tpu.wait_indirect_dma semaphore(%arg25 : memref<!tpu.dma_semaphore, #tpu.memory_space<semaphore_mem>>) src(%arg12 : memref<80x128xf32, #tpu.memory_space<vmem>>) dst(%dma_wait3A_343 : memref<10240x128xf32, #tpu.memory_space<vmem_shared>>)
      } else {
      }
      %add3A_184 = arith.constant 4 : i32
      %add3A_185 = arith.addi %add3A_181, %add3A_184 : i32
      %sub3A = arith.constant 1 : i32
      %sub3A_186 = arith.subi %add3A_185, %sub3A : i32
      %lt3A = arith.constant 128 : i32
      %lt3A_187 = arith.cmpi slt, %sub3A_186, %lt3A : i32
      %convert_element_type3A_188 = arith.extui %lt3A_187 : i1 to i32
      %cond3A_189 = arith.constant 0 : i32
      %cond3A_190 = arith.cmpi ne, %convert_element_type3A_188, %cond3A_189 : i32
      scf.if %cond3A_190 {
        %add3A_337 = arith.constant 4 : i32
        %add3A_338 = arith.addi %add3A_181, %add3A_337 : i32
        %sub3A_339 = arith.constant 1 : i32
        %sub3A_340 = arith.subi %add3A_338, %sub3A_339 : i32
        %dma_start3A_341 = arith.constant 0 : i32
        %dma_start3A_342 = arith.constant 0 : i32
        %dma_start3A_343 = tpu.memref_slice %arg2[%add3A, %sub3A_340, %dma_start3A_341, %dma_start3A_342] : memref<32x128x2x80xi32, #tpu.memory_space<hbm>> -> memref<1x1x2x80xi32, #tpu.memory_space<hbm>>
        %dma_start3A_344 = tpu.memref_squeeze %dma_start3A_343 : memref<1x1x2x80xi32, #tpu.memory_space<hbm>> -> memref<2x80xi32, #tpu.memory_space<hbm>>
        %dma_start3A_345 = arith.constant 0 : i32
        %dma_start3A_346 = arith.constant 0 : i32
        %dma_start3A_347 = tpu.memref_slice %arg2[%add3A, %sub3A_340, %dma_start3A_345, %dma_start3A_346] : memref<32x128x2x80xi32, #tpu.memory_space<hbm>> -> memref<1x1x2x80xi32, #tpu.memory_space<hbm>>
        %dma_start3A_348 = tpu.memref_squeeze %dma_start3A_347 : memref<1x1x2x80xi32, #tpu.memory_space<hbm>> -> memref<2x80xi32, #tpu.memory_space<hbm>>
        tpu.enqueue_dma source(%dma_start3A_348 : memref<2x80xi32, #tpu.memory_space<hbm>>) target(%arg8 : memref<2x80xi32, #tpu.memory_space<vmem>>) target_semaphore(%arg17 : memref<!tpu.dma_semaphore, #tpu.memory_space<semaphore_mem>>)
      } else {
      }
      %add3A_191 = arith.constant 4 : i32
      %add3A_192 = arith.addi %add3A_181, %add3A_191 : i32
      %sub3A_193 = arith.constant 2 : i32
      %sub3A_194 = arith.subi %add3A_192, %sub3A_193 : i32
      %lt3A_195 = arith.constant 128 : i32
      %lt3A_196 = arith.cmpi slt, %sub3A_194, %lt3A_195 : i32
      %convert_element_type3A_197 = arith.extui %lt3A_196 : i1 to i32
      %cond3A_198 = arith.constant 0 : i32
      %cond3A_199 = arith.cmpi ne, %convert_element_type3A_197, %cond3A_198 : i32
      scf.if %cond3A_199 {
        %dma_wait3A_337 = arith.constant 0 : i32
        %dma_wait3A_338 = arith.constant 0 : i32
        %dma_wait3A_339 = arith.constant 0 : i32
        %dma_wait3A_340 = tpu.memref_slice %arg2[%add3A, %dma_wait3A_337, %dma_wait3A_338, %dma_wait3A_339] : memref<32x128x2x80xi32, #tpu.memory_space<hbm>> -> memref<1x1x2x80xi32, #tpu.memory_space<hbm>>
        %dma_wait3A_341 = tpu.memref_squeeze %dma_wait3A_340 : memref<1x1x2x80xi32, #tpu.memory_space<hbm>> -> memref<2x80xi32, #tpu.memory_space<hbm>>
        %dma_wait3A_342 = arith.constant 0 : i32
        %dma_wait3A_343 = arith.constant 0 : i32
        %dma_wait3A_344 = tpu.memref_slice %arg2[%add3A, %dma_wait3A_337, %dma_wait3A_342, %dma_wait3A_343] : memref<32x128x2x80xi32, #tpu.memory_space<hbm>> -> memref<1x1x2x80xi32, #tpu.memory_space<hbm>>
        %dma_wait3A_345 = tpu.memref_squeeze %dma_wait3A_344 : memref<1x1x2x80xi32, #tpu.memory_space<hbm>> -> memref<2x80xi32, #tpu.memory_space<hbm>>
        tpu.wait_dma2 semaphore(%arg16 : memref<!tpu.dma_semaphore, #tpu.memory_space<semaphore_mem>>) src(%dma_wait3A_345 : memref<2x80xi32, #tpu.memory_space<hbm>>) dst(%arg7 : memref<2x80xi32, #tpu.memory_space<vmem>>)
        %dma_start3A_346 = arith.constant 0 : i32
        %dma_start3A_347 = arith.constant 0 : i32
        %dma_start3A_348 = tpu.memref_slice %arg7[%dma_start3A_346, %dma_start3A_347] : memref<2x80xi32, #tpu.memory_space<vmem>> -> memref<1x80xi32, #tpu.memory_space<vmem>>
        %dma_start3A_349 = tpu.memref_squeeze %dma_start3A_348 : memref<1x80xi32, #tpu.memory_space<vmem>> -> memref<80xi32, #tpu.memory_space<vmem>>
        %dma_start3A_350 = arith.constant 0 : i32
        %dma_start3A_351 = arith.constant 0 : i32
        %dma_start3A_352 = tpu.memref_slice %arg3[%dma_start3A_350, %dma_start3A_351] : memref<10000x128xf32, #tpu.memory_space<hbm>> -> memref<10000x128xf32, #tpu.memory_space<hbm>>
        tpu.enqueue_indirect_dma source(%dma_start3A_352 : memref<10000x128xf32, #tpu.memory_space<hbm>>) target(%arg11 : memref<80x128xf32, #tpu.memory_space<vmem>>) offsets(%dma_start3A_349 : memref<80xi32, #tpu.memory_space<vmem>>) semaphore(%arg20 : memref<!tpu.dma_semaphore, #tpu.memory_space<semaphore_mem>>)
      } else {
      }
      %dma_wait3A_200 = arith.constant 0 : i32
      %dma_wait3A_201 = arith.constant 0 : i32
      %dma_wait3A_202 = tpu.memref_slice %arg5[%dma_wait3A_200, %dma_wait3A_201] : memref<2x80xi32, #tpu.memory_space<vmem>> -> memref<1x80xi32, #tpu.memory_space<vmem>>
      %dma_wait3A_203 = tpu.memref_squeeze %dma_wait3A_202 : memref<1x80xi32, #tpu.memory_space<vmem>> -> memref<80xi32, #tpu.memory_space<vmem>>
      %dma_wait3A_204 = arith.constant 0 : i32
      %dma_wait3A_205 = arith.constant 0 : i32
      %dma_wait3A_206 = tpu.memref_slice %arg3[%dma_wait3A_204, %dma_wait3A_205] : memref<10000x128xf32, #tpu.memory_space<hbm>> -> memref<10000x128xf32, #tpu.memory_space<hbm>>
      tpu.wait_indirect_dma semaphore(%arg18 : memref<!tpu.dma_semaphore, #tpu.memory_space<semaphore_mem>>) src(%dma_wait3A_206 : memref<10000x128xf32, #tpu.memory_space<hbm>>) dst(%arg9 : memref<80x128xf32, #tpu.memory_space<vmem>>)
      %dma_start3A_207 = arith.constant 1 : i32
      %dma_start3A_208 = arith.constant 0 : i32
      %dma_start3A_209 = tpu.memref_slice %arg5[%dma_start3A_207, %dma_start3A_208] : memref<2x80xi32, #tpu.memory_space<vmem>> -> memref<1x80xi32, #tpu.memory_space<vmem>>
      %dma_start3A_210 = tpu.memref_squeeze %dma_start3A_209 : memref<1x80xi32, #tpu.memory_space<vmem>> -> memref<80xi32, #tpu.memory_space<vmem>>
      %dma_start3A_211 = arith.constant 0 : i32
      %dma_start3A_212 = arith.constant 0 : i32
      %dma_start3A_213 = tpu.memref_slice %arg13[%dma_start3A_211, %dma_start3A_212] : memref<10240x128xf32, #tpu.memory_space<vmem_shared>> -> memref<10240x128xf32, #tpu.memory_space<vmem_shared>>
      tpu.enqueue_indirect_dma source(%arg9 : memref<80x128xf32, #tpu.memory_space<vmem>>) target(%dma_start3A_213 : memref<10240x128xf32, #tpu.memory_space<vmem_shared>>) offsets(%dma_start3A_210 : memref<80xi32, #tpu.memory_space<vmem>>) semaphore(%arg22 : memref<!tpu.dma_semaphore, #tpu.memory_space<semaphore_mem>>) {add = true}
      %mul3A_214 = arith.constant 4 : i32
      %mul3A_215 = arith.muli %scan3A_177, %mul3A_214 : i32
      %add3A_216 = arith.constant 1 : i32
      %add3A_217 = arith.addi %mul3A_215, %add3A_216 : i32
      %ge3A_218 = arith.constant 1 : i32
      %ge3A_219 = arith.cmpi sge, %add3A_217, %ge3A_218 : i32
      %convert_element_type3A_220 = arith.extui %ge3A_219 : i1 to i32
      %cond3A_221 = arith.constant 0 : i32
      %cond3A_222 = arith.cmpi ne, %convert_element_type3A_220, %cond3A_221 : i32
      scf.if %cond3A_222 {
        %dma_wait3A_337 = arith.constant 1 : i32
        %dma_wait3A_338 = arith.constant 0 : i32
        %dma_wait3A_339 = tpu.memref_slice %arg5[%dma_wait3A_337, %dma_wait3A_338] : memref<2x80xi32, #tpu.memory_space<vmem>> -> memref<1x80xi32, #tpu.memory_space<vmem>>
        %dma_wait3A_340 = tpu.memref_squeeze %dma_wait3A_339 : memref<1x80xi32, #tpu.memory_space<vmem>> -> memref<80xi32, #tpu.memory_space<vmem>>
        %dma_wait3A_341 = arith.constant 0 : i32
        %dma_wait3A_342 = arith.constant 0 : i32
        %dma_wait3A_343 = tpu.memref_slice %arg13[%dma_wait3A_341, %dma_wait3A_342] : memref<10240x128xf32, #tpu.memory_space<vmem_shared>> -> memref<10240x128xf32, #tpu.memory_space<vmem_shared>>
        tpu.wait_indirect_dma semaphore(%arg22 : memref<!tpu.dma_semaphore, #tpu.memory_space<semaphore_mem>>) src(%arg9 : memref<80x128xf32, #tpu.memory_space<vmem>>) dst(%dma_wait3A_343 : memref<10240x128xf32, #tpu.memory_space<vmem_shared>>)
      } else {
      }
      %add3A_223 = arith.constant 4 : i32
      %add3A_224 = arith.addi %add3A_217, %add3A_223 : i32
      %sub3A_225 = arith.constant 1 : i32
      %sub3A_226 = arith.subi %add3A_224, %sub3A_225 : i32
      %lt3A_227 = arith.constant 128 : i32
      %lt3A_228 = arith.cmpi slt, %sub3A_226, %lt3A_227 : i32
      %convert_element_type3A_229 = arith.extui %lt3A_228 : i1 to i32
      %cond3A_230 = arith.constant 0 : i32
      %cond3A_231 = arith.cmpi ne, %convert_element_type3A_229, %cond3A_230 : i32
      scf.if %cond3A_231 {
        %add3A_337 = arith.constant 4 : i32
        %add3A_338 = arith.addi %add3A_217, %add3A_337 : i32
        %sub3A_339 = arith.constant 1 : i32
        %sub3A_340 = arith.subi %add3A_338, %sub3A_339 : i32
        %dma_start3A_341 = arith.constant 0 : i32
        %dma_start3A_342 = arith.constant 0 : i32
        %dma_start3A_343 = tpu.memref_slice %arg2[%add3A, %sub3A_340, %dma_start3A_341, %dma_start3A_342] : memref<32x128x2x80xi32, #tpu.memory_space<hbm>> -> memref<1x1x2x80xi32, #tpu.memory_space<hbm>>
        %dma_start3A_344 = tpu.memref_squeeze %dma_start3A_343 : memref<1x1x2x80xi32, #tpu.memory_space<hbm>> -> memref<2x80xi32, #tpu.memory_space<hbm>>
        %dma_start3A_345 = arith.constant 0 : i32
        %dma_start3A_346 = arith.constant 0 : i32
        %dma_start3A_347 = tpu.memref_slice %arg2[%add3A, %sub3A_340, %dma_start3A_345, %dma_start3A_346] : memref<32x128x2x80xi32, #tpu.memory_space<hbm>> -> memref<1x1x2x80xi32, #tpu.memory_space<hbm>>
        %dma_start3A_348 = tpu.memref_squeeze %dma_start3A_347 : memref<1x1x2x80xi32, #tpu.memory_space<hbm>> -> memref<2x80xi32, #tpu.memory_space<hbm>>
        tpu.enqueue_dma source(%dma_start3A_348 : memref<2x80xi32, #tpu.memory_space<hbm>>) target(%arg5 : memref<2x80xi32, #tpu.memory_space<vmem>>) target_semaphore(%arg14 : memref<!tpu.dma_semaphore, #tpu.memory_space<semaphore_mem>>)
      } else {
      }
      %add3A_232 = arith.constant 4 : i32
      %add3A_233 = arith.addi %add3A_217, %add3A_232 : i32
      %sub3A_234 = arith.constant 2 : i32
      %sub3A_235 = arith.subi %add3A_233, %sub3A_234 : i32
      %lt3A_236 = arith.constant 128 : i32
      %lt3A_237 = arith.cmpi slt, %sub3A_235, %lt3A_236 : i32
      %convert_element_type3A_238 = arith.extui %lt3A_237 : i1 to i32
      %cond3A_239 = arith.constant 0 : i32
      %cond3A_240 = arith.cmpi ne, %convert_element_type3A_238, %cond3A_239 : i32
      scf.if %cond3A_240 {
        %dma_wait3A_337 = arith.constant 0 : i32
        %dma_wait3A_338 = arith.constant 0 : i32
        %dma_wait3A_339 = arith.constant 0 : i32
        %dma_wait3A_340 = tpu.memref_slice %arg2[%add3A, %dma_wait3A_337, %dma_wait3A_338, %dma_wait3A_339] : memref<32x128x2x80xi32, #tpu.memory_space<hbm>> -> memref<1x1x2x80xi32, #tpu.memory_space<hbm>>
        %dma_wait3A_341 = tpu.memref_squeeze %dma_wait3A_340 : memref<1x1x2x80xi32, #tpu.memory_space<hbm>> -> memref<2x80xi32, #tpu.memory_space<hbm>>
        %dma_wait3A_342 = arith.constant 0 : i32
        %dma_wait3A_343 = arith.constant 0 : i32
        %dma_wait3A_344 = tpu.memref_slice %arg2[%add3A, %dma_wait3A_337, %dma_wait3A_342, %dma_wait3A_343] : memref<32x128x2x80xi32, #tpu.memory_space<hbm>> -> memref<1x1x2x80xi32, #tpu.memory_space<hbm>>
        %dma_wait3A_345 = tpu.memref_squeeze %dma_wait3A_344 : memref<1x1x2x80xi32, #tpu.memory_space<hbm>> -> memref<2x80xi32, #tpu.memory_space<hbm>>
        tpu.wait_dma2 semaphore(%arg17 : memref<!tpu.dma_semaphore, #tpu.memory_space<semaphore_mem>>) src(%dma_wait3A_345 : memref<2x80xi32, #tpu.memory_space<hbm>>) dst(%arg8 : memref<2x80xi32, #tpu.memory_space<vmem>>)
        %dma_start3A_346 = arith.constant 0 : i32
        %dma_start3A_347 = arith.constant 0 : i32
        %dma_start3A_348 = tpu.memref_slice %arg8[%dma_start3A_346, %dma_start3A_347] : memref<2x80xi32, #tpu.memory_space<vmem>> -> memref<1x80xi32, #tpu.memory_space<vmem>>
        %dma_start3A_349 = tpu.memref_squeeze %dma_start3A_348 : memref<1x80xi32, #tpu.memory_space<vmem>> -> memref<80xi32, #tpu.memory_space<vmem>>
        %dma_start3A_350 = arith.constant 0 : i32
        %dma_start3A_351 = arith.constant 0 : i32
        %dma_start3A_352 = tpu.memref_slice %arg3[%dma_start3A_350, %dma_start3A_351] : memref<10000x128xf32, #tpu.memory_space<hbm>> -> memref<10000x128xf32, #tpu.memory_space<hbm>>
        tpu.enqueue_indirect_dma source(%dma_start3A_352 : memref<10000x128xf32, #tpu.memory_space<hbm>>) target(%arg12 : memref<80x128xf32, #tpu.memory_space<vmem>>) offsets(%dma_start3A_349 : memref<80xi32, #tpu.memory_space<vmem>>) semaphore(%arg21 : memref<!tpu.dma_semaphore, #tpu.memory_space<semaphore_mem>>)
      } else {
      }
      %dma_wait3A_241 = arith.constant 0 : i32
      %dma_wait3A_242 = arith.constant 0 : i32
      %dma_wait3A_243 = tpu.memref_slice %arg6[%dma_wait3A_241, %dma_wait3A_242] : memref<2x80xi32, #tpu.memory_space<vmem>> -> memref<1x80xi32, #tpu.memory_space<vmem>>
      %dma_wait3A_244 = tpu.memref_squeeze %dma_wait3A_243 : memref<1x80xi32, #tpu.memory_space<vmem>> -> memref<80xi32, #tpu.memory_space<vmem>>
      %dma_wait3A_245 = arith.constant 0 : i32
      %dma_wait3A_246 = arith.constant 0 : i32
      %dma_wait3A_247 = tpu.memref_slice %arg3[%dma_wait3A_245, %dma_wait3A_246] : memref<10000x128xf32, #tpu.memory_space<hbm>> -> memref<10000x128xf32, #tpu.memory_space<hbm>>
      tpu.wait_indirect_dma semaphore(%arg19 : memref<!tpu.dma_semaphore, #tpu.memory_space<semaphore_mem>>) src(%dma_wait3A_247 : memref<10000x128xf32, #tpu.memory_space<hbm>>) dst(%arg10 : memref<80x128xf32, #tpu.memory_space<vmem>>)
      %dma_start3A_248 = arith.constant 1 : i32
      %dma_start3A_249 = arith.constant 0 : i32
      %dma_start3A_250 = tpu.memref_slice %arg6[%dma_start3A_248, %dma_start3A_249] : memref<2x80xi32, #tpu.memory_space<vmem>> -> memref<1x80xi32, #tpu.memory_space<vmem>>
      %dma_start3A_251 = tpu.memref_squeeze %dma_start3A_250 : memref<1x80xi32, #tpu.memory_space<vmem>> -> memref<80xi32, #tpu.memory_space<vmem>>
      %dma_start3A_252 = arith.constant 0 : i32
      %dma_start3A_253 = arith.constant 0 : i32
      %dma_start3A_254 = tpu.memref_slice %arg13[%dma_start3A_252, %dma_start3A_253] : memref<10240x128xf32, #tpu.memory_space<vmem_shared>> -> memref<10240x128xf32, #tpu.memory_space<vmem_shared>>
      tpu.enqueue_indirect_dma source(%arg10 : memref<80x128xf32, #tpu.memory_space<vmem>>) target(%dma_start3A_254 : memref<10240x128xf32, #tpu.memory_space<vmem_shared>>) offsets(%dma_start3A_251 : memref<80xi32, #tpu.memory_space<vmem>>) semaphore(%arg23 : memref<!tpu.dma_semaphore, #tpu.memory_space<semaphore_mem>>) {add = true}
      %mul3A_255 = arith.constant 4 : i32
      %mul3A_256 = arith.muli %scan3A_177, %mul3A_255 : i32
      %add3A_257 = arith.constant 2 : i32
      %add3A_258 = arith.addi %mul3A_256, %add3A_257 : i32
      %ge3A_259 = arith.constant 1 : i32
      %ge3A_260 = arith.cmpi sge, %add3A_258, %ge3A_259 : i32
      %convert_element_type3A_261 = arith.extui %ge3A_260 : i1 to i32
      %cond3A_262 = arith.constant 0 : i32
      %cond3A_263 = arith.cmpi ne, %convert_element_type3A_261, %cond3A_262 : i32
      scf.if %cond3A_263 {
        %dma_wait3A_337 = arith.constant 1 : i32
        %dma_wait3A_338 = arith.constant 0 : i32
        %dma_wait3A_339 = tpu.memref_slice %arg6[%dma_wait3A_337, %dma_wait3A_338] : memref<2x80xi32, #tpu.memory_space<vmem>> -> memref<1x80xi32, #tpu.memory_space<vmem>>
        %dma_wait3A_340 = tpu.memref_squeeze %dma_wait3A_339 : memref<1x80xi32, #tpu.memory_space<vmem>> -> memref<80xi32, #tpu.memory_space<vmem>>
        %dma_wait3A_341 = arith.constant 0 : i32
        %dma_wait3A_342 = arith.constant 0 : i32
        %dma_wait3A_343 = tpu.memref_slice %arg13[%dma_wait3A_341, %dma_wait3A_342] : memref<10240x128xf32, #tpu.memory_space<vmem_shared>> -> memref<10240x128xf32, #tpu.memory_space<vmem_shared>>
        tpu.wait_indirect_dma semaphore(%arg23 : memref<!tpu.dma_semaphore, #tpu.memory_space<semaphore_mem>>) src(%arg10 : memref<80x128xf32, #tpu.memory_space<vmem>>) dst(%dma_wait3A_343 : memref<10240x128xf32, #tpu.memory_space<vmem_shared>>)
      } else {
      }
      %add3A_264 = arith.constant 4 : i32
      %add3A_265 = arith.addi %add3A_258, %add3A_264 : i32
      %sub3A_266 = arith.constant 1 : i32
      %sub3A_267 = arith.subi %add3A_265, %sub3A_266 : i32
      %lt3A_268 = arith.constant 128 : i32
      %lt3A_269 = arith.cmpi slt, %sub3A_267, %lt3A_268 : i32
      %convert_element_type3A_270 = arith.extui %lt3A_269 : i1 to i32
      %cond3A_271 = arith.constant 0 : i32
      %cond3A_272 = arith.cmpi ne, %convert_element_type3A_270, %cond3A_271 : i32
      scf.if %cond3A_272 {
        %add3A_337 = arith.constant 4 : i32
        %add3A_338 = arith.addi %add3A_258, %add3A_337 : i32
        %sub3A_339 = arith.constant 1 : i32
        %sub3A_340 = arith.subi %add3A_338, %sub3A_339 : i32
        %dma_start3A_341 = arith.constant 0 : i32
        %dma_start3A_342 = arith.constant 0 : i32
        %dma_start3A_343 = tpu.memref_slice %arg2[%add3A, %sub3A_340, %dma_start3A_341, %dma_start3A_342] : memref<32x128x2x80xi32, #tpu.memory_space<hbm>> -> memref<1x1x2x80xi32, #tpu.memory_space<hbm>>
        %dma_start3A_344 = tpu.memref_squeeze %dma_start3A_343 : memref<1x1x2x80xi32, #tpu.memory_space<hbm>> -> memref<2x80xi32, #tpu.memory_space<hbm>>
        %dma_start3A_345 = arith.constant 0 : i32
        %dma_start3A_346 = arith.constant 0 : i32
        %dma_start3A_347 = tpu.memref_slice %arg2[%add3A, %sub3A_340, %dma_start3A_345, %dma_start3A_346] : memref<32x128x2x80xi32, #tpu.memory_space<hbm>> -> memref<1x1x2x80xi32, #tpu.memory_space<hbm>>
        %dma_start3A_348 = tpu.memref_squeeze %dma_start3A_347 : memref<1x1x2x80xi32, #tpu.memory_space<hbm>> -> memref<2x80xi32, #tpu.memory_space<hbm>>
        tpu.enqueue_dma source(%dma_start3A_348 : memref<2x80xi32, #tpu.memory_space<hbm>>) target(%arg6 : memref<2x80xi32, #tpu.memory_space<vmem>>) target_semaphore(%arg15 : memref<!tpu.dma_semaphore, #tpu.memory_space<semaphore_mem>>)
      } else {
      }
      %add3A_273 = arith.constant 4 : i32
      %add3A_274 = arith.addi %add3A_258, %add3A_273 : i32
      %sub3A_275 = arith.constant 2 : i32
      %sub3A_276 = arith.subi %add3A_274, %sub3A_275 : i32
      %lt3A_277 = arith.constant 128 : i32
      %lt3A_278 = arith.cmpi slt, %sub3A_276, %lt3A_277 : i32
      %convert_element_type3A_279 = arith.extui %lt3A_278 : i1 to i32
      %cond3A_280 = arith.constant 0 : i32
      %cond3A_281 = arith.cmpi ne, %convert_element_type3A_279, %cond3A_280 : i32
      scf.if %cond3A_281 {
        %dma_wait3A_337 = arith.constant 0 : i32
        %dma_wait3A_338 = arith.constant 0 : i32
        %dma_wait3A_339 = arith.constant 0 : i32
        %dma_wait3A_340 = tpu.memref_slice %arg2[%add3A, %dma_wait3A_337, %dma_wait3A_338, %dma_wait3A_339] : memref<32x128x2x80xi32, #tpu.memory_space<hbm>> -> memref<1x1x2x80xi32, #tpu.memory_space<hbm>>
        %dma_wait3A_341 = tpu.memref_squeeze %dma_wait3A_340 : memref<1x1x2x80xi32, #tpu.memory_space<hbm>> -> memref<2x80xi32, #tpu.memory_space<hbm>>
        %dma_wait3A_342 = arith.constant 0 : i32
        %dma_wait3A_343 = arith.constant 0 : i32
        %dma_wait3A_344 = tpu.memref_slice %arg2[%add3A, %dma_wait3A_337, %dma_wait3A_342, %dma_wait3A_343] : memref<32x128x2x80xi32, #tpu.memory_space<hbm>> -> memref<1x1x2x80xi32, #tpu.memory_space<hbm>>
        %dma_wait3A_345 = tpu.memref_squeeze %dma_wait3A_344 : memref<1x1x2x80xi32, #tpu.memory_space<hbm>> -> memref<2x80xi32, #tpu.memory_space<hbm>>
        tpu.wait_dma2 semaphore(%arg14 : memref<!tpu.dma_semaphore, #tpu.memory_space<semaphore_mem>>) src(%dma_wait3A_345 : memref<2x80xi32, #tpu.memory_space<hbm>>) dst(%arg5 : memref<2x80xi32, #tpu.memory_space<vmem>>)
        %dma_start3A_346 = arith.constant 0 : i32
        %dma_start3A_347 = arith.constant 0 : i32
        %dma_start3A_348 = tpu.memref_slice %arg5[%dma_start3A_346, %dma_start3A_347] : memref<2x80xi32, #tpu.memory_space<vmem>> -> memref<1x80xi32, #tpu.memory_space<vmem>>
        %dma_start3A_349 = tpu.memref_squeeze %dma_start3A_348 : memref<1x80xi32, #tpu.memory_space<vmem>> -> memref<80xi32, #tpu.memory_space<vmem>>
        %dma_start3A_350 = arith.constant 0 : i32
        %dma_start3A_351 = arith.constant 0 : i32
        %dma_start3A_352 = tpu.memref_slice %arg3[%dma_start3A_350, %dma_start3A_351] : memref<10000x128xf32, #tpu.memory_space<hbm>> -> memref<10000x128xf32, #tpu.memory_space<hbm>>
        tpu.enqueue_indirect_dma source(%dma_start3A_352 : memref<10000x128xf32, #tpu.memory_space<hbm>>) target(%arg9 : memref<80x128xf32, #tpu.memory_space<vmem>>) offsets(%dma_start3A_349 : memref<80xi32, #tpu.memory_space<vmem>>) semaphore(%arg18 : memref<!tpu.dma_semaphore, #tpu.memory_space<semaphore_mem>>)
      } else {
      }
      %dma_wait3A_282 = arith.constant 0 : i32
      %dma_wait3A_283 = arith.constant 0 : i32
      %dma_wait3A_284 = tpu.memref_slice %arg7[%dma_wait3A_282, %dma_wait3A_283] : memref<2x80xi32, #tpu.memory_space<vmem>> -> memref<1x80xi32, #tpu.memory_space<vmem>>
      %dma_wait3A_285 = tpu.memref_squeeze %dma_wait3A_284 : memref<1x80xi32, #tpu.memory_space<vmem>> -> memref<80xi32, #tpu.memory_space<vmem>>
      %dma_wait3A_286 = arith.constant 0 : i32
      %dma_wait3A_287 = arith.constant 0 : i32
      %dma_wait3A_288 = tpu.memref_slice %arg3[%dma_wait3A_286, %dma_wait3A_287] : memref<10000x128xf32, #tpu.memory_space<hbm>> -> memref<10000x128xf32, #tpu.memory_space<hbm>>
      tpu.wait_indirect_dma semaphore(%arg20 : memref<!tpu.dma_semaphore, #tpu.memory_space<semaphore_mem>>) src(%dma_wait3A_288 : memref<10000x128xf32, #tpu.memory_space<hbm>>) dst(%arg11 : memref<80x128xf32, #tpu.memory_space<vmem>>)
      %dma_start3A_289 = arith.constant 1 : i32
      %dma_start3A_290 = arith.constant 0 : i32
      %dma_start3A_291 = tpu.memref_slice %arg7[%dma_start3A_289, %dma_start3A_290] : memref<2x80xi32, #tpu.memory_space<vmem>> -> memref<1x80xi32, #tpu.memory_space<vmem>>
      %dma_start3A_292 = tpu.memref_squeeze %dma_start3A_291 : memref<1x80xi32, #tpu.memory_space<vmem>> -> memref<80xi32, #tpu.memory_space<vmem>>
      %dma_start3A_293 = arith.constant 0 : i32
      %dma_start3A_294 = arith.constant 0 : i32
      %dma_start3A_295 = tpu.memref_slice %arg13[%dma_start3A_293, %dma_start3A_294] : memref<10240x128xf32, #tpu.memory_space<vmem_shared>> -> memref<10240x128xf32, #tpu.memory_space<vmem_shared>>
      tpu.enqueue_indirect_dma source(%arg11 : memref<80x128xf32, #tpu.memory_space<vmem>>) target(%dma_start3A_295 : memref<10240x128xf32, #tpu.memory_space<vmem_shared>>) offsets(%dma_start3A_292 : memref<80xi32, #tpu.memory_space<vmem>>) semaphore(%arg24 : memref<!tpu.dma_semaphore, #tpu.memory_space<semaphore_mem>>) {add = true}
      %mul3A_296 = arith.constant 4 : i32
      %mul3A_297 = arith.muli %scan3A_177, %mul3A_296 : i32
      %add3A_298 = arith.constant 3 : i32
      %add3A_299 = arith.addi %mul3A_297, %add3A_298 : i32
      %ge3A_300 = arith.constant 1 : i32
      %ge3A_301 = arith.cmpi sge, %add3A_299, %ge3A_300 : i32
      %convert_element_type3A_302 = arith.extui %ge3A_301 : i1 to i32
      %cond3A_303 = arith.constant 0 : i32
      %cond3A_304 = arith.cmpi ne, %convert_element_type3A_302, %cond3A_303 : i32
      scf.if %cond3A_304 {
        %dma_wait3A_337 = arith.constant 1 : i32
        %dma_wait3A_338 = arith.constant 0 : i32
        %dma_wait3A_339 = tpu.memref_slice %arg7[%dma_wait3A_337, %dma_wait3A_338] : memref<2x80xi32, #tpu.memory_space<vmem>> -> memref<1x80xi32, #tpu.memory_space<vmem>>
        %dma_wait3A_340 = tpu.memref_squeeze %dma_wait3A_339 : memref<1x80xi32, #tpu.memory_space<vmem>> -> memref<80xi32, #tpu.memory_space<vmem>>
        %dma_wait3A_341 = arith.constant 0 : i32
        %dma_wait3A_342 = arith.constant 0 : i32
        %dma_wait3A_343 = tpu.memref_slice %arg13[%dma_wait3A_341, %dma_wait3A_342] : memref<10240x128xf32, #tpu.memory_space<vmem_shared>> -> memref<10240x128xf32, #tpu.memory_space<vmem_shared>>
        tpu.wait_indirect_dma semaphore(%arg24 : memref<!tpu.dma_semaphore, #tpu.memory_space<semaphore_mem>>) src(%arg11 : memref<80x128xf32, #tpu.memory_space<vmem>>) dst(%dma_wait3A_343 : memref<10240x128xf32, #tpu.memory_space<vmem_shared>>)
      } else {
      }
      %add3A_305 = arith.constant 4 : i32
      %add3A_306 = arith.addi %add3A_299, %add3A_305 : i32
      %sub3A_307 = arith.constant 1 : i32
      %sub3A_308 = arith.subi %add3A_306, %sub3A_307 : i32
      %lt3A_309 = arith.constant 128 : i32
      %lt3A_310 = arith.cmpi slt, %sub3A_308, %lt3A_309 : i32
      %convert_element_type3A_311 = arith.extui %lt3A_310 : i1 to i32
      %cond3A_312 = arith.constant 0 : i32
      %cond3A_313 = arith.cmpi ne, %convert_element_type3A_311, %cond3A_312 : i32
      scf.if %cond3A_313 {
        %add3A_337 = arith.constant 4 : i32
        %add3A_338 = arith.addi %add3A_299, %add3A_337 : i32
        %sub3A_339 = arith.constant 1 : i32
        %sub3A_340 = arith.subi %add3A_338, %sub3A_339 : i32
        %dma_start3A_341 = arith.constant 0 : i32
        %dma_start3A_342 = arith.constant 0 : i32
        %dma_start3A_343 = tpu.memref_slice %arg2[%add3A, %sub3A_340, %dma_start3A_341, %dma_start3A_342] : memref<32x128x2x80xi32, #tpu.memory_space<hbm>> -> memref<1x1x2x80xi32, #tpu.memory_space<hbm>>
        %dma_start3A_344 = tpu.memref_squeeze %dma_start3A_343 : memref<1x1x2x80xi32, #tpu.memory_space<hbm>> -> memref<2x80xi32, #tpu.memory_space<hbm>>
        %dma_start3A_345 = arith.constant 0 : i32
        %dma_start3A_346 = arith.constant 0 : i32
        %dma_start3A_347 = tpu.memref_slice %arg2[%add3A, %sub3A_340, %dma_start3A_345, %dma_start3A_346] : memref<32x128x2x80xi32, #tpu.memory_space<hbm>> -> memref<1x1x2x80xi32, #tpu.memory_space<hbm>>
        %dma_start3A_348 = tpu.memref_squeeze %dma_start3A_347 : memref<1x1x2x80xi32, #tpu.memory_space<hbm>> -> memref<2x80xi32, #tpu.memory_space<hbm>>
        tpu.enqueue_dma source(%dma_start3A_348 : memref<2x80xi32, #tpu.memory_space<hbm>>) target(%arg7 : memref<2x80xi32, #tpu.memory_space<vmem>>) target_semaphore(%arg16 : memref<!tpu.dma_semaphore, #tpu.memory_space<semaphore_mem>>)
      } else {
      }
      %add3A_314 = arith.constant 4 : i32
      %add3A_315 = arith.addi %add3A_299, %add3A_314 : i32
      %sub3A_316 = arith.constant 2 : i32
      %sub3A_317 = arith.subi %add3A_315, %sub3A_316 : i32
      %lt3A_318 = arith.constant 128 : i32
      %lt3A_319 = arith.cmpi slt, %sub3A_317, %lt3A_318 : i32
      %convert_element_type3A_320 = arith.extui %lt3A_319 : i1 to i32
      %cond3A_321 = arith.constant 0 : i32
      %cond3A_322 = arith.cmpi ne, %convert_element_type3A_320, %cond3A_321 : i32
      scf.if %cond3A_322 {
        %dma_wait3A_337 = arith.constant 0 : i32
        %dma_wait3A_338 = arith.constant 0 : i32
        %dma_wait3A_339 = arith.constant 0 : i32
        %dma_wait3A_340 = tpu.memref_slice %arg2[%add3A, %dma_wait3A_337, %dma_wait3A_338, %dma_wait3A_339] : memref<32x128x2x80xi32, #tpu.memory_space<hbm>> -> memref<1x1x2x80xi32, #tpu.memory_space<hbm>>
        %dma_wait3A_341 = tpu.memref_squeeze %dma_wait3A_340 : memref<1x1x2x80xi32, #tpu.memory_space<hbm>> -> memref<2x80xi32, #tpu.memory_space<hbm>>
        %dma_wait3A_342 = arith.constant 0 : i32
        %dma_wait3A_343 = arith.constant 0 : i32
        %dma_wait3A_344 = tpu.memref_slice %arg2[%add3A, %dma_wait3A_337, %dma_wait3A_342, %dma_wait3A_343] : memref<32x128x2x80xi32, #tpu.memory_space<hbm>> -> memref<1x1x2x80xi32, #tpu.memory_space<hbm>>
        %dma_wait3A_345 = tpu.memref_squeeze %dma_wait3A_344 : memref<1x1x2x80xi32, #tpu.memory_space<hbm>> -> memref<2x80xi32, #tpu.memory_space<hbm>>
        tpu.wait_dma2 semaphore(%arg15 : memref<!tpu.dma_semaphore, #tpu.memory_space<semaphore_mem>>) src(%dma_wait3A_345 : memref<2x80xi32, #tpu.memory_space<hbm>>) dst(%arg6 : memref<2x80xi32, #tpu.memory_space<vmem>>)
        %dma_start3A_346 = arith.constant 0 : i32
        %dma_start3A_347 = arith.constant 0 : i32
        %dma_start3A_348 = tpu.memref_slice %arg6[%dma_start3A_346, %dma_start3A_347] : memref<2x80xi32, #tpu.memory_space<vmem>> -> memref<1x80xi32, #tpu.memory_space<vmem>>
        %dma_start3A_349 = tpu.memref_squeeze %dma_start3A_348 : memref<1x80xi32, #tpu.memory_space<vmem>> -> memref<80xi32, #tpu.memory_space<vmem>>
        %dma_start3A_350 = arith.constant 0 : i32
        %dma_start3A_351 = arith.constant 0 : i32
        %dma_start3A_352 = tpu.memref_slice %arg3[%dma_start3A_350, %dma_start3A_351] : memref<10000x128xf32, #tpu.memory_space<hbm>> -> memref<10000x128xf32, #tpu.memory_space<hbm>>
        tpu.enqueue_indirect_dma source(%dma_start3A_352 : memref<10000x128xf32, #tpu.memory_space<hbm>>) target(%arg10 : memref<80x128xf32, #tpu.memory_space<vmem>>) offsets(%dma_start3A_349 : memref<80xi32, #tpu.memory_space<vmem>>) semaphore(%arg19 : memref<!tpu.dma_semaphore, #tpu.memory_space<semaphore_mem>>)
      } else {
      }
      %dma_wait3A_323 = arith.constant 0 : i32
      %dma_wait3A_324 = arith.constant 0 : i32
      %dma_wait3A_325 = tpu.memref_slice %arg8[%dma_wait3A_323, %dma_wait3A_324] : memref<2x80xi32, #tpu.memory_space<vmem>> -> memref<1x80xi32, #tpu.memory_space<vmem>>
      %dma_wait3A_326 = tpu.memref_squeeze %dma_wait3A_325 : memref<1x80xi32, #tpu.memory_space<vmem>> -> memref<80xi32, #tpu.memory_space<vmem>>
      %dma_wait3A_327 = arith.constant 0 : i32
      %dma_wait3A_328 = arith.constant 0 : i32
      %dma_wait3A_329 = tpu.memref_slice %arg3[%dma_wait3A_327, %dma_wait3A_328] : memref<10000x128xf32, #tpu.memory_space<hbm>> -> memref<10000x128xf32, #tpu.memory_space<hbm>>
      tpu.wait_indirect_dma semaphore(%arg21 : memref<!tpu.dma_semaphore, #tpu.memory_space<semaphore_mem>>) src(%dma_wait3A_329 : memref<10000x128xf32, #tpu.memory_space<hbm>>) dst(%arg12 : memref<80x128xf32, #tpu.memory_space<vmem>>)
      %dma_start3A_330 = arith.constant 1 : i32
      %dma_start3A_331 = arith.constant 0 : i32
      %dma_start3A_332 = tpu.memref_slice %arg8[%dma_start3A_330, %dma_start3A_331] : memref<2x80xi32, #tpu.memory_space<vmem>> -> memref<1x80xi32, #tpu.memory_space<vmem>>
      %dma_start3A_333 = tpu.memref_squeeze %dma_start3A_332 : memref<1x80xi32, #tpu.memory_space<vmem>> -> memref<80xi32, #tpu.memory_space<vmem>>
      %dma_start3A_334 = arith.constant 0 : i32
      %dma_start3A_335 = arith.constant 0 : i32
      %dma_start3A_336 = tpu.memref_slice %arg13[%dma_start3A_334, %dma_start3A_335] : memref<10240x128xf32, #tpu.memory_space<vmem_shared>> -> memref<10240x128xf32, #tpu.memory_space<vmem_shared>>
      tpu.enqueue_indirect_dma source(%arg12 : memref<80x128xf32, #tpu.memory_space<vmem>>) target(%dma_start3A_336 : memref<10240x128xf32, #tpu.memory_space<vmem_shared>>) offsets(%dma_start3A_333 : memref<80xi32, #tpu.memory_space<vmem>>) semaphore(%arg25 : memref<!tpu.dma_semaphore, #tpu.memory_space<semaphore_mem>>) {add = true}
    }
    %scan3A_166 = arith.constant 32 : i32
    %dma_wait3A_167 = arith.constant 1 : i32
    %dma_wait3A_168 = arith.constant 0 : i32
    %dma_wait3A_169 = tpu.memref_slice %arg8[%dma_wait3A_167, %dma_wait3A_168] : memref<2x80xi32, #tpu.memory_space<vmem>> -> memref<1x80xi32, #tpu.memory_space<vmem>>
    %dma_wait3A_170 = tpu.memref_squeeze %dma_wait3A_169 : memref<1x80xi32, #tpu.memory_space<vmem>> -> memref<80xi32, #tpu.memory_space<vmem>>
    %dma_wait3A_171 = arith.constant 0 : i32
    %dma_wait3A_172 = arith.constant 0 : i32
    %dma_wait3A_173 = tpu.memref_slice %arg13[%dma_wait3A_171, %dma_wait3A_172] : memref<10240x128xf32, #tpu.memory_space<vmem_shared>> -> memref<10240x128xf32, #tpu.memory_space<vmem_shared>>
    tpu.wait_indirect_dma semaphore(%arg25 : memref<!tpu.dma_semaphore, #tpu.memory_space<semaphore_mem>>) src(%arg12 : memref<80x128xf32, #tpu.memory_space<vmem>>) dst(%dma_wait3A_173 : memref<10240x128xf32, #tpu.memory_space<vmem_shared>>)
    %barrier3A_174 = arith.constant 0 : index
    tpu.barrier barrier_id(%barrier3A_174)
    %mul3A_175 = arith.constant 640 : i32
    %mul3A_176 = arith.muli %arg1, %mul3A_175 : i32
    "tpu.region"() ({
      %run_scoped3A = tpu.sem_alloc : memref<!tpu.dma_semaphore, #tpu.memory_space<semaphore_mem>>
      %dma_start3A_177 = arith.constant 0 : i32
      %dma_start3A_178 = tpu.memref_slice %arg4[%arg0, %mul3A_176, %dma_start3A_177] : memref<2x10240x128xf32, #tpu.memory_space<hbm>> -> memref<1x640x128xf32, #tpu.memory_space<hbm>>
      %dma_start3A_179 = tpu.memref_squeeze %dma_start3A_178 : memref<1x640x128xf32, #tpu.memory_space<hbm>> -> memref<640x128xf32, #tpu.memory_space<hbm>>
      %dma_start3A_180 = arith.constant 0 : i32
      %dma_start3A_181 = tpu.memref_slice %arg13[%mul3A_176, %dma_start3A_180] : memref<10240x128xf32, #tpu.memory_space<vmem_shared>> -> memref<640x128xf32, #tpu.memory_space<vmem_shared>>
      tpu.enqueue_dma source(%dma_start3A_181 : memref<640x128xf32, #tpu.memory_space<vmem_shared>>) target(%dma_start3A_179 : memref<640x128xf32, #tpu.memory_space<hbm>>) target_semaphore(%run_scoped3A : memref<!tpu.dma_semaphore, #tpu.memory_space<semaphore_mem>>)
      %dma_wait3A_182 = arith.constant 0 : i32
      %dma_wait3A_183 = tpu.memref_slice %arg4[%arg0, %mul3A_176, %dma_wait3A_182] : memref<2x10240x128xf32, #tpu.memory_space<hbm>> -> memref<1x640x128xf32, #tpu.memory_space<hbm>>
      %dma_wait3A_184 = tpu.memref_squeeze %dma_wait3A_183 : memref<1x640x128xf32, #tpu.memory_space<hbm>> -> memref<640x128xf32, #tpu.memory_space<hbm>>
      %dma_wait3A_185 = arith.constant 0 : i32
      %dma_wait3A_186 = tpu.memref_slice %arg13[%mul3A_176, %dma_wait3A_185] : memref<10240x128xf32, #tpu.memory_space<vmem_shared>> -> memref<640x128xf32, #tpu.memory_space<vmem_shared>>
      tpu.wait_dma2 semaphore(%run_scoped3A : memref<!tpu.dma_semaphore, #tpu.memory_space<semaphore_mem>>) src(%dma_wait3A_186 : memref<640x128xf32, #tpu.memory_space<vmem_shared>>) dst(%dma_wait3A_184 : memref<640x128xf32, #tpu.memory_space<hbm>>)
      tpu.yield
    }) : () -> ()
    return
  }
}

#map = affine_map<(d0, d1) -> (0, 0, 0, 0)>
#map1 = affine_map<(d0, d1) -> (0, 0)>
#map2 = affine_map<(d0, d1) -> (0, 0, 0)>
module attributes {stable_mosaic.version = 14 : i64} {
  func.func @_edge_agg_body(%arg0: i32, %arg1: i32, %arg2: memref<32x128x2x80xi32, #tpu.memory_space<hbm>>, %arg3: memref<10000x128xf32, #tpu.memory_space<hbm>>, %arg4: memref<2x10240x128xf32, #tpu.memory_space<hbm>>, %arg5: memref<2x80xi32, #tpu.memory_space<vmem>>, %arg6: memref<2x80xi32, #tpu.memory_space<vmem>>, %arg7: memref<2x80xi32, #tpu.memory_space<vmem>>, %arg8: memref<2x80xi32, #tpu.memory_space<vmem>>, %arg9: memref<80x128xf32, #tpu.memory_space<vmem>>, %arg10: memref<80x128xf32, #tpu.memory_space<vmem>>, %arg11: memref<80x128xf32, #tpu.memory_space<vmem>>, %arg12: memref<80x128xf32, #tpu.memory_space<vmem>>, %arg13: memref<10240x128xf32, #tpu.memory_space<vmem_shared>>, %arg14: memref<!tpu.dma_semaphore, #tpu.memory_space<semaphore_mem>>, %arg15: memref<!tpu.dma_semaphore, #tpu.memory_space<semaphore_mem>>, %arg16: memref<!tpu.dma_semaphore, #tpu.memory_space<semaphore_mem>>, %arg17: memref<!tpu.dma_semaphore, #tpu.memory_space<semaphore_mem>>, %arg18: memref<!tpu.dma_semaphore, #tpu.memory_space<semaphore_mem>>, %arg19: memref<!tpu.dma_semaphore, #tpu.memory_space<semaphore_mem>>, %arg20: memref<!tpu.dma_semaphore, #tpu.memory_space<semaphore_mem>>, %arg21: memref<!tpu.dma_semaphore, #tpu.memory_space<semaphore_mem>>, %arg22: memref<!tpu.dma_semaphore, #tpu.memory_space<semaphore_mem>>, %arg23: memref<!tpu.dma_semaphore, #tpu.memory_space<semaphore_mem>>, %arg24: memref<!tpu.dma_semaphore, #tpu.memory_space<semaphore_mem>>, %arg25: memref<!tpu.dma_semaphore, #tpu.memory_space<semaphore_mem>>, %arg26: memref<!tpu.dma_semaphore, #tpu.memory_space<semaphore_mem>>) attributes {dimension_semantics = [#tpu.dimension_semantics<core_parallel>, #tpu.dimension_semantics<subcore_parallel>], iteration_bounds = array<i64: 2, 16>, scalar_prefetch = 0 : i64, scratch_operands = 22 : i64, tpu.core_type = #tpu.core_type<sc_vector_subcore>, window_params = [{transform_indices = #map}, {transform_indices = #map1}, {transform_indices = #map2}]} {
    %mul3A = arith.constant 16 : i32
    %mul3A_0 = arith.muli %arg0, %mul3A : i32
    %add3A = arith.addi %mul3A_0, %arg1 : i32
    %scan3A = arith.constant 0 : i32
    %scan3A_1 = arith.constant 0 : i32
    %scan3A_2 = arith.constant 80 : i32
    %scan3A_3 = arith.addi %scan3A_1, %scan3A_2 : i32
    %scan3A_4 = arith.constant 1 : i32
    scf.for %scan3A_177 = %scan3A_1 to %scan3A_3 step %scan3A_4  : i32 {
      %broadcast_in_dim3A = arith.constant 0.000000e+00 : f32
      %broadcast_in_dim3A_178 = vector.broadcast %broadcast_in_dim3A : f32 to vector<16xf32>
      %swap3A = arith.index_cast %scan3A_177 : i32 to index
      %swap3A_179 = arith.constant 0 : index
      %swap3A_180 = tpu.vector_load %arg9[%swap3A, %swap3A_179] {strides = array<i32>} : memref<80x128xf32, #tpu.memory_space<vmem>>, vector<1x16xf32>,
      %swap3A_181 = vector.shape_cast %swap3A_180 : vector<1x16xf32> to vector<16xf32>
      %swap3A_182 = vector.shape_cast %broadcast_in_dim3A_178 : vector<16xf32> to vector<1x16xf32>
      tpu.vector_store %arg9[%swap3A, %swap3A_179], %swap3A_182 {strides = array<i32>} : memref<80x128xf32, #tpu.memory_space<vmem>>, vector<1x16xf32>,
      %broadcast_in_dim3A_183 = arith.constant 0.000000e+00 : f32
      %broadcast_in_dim3A_184 = vector.broadcast %broadcast_in_dim3A_183 : f32 to vector<16xf32>
      %swap3A_185 = arith.index_cast %scan3A_177 : i32 to index
      %swap3A_186 = arith.constant 16 : index
      %swap3A_187 = tpu.vector_load %arg9[%swap3A_185, %swap3A_186] {strides = array<i32>} : memref<80x128xf32, #tpu.memory_space<vmem>>, vector<1x16xf32>,
      %swap3A_188 = vector.shape_cast %swap3A_187 : vector<1x16xf32> to vector<16xf32>
      %swap3A_189 = vector.shape_cast %broadcast_in_dim3A_184 : vector<16xf32> to vector<1x16xf32>
      tpu.vector_store %arg9[%swap3A_185, %swap3A_186], %swap3A_189 {strides = array<i32>} : memref<80x128xf32, #tpu.memory_space<vmem>>, vector<1x16xf32>,
      %broadcast_in_dim3A_190 = arith.constant 0.000000e+00 : f32
      %broadcast_in_dim3A_191 = vector.broadcast %broadcast_in_dim3A_190 : f32 to vector<16xf32>
      %swap3A_192 = arith.index_cast %scan3A_177 : i32 to index
      %swap3A_193 = arith.constant 32 : index
      %swap3A_194 = tpu.vector_load %arg9[%swap3A_192, %swap3A_193] {strides = array<i32>} : memref<80x128xf32, #tpu.memory_space<vmem>>, vector<1x16xf32>,
      %swap3A_195 = vector.shape_cast %swap3A_194 : vector<1x16xf32> to vector<16xf32>
      %swap3A_196 = vector.shape_cast %broadcast_in_dim3A_191 : vector<16xf32> to vector<1x16xf32>
      tpu.vector_store %arg9[%swap3A_192, %swap3A_193], %swap3A_196 {strides = array<i32>} : memref<80x128xf32, #tpu.memory_space<vmem>>, vector<1x16xf32>,
      %broadcast_in_dim3A_197 = arith.constant 0.000000e+00 : f32
      %broadcast_in_dim3A_198 = vector.broadcast %broadcast_in_dim3A_197 : f32 to vector<16xf32>
      %swap3A_199 = arith.index_cast %scan3A_177 : i32 to index
      %swap3A_200 = arith.constant 48 : index
      %swap3A_201 = tpu.vector_load %arg9[%swap3A_199, %swap3A_200] {strides = array<i32>} : memref<80x128xf32, #tpu.memory_space<vmem>>, vector<1x16xf32>,
      %swap3A_202 = vector.shape_cast %swap3A_201 : vector<1x16xf32> to vector<16xf32>
      %swap3A_203 = vector.shape_cast %broadcast_in_dim3A_198 : vector<16xf32> to vector<1x16xf32>
      tpu.vector_store %arg9[%swap3A_199, %swap3A_200], %swap3A_203 {strides = array<i32>} : memref<80x128xf32, #tpu.memory_space<vmem>>, vector<1x16xf32>,
      %broadcast_in_dim3A_204 = arith.constant 0.000000e+00 : f32
      %broadcast_in_dim3A_205 = vector.broadcast %broadcast_in_dim3A_204 : f32 to vector<16xf32>
      %swap3A_206 = arith.index_cast %scan3A_177 : i32 to index
      %swap3A_207 = arith.constant 64 : index
      %swap3A_208 = tpu.vector_load %arg9[%swap3A_206, %swap3A_207] {strides = array<i32>} : memref<80x128xf32, #tpu.memory_space<vmem>>, vector<1x16xf32>,
      %swap3A_209 = vector.shape_cast %swap3A_208 : vector<1x16xf32> to vector<16xf32>
      %swap3A_210 = vector.shape_cast %broadcast_in_dim3A_205 : vector<16xf32> to vector<1x16xf32>
      tpu.vector_store %arg9[%swap3A_206, %swap3A_207], %swap3A_210 {strides = array<i32>} : memref<80x128xf32, #tpu.memory_space<vmem>>, vector<1x16xf32>,
      %broadcast_in_dim3A_211 = arith.constant 0.000000e+00 : f32
      %broadcast_in_dim3A_212 = vector.broadcast %broadcast_in_dim3A_211 : f32 to vector<16xf32>
      %swap3A_213 = arith.index_cast %scan3A_177 : i32 to index
      %swap3A_214 = arith.constant 80 : index
      %swap3A_215 = tpu.vector_load %arg9[%swap3A_213, %swap3A_214] {strides = array<i32>} : memref<80x128xf32, #tpu.memory_space<vmem>>, vector<1x16xf32>,
      %swap3A_216 = vector.shape_cast %swap3A_215 : vector<1x16xf32> to vector<16xf32>
      %swap3A_217 = vector.shape_cast %broadcast_in_dim3A_212 : vector<16xf32> to vector<1x16xf32>
      tpu.vector_store %arg9[%swap3A_213, %swap3A_214], %swap3A_217 {strides = array<i32>} : memref<80x128xf32, #tpu.memory_space<vmem>>, vector<1x16xf32>,
      %broadcast_in_dim3A_218 = arith.constant 0.000000e+00 : f32
      %broadcast_in_dim3A_219 = vector.broadcast %broadcast_in_dim3A_218 : f32 to vector<16xf32>
      %swap3A_220 = arith.index_cast %scan3A_177 : i32 to index
      %swap3A_221 = arith.constant 96 : index
      %swap3A_222 = tpu.vector_load %arg9[%swap3A_220, %swap3A_221] {strides = array<i32>} : memref<80x128xf32, #tpu.memory_space<vmem>>, vector<1x16xf32>,
      %swap3A_223 = vector.shape_cast %swap3A_222 : vector<1x16xf32> to vector<16xf32>
      %swap3A_224 = vector.shape_cast %broadcast_in_dim3A_219 : vector<16xf32> to vector<1x16xf32>
      tpu.vector_store %arg9[%swap3A_220, %swap3A_221], %swap3A_224 {strides = array<i32>} : memref<80x128xf32, #tpu.memory_space<vmem>>, vector<1x16xf32>,
      %broadcast_in_dim3A_225 = arith.constant 0.000000e+00 : f32
      %broadcast_in_dim3A_226 = vector.broadcast %broadcast_in_dim3A_225 : f32 to vector<16xf32>
      %swap3A_227 = arith.index_cast %scan3A_177 : i32 to index
      %swap3A_228 = arith.constant 112 : index
      %swap3A_229 = tpu.vector_load %arg9[%swap3A_227, %swap3A_228] {strides = array<i32>} : memref<80x128xf32, #tpu.memory_space<vmem>>, vector<1x16xf32>,
      %swap3A_230 = vector.shape_cast %swap3A_229 : vector<1x16xf32> to vector<16xf32>
      %swap3A_231 = vector.shape_cast %broadcast_in_dim3A_226 : vector<16xf32> to vector<1x16xf32>
      tpu.vector_store %arg9[%swap3A_227, %swap3A_228], %swap3A_231 {strides = array<i32>} : memref<80x128xf32, #tpu.memory_space<vmem>>, vector<1x16xf32>,
    }
    %scan3A_5 = arith.constant 80 : i32
    %mul3A_6 = arith.constant 640 : i32
    %mul3A_7 = arith.muli %arg1, %mul3A_6 : i32
    %add3A_8 = arith.constant 0 : i32
    %add3A_9 = arith.addi %mul3A_7, %add3A_8 : i32
    %dma_start3A = arith.constant 0 : i32
    %dma_start3A_10 = tpu.memref_slice %arg13[%add3A_9, %dma_start3A] : memref<10240x128xf32, #tpu.memory_space<vmem_shared>> -> memref<80x128xf32, #tpu.memory_space<vmem_shared>>
    %dma_start3A_11 = arith.constant 0 : i32
    %dma_start3A_12 = tpu.memref_slice %arg13[%add3A_9, %dma_start3A_11] : memref<10240x128xf32, #tpu.memory_space<vmem_shared>> -> memref<80x128xf32, #tpu.memory_space<vmem_shared>>
    tpu.enqueue_dma source(%arg9 : memref<80x128xf32, #tpu.memory_space<vmem>>) target(%dma_start3A_12 : memref<80x128xf32, #tpu.memory_space<vmem_shared>>) target_semaphore(%arg26 : memref<!tpu.dma_semaphore, #tpu.memory_space<semaphore_mem>>)
    %add3A_13 = arith.constant 80 : i32
    %add3A_14 = arith.addi %mul3A_7, %add3A_13 : i32
    %dma_start3A_15 = arith.constant 0 : i32
    %dma_start3A_16 = tpu.memref_slice %arg13[%add3A_14, %dma_start3A_15] : memref<10240x128xf32, #tpu.memory_space<vmem_shared>> -> memref<80x128xf32, #tpu.memory_space<vmem_shared>>
    %dma_start3A_17 = arith.constant 0 : i32
    %dma_start3A_18 = tpu.memref_slice %arg13[%add3A_14, %dma_start3A_17] : memref<10240x128xf32, #tpu.memory_space<vmem_shared>> -> memref<80x128xf32, #tpu.memory_space<vmem_shared>>
    tpu.enqueue_dma source(%arg9 : memref<80x128xf32, #tpu.memory_space<vmem>>) target(%dma_start3A_18 : memref<80x128xf32, #tpu.memory_space<vmem_shared>>) target_semaphore(%arg26 : memref<!tpu.dma_semaphore, #tpu.memory_space<semaphore_mem>>)
    %add3A_19 = arith.constant 160 : i32
    %add3A_20 = arith.addi %mul3A_7, %add3A_19 : i32
    %dma_start3A_21 = arith.constant 0 : i32
    %dma_start3A_22 = tpu.memref_slice %arg13[%add3A_20, %dma_start3A_21] : memref<10240x128xf32, #tpu.memory_space<vmem_shared>> -> memref<80x128xf32, #tpu.memory_space<vmem_shared>>
    %dma_start3A_23 = arith.constant 0 : i32
    %dma_start3A_24 = tpu.memref_slice %arg13[%add3A_20, %dma_start3A_23] : memref<10240x128xf32, #tpu.memory_space<vmem_shared>> -> memref<80x128xf32, #tpu.memory_space<vmem_shared>>
    tpu.enqueue_dma source(%arg9 : memref<80x128xf32, #tpu.memory_space<vmem>>) target(%dma_start3A_24 : memref<80x128xf32, #tpu.memory_space<vmem_shared>>) target_semaphore(%arg26 : memref<!tpu.dma_semaphore, #tpu.memory_space<semaphore_mem>>)
    %add3A_25 = arith.constant 240 : i32
    %add3A_26 = arith.addi %mul3A_7, %add3A_25 : i32
    %dma_start3A_27 = arith.constant 0 : i32
    %dma_start3A_28 = tpu.memref_slice %arg13[%add3A_26, %dma_start3A_27] : memref<10240x128xf32, #tpu.memory_space<vmem_shared>> -> memref<80x128xf32, #tpu.memory_space<vmem_shared>>
    %dma_start3A_29 = arith.constant 0 : i32
    %dma_start3A_30 = tpu.memref_slice %arg13[%add3A_26, %dma_start3A_29] : memref<10240x128xf32, #tpu.memory_space<vmem_shared>> -> memref<80x128xf32, #tpu.memory_space<vmem_shared>>
    tpu.enqueue_dma source(%arg9 : memref<80x128xf32, #tpu.memory_space<vmem>>) target(%dma_start3A_30 : memref<80x128xf32, #tpu.memory_space<vmem_shared>>) target_semaphore(%arg26 : memref<!tpu.dma_semaphore, #tpu.memory_space<semaphore_mem>>)
    %add3A_31 = arith.constant 320 : i32
    %add3A_32 = arith.addi %mul3A_7, %add3A_31 : i32
    %dma_start3A_33 = arith.constant 0 : i32
    %dma_start3A_34 = tpu.memref_slice %arg13[%add3A_32, %dma_start3A_33] : memref<10240x128xf32, #tpu.memory_space<vmem_shared>> -> memref<80x128xf32, #tpu.memory_space<vmem_shared>>
    %dma_start3A_35 = arith.constant 0 : i32
    %dma_start3A_36 = tpu.memref_slice %arg13[%add3A_32, %dma_start3A_35] : memref<10240x128xf32, #tpu.memory_space<vmem_shared>> -> memref<80x128xf32, #tpu.memory_space<vmem_shared>>
    tpu.enqueue_dma source(%arg9 : memref<80x128xf32, #tpu.memory_space<vmem>>) target(%dma_start3A_36 : memref<80x128xf32, #tpu.memory_space<vmem_shared>>) target_semaphore(%arg26 : memref<!tpu.dma_semaphore, #tpu.memory_space<semaphore_mem>>)
    %add3A_37 = arith.constant 400 : i32
    %add3A_38 = arith.addi %mul3A_7, %add3A_37 : i32
    %dma_start3A_39 = arith.constant 0 : i32
    %dma_start3A_40 = tpu.memref_slice %arg13[%add3A_38, %dma_start3A_39] : memref<10240x128xf32, #tpu.memory_space<vmem_shared>> -> memref<80x128xf32, #tpu.memory_space<vmem_shared>>
    %dma_start3A_41 = arith.constant 0 : i32
    %dma_start3A_42 = tpu.memref_slice %arg13[%add3A_38, %dma_start3A_41] : memref<10240x128xf32, #tpu.memory_space<vmem_shared>> -> memref<80x128xf32, #tpu.memory_space<vmem_shared>>
    tpu.enqueue_dma source(%arg9 : memref<80x128xf32, #tpu.memory_space<vmem>>) target(%dma_start3A_42 : memref<80x128xf32, #tpu.memory_space<vmem_shared>>) target_semaphore(%arg26 : memref<!tpu.dma_semaphore, #tpu.memory_space<semaphore_mem>>)
    %add3A_43 = arith.constant 480 : i32
    %add3A_44 = arith.addi %mul3A_7, %add3A_43 : i32
    %dma_start3A_45 = arith.constant 0 : i32
    %dma_start3A_46 = tpu.memref_slice %arg13[%add3A_44, %dma_start3A_45] : memref<10240x128xf32, #tpu.memory_space<vmem_shared>> -> memref<80x128xf32, #tpu.memory_space<vmem_shared>>
    %dma_start3A_47 = arith.constant 0 : i32
    %dma_start3A_48 = tpu.memref_slice %arg13[%add3A_44, %dma_start3A_47] : memref<10240x128xf32, #tpu.memory_space<vmem_shared>> -> memref<80x128xf32, #tpu.memory_space<vmem_shared>>
    tpu.enqueue_dma source(%arg9 : memref<80x128xf32, #tpu.memory_space<vmem>>) target(%dma_start3A_48 : memref<80x128xf32, #tpu.memory_space<vmem_shared>>) target_semaphore(%arg26 : memref<!tpu.dma_semaphore, #tpu.memory_space<semaphore_mem>>)
    %add3A_49 = arith.constant 560 : i32
    %add3A_50 = arith.addi %mul3A_7, %add3A_49 : i32
    %dma_start3A_51 = arith.constant 0 : i32
    %dma_start3A_52 = tpu.memref_slice %arg13[%add3A_50, %dma_start3A_51] : memref<10240x128xf32, #tpu.memory_space<vmem_shared>> -> memref<80x128xf32, #tpu.memory_space<vmem_shared>>
    %dma_start3A_53 = arith.constant 0 : i32
    %dma_start3A_54 = tpu.memref_slice %arg13[%add3A_50, %dma_start3A_53] : memref<10240x128xf32, #tpu.memory_space<vmem_shared>> -> memref<80x128xf32, #tpu.memory_space<vmem_shared>>
    tpu.enqueue_dma source(%arg9 : memref<80x128xf32, #tpu.memory_space<vmem>>) target(%dma_start3A_54 : memref<80x128xf32, #tpu.memory_space<vmem_shared>>) target_semaphore(%arg26 : memref<!tpu.dma_semaphore, #tpu.memory_space<semaphore_mem>>)
    %dma_start3A_55 = arith.constant 0 : i32
    %dma_start3A_56 = arith.constant 0 : i32
    %dma_start3A_57 = arith.constant 0 : i32
    %dma_start3A_58 = tpu.memref_slice %arg2[%add3A, %dma_start3A_55, %dma_start3A_56, %dma_start3A_57] : memref<32x128x2x80xi32, #tpu.memory_space<hbm>> -> memref<1x1x2x80xi32, #tpu.memory_space<hbm>>
    %dma_start3A_59 = tpu.memref_squeeze %dma_start3A_58 : memref<1x1x2x80xi32, #tpu.memory_space<hbm>> -> memref<2x80xi32, #tpu.memory_space<hbm>>
    %dma_start3A_60 = arith.constant 0 : i32
    %dma_start3A_61 = arith.constant 0 : i32
    %dma_start3A_62 = tpu.memref_slice %arg2[%add3A, %dma_start3A_55, %dma_start3A_60, %dma_start3A_61] : memref<32x128x2x80xi32, #tpu.memory_space<hbm>> -> memref<1x1x2x80xi32, #tpu.memory_space<hbm>>
    %dma_start3A_63 = tpu.memref_squeeze %dma_start3A_62 : memref<1x1x2x80xi32, #tpu.memory_space<hbm>> -> memref<2x80xi32, #tpu.memory_space<hbm>>
    tpu.enqueue_dma source(%dma_start3A_63 : memref<2x80xi32, #tpu.memory_space<hbm>>) target(%arg5 : memref<2x80xi32, #tpu.memory_space<vmem>>) target_semaphore(%arg14 : memref<!tpu.dma_semaphore, #tpu.memory_space<semaphore_mem>>)
    %dma_start3A_64 = arith.constant 1 : i32
    %dma_start3A_65 = arith.constant 0 : i32
    %dma_start3A_66 = arith.constant 0 : i32
    %dma_start3A_67 = tpu.memref_slice %arg2[%add3A, %dma_start3A_64, %dma_start3A_65, %dma_start3A_66] : memref<32x128x2x80xi32, #tpu.memory_space<hbm>> -> memref<1x1x2x80xi32, #tpu.memory_space<hbm>>
    %dma_start3A_68 = tpu.memref_squeeze %dma_start3A_67 : memref<1x1x2x80xi32, #tpu.memory_space<hbm>> -> memref<2x80xi32, #tpu.memory_space<hbm>>
    %dma_start3A_69 = arith.constant 0 : i32
    %dma_start3A_70 = arith.constant 0 : i32
    %dma_start3A_71 = tpu.memref_slice %arg2[%add3A, %dma_start3A_64, %dma_start3A_69, %dma_start3A_70] : memref<32x128x2x80xi32, #tpu.memory_space<hbm>> -> memref<1x1x2x80xi32, #tpu.memory_space<hbm>>
    %dma_start3A_72 = tpu.memref_squeeze %dma_start3A_71 : memref<1x1x2x80xi32, #tpu.memory_space<hbm>> -> memref<2x80xi32, #tpu.memory_space<hbm>>
    tpu.enqueue_dma source(%dma_start3A_72 : memref<2x80xi32, #tpu.memory_space<hbm>>) target(%arg6 : memref<2x80xi32, #tpu.memory_space<vmem>>) target_semaphore(%arg15 : memref<!tpu.dma_semaphore, #tpu.memory_space<semaphore_mem>>)
    %dma_start3A_73 = arith.constant 2 : i32
    %dma_start3A_74 = arith.constant 0 : i32
    %dma_start3A_75 = arith.constant 0 : i32
    %dma_start3A_76 = tpu.memref_slice %arg2[%add3A, %dma_start3A_73, %dma_start3A_74, %dma_start3A_75] : memref<32x128x2x80xi32, #tpu.memory_space<hbm>> -> memref<1x1x2x80xi32, #tpu.memory_space<hbm>>
    %dma_start3A_77 = tpu.memref_squeeze %dma_start3A_76 : memref<1x1x2x80xi32, #tpu.memory_space<hbm>> -> memref<2x80xi32, #tpu.memory_space<hbm>>
    %dma_start3A_78 = arith.constant 0 : i32
    %dma_start3A_79 = arith.constant 0 : i32
    %dma_start3A_80 = tpu.memref_slice %arg2[%add3A, %dma_start3A_73, %dma_start3A_78, %dma_start3A_79] : memref<32x128x2x80xi32, #tpu.memory_space<hbm>> -> memref<1x1x2x80xi32, #tpu.memory_space<hbm>>
    %dma_start3A_81 = tpu.memref_squeeze %dma_start3A_80 : memref<1x1x2x80xi32, #tpu.memory_space<hbm>> -> memref<2x80xi32, #tpu.memory_space<hbm>>
    tpu.enqueue_dma source(%dma_start3A_81 : memref<2x80xi32, #tpu.memory_space<hbm>>) target(%arg7 : memref<2x80xi32, #tpu.memory_space<vmem>>) target_semaphore(%arg16 : memref<!tpu.dma_semaphore, #tpu.memory_space<semaphore_mem>>)
    %add3A_82 = arith.constant 0 : i32
    %add3A_83 = arith.addi %mul3A_7, %add3A_82 : i32
    %dma_wait3A = arith.constant 0 : i32
    %dma_wait3A_84 = tpu.memref_slice %arg13[%add3A_83, %dma_wait3A] : memref<10240x128xf32, #tpu.memory_space<vmem_shared>> -> memref<80x128xf32, #tpu.memory_space<vmem_shared>>
    %dma_wait3A_85 = arith.constant 0 : i32
    %dma_wait3A_86 = tpu.memref_slice %arg13[%add3A_83, %dma_wait3A_85] : memref<10240x128xf32, #tpu.memory_space<vmem_shared>> -> memref<80x128xf32, #tpu.memory_space<vmem_shared>>
    tpu.wait_dma2 semaphore(%arg26 : memref<!tpu.dma_semaphore, #tpu.memory_space<semaphore_mem>>) src(%arg9 : memref<80x128xf32, #tpu.memory_space<vmem>>) dst(%dma_wait3A_86 : memref<80x128xf32, #tpu.memory_space<vmem_shared>>)
    %add3A_87 = arith.constant 80 : i32
    %add3A_88 = arith.addi %mul3A_7, %add3A_87 : i32
    %dma_wait3A_89 = arith.constant 0 : i32
    %dma_wait3A_90 = tpu.memref_slice %arg13[%add3A_88, %dma_wait3A_89] : memref<10240x128xf32, #tpu.memory_space<vmem_shared>> -> memref<80x128xf32, #tpu.memory_space<vmem_shared>>
    %dma_wait3A_91 = arith.constant 0 : i32
    %dma_wait3A_92 = tpu.memref_slice %arg13[%add3A_88, %dma_wait3A_91] : memref<10240x128xf32, #tpu.memory_space<vmem_shared>> -> memref<80x128xf32, #tpu.memory_space<vmem_shared>>
    tpu.wait_dma2 semaphore(%arg26 : memref<!tpu.dma_semaphore, #tpu.memory_space<semaphore_mem>>) src(%arg9 : memref<80x128xf32, #tpu.memory_space<vmem>>) dst(%dma_wait3A_92 : memref<80x128xf32, #tpu.memory_space<vmem_shared>>)
    %add3A_93 = arith.constant 160 : i32
    %add3A_94 = arith.addi %mul3A_7, %add3A_93 : i32
    %dma_wait3A_95 = arith.constant 0 : i32
    %dma_wait3A_96 = tpu.memref_slice %arg13[%add3A_94, %dma_wait3A_95] : memref<10240x128xf32, #tpu.memory_space<vmem_shared>> -> memref<80x128xf32, #tpu.memory_space<vmem_shared>>
    %dma_wait3A_97 = arith.constant 0 : i32
    %dma_wait3A_98 = tpu.memref_slice %arg13[%add3A_94, %dma_wait3A_97] : memref<10240x128xf32, #tpu.memory_space<vmem_shared>> -> memref<80x128xf32, #tpu.memory_space<vmem_shared>>
    tpu.wait_dma2 semaphore(%arg26 : memref<!tpu.dma_semaphore, #tpu.memory_space<semaphore_mem>>) src(%arg9 : memref<80x128xf32, #tpu.memory_space<vmem>>) dst(%dma_wait3A_98 : memref<80x128xf32, #tpu.memory_space<vmem_shared>>)
    %add3A_99 = arith.constant 240 : i32
    %add3A_100 = arith.addi %mul3A_7, %add3A_99 : i32
    %dma_wait3A_101 = arith.constant 0 : i32
    %dma_wait3A_102 = tpu.memref_slice %arg13[%add3A_100, %dma_wait3A_101] : memref<10240x128xf32, #tpu.memory_space<vmem_shared>> -> memref<80x128xf32, #tpu.memory_space<vmem_shared>>
    %dma_wait3A_103 = arith.constant 0 : i32
    %dma_wait3A_104 = tpu.memref_slice %arg13[%add3A_100, %dma_wait3A_103] : memref<10240x128xf32, #tpu.memory_space<vmem_shared>> -> memref<80x128xf32, #tpu.memory_space<vmem_shared>>
    tpu.wait_dma2 semaphore(%arg26 : memref<!tpu.dma_semaphore, #tpu.memory_space<semaphore_mem>>) src(%arg9 : memref<80x128xf32, #tpu.memory_space<vmem>>) dst(%dma_wait3A_104 : memref<80x128xf32, #tpu.memory_space<vmem_shared>>)
    %add3A_105 = arith.constant 320 : i32
    %add3A_106 = arith.addi %mul3A_7, %add3A_105 : i32
    %dma_wait3A_107 = arith.constant 0 : i32
    %dma_wait3A_108 = tpu.memref_slice %arg13[%add3A_106, %dma_wait3A_107] : memref<10240x128xf32, #tpu.memory_space<vmem_shared>> -> memref<80x128xf32, #tpu.memory_space<vmem_shared>>
    %dma_wait3A_109 = arith.constant 0 : i32
    %dma_wait3A_110 = tpu.memref_slice %arg13[%add3A_106, %dma_wait3A_109] : memref<10240x128xf32, #tpu.memory_space<vmem_shared>> -> memref<80x128xf32, #tpu.memory_space<vmem_shared>>
    tpu.wait_dma2 semaphore(%arg26 : memref<!tpu.dma_semaphore, #tpu.memory_space<semaphore_mem>>) src(%arg9 : memref<80x128xf32, #tpu.memory_space<vmem>>) dst(%dma_wait3A_110 : memref<80x128xf32, #tpu.memory_space<vmem_shared>>)
    %add3A_111 = arith.constant 400 : i32
    %add3A_112 = arith.addi %mul3A_7, %add3A_111 : i32
    %dma_wait3A_113 = arith.constant 0 : i32
    %dma_wait3A_114 = tpu.memref_slice %arg13[%add3A_112, %dma_wait3A_113] : memref<10240x128xf32, #tpu.memory_space<vmem_shared>> -> memref<80x128xf32, #tpu.memory_space<vmem_shared>>
    %dma_wait3A_115 = arith.constant 0 : i32
    %dma_wait3A_116 = tpu.memref_slice %arg13[%add3A_112, %dma_wait3A_115] : memref<10240x128xf32, #tpu.memory_space<vmem_shared>> -> memref<80x128xf32, #tpu.memory_space<vmem_shared>>
    tpu.wait_dma2 semaphore(%arg26 : memref<!tpu.dma_semaphore, #tpu.memory_space<semaphore_mem>>) src(%arg9 : memref<80x128xf32, #tpu.memory_space<vmem>>) dst(%dma_wait3A_116 : memref<80x128xf32, #tpu.memory_space<vmem_shared>>)
    %add3A_117 = arith.constant 480 : i32
    %add3A_118 = arith.addi %mul3A_7, %add3A_117 : i32
    %dma_wait3A_119 = arith.constant 0 : i32
    %dma_wait3A_120 = tpu.memref_slice %arg13[%add3A_118, %dma_wait3A_119] : memref<10240x128xf32, #tpu.memory_space<vmem_shared>> -> memref<80x128xf32, #tpu.memory_space<vmem_shared>>
    %dma_wait3A_121 = arith.constant 0 : i32
    %dma_wait3A_122 = tpu.memref_slice %arg13[%add3A_118, %dma_wait3A_121] : memref<10240x128xf32, #tpu.memory_space<vmem_shared>> -> memref<80x128xf32, #tpu.memory_space<vmem_shared>>
    tpu.wait_dma2 semaphore(%arg26 : memref<!tpu.dma_semaphore, #tpu.memory_space<semaphore_mem>>) src(%arg9 : memref<80x128xf32, #tpu.memory_space<vmem>>) dst(%dma_wait3A_122 : memref<80x128xf32, #tpu.memory_space<vmem_shared>>)
    %add3A_123 = arith.constant 560 : i32
    %add3A_124 = arith.addi %mul3A_7, %add3A_123 : i32
    %dma_wait3A_125 = arith.constant 0 : i32
    %dma_wait3A_126 = tpu.memref_slice %arg13[%add3A_124, %dma_wait3A_125] : memref<10240x128xf32, #tpu.memory_space<vmem_shared>> -> memref<80x128xf32, #tpu.memory_space<vmem_shared>>
    %dma_wait3A_127 = arith.constant 0 : i32
    %dma_wait3A_128 = tpu.memref_slice %arg13[%add3A_124, %dma_wait3A_127] : memref<10240x128xf32, #tpu.memory_space<vmem_shared>> -> memref<80x128xf32, #tpu.memory_space<vmem_shared>>
    tpu.wait_dma2 semaphore(%arg26 : memref<!tpu.dma_semaphore, #tpu.memory_space<semaphore_mem>>) src(%arg9 : memref<80x128xf32, #tpu.memory_space<vmem>>) dst(%dma_wait3A_128 : memref<80x128xf32, #tpu.memory_space<vmem_shared>>)
    %barrier3A = arith.constant 0 : index
    tpu.barrier barrier_id(%barrier3A)
    %dma_wait3A_129 = arith.constant 0 : i32
    %dma_wait3A_130 = arith.constant 0 : i32
    %dma_wait3A_131 = arith.constant 0 : i32
    %dma_wait3A_132 = tpu.memref_slice %arg2[%add3A, %dma_wait3A_129, %dma_wait3A_130, %dma_wait3A_131] : memref<32x128x2x80xi32, #tpu.memory_space<hbm>> -> memref<1x1x2x80xi32, #tpu.memory_space<hbm>>
    %dma_wait3A_133 = tpu.memref_squeeze %dma_wait3A_132 : memref<1x1x2x80xi32, #tpu.memory_space<hbm>> -> memref<2x80xi32, #tpu.memory_space<hbm>>
    %dma_wait3A_134 = arith.constant 0 : i32
    %dma_wait3A_135 = arith.constant 0 : i32
    %dma_wait3A_136 = tpu.memref_slice %arg2[%add3A, %dma_wait3A_129, %dma_wait3A_134, %dma_wait3A_135] : memref<32x128x2x80xi32, #tpu.memory_space<hbm>> -> memref<1x1x2x80xi32, #tpu.memory_space<hbm>>
    %dma_wait3A_137 = tpu.memref_squeeze %dma_wait3A_136 : memref<1x1x2x80xi32, #tpu.memory_space<hbm>> -> memref<2x80xi32, #tpu.memory_space<hbm>>
    tpu.wait_dma2 semaphore(%arg14 : memref<!tpu.dma_semaphore, #tpu.memory_space<semaphore_mem>>) src(%dma_wait3A_137 : memref<2x80xi32, #tpu.memory_space<hbm>>) dst(%arg5 : memref<2x80xi32, #tpu.memory_space<vmem>>)
    %dma_start3A_138 = arith.constant 0 : i32
    %dma_start3A_139 = arith.constant 0 : i32
    %dma_start3A_140 = tpu.memref_slice %arg5[%dma_start3A_138, %dma_start3A_139] : memref<2x80xi32, #tpu.memory_space<vmem>> -> memref<1x80xi32, #tpu.memory_space<vmem>>
    %dma_start3A_141 = tpu.memref_squeeze %dma_start3A_140 : memref<1x80xi32, #tpu.memory_space<vmem>> -> memref<80xi32, #tpu.memory_space<vmem>>
    %dma_start3A_142 = arith.constant 0 : i32
    %dma_start3A_143 = arith.constant 0 : i32
    %dma_start3A_144 = tpu.memref_slice %arg3[%dma_start3A_142, %dma_start3A_143] : memref<10000x128xf32, #tpu.memory_space<hbm>> -> memref<10000x128xf32, #tpu.memory_space<hbm>>
    tpu.enqueue_indirect_dma source(%dma_start3A_144 : memref<10000x128xf32, #tpu.memory_space<hbm>>) target(%arg9 : memref<80x128xf32, #tpu.memory_space<vmem>>) offsets(%dma_start3A_141 : memref<80xi32, #tpu.memory_space<vmem>>) semaphore(%arg18 : memref<!tpu.dma_semaphore, #tpu.memory_space<semaphore_mem>>)
    %dma_wait3A_145 = arith.constant 1 : i32
    %dma_wait3A_146 = arith.constant 0 : i32
    %dma_wait3A_147 = arith.constant 0 : i32
    %dma_wait3A_148 = tpu.memref_slice %arg2[%add3A, %dma_wait3A_145, %dma_wait3A_146, %dma_wait3A_147] : memref<32x128x2x80xi32, #tpu.memory_space<hbm>> -> memref<1x1x2x80xi32, #tpu.memory_space<hbm>>
    %dma_wait3A_149 = tpu.memref_squeeze %dma_wait3A_148 : memref<1x1x2x80xi32, #tpu.memory_space<hbm>> -> memref<2x80xi32, #tpu.memory_space<hbm>>
    %dma_wait3A_150 = arith.constant 0 : i32
    %dma_wait3A_151 = arith.constant 0 : i32
    %dma_wait3A_152 = tpu.memref_slice %arg2[%add3A, %dma_wait3A_145, %dma_wait3A_150, %dma_wait3A_151] : memref<32x128x2x80xi32, #tpu.memory_space<hbm>> -> memref<1x1x2x80xi32, #tpu.memory_space<hbm>>
    %dma_wait3A_153 = tpu.memref_squeeze %dma_wait3A_152 : memref<1x1x2x80xi32, #tpu.memory_space<hbm>> -> memref<2x80xi32, #tpu.memory_space<hbm>>
    tpu.wait_dma2 semaphore(%arg15 : memref<!tpu.dma_semaphore, #tpu.memory_space<semaphore_mem>>) src(%dma_wait3A_153 : memref<2x80xi32, #tpu.memory_space<hbm>>) dst(%arg6 : memref<2x80xi32, #tpu.memory_space<vmem>>)
    %dma_start3A_154 = arith.constant 0 : i32
    %dma_start3A_155 = arith.constant 0 : i32
    %dma_start3A_156 = tpu.memref_slice %arg6[%dma_start3A_154, %dma_start3A_155] : memref<2x80xi32, #tpu.memory_space<vmem>> -> memref<1x80xi32, #tpu.memory_space<vmem>>
    %dma_start3A_157 = tpu.memref_squeeze %dma_start3A_156 : memref<1x80xi32, #tpu.memory_space<vmem>> -> memref<80xi32, #tpu.memory_space<vmem>>
    %dma_start3A_158 = arith.constant 0 : i32
    %dma_start3A_159 = arith.constant 0 : i32
    %dma_start3A_160 = tpu.memref_slice %arg3[%dma_start3A_158, %dma_start3A_159] : memref<10000x128xf32, #tpu.memory_space<hbm>> -> memref<10000x128xf32, #tpu.memory_space<hbm>>
    tpu.enqueue_indirect_dma source(%dma_start3A_160 : memref<10000x128xf32, #tpu.memory_space<hbm>>) target(%arg10 : memref<80x128xf32, #tpu.memory_space<vmem>>) offsets(%dma_start3A_157 : memref<80xi32, #tpu.memory_space<vmem>>) semaphore(%arg19 : memref<!tpu.dma_semaphore, #tpu.memory_space<semaphore_mem>>)
    %scan3A_161 = arith.constant 0 : i32
    %scan3A_162 = arith.constant 0 : i32
    %scan3A_163 = arith.constant 32 : i32
    %scan3A_164 = arith.addi %scan3A_162, %scan3A_163 : i32
    %scan3A_165 = arith.constant 1 : i32
    scf.for %scan3A_177 = %scan3A_162 to %scan3A_164 step %scan3A_165  : i32 {
      %mul3A_178 = arith.constant 4 : i32
      %mul3A_179 = arith.muli %scan3A_177, %mul3A_178 : i32
      %add3A_180 = arith.constant 0 : i32
      %add3A_181 = arith.addi %mul3A_179, %add3A_180 : i32
      %ge3A = arith.constant 1 : i32
      %ge3A_182 = arith.cmpi sge, %add3A_181, %ge3A : i32
      %convert_element_type3A = arith.extui %ge3A_182 : i1 to i32
      %cond3A = arith.constant 0 : i32
      %cond3A_183 = arith.cmpi ne, %convert_element_type3A, %cond3A : i32
      scf.if %cond3A_183 {
        %dma_wait3A_337 = arith.constant 1 : i32
        %dma_wait3A_338 = arith.constant 0 : i32
        %dma_wait3A_339 = tpu.memref_slice %arg8[%dma_wait3A_337, %dma_wait3A_338] : memref<2x80xi32, #tpu.memory_space<vmem>> -> memref<1x80xi32, #tpu.memory_space<vmem>>
        %dma_wait3A_340 = tpu.memref_squeeze %dma_wait3A_339 : memref<1x80xi32, #tpu.memory_space<vmem>> -> memref<80xi32, #tpu.memory_space<vmem>>
        %dma_wait3A_341 = arith.constant 0 : i32
        %dma_wait3A_342 = arith.constant 0 : i32
        %dma_wait3A_343 = tpu.memref_slice %arg13[%dma_wait3A_341, %dma_wait3A_342] : memref<10240x128xf32, #tpu.memory_space<vmem_shared>> -> memref<10240x128xf32, #tpu.memory_space<vmem_shared>>
        tpu.wait_indirect_dma semaphore(%arg25 : memref<!tpu.dma_semaphore, #tpu.memory_space<semaphore_mem>>) src(%arg12 : memref<80x128xf32, #tpu.memory_space<vmem>>) dst(%dma_wait3A_343 : memref<10240x128xf32, #tpu.memory_space<vmem_shared>>)
      } else {
      }
      %add3A_184 = arith.constant 4 : i32
      %add3A_185 = arith.addi %add3A_181, %add3A_184 : i32
      %sub3A = arith.constant 1 : i32
      %sub3A_186 = arith.subi %add3A_185, %sub3A : i32
      %lt3A = arith.constant 128 : i32
      %lt3A_187 = arith.cmpi slt, %sub3A_186, %lt3A : i32
      %convert_element_type3A_188 = arith.extui %lt3A_187 : i1 to i32
      %cond3A_189 = arith.constant 0 : i32
      %cond3A_190 = arith.cmpi ne, %convert_element_type3A_188, %cond3A_189 : i32
      scf.if %cond3A_190 {
        %add3A_337 = arith.constant 4 : i32
        %add3A_338 = arith.addi %add3A_181, %add3A_337 : i32
        %sub3A_339 = arith.constant 1 : i32
        %sub3A_340 = arith.subi %add3A_338, %sub3A_339 : i32
        %dma_start3A_341 = arith.constant 0 : i32
        %dma_start3A_342 = arith.constant 0 : i32
        %dma_start3A_343 = tpu.memref_slice %arg2[%add3A, %sub3A_340, %dma_start3A_341, %dma_start3A_342] : memref<32x128x2x80xi32, #tpu.memory_space<hbm>> -> memref<1x1x2x80xi32, #tpu.memory_space<hbm>>
        %dma_start3A_344 = tpu.memref_squeeze %dma_start3A_343 : memref<1x1x2x80xi32, #tpu.memory_space<hbm>> -> memref<2x80xi32, #tpu.memory_space<hbm>>
        %dma_start3A_345 = arith.constant 0 : i32
        %dma_start3A_346 = arith.constant 0 : i32
        %dma_start3A_347 = tpu.memref_slice %arg2[%add3A, %sub3A_340, %dma_start3A_345, %dma_start3A_346] : memref<32x128x2x80xi32, #tpu.memory_space<hbm>> -> memref<1x1x2x80xi32, #tpu.memory_space<hbm>>
        %dma_start3A_348 = tpu.memref_squeeze %dma_start3A_347 : memref<1x1x2x80xi32, #tpu.memory_space<hbm>> -> memref<2x80xi32, #tpu.memory_space<hbm>>
        tpu.enqueue_dma source(%dma_start3A_348 : memref<2x80xi32, #tpu.memory_space<hbm>>) target(%arg8 : memref<2x80xi32, #tpu.memory_space<vmem>>) target_semaphore(%arg17 : memref<!tpu.dma_semaphore, #tpu.memory_space<semaphore_mem>>)
      } else {
      }
      %add3A_191 = arith.constant 4 : i32
      %add3A_192 = arith.addi %add3A_181, %add3A_191 : i32
      %sub3A_193 = arith.constant 2 : i32
      %sub3A_194 = arith.subi %add3A_192, %sub3A_193 : i32
      %lt3A_195 = arith.constant 128 : i32
      %lt3A_196 = arith.cmpi slt, %sub3A_194, %lt3A_195 : i32
      %convert_element_type3A_197 = arith.extui %lt3A_196 : i1 to i32
      %cond3A_198 = arith.constant 0 : i32
      %cond3A_199 = arith.cmpi ne, %convert_element_type3A_197, %cond3A_198 : i32
      scf.if %cond3A_199 {
        %dma_wait3A_337 = arith.constant 0 : i32
        %dma_wait3A_338 = arith.constant 0 : i32
        %dma_wait3A_339 = arith.constant 0 : i32
        %dma_wait3A_340 = tpu.memref_slice %arg2[%add3A, %dma_wait3A_337, %dma_wait3A_338, %dma_wait3A_339] : memref<32x128x2x80xi32, #tpu.memory_space<hbm>> -> memref<1x1x2x80xi32, #tpu.memory_space<hbm>>
        %dma_wait3A_341 = tpu.memref_squeeze %dma_wait3A_340 : memref<1x1x2x80xi32, #tpu.memory_space<hbm>> -> memref<2x80xi32, #tpu.memory_space<hbm>>
        %dma_wait3A_342 = arith.constant 0 : i32
        %dma_wait3A_343 = arith.constant 0 : i32
        %dma_wait3A_344 = tpu.memref_slice %arg2[%add3A, %dma_wait3A_337, %dma_wait3A_342, %dma_wait3A_343] : memref<32x128x2x80xi32, #tpu.memory_space<hbm>> -> memref<1x1x2x80xi32, #tpu.memory_space<hbm>>
        %dma_wait3A_345 = tpu.memref_squeeze %dma_wait3A_344 : memref<1x1x2x80xi32, #tpu.memory_space<hbm>> -> memref<2x80xi32, #tpu.memory_space<hbm>>
        tpu.wait_dma2 semaphore(%arg16 : memref<!tpu.dma_semaphore, #tpu.memory_space<semaphore_mem>>) src(%dma_wait3A_345 : memref<2x80xi32, #tpu.memory_space<hbm>>) dst(%arg7 : memref<2x80xi32, #tpu.memory_space<vmem>>)
        %dma_start3A_346 = arith.constant 0 : i32
        %dma_start3A_347 = arith.constant 0 : i32
        %dma_start3A_348 = tpu.memref_slice %arg7[%dma_start3A_346, %dma_start3A_347] : memref<2x80xi32, #tpu.memory_space<vmem>> -> memref<1x80xi32, #tpu.memory_space<vmem>>
        %dma_start3A_349 = tpu.memref_squeeze %dma_start3A_348 : memref<1x80xi32, #tpu.memory_space<vmem>> -> memref<80xi32, #tpu.memory_space<vmem>>
        %dma_start3A_350 = arith.constant 0 : i32
        %dma_start3A_351 = arith.constant 0 : i32
        %dma_start3A_352 = tpu.memref_slice %arg3[%dma_start3A_350, %dma_start3A_351] : memref<10000x128xf32, #tpu.memory_space<hbm>> -> memref<10000x128xf32, #tpu.memory_space<hbm>>
        tpu.enqueue_indirect_dma source(%dma_start3A_352 : memref<10000x128xf32, #tpu.memory_space<hbm>>) target(%arg11 : memref<80x128xf32, #tpu.memory_space<vmem>>) offsets(%dma_start3A_349 : memref<80xi32, #tpu.memory_space<vmem>>) semaphore(%arg20 : memref<!tpu.dma_semaphore, #tpu.memory_space<semaphore_mem>>)
      } else {
      }
      %dma_wait3A_200 = arith.constant 0 : i32
      %dma_wait3A_201 = arith.constant 0 : i32
      %dma_wait3A_202 = tpu.memref_slice %arg5[%dma_wait3A_200, %dma_wait3A_201] : memref<2x80xi32, #tpu.memory_space<vmem>> -> memref<1x80xi32, #tpu.memory_space<vmem>>
      %dma_wait3A_203 = tpu.memref_squeeze %dma_wait3A_202 : memref<1x80xi32, #tpu.memory_space<vmem>> -> memref<80xi32, #tpu.memory_space<vmem>>
      %dma_wait3A_204 = arith.constant 0 : i32
      %dma_wait3A_205 = arith.constant 0 : i32
      %dma_wait3A_206 = tpu.memref_slice %arg3[%dma_wait3A_204, %dma_wait3A_205] : memref<10000x128xf32, #tpu.memory_space<hbm>> -> memref<10000x128xf32, #tpu.memory_space<hbm>>
      tpu.wait_indirect_dma semaphore(%arg18 : memref<!tpu.dma_semaphore, #tpu.memory_space<semaphore_mem>>) src(%dma_wait3A_206 : memref<10000x128xf32, #tpu.memory_space<hbm>>) dst(%arg9 : memref<80x128xf32, #tpu.memory_space<vmem>>)
      %dma_start3A_207 = arith.constant 1 : i32
      %dma_start3A_208 = arith.constant 0 : i32
      %dma_start3A_209 = tpu.memref_slice %arg5[%dma_start3A_207, %dma_start3A_208] : memref<2x80xi32, #tpu.memory_space<vmem>> -> memref<1x80xi32, #tpu.memory_space<vmem>>
      %dma_start3A_210 = tpu.memref_squeeze %dma_start3A_209 : memref<1x80xi32, #tpu.memory_space<vmem>> -> memref<80xi32, #tpu.memory_space<vmem>>
      %dma_start3A_211 = arith.constant 0 : i32
      %dma_start3A_212 = arith.constant 0 : i32
      %dma_start3A_213 = tpu.memref_slice %arg13[%dma_start3A_211, %dma_start3A_212] : memref<10240x128xf32, #tpu.memory_space<vmem_shared>> -> memref<10240x128xf32, #tpu.memory_space<vmem_shared>>
      tpu.enqueue_indirect_dma source(%arg9 : memref<80x128xf32, #tpu.memory_space<vmem>>) target(%dma_start3A_213 : memref<10240x128xf32, #tpu.memory_space<vmem_shared>>) offsets(%dma_start3A_210 : memref<80xi32, #tpu.memory_space<vmem>>) semaphore(%arg22 : memref<!tpu.dma_semaphore, #tpu.memory_space<semaphore_mem>>) {add = true}
      %mul3A_214 = arith.constant 4 : i32
      %mul3A_215 = arith.muli %scan3A_177, %mul3A_214 : i32
      %add3A_216 = arith.constant 1 : i32
      %add3A_217 = arith.addi %mul3A_215, %add3A_216 : i32
      %ge3A_218 = arith.constant 1 : i32
      %ge3A_219 = arith.cmpi sge, %add3A_217, %ge3A_218 : i32
      %convert_element_type3A_220 = arith.extui %ge3A_219 : i1 to i32
      %cond3A_221 = arith.constant 0 : i32
      %cond3A_222 = arith.cmpi ne, %convert_element_type3A_220, %cond3A_221 : i32
      scf.if %cond3A_222 {
        %dma_wait3A_337 = arith.constant 1 : i32
        %dma_wait3A_338 = arith.constant 0 : i32
        %dma_wait3A_339 = tpu.memref_slice %arg5[%dma_wait3A_337, %dma_wait3A_338] : memref<2x80xi32, #tpu.memory_space<vmem>> -> memref<1x80xi32, #tpu.memory_space<vmem>>
        %dma_wait3A_340 = tpu.memref_squeeze %dma_wait3A_339 : memref<1x80xi32, #tpu.memory_space<vmem>> -> memref<80xi32, #tpu.memory_space<vmem>>
        %dma_wait3A_341 = arith.constant 0 : i32
        %dma_wait3A_342 = arith.constant 0 : i32
        %dma_wait3A_343 = tpu.memref_slice %arg13[%dma_wait3A_341, %dma_wait3A_342] : memref<10240x128xf32, #tpu.memory_space<vmem_shared>> -> memref<10240x128xf32, #tpu.memory_space<vmem_shared>>
        tpu.wait_indirect_dma semaphore(%arg22 : memref<!tpu.dma_semaphore, #tpu.memory_space<semaphore_mem>>) src(%arg9 : memref<80x128xf32, #tpu.memory_space<vmem>>) dst(%dma_wait3A_343 : memref<10240x128xf32, #tpu.memory_space<vmem_shared>>)
      } else {
      }
      %add3A_223 = arith.constant 4 : i32
      %add3A_224 = arith.addi %add3A_217, %add3A_223 : i32
      %sub3A_225 = arith.constant 1 : i32
      %sub3A_226 = arith.subi %add3A_224, %sub3A_225 : i32
      %lt3A_227 = arith.constant 128 : i32
      %lt3A_228 = arith.cmpi slt, %sub3A_226, %lt3A_227 : i32
      %convert_element_type3A_229 = arith.extui %lt3A_228 : i1 to i32
      %cond3A_230 = arith.constant 0 : i32
      %cond3A_231 = arith.cmpi ne, %convert_element_type3A_229, %cond3A_230 : i32
      scf.if %cond3A_231 {
        %add3A_337 = arith.constant 4 : i32
        %add3A_338 = arith.addi %add3A_217, %add3A_337 : i32
        %sub3A_339 = arith.constant 1 : i32
        %sub3A_340 = arith.subi %add3A_338, %sub3A_339 : i32
        %dma_start3A_341 = arith.constant 0 : i32
        %dma_start3A_342 = arith.constant 0 : i32
        %dma_start3A_343 = tpu.memref_slice %arg2[%add3A, %sub3A_340, %dma_start3A_341, %dma_start3A_342] : memref<32x128x2x80xi32, #tpu.memory_space<hbm>> -> memref<1x1x2x80xi32, #tpu.memory_space<hbm>>
        %dma_start3A_344 = tpu.memref_squeeze %dma_start3A_343 : memref<1x1x2x80xi32, #tpu.memory_space<hbm>> -> memref<2x80xi32, #tpu.memory_space<hbm>>
        %dma_start3A_345 = arith.constant 0 : i32
        %dma_start3A_346 = arith.constant 0 : i32
        %dma_start3A_347 = tpu.memref_slice %arg2[%add3A, %sub3A_340, %dma_start3A_345, %dma_start3A_346] : memref<32x128x2x80xi32, #tpu.memory_space<hbm>> -> memref<1x1x2x80xi32, #tpu.memory_space<hbm>>
        %dma_start3A_348 = tpu.memref_squeeze %dma_start3A_347 : memref<1x1x2x80xi32, #tpu.memory_space<hbm>> -> memref<2x80xi32, #tpu.memory_space<hbm>>
        tpu.enqueue_dma source(%dma_start3A_348 : memref<2x80xi32, #tpu.memory_space<hbm>>) target(%arg5 : memref<2x80xi32, #tpu.memory_space<vmem>>) target_semaphore(%arg14 : memref<!tpu.dma_semaphore, #tpu.memory_space<semaphore_mem>>)
      } else {
      }
      %add3A_232 = arith.constant 4 : i32
      %add3A_233 = arith.addi %add3A_217, %add3A_232 : i32
      %sub3A_234 = arith.constant 2 : i32
      %sub3A_235 = arith.subi %add3A_233, %sub3A_234 : i32
      %lt3A_236 = arith.constant 128 : i32
      %lt3A_237 = arith.cmpi slt, %sub3A_235, %lt3A_236 : i32
      %convert_element_type3A_238 = arith.extui %lt3A_237 : i1 to i32
      %cond3A_239 = arith.constant 0 : i32
      %cond3A_240 = arith.cmpi ne, %convert_element_type3A_238, %cond3A_239 : i32
      scf.if %cond3A_240 {
        %dma_wait3A_337 = arith.constant 0 : i32
        %dma_wait3A_338 = arith.constant 0 : i32
        %dma_wait3A_339 = arith.constant 0 : i32
        %dma_wait3A_340 = tpu.memref_slice %arg2[%add3A, %dma_wait3A_337, %dma_wait3A_338, %dma_wait3A_339] : memref<32x128x2x80xi32, #tpu.memory_space<hbm>> -> memref<1x1x2x80xi32, #tpu.memory_space<hbm>>
        %dma_wait3A_341 = tpu.memref_squeeze %dma_wait3A_340 : memref<1x1x2x80xi32, #tpu.memory_space<hbm>> -> memref<2x80xi32, #tpu.memory_space<hbm>>
        %dma_wait3A_342 = arith.constant 0 : i32
        %dma_wait3A_343 = arith.constant 0 : i32
        %dma_wait3A_344 = tpu.memref_slice %arg2[%add3A, %dma_wait3A_337, %dma_wait3A_342, %dma_wait3A_343] : memref<32x128x2x80xi32, #tpu.memory_space<hbm>> -> memref<1x1x2x80xi32, #tpu.memory_space<hbm>>
        %dma_wait3A_345 = tpu.memref_squeeze %dma_wait3A_344 : memref<1x1x2x80xi32, #tpu.memory_space<hbm>> -> memref<2x80xi32, #tpu.memory_space<hbm>>
        tpu.wait_dma2 semaphore(%arg17 : memref<!tpu.dma_semaphore, #tpu.memory_space<semaphore_mem>>) src(%dma_wait3A_345 : memref<2x80xi32, #tpu.memory_space<hbm>>) dst(%arg8 : memref<2x80xi32, #tpu.memory_space<vmem>>)
        %dma_start3A_346 = arith.constant 0 : i32
        %dma_start3A_347 = arith.constant 0 : i32
        %dma_start3A_348 = tpu.memref_slice %arg8[%dma_start3A_346, %dma_start3A_347] : memref<2x80xi32, #tpu.memory_space<vmem>> -> memref<1x80xi32, #tpu.memory_space<vmem>>
        %dma_start3A_349 = tpu.memref_squeeze %dma_start3A_348 : memref<1x80xi32, #tpu.memory_space<vmem>> -> memref<80xi32, #tpu.memory_space<vmem>>
        %dma_start3A_350 = arith.constant 0 : i32
        %dma_start3A_351 = arith.constant 0 : i32
        %dma_start3A_352 = tpu.memref_slice %arg3[%dma_start3A_350, %dma_start3A_351] : memref<10000x128xf32, #tpu.memory_space<hbm>> -> memref<10000x128xf32, #tpu.memory_space<hbm>>
        tpu.enqueue_indirect_dma source(%dma_start3A_352 : memref<10000x128xf32, #tpu.memory_space<hbm>>) target(%arg12 : memref<80x128xf32, #tpu.memory_space<vmem>>) offsets(%dma_start3A_349 : memref<80xi32, #tpu.memory_space<vmem>>) semaphore(%arg21 : memref<!tpu.dma_semaphore, #tpu.memory_space<semaphore_mem>>)
      } else {
      }
      %dma_wait3A_241 = arith.constant 0 : i32
      %dma_wait3A_242 = arith.constant 0 : i32
      %dma_wait3A_243 = tpu.memref_slice %arg6[%dma_wait3A_241, %dma_wait3A_242] : memref<2x80xi32, #tpu.memory_space<vmem>> -> memref<1x80xi32, #tpu.memory_space<vmem>>
      %dma_wait3A_244 = tpu.memref_squeeze %dma_wait3A_243 : memref<1x80xi32, #tpu.memory_space<vmem>> -> memref<80xi32, #tpu.memory_space<vmem>>
      %dma_wait3A_245 = arith.constant 0 : i32
      %dma_wait3A_246 = arith.constant 0 : i32
      %dma_wait3A_247 = tpu.memref_slice %arg3[%dma_wait3A_245, %dma_wait3A_246] : memref<10000x128xf32, #tpu.memory_space<hbm>> -> memref<10000x128xf32, #tpu.memory_space<hbm>>
      tpu.wait_indirect_dma semaphore(%arg19 : memref<!tpu.dma_semaphore, #tpu.memory_space<semaphore_mem>>) src(%dma_wait3A_247 : memref<10000x128xf32, #tpu.memory_space<hbm>>) dst(%arg10 : memref<80x128xf32, #tpu.memory_space<vmem>>)
      %dma_start3A_248 = arith.constant 1 : i32
      %dma_start3A_249 = arith.constant 0 : i32
      %dma_start3A_250 = tpu.memref_slice %arg6[%dma_start3A_248, %dma_start3A_249] : memref<2x80xi32, #tpu.memory_space<vmem>> -> memref<1x80xi32, #tpu.memory_space<vmem>>
      %dma_start3A_251 = tpu.memref_squeeze %dma_start3A_250 : memref<1x80xi32, #tpu.memory_space<vmem>> -> memref<80xi32, #tpu.memory_space<vmem>>
      %dma_start3A_252 = arith.constant 0 : i32
      %dma_start3A_253 = arith.constant 0 : i32
      %dma_start3A_254 = tpu.memref_slice %arg13[%dma_start3A_252, %dma_start3A_253] : memref<10240x128xf32, #tpu.memory_space<vmem_shared>> -> memref<10240x128xf32, #tpu.memory_space<vmem_shared>>
      tpu.enqueue_indirect_dma source(%arg10 : memref<80x128xf32, #tpu.memory_space<vmem>>) target(%dma_start3A_254 : memref<10240x128xf32, #tpu.memory_space<vmem_shared>>) offsets(%dma_start3A_251 : memref<80xi32, #tpu.memory_space<vmem>>) semaphore(%arg23 : memref<!tpu.dma_semaphore, #tpu.memory_space<semaphore_mem>>) {add = true}
      %mul3A_255 = arith.constant 4 : i32
      %mul3A_256 = arith.muli %scan3A_177, %mul3A_255 : i32
      %add3A_257 = arith.constant 2 : i32
      %add3A_258 = arith.addi %mul3A_256, %add3A_257 : i32
      %ge3A_259 = arith.constant 1 : i32
      %ge3A_260 = arith.cmpi sge, %add3A_258, %ge3A_259 : i32
      %convert_element_type3A_261 = arith.extui %ge3A_260 : i1 to i32
      %cond3A_262 = arith.constant 0 : i32
      %cond3A_263 = arith.cmpi ne, %convert_element_type3A_261, %cond3A_262 : i32
      scf.if %cond3A_263 {
        %dma_wait3A_337 = arith.constant 1 : i32
        %dma_wait3A_338 = arith.constant 0 : i32
        %dma_wait3A_339 = tpu.memref_slice %arg6[%dma_wait3A_337, %dma_wait3A_338] : memref<2x80xi32, #tpu.memory_space<vmem>> -> memref<1x80xi32, #tpu.memory_space<vmem>>
        %dma_wait3A_340 = tpu.memref_squeeze %dma_wait3A_339 : memref<1x80xi32, #tpu.memory_space<vmem>> -> memref<80xi32, #tpu.memory_space<vmem>>
        %dma_wait3A_341 = arith.constant 0 : i32
        %dma_wait3A_342 = arith.constant 0 : i32
        %dma_wait3A_343 = tpu.memref_slice %arg13[%dma_wait3A_341, %dma_wait3A_342] : memref<10240x128xf32, #tpu.memory_space<vmem_shared>> -> memref<10240x128xf32, #tpu.memory_space<vmem_shared>>
        tpu.wait_indirect_dma semaphore(%arg23 : memref<!tpu.dma_semaphore, #tpu.memory_space<semaphore_mem>>) src(%arg10 : memref<80x128xf32, #tpu.memory_space<vmem>>) dst(%dma_wait3A_343 : memref<10240x128xf32, #tpu.memory_space<vmem_shared>>)
      } else {
      }
      %add3A_264 = arith.constant 4 : i32
      %add3A_265 = arith.addi %add3A_258, %add3A_264 : i32
      %sub3A_266 = arith.constant 1 : i32
      %sub3A_267 = arith.subi %add3A_265, %sub3A_266 : i32
      %lt3A_268 = arith.constant 128 : i32
      %lt3A_269 = arith.cmpi slt, %sub3A_267, %lt3A_268 : i32
      %convert_element_type3A_270 = arith.extui %lt3A_269 : i1 to i32
      %cond3A_271 = arith.constant 0 : i32
      %cond3A_272 = arith.cmpi ne, %convert_element_type3A_270, %cond3A_271 : i32
      scf.if %cond3A_272 {
        %add3A_337 = arith.constant 4 : i32
        %add3A_338 = arith.addi %add3A_258, %add3A_337 : i32
        %sub3A_339 = arith.constant 1 : i32
        %sub3A_340 = arith.subi %add3A_338, %sub3A_339 : i32
        %dma_start3A_341 = arith.constant 0 : i32
        %dma_start3A_342 = arith.constant 0 : i32
        %dma_start3A_343 = tpu.memref_slice %arg2[%add3A, %sub3A_340, %dma_start3A_341, %dma_start3A_342] : memref<32x128x2x80xi32, #tpu.memory_space<hbm>> -> memref<1x1x2x80xi32, #tpu.memory_space<hbm>>
        %dma_start3A_344 = tpu.memref_squeeze %dma_start3A_343 : memref<1x1x2x80xi32, #tpu.memory_space<hbm>> -> memref<2x80xi32, #tpu.memory_space<hbm>>
        %dma_start3A_345 = arith.constant 0 : i32
        %dma_start3A_346 = arith.constant 0 : i32
        %dma_start3A_347 = tpu.memref_slice %arg2[%add3A, %sub3A_340, %dma_start3A_345, %dma_start3A_346] : memref<32x128x2x80xi32, #tpu.memory_space<hbm>> -> memref<1x1x2x80xi32, #tpu.memory_space<hbm>>
        %dma_start3A_348 = tpu.memref_squeeze %dma_start3A_347 : memref<1x1x2x80xi32, #tpu.memory_space<hbm>> -> memref<2x80xi32, #tpu.memory_space<hbm>>
        tpu.enqueue_dma source(%dma_start3A_348 : memref<2x80xi32, #tpu.memory_space<hbm>>) target(%arg6 : memref<2x80xi32, #tpu.memory_space<vmem>>) target_semaphore(%arg15 : memref<!tpu.dma_semaphore, #tpu.memory_space<semaphore_mem>>)
      } else {
      }
      %add3A_273 = arith.constant 4 : i32
      %add3A_274 = arith.addi %add3A_258, %add3A_273 : i32
      %sub3A_275 = arith.constant 2 : i32
      %sub3A_276 = arith.subi %add3A_274, %sub3A_275 : i32
      %lt3A_277 = arith.constant 128 : i32
      %lt3A_278 = arith.cmpi slt, %sub3A_276, %lt3A_277 : i32
      %convert_element_type3A_279 = arith.extui %lt3A_278 : i1 to i32
      %cond3A_280 = arith.constant 0 : i32
      %cond3A_281 = arith.cmpi ne, %convert_element_type3A_279, %cond3A_280 : i32
      scf.if %cond3A_281 {
        %dma_wait3A_337 = arith.constant 0 : i32
        %dma_wait3A_338 = arith.constant 0 : i32
        %dma_wait3A_339 = arith.constant 0 : i32
        %dma_wait3A_340 = tpu.memref_slice %arg2[%add3A, %dma_wait3A_337, %dma_wait3A_338, %dma_wait3A_339] : memref<32x128x2x80xi32, #tpu.memory_space<hbm>> -> memref<1x1x2x80xi32, #tpu.memory_space<hbm>>
        %dma_wait3A_341 = tpu.memref_squeeze %dma_wait3A_340 : memref<1x1x2x80xi32, #tpu.memory_space<hbm>> -> memref<2x80xi32, #tpu.memory_space<hbm>>
        %dma_wait3A_342 = arith.constant 0 : i32
        %dma_wait3A_343 = arith.constant 0 : i32
        %dma_wait3A_344 = tpu.memref_slice %arg2[%add3A, %dma_wait3A_337, %dma_wait3A_342, %dma_wait3A_343] : memref<32x128x2x80xi32, #tpu.memory_space<hbm>> -> memref<1x1x2x80xi32, #tpu.memory_space<hbm>>
        %dma_wait3A_345 = tpu.memref_squeeze %dma_wait3A_344 : memref<1x1x2x80xi32, #tpu.memory_space<hbm>> -> memref<2x80xi32, #tpu.memory_space<hbm>>
        tpu.wait_dma2 semaphore(%arg14 : memref<!tpu.dma_semaphore, #tpu.memory_space<semaphore_mem>>) src(%dma_wait3A_345 : memref<2x80xi32, #tpu.memory_space<hbm>>) dst(%arg5 : memref<2x80xi32, #tpu.memory_space<vmem>>)
        %dma_start3A_346 = arith.constant 0 : i32
        %dma_start3A_347 = arith.constant 0 : i32
        %dma_start3A_348 = tpu.memref_slice %arg5[%dma_start3A_346, %dma_start3A_347] : memref<2x80xi32, #tpu.memory_space<vmem>> -> memref<1x80xi32, #tpu.memory_space<vmem>>
        %dma_start3A_349 = tpu.memref_squeeze %dma_start3A_348 : memref<1x80xi32, #tpu.memory_space<vmem>> -> memref<80xi32, #tpu.memory_space<vmem>>
        %dma_start3A_350 = arith.constant 0 : i32
        %dma_start3A_351 = arith.constant 0 : i32
        %dma_start3A_352 = tpu.memref_slice %arg3[%dma_start3A_350, %dma_start3A_351] : memref<10000x128xf32, #tpu.memory_space<hbm>> -> memref<10000x128xf32, #tpu.memory_space<hbm>>
        tpu.enqueue_indirect_dma source(%dma_start3A_352 : memref<10000x128xf32, #tpu.memory_space<hbm>>) target(%arg9 : memref<80x128xf32, #tpu.memory_space<vmem>>) offsets(%dma_start3A_349 : memref<80xi32, #tpu.memory_space<vmem>>) semaphore(%arg18 : memref<!tpu.dma_semaphore, #tpu.memory_space<semaphore_mem>>)
      } else {
      }
      %dma_wait3A_282 = arith.constant 0 : i32
      %dma_wait3A_283 = arith.constant 0 : i32
      %dma_wait3A_284 = tpu.memref_slice %arg7[%dma_wait3A_282, %dma_wait3A_283] : memref<2x80xi32, #tpu.memory_space<vmem>> -> memref<1x80xi32, #tpu.memory_space<vmem>>
      %dma_wait3A_285 = tpu.memref_squeeze %dma_wait3A_284 : memref<1x80xi32, #tpu.memory_space<vmem>> -> memref<80xi32, #tpu.memory_space<vmem>>
      %dma_wait3A_286 = arith.constant 0 : i32
      %dma_wait3A_287 = arith.constant 0 : i32
      %dma_wait3A_288 = tpu.memref_slice %arg3[%dma_wait3A_286, %dma_wait3A_287] : memref<10000x128xf32, #tpu.memory_space<hbm>> -> memref<10000x128xf32, #tpu.memory_space<hbm>>
      tpu.wait_indirect_dma semaphore(%arg20 : memref<!tpu.dma_semaphore, #tpu.memory_space<semaphore_mem>>) src(%dma_wait3A_288 : memref<10000x128xf32, #tpu.memory_space<hbm>>) dst(%arg11 : memref<80x128xf32, #tpu.memory_space<vmem>>)
      %dma_start3A_289 = arith.constant 1 : i32
      %dma_start3A_290 = arith.constant 0 : i32
      %dma_start3A_291 = tpu.memref_slice %arg7[%dma_start3A_289, %dma_start3A_290] : memref<2x80xi32, #tpu.memory_space<vmem>> -> memref<1x80xi32, #tpu.memory_space<vmem>>
      %dma_start3A_292 = tpu.memref_squeeze %dma_start3A_291 : memref<1x80xi32, #tpu.memory_space<vmem>> -> memref<80xi32, #tpu.memory_space<vmem>>
      %dma_start3A_293 = arith.constant 0 : i32
      %dma_start3A_294 = arith.constant 0 : i32
      %dma_start3A_295 = tpu.memref_slice %arg13[%dma_start3A_293, %dma_start3A_294] : memref<10240x128xf32, #tpu.memory_space<vmem_shared>> -> memref<10240x128xf32, #tpu.memory_space<vmem_shared>>
      tpu.enqueue_indirect_dma source(%arg11 : memref<80x128xf32, #tpu.memory_space<vmem>>) target(%dma_start3A_295 : memref<10240x128xf32, #tpu.memory_space<vmem_shared>>) offsets(%dma_start3A_292 : memref<80xi32, #tpu.memory_space<vmem>>) semaphore(%arg24 : memref<!tpu.dma_semaphore, #tpu.memory_space<semaphore_mem>>) {add = true}
      %mul3A_296 = arith.constant 4 : i32
      %mul3A_297 = arith.muli %scan3A_177, %mul3A_296 : i32
      %add3A_298 = arith.constant 3 : i32
      %add3A_299 = arith.addi %mul3A_297, %add3A_298 : i32
      %ge3A_300 = arith.constant 1 : i32
      %ge3A_301 = arith.cmpi sge, %add3A_299, %ge3A_300 : i32
      %convert_element_type3A_302 = arith.extui %ge3A_301 : i1 to i32
      %cond3A_303 = arith.constant 0 : i32
      %cond3A_304 = arith.cmpi ne, %convert_element_type3A_302, %cond3A_303 : i32
      scf.if %cond3A_304 {
        %dma_wait3A_337 = arith.constant 1 : i32
        %dma_wait3A_338 = arith.constant 0 : i32
        %dma_wait3A_339 = tpu.memref_slice %arg7[%dma_wait3A_337, %dma_wait3A_338] : memref<2x80xi32, #tpu.memory_space<vmem>> -> memref<1x80xi32, #tpu.memory_space<vmem>>
        %dma_wait3A_340 = tpu.memref_squeeze %dma_wait3A_339 : memref<1x80xi32, #tpu.memory_space<vmem>> -> memref<80xi32, #tpu.memory_space<vmem>>
        %dma_wait3A_341 = arith.constant 0 : i32
        %dma_wait3A_342 = arith.constant 0 : i32
        %dma_wait3A_343 = tpu.memref_slice %arg13[%dma_wait3A_341, %dma_wait3A_342] : memref<10240x128xf32, #tpu.memory_space<vmem_shared>> -> memref<10240x128xf32, #tpu.memory_space<vmem_shared>>
        tpu.wait_indirect_dma semaphore(%arg24 : memref<!tpu.dma_semaphore, #tpu.memory_space<semaphore_mem>>) src(%arg11 : memref<80x128xf32, #tpu.memory_space<vmem>>) dst(%dma_wait3A_343 : memref<10240x128xf32, #tpu.memory_space<vmem_shared>>)
      } else {
      }
      %add3A_305 = arith.constant 4 : i32
      %add3A_306 = arith.addi %add3A_299, %add3A_305 : i32
      %sub3A_307 = arith.constant 1 : i32
      %sub3A_308 = arith.subi %add3A_306, %sub3A_307 : i32
      %lt3A_309 = arith.constant 128 : i32
      %lt3A_310 = arith.cmpi slt, %sub3A_308, %lt3A_309 : i32
      %convert_element_type3A_311 = arith.extui %lt3A_310 : i1 to i32
      %cond3A_312 = arith.constant 0 : i32
      %cond3A_313 = arith.cmpi ne, %convert_element_type3A_311, %cond3A_312 : i32
      scf.if %cond3A_313 {
        %add3A_337 = arith.constant 4 : i32
        %add3A_338 = arith.addi %add3A_299, %add3A_337 : i32
        %sub3A_339 = arith.constant 1 : i32
        %sub3A_340 = arith.subi %add3A_338, %sub3A_339 : i32
        %dma_start3A_341 = arith.constant 0 : i32
        %dma_start3A_342 = arith.constant 0 : i32
        %dma_start3A_343 = tpu.memref_slice %arg2[%add3A, %sub3A_340, %dma_start3A_341, %dma_start3A_342] : memref<32x128x2x80xi32, #tpu.memory_space<hbm>> -> memref<1x1x2x80xi32, #tpu.memory_space<hbm>>
        %dma_start3A_344 = tpu.memref_squeeze %dma_start3A_343 : memref<1x1x2x80xi32, #tpu.memory_space<hbm>> -> memref<2x80xi32, #tpu.memory_space<hbm>>
        %dma_start3A_345 = arith.constant 0 : i32
        %dma_start3A_346 = arith.constant 0 : i32
        %dma_start3A_347 = tpu.memref_slice %arg2[%add3A, %sub3A_340, %dma_start3A_345, %dma_start3A_346] : memref<32x128x2x80xi32, #tpu.memory_space<hbm>> -> memref<1x1x2x80xi32, #tpu.memory_space<hbm>>
        %dma_start3A_348 = tpu.memref_squeeze %dma_start3A_347 : memref<1x1x2x80xi32, #tpu.memory_space<hbm>> -> memref<2x80xi32, #tpu.memory_space<hbm>>
        tpu.enqueue_dma source(%dma_start3A_348 : memref<2x80xi32, #tpu.memory_space<hbm>>) target(%arg7 : memref<2x80xi32, #tpu.memory_space<vmem>>) target_semaphore(%arg16 : memref<!tpu.dma_semaphore, #tpu.memory_space<semaphore_mem>>)
      } else {
      }
      %add3A_314 = arith.constant 4 : i32
      %add3A_315 = arith.addi %add3A_299, %add3A_314 : i32
      %sub3A_316 = arith.constant 2 : i32
      %sub3A_317 = arith.subi %add3A_315, %sub3A_316 : i32
      %lt3A_318 = arith.constant 128 : i32
      %lt3A_319 = arith.cmpi slt, %sub3A_317, %lt3A_318 : i32
      %convert_element_type3A_320 = arith.extui %lt3A_319 : i1 to i32
      %cond3A_321 = arith.constant 0 : i32
      %cond3A_322 = arith.cmpi ne, %convert_element_type3A_320, %cond3A_321 : i32
      scf.if %cond3A_322 {
        %dma_wait3A_337 = arith.constant 0 : i32
        %dma_wait3A_338 = arith.constant 0 : i32
        %dma_wait3A_339 = arith.constant 0 : i32
        %dma_wait3A_340 = tpu.memref_slice %arg2[%add3A, %dma_wait3A_337, %dma_wait3A_338, %dma_wait3A_339] : memref<32x128x2x80xi32, #tpu.memory_space<hbm>> -> memref<1x1x2x80xi32, #tpu.memory_space<hbm>>
        %dma_wait3A_341 = tpu.memref_squeeze %dma_wait3A_340 : memref<1x1x2x80xi32, #tpu.memory_space<hbm>> -> memref<2x80xi32, #tpu.memory_space<hbm>>
        %dma_wait3A_342 = arith.constant 0 : i32
        %dma_wait3A_343 = arith.constant 0 : i32
        %dma_wait3A_344 = tpu.memref_slice %arg2[%add3A, %dma_wait3A_337, %dma_wait3A_342, %dma_wait3A_343] : memref<32x128x2x80xi32, #tpu.memory_space<hbm>> -> memref<1x1x2x80xi32, #tpu.memory_space<hbm>>
        %dma_wait3A_345 = tpu.memref_squeeze %dma_wait3A_344 : memref<1x1x2x80xi32, #tpu.memory_space<hbm>> -> memref<2x80xi32, #tpu.memory_space<hbm>>
        tpu.wait_dma2 semaphore(%arg15 : memref<!tpu.dma_semaphore, #tpu.memory_space<semaphore_mem>>) src(%dma_wait3A_345 : memref<2x80xi32, #tpu.memory_space<hbm>>) dst(%arg6 : memref<2x80xi32, #tpu.memory_space<vmem>>)
        %dma_start3A_346 = arith.constant 0 : i32
        %dma_start3A_347 = arith.constant 0 : i32
        %dma_start3A_348 = tpu.memref_slice %arg6[%dma_start3A_346, %dma_start3A_347] : memref<2x80xi32, #tpu.memory_space<vmem>> -> memref<1x80xi32, #tpu.memory_space<vmem>>
        %dma_start3A_349 = tpu.memref_squeeze %dma_start3A_348 : memref<1x80xi32, #tpu.memory_space<vmem>> -> memref<80xi32, #tpu.memory_space<vmem>>
        %dma_start3A_350 = arith.constant 0 : i32
        %dma_start3A_351 = arith.constant 0 : i32
        %dma_start3A_352 = tpu.memref_slice %arg3[%dma_start3A_350, %dma_start3A_351] : memref<10000x128xf32, #tpu.memory_space<hbm>> -> memref<10000x128xf32, #tpu.memory_space<hbm>>
        tpu.enqueue_indirect_dma source(%dma_start3A_352 : memref<10000x128xf32, #tpu.memory_space<hbm>>) target(%arg10 : memref<80x128xf32, #tpu.memory_space<vmem>>) offsets(%dma_start3A_349 : memref<80xi32, #tpu.memory_space<vmem>>) semaphore(%arg19 : memref<!tpu.dma_semaphore, #tpu.memory_space<semaphore_mem>>)
      } else {
      }
      %dma_wait3A_323 = arith.constant 0 : i32
      %dma_wait3A_324 = arith.constant 0 : i32
      %dma_wait3A_325 = tpu.memref_slice %arg8[%dma_wait3A_323, %dma_wait3A_324] : memref<2x80xi32, #tpu.memory_space<vmem>> -> memref<1x80xi32, #tpu.memory_space<vmem>>
      %dma_wait3A_326 = tpu.memref_squeeze %dma_wait3A_325 : memref<1x80xi32, #tpu.memory_space<vmem>> -> memref<80xi32, #tpu.memory_space<vmem>>
      %dma_wait3A_327 = arith.constant 0 : i32
      %dma_wait3A_328 = arith.constant 0 : i32
      %dma_wait3A_329 = tpu.memref_slice %arg3[%dma_wait3A_327, %dma_wait3A_328] : memref<10000x128xf32, #tpu.memory_space<hbm>> -> memref<10000x128xf32, #tpu.memory_space<hbm>>
      tpu.wait_indirect_dma semaphore(%arg21 : memref<!tpu.dma_semaphore, #tpu.memory_space<semaphore_mem>>) src(%dma_wait3A_329 : memref<10000x128xf32, #tpu.memory_space<hbm>>) dst(%arg12 : memref<80x128xf32, #tpu.memory_space<vmem>>)
      %dma_start3A_330 = arith.constant 1 : i32
      %dma_start3A_331 = arith.constant 0 : i32
      %dma_start3A_332 = tpu.memref_slice %arg8[%dma_start3A_330, %dma_start3A_331] : memref<2x80xi32, #tpu.memory_space<vmem>> -> memref<1x80xi32, #tpu.memory_space<vmem>>
      %dma_start3A_333 = tpu.memref_squeeze %dma_start3A_332 : memref<1x80xi32, #tpu.memory_space<vmem>> -> memref<80xi32, #tpu.memory_space<vmem>>
      %dma_start3A_334 = arith.constant 0 : i32
      %dma_start3A_335 = arith.constant 0 : i32
      %dma_start3A_336 = tpu.memref_slice %arg13[%dma_start3A_334, %dma_start3A_335] : memref<10240x128xf32, #tpu.memory_space<vmem_shared>> -> memref<10240x128xf32, #tpu.memory_space<vmem_shared>>
      tpu.enqueue_indirect_dma source(%arg12 : memref<80x128xf32, #tpu.memory_space<vmem>>) target(%dma_start3A_336 : memref<10240x128xf32, #tpu.memory_space<vmem_shared>>) offsets(%dma_start3A_333 : memref<80xi32, #tpu.memory_space<vmem>>) semaphore(%arg25 : memref<!tpu.dma_semaphore, #tpu.memory_space<semaphore_mem>>) {add = true}
    }
    %scan3A_166 = arith.constant 32 : i32
    %dma_wait3A_167 = arith.constant 1 : i32
    %dma_wait3A_168 = arith.constant 0 : i32
    %dma_wait3A_169 = tpu.memref_slice %arg8[%dma_wait3A_167, %dma_wait3A_168] : memref<2x80xi32, #tpu.memory_space<vmem>> -> memref<1x80xi32, #tpu.memory_space<vmem>>
    %dma_wait3A_170 = tpu.memref_squeeze %dma_wait3A_169 : memref<1x80xi32, #tpu.memory_space<vmem>> -> memref<80xi32, #tpu.memory_space<vmem>>
    %dma_wait3A_171 = arith.constant 0 : i32
    %dma_wait3A_172 = arith.constant 0 : i32
    %dma_wait3A_173 = tpu.memref_slice %arg13[%dma_wait3A_171, %dma_wait3A_172] : memref<10240x128xf32, #tpu.memory_space<vmem_shared>> -> memref<10240x128xf32, #tpu.memory_space<vmem_shared>>
    tpu.wait_indirect_dma semaphore(%arg25 : memref<!tpu.dma_semaphore, #tpu.memory_space<semaphore_mem>>) src(%arg12 : memref<80x128xf32, #tpu.memory_space<vmem>>) dst(%dma_wait3A_173 : memref<10240x128xf32, #tpu.memory_space<vmem_shared>>)
    %barrier3A_174 = arith.constant 0 : index
    tpu.barrier barrier_id(%barrier3A_174)
    %mul3A_175 = arith.constant 640 : i32
    %mul3A_176 = arith.muli %arg1, %mul3A_175 : i32
    "tpu.region"() ({
      %run_scoped3A = tpu.sem_alloc : memref<!tpu.dma_semaphore, #tpu.memory_space<semaphore_mem>>
      %dma_start3A_177 = arith.constant 0 : i32
      %dma_start3A_178 = tpu.memref_slice %arg4[%arg0, %mul3A_176, %dma_start3A_177] : memref<2x10240x128xf32, #tpu.memory_space<hbm>> -> memref<1x640x128xf32, #tpu.memory_space<hbm>>
      %dma_start3A_179 = tpu.memref_squeeze %dma_start3A_178 : memref<1x640x128xf32, #tpu.memory_space<hbm>> -> memref<640x128xf32, #tpu.memory_space<hbm>>
      %dma_start3A_180 = arith.constant 0 : i32
      %dma_start3A_181 = tpu.memref_slice %arg13[%mul3A_176, %dma_start3A_180] : memref<10240x128xf32, #tpu.memory_space<vmem_shared>> -> memref<640x128xf32, #tpu.memory_space<vmem_shared>>
      tpu.enqueue_dma source(%dma_start3A_181 : memref<640x128xf32, #tpu.memory_space<vmem_shared>>) target(%dma_start3A_179 : memref<640x128xf32, #tpu.memory_space<hbm>>) target_semaphore(%run_scoped3A : memref<!tpu.dma_semaphore, #tpu.memory_space<semaphore_mem>>)
      %dma_wait3A_182 = arith.constant 0 : i32
      %dma_wait3A_183 = tpu.memref_slice %arg4[%arg0, %mul3A_176, %dma_wait3A_182] : memref<2x10240x128xf32, #tpu.memory_space<hbm>> -> memref<1x640x128xf32, #tpu.memory_space<hbm>>
      %dma_wait3A_184 = tpu.memref_squeeze %dma_wait3A_183 : memref<1x640x128xf32, #tpu.memory_space<hbm>> -> memref<640x128xf32, #tpu.memory_space<hbm>>
      %dma_wait3A_185 = arith.constant 0 : i32
      %dma_wait3A_186 = tpu.memref_slice %arg13[%mul3A_176, %dma_wait3A_185] : memref<10240x128xf32, #tpu.memory_space<vmem_shared>> -> memref<640x128xf32, #tpu.memory_space<vmem_shared>>
      tpu.wait_dma2 semaphore(%run_scoped3A : memref<!tpu.dma_semaphore, #tpu.memory_space<semaphore_mem>>) src(%dma_wait3A_186 : memref<640x128xf32, #tpu.memory_space<vmem_shared>>) dst(%dma_wait3A_184 : memref<640x128xf32, #tpu.memory_space<hbm>>)
      tpu.yield
    }) : () -> ()
    return
  }
}

module attributes {stable_mosaic.version = 14 : i64} {
  func.func @_gru_body(%arg0: i32, %arg1: memref<2x1000x128xf32, #tpu.memory_space<vmem>>, %arg2: memref<1000x128xf32, #tpu.memory_space<vmem>>, %arg3: memref<128x128xf32, #tpu.memory_space<vmem>>, %arg4: memref<128x384xf32, #tpu.memory_space<vmem>>, %arg5: memref<128x256xf32, #tpu.memory_space<vmem>>, %arg6: memref<128x128xf32, #tpu.memory_space<vmem>>, %arg7: memref<1x384xf32, #tpu.memory_space<vmem>>, %arg8: memref<1000x128xf32, #tpu.memory_space<vmem>>) attributes {dimension_semantics = [#tpu.dimension_semantics<arbitrary>], iteration_bounds = array<i64: 10>, scalar_prefetch = 0 : i64, scratch_operands = 0 : i64, tpu.core_type = #tpu.core_type<tc>, window_params = [{transform_indices = @transform_0, window_bounds = array<i64: 2, 1000, 128>}, {transform_indices = @transform_1, window_bounds = array<i64: 1000, 128>}, {pipeline_mode = #tpu.pipeline_mode<synchronous>, transform_indices = @transform_2, window_bounds = array<i64: 128, 128>}, {pipeline_mode = #tpu.pipeline_mode<synchronous>, transform_indices = @transform_3, window_bounds = array<i64: 128, 384>}, {pipeline_mode = #tpu.pipeline_mode<synchronous>, transform_indices = @transform_4, window_bounds = array<i64: 128, 256>}, {pipeline_mode = #tpu.pipeline_mode<synchronous>, transform_indices = @transform_5, window_bounds = array<i64: 128, 128>}, {pipeline_mode = #tpu.pipeline_mode<synchronous>, transform_indices = @transform_6, window_bounds = array<i64: 1, 384>}, {transform_indices = @transform_7, window_bounds = array<i64: 1000, 128>}]} {
    %get3A = arith.constant 0 : index
    %get3A_0 = arith.constant 0 : index
    %get3A_1 = arith.constant 0 : index
    %get3A_2 = vector.load %arg1[%get3A, %get3A_0, %get3A_1] : memref<2x1000x128xf32, #tpu.memory_space<vmem>>, vector<1x1000x128xf32>
    %get3A_3 = vector.shape_cast %get3A_2 : vector<1x1000x128xf32> to vector<1000x128xf32>
    %get3A_4 = arith.constant 1 : index
    %get3A_5 = arith.constant 0 : index
    %get3A_6 = arith.constant 0 : index
    %get3A_7 = vector.load %arg1[%get3A_4, %get3A_5, %get3A_6] : memref<2x1000x128xf32, #tpu.memory_space<vmem>>, vector<1x1000x128xf32>
    %get3A_8 = vector.shape_cast %get3A_7 : vector<1x1000x128xf32> to vector<1000x128xf32>
    %add3A = arith.addf %get3A_3, %get3A_8 : vector<1000x128xf32>
    %get3A_9 = arith.constant 0 : index
    %get3A_10 = arith.constant 0 : index
    %get3A_11 = vector.load %arg2[%get3A_9, %get3A_10] : memref<1000x128xf32, #tpu.memory_space<vmem>>, vector<1000x128xf32>
    %get3A_12 = arith.constant 0 : index
    %get3A_13 = arith.constant 0 : index
    %get3A_14 = vector.load %arg3[%get3A_12, %get3A_13] : memref<128x128xf32, #tpu.memory_space<vmem>>, vector<128x128xf32>
    %dot_general3A = arith.constant dense<0.000000e+00> : vector<1000x128xf32>
    %dot_general3A_15 = tpu.matmul %add3A, %get3A_14, %dot_general3A {dimension_numbers = #tpu.dot_dimension_numbers<[1], [0], [0], [1], [0, 0, 1, 1], [], []>, transpose_lhs_hint = false} : vector<1000x128xf32>, vector<128x128xf32>, vector<1000x128xf32> -> vector<1000x128xf32>
    %get3A_16 = arith.constant 0 : index
    %get3A_17 = arith.constant 0 : index
    %get3A_18 = vector.load %arg4[%get3A_16, %get3A_17] : memref<128x384xf32, #tpu.memory_space<vmem>>, vector<128x384xf32>
    %dot_general3A_19 = arith.constant dense<0.000000e+00> : vector<1000x384xf32>
    %dot_general3A_20 = tpu.matmul %dot_general3A_15, %get3A_18, %dot_general3A_19 {dimension_numbers = #tpu.dot_dimension_numbers<[1], [0], [0], [1], [0, 0, 1, 1], [], []>, transpose_lhs_hint = false} : vector<1000x128xf32>, vector<128x384xf32>, vector<1000x384xf32> -> vector<1000x384xf32>
    %get3A_21 = arith.constant 0 : index
    %get3A_22 = arith.constant 0 : index
    %get3A_23 = vector.load %arg7[%get3A_21, %get3A_22] : memref<1x384xf32, #tpu.memory_space<vmem>>, vector<1x384xf32>
    %add3A_24 = vector.broadcast %get3A_23 : vector<1x384xf32> to vector<1000x384xf32>
    %add3A_25 = arith.addf %dot_general3A_20, %add3A_24 : vector<1000x384xf32>
    %get3A_26 = arith.constant 0 : index
    %get3A_27 = arith.constant 0 : index
    %get3A_28 = vector.load %arg5[%get3A_26, %get3A_27] : memref<128x256xf32, #tpu.memory_space<vmem>>, vector<128x256xf32>
    %dot_general3A_29 = arith.constant dense<0.000000e+00> : vector<1000x256xf32>
    %dot_general3A_30 = tpu.matmul %get3A_11, %get3A_28, %dot_general3A_29 {dimension_numbers = #tpu.dot_dimension_numbers<[1], [0], [0], [1], [0, 0, 1, 1], [], []>, transpose_lhs_hint = false} : vector<1000x128xf32>, vector<128x256xf32>, vector<1000x256xf32> -> vector<1000x256xf32>
    %slice3A = vector.extract_strided_slice %add3A_25 {offsets = [0, 0], sizes = [1000, 128], strides = [1, 1]} : vector<1000x384xf32> to vector<1000x128xf32>
    %slice3A_31 = vector.extract_strided_slice %dot_general3A_30 {offsets = [0, 0], sizes = [1000, 128], strides = [1, 1]} : vector<1000x256xf32> to vector<1000x128xf32>
    %add3A_32 = arith.addf %slice3A, %slice3A_31 : vector<1000x128xf32>
    %logistic3A = arith.negf %add3A_32 : vector<1000x128xf32>
    %logistic3A_33 = math.exp %logistic3A : vector<1000x128xf32>
    %logistic3A_34 = arith.constant 1.000000e+00 : f32
    %logistic3A_35 = vector.broadcast %logistic3A_34 : f32 to vector<1000x128xf32>
    %logistic3A_36 = arith.addf %logistic3A_35, %logistic3A_33 : vector<1000x128xf32>
    %logistic3A_37 = arith.divf %logistic3A_35, %logistic3A_36 : vector<1000x128xf32>
    %slice3A_38 = vector.extract_strided_slice %add3A_25 {offsets = [0, 128], sizes = [1000, 128], strides = [1, 1]} : vector<1000x384xf32> to vector<1000x128xf32>
    %slice3A_39 = vector.extract_strided_slice %dot_general3A_30 {offsets = [0, 128], sizes = [1000, 128], strides = [1, 1]} : vector<1000x256xf32> to vector<1000x128xf32>
    %add3A_40 = arith.addf %slice3A_38, %slice3A_39 : vector<1000x128xf32>
    %logistic3A_41 = arith.negf %add3A_40 : vector<1000x128xf32>
    %logistic3A_42 = math.exp %logistic3A_41 : vector<1000x128xf32>
    %logistic3A_43 = arith.constant 1.000000e+00 : f32
    %logistic3A_44 = vector.broadcast %logistic3A_43 : f32 to vector<1000x128xf32>
    %logistic3A_45 = arith.addf %logistic3A_44, %logistic3A_42 : vector<1000x128xf32>
    %logistic3A_46 = arith.divf %logistic3A_44, %logistic3A_45 : vector<1000x128xf32>
    %slice3A_47 = vector.extract_strided_slice %add3A_25 {offsets = [0, 256], sizes = [1000, 128], strides = [1, 1]} : vector<1000x384xf32> to vector<1000x128xf32>
    %mul3A = arith.mulf %logistic3A_46, %get3A_11 : vector<1000x128xf32>
    %get3A_48 = arith.constant 0 : index
    %get3A_49 = arith.constant 0 : index
    %get3A_50 = vector.load %arg6[%get3A_48, %get3A_49] : memref<128x128xf32, #tpu.memory_space<vmem>>, vector<128x128xf32>
    %dot_general3A_51 = arith.constant dense<0.000000e+00> : vector<1000x128xf32>
    %dot_general3A_52 = tpu.matmul %mul3A, %get3A_50, %dot_general3A_51 {dimension_numbers = #tpu.dot_dimension_numbers<[1], [0], [0], [1], [0, 0, 1, 1], [], []>, transpose_lhs_hint = false} : vector<1000x128xf32>, vector<128x128xf32>, vector<1000x128xf32> -> vector<1000x128xf32>
    %add3A_53 = arith.addf %slice3A_47, %dot_general3A_52 : vector<1000x128xf32>
    %tanh3A = math.tanh %add3A_53 : vector<1000x128xf32>
    %sub3A = arith.constant 1.000000e+00 : f32
    %sub3A_54 = vector.broadcast %sub3A : f32 to vector<1000x128xf32>
    %sub3A_55 = arith.subf %sub3A_54, %logistic3A_37 : vector<1000x128xf32>
    %mul3A_56 = arith.mulf %sub3A_55, %get3A_11 : vector<1000x128xf32>
    %mul3A_57 = arith.mulf %logistic3A_37, %tanh3A : vector<1000x128xf32>
    %add3A_58 = arith.addf %mul3A_56, %mul3A_57 : vector<1000x128xf32>
    %swap3A = arith.constant 0 : index
    %swap3A_59 = arith.constant 0 : index
    %swap3A_60 = vector.load %arg8[%swap3A, %swap3A_59] : memref<1000x128xf32, #tpu.memory_space<vmem>>, vector<1000x128xf32>
    tpu.vector_store %arg8[%swap3A, %swap3A_59], %add3A_58 {strides = array<i32>} : memref<1000x128xf32, #tpu.memory_space<vmem>>, vector<1000x128xf32>,
    return
  }
  func.func @transform_0(%arg0: i32) -> (i32, i32, i32) {
    %c0_i32 = arith.constant 0 : i32
    %c0_i32_0 = arith.constant 0 : i32
    %c0_i32_1 = arith.constant 0 : i32
    return %c0_i32, %arg0, %c0_i32_0 : i32, i32, i32
  }
  func.func @transform_1(%arg0: i32) -> (i32, i32) {
    %c0_i32 = arith.constant 0 : i32
    %c0_i32_0 = arith.constant 0 : i32
    return %arg0, %c0_i32 : i32, i32
  }
  func.func @transform_2(%arg0: i32) -> (i32, i32) {
    %c0_i32 = arith.constant 0 : i32
    %c0_i32_0 = arith.constant 0 : i32
    %c0_i32_1 = arith.constant 0 : i32
    return %c0_i32, %c0_i32_0 : i32, i32
  }
  func.func @transform_3(%arg0: i32) -> (i32, i32) {
    %c0_i32 = arith.constant 0 : i32
    %c0_i32_0 = arith.constant 0 : i32
    %c0_i32_1 = arith.constant 0 : i32
    return %c0_i32, %c0_i32_0 : i32, i32
  }
  func.func @transform_4(%arg0: i32) -> (i32, i32) {
    %c0_i32 = arith.constant 0 : i32
    %c0_i32_0 = arith.constant 0 : i32
    %c0_i32_1 = arith.constant 0 : i32
    return %c0_i32, %c0_i32_0 : i32, i32
  }
  func.func @transform_5(%arg0: i32) -> (i32, i32) {
    %c0_i32 = arith.constant 0 : i32
    %c0_i32_0 = arith.constant 0 : i32
    %c0_i32_1 = arith.constant 0 : i32
    return %c0_i32, %c0_i32_0 : i32, i32
  }
  func.func @transform_6(%arg0: i32) -> (i32, i32) {
    %c0_i32 = arith.constant 0 : i32
    %c0_i32_0 = arith.constant 0 : i32
    %c0_i32_1 = arith.constant 0 : i32
    return %c0_i32, %c0_i32_0 : i32, i32
  }
  func.func @transform_7(%arg0: i32) -> (i32, i32) {
    %c0_i32 = arith.constant 0 : i32
    %c0_i32_0 = arith.constant 0 : i32
    return %arg0, %c0_i32 : i32, i32
  }
}

module attributes {stable_mosaic.version = 14 : i64} {
  func.func @_gru_readout_body(%arg0: i32, %arg1: memref<2x1000x128xf32, #tpu.memory_space<vmem>>, %arg2: memref<1000x128xf32, #tpu.memory_space<vmem>>, %arg3: memref<128x128xf32, #tpu.memory_space<vmem>>, %arg4: memref<128x384xf32, #tpu.memory_space<vmem>>, %arg5: memref<128x256xf32, #tpu.memory_space<vmem>>, %arg6: memref<128x128xf32, #tpu.memory_space<vmem>>, %arg7: memref<1x384xf32, #tpu.memory_space<vmem>>, %arg8: memref<1x1x1000xi32, #tpu.memory_space<vmem>>, %arg9: memref<128x64xf32, #tpu.memory_space<vmem>>, %arg10: memref<1x64xf32, #tpu.memory_space<vmem>>, %arg11: memref<128x64xf32, #tpu.memory_space<vmem>>, %arg12: memref<1x64xf32, #tpu.memory_space<vmem>>, %arg13: memref<64x64xf32, #tpu.memory_space<vmem>>) attributes {dimension_semantics = [#tpu.dimension_semantics<arbitrary>], iteration_bounds = array<i64: 10>, scalar_prefetch = 0 : i64, scratch_operands = 0 : i64, tpu.core_type = #tpu.core_type<tc>, window_params = [{transform_indices = @transform_0, window_bounds = array<i64: 2, 1000, 128>}, {transform_indices = @transform_1, window_bounds = array<i64: 1000, 128>}, {pipeline_mode = #tpu.pipeline_mode<synchronous>, transform_indices = @transform_2, window_bounds = array<i64: 128, 128>}, {pipeline_mode = #tpu.pipeline_mode<synchronous>, transform_indices = @transform_3, window_bounds = array<i64: 128, 384>}, {pipeline_mode = #tpu.pipeline_mode<synchronous>, transform_indices = @transform_4, window_bounds = array<i64: 128, 256>}, {pipeline_mode = #tpu.pipeline_mode<synchronous>, transform_indices = @transform_5, window_bounds = array<i64: 128, 128>}, {pipeline_mode = #tpu.pipeline_mode<synchronous>, transform_indices = @transform_6, window_bounds = array<i64: 1, 384>}, {transform_indices = @transform_7, window_bounds = array<i64: 1, 1, 1000>}, {pipeline_mode = #tpu.pipeline_mode<synchronous>, transform_indices = @transform_8, window_bounds = array<i64: 128, 64>}, {pipeline_mode = #tpu.pipeline_mode<synchronous>, transform_indices = @transform_9, window_bounds = array<i64: 1, 64>}, {pipeline_mode = #tpu.pipeline_mode<synchronous>, transform_indices = @transform_10, window_bounds = array<i64: 128, 64>}, {pipeline_mode = #tpu.pipeline_mode<synchronous>, transform_indices = @transform_11, window_bounds = array<i64: 1, 64>}, {pipeline_mode = #tpu.pipeline_mode<synchronous>, transform_indices = @transform_12, window_bounds = array<i64: 64, 64>}]} {
    %get3A = arith.constant 0 : index
    %get3A_0 = arith.constant 0 : index
    %get3A_1 = arith.constant 0 : index
    %get3A_2 = vector.load %arg1[%get3A, %get3A_0, %get3A_1] : memref<2x1000x128xf32, #tpu.memory_space<vmem>>, vector<1x1000x128xf32>
    %get3A_3 = vector.shape_cast %get3A_2 : vector<1x1000x128xf32> to vector<1000x128xf32>
    %get3A_4 = arith.constant 1 : index
    %get3A_5 = arith.constant 0 : index
    %get3A_6 = arith.constant 0 : index
    %get3A_7 = vector.load %arg1[%get3A_4, %get3A_5, %get3A_6] : memref<2x1000x128xf32, #tpu.memory_space<vmem>>, vector<1x1000x128xf32>
    %get3A_8 = vector.shape_cast %get3A_7 : vector<1x1000x128xf32> to vector<1000x128xf32>
    %add3A = arith.addf %get3A_3, %get3A_8 : vector<1000x128xf32>
    %get3A_9 = arith.constant 0 : index
    %get3A_10 = arith.constant 0 : index
    %get3A_11 = vector.load %arg2[%get3A_9, %get3A_10] : memref<1000x128xf32, #tpu.memory_space<vmem>>, vector<1000x128xf32>
    %get3A_12 = arith.constant 0 : index
    %get3A_13 = arith.constant 0 : index
    %get3A_14 = vector.load %arg3[%get3A_12, %get3A_13] : memref<128x128xf32, #tpu.memory_space<vmem>>, vector<128x128xf32>
    %dot_general3A = arith.constant dense<0.000000e+00> : vector<1000x128xf32>
    %dot_general3A_15 = tpu.matmul %add3A, %get3A_14, %dot_general3A {dimension_numbers = #tpu.dot_dimension_numbers<[1], [0], [0], [1], [0, 0, 1, 1], [], []>, transpose_lhs_hint = false} : vector<1000x128xf32>, vector<128x128xf32>, vector<1000x128xf32> -> vector<1000x128xf32>
    %get3A_16 = arith.constant 0 : index
    %get3A_17 = arith.constant 0 : index
    %get3A_18 = vector.load %arg4[%get3A_16, %get3A_17] : memref<128x384xf32, #tpu.memory_space<vmem>>, vector<128x384xf32>
    %dot_general3A_19 = arith.constant dense<0.000000e+00> : vector<1000x384xf32>
    %dot_general3A_20 = tpu.matmul %dot_general3A_15, %get3A_18, %dot_general3A_19 {dimension_numbers = #tpu.dot_dimension_numbers<[1], [0], [0], [1], [0, 0, 1, 1], [], []>, transpose_lhs_hint = false} : vector<1000x128xf32>, vector<128x384xf32>, vector<1000x384xf32> -> vector<1000x384xf32>
    %get3A_21 = arith.constant 0 : index
    %get3A_22 = arith.constant 0 : index
    %get3A_23 = vector.load %arg7[%get3A_21, %get3A_22] : memref<1x384xf32, #tpu.memory_space<vmem>>, vector<1x384xf32>
    %add3A_24 = vector.broadcast %get3A_23 : vector<1x384xf32> to vector<1000x384xf32>
    %add3A_25 = arith.addf %dot_general3A_20, %add3A_24 : vector<1000x384xf32>
    %get3A_26 = arith.constant 0 : index
    %get3A_27 = arith.constant 0 : index
    %get3A_28 = vector.load %arg5[%get3A_26, %get3A_27] : memref<128x256xf32, #tpu.memory_space<vmem>>, vector<128x256xf32>
    %dot_general3A_29 = arith.constant dense<0.000000e+00> : vector<1000x256xf32>
    %dot_general3A_30 = tpu.matmul %get3A_11, %get3A_28, %dot_general3A_29 {dimension_numbers = #tpu.dot_dimension_numbers<[1], [0], [0], [1], [0, 0, 1, 1], [], []>, transpose_lhs_hint = false} : vector<1000x128xf32>, vector<128x256xf32>, vector<1000x256xf32> -> vector<1000x256xf32>
    %slice3A = vector.extract_strided_slice %add3A_25 {offsets = [0, 0], sizes = [1000, 128], strides = [1, 1]} : vector<1000x384xf32> to vector<1000x128xf32>
    %slice3A_31 = vector.extract_strided_slice %dot_general3A_30 {offsets = [0, 0], sizes = [1000, 128], strides = [1, 1]} : vector<1000x256xf32> to vector<1000x128xf32>
    %add3A_32 = arith.addf %slice3A, %slice3A_31 : vector<1000x128xf32>
    %logistic3A = arith.negf %add3A_32 : vector<1000x128xf32>
    %logistic3A_33 = math.exp %logistic3A : vector<1000x128xf32>
    %logistic3A_34 = arith.constant 1.000000e+00 : f32
    %logistic3A_35 = vector.broadcast %logistic3A_34 : f32 to vector<1000x128xf32>
    %logistic3A_36 = arith.addf %logistic3A_35, %logistic3A_33 : vector<1000x128xf32>
    %logistic3A_37 = arith.divf %logistic3A_35, %logistic3A_36 : vector<1000x128xf32>
    %slice3A_38 = vector.extract_strided_slice %add3A_25 {offsets = [0, 128], sizes = [1000, 128], strides = [1, 1]} : vector<1000x384xf32> to vector<1000x128xf32>
    %slice3A_39 = vector.extract_strided_slice %dot_general3A_30 {offsets = [0, 128], sizes = [1000, 128], strides = [1, 1]} : vector<1000x256xf32> to vector<1000x128xf32>
    %add3A_40 = arith.addf %slice3A_38, %slice3A_39 : vector<1000x128xf32>
    %logistic3A_41 = arith.negf %add3A_40 : vector<1000x128xf32>
    %logistic3A_42 = math.exp %logistic3A_41 : vector<1000x128xf32>
    %logistic3A_43 = arith.constant 1.000000e+00 : f32
    %logistic3A_44 = vector.broadcast %logistic3A_43 : f32 to vector<1000x128xf32>
    %logistic3A_45 = arith.addf %logistic3A_44, %logistic3A_42 : vector<1000x128xf32>
    %logistic3A_46 = arith.divf %logistic3A_44, %logistic3A_45 : vector<1000x128xf32>
    %slice3A_47 = vector.extract_strided_slice %add3A_25 {offsets = [0, 256], sizes = [1000, 128], strides = [1, 1]} : vector<1000x384xf32> to vector<1000x128xf32>
    %mul3A = arith.mulf %logistic3A_46, %get3A_11 : vector<1000x128xf32>
    %get3A_48 = arith.constant 0 : index
    %get3A_49 = arith.constant 0 : index
    %get3A_50 = vector.load %arg6[%get3A_48, %get3A_49] : memref<128x128xf32, #tpu.memory_space<vmem>>, vector<128x128xf32>
    %dot_general3A_51 = arith.constant dense<0.000000e+00> : vector<1000x128xf32>
    %dot_general3A_52 = tpu.matmul %mul3A, %get3A_50, %dot_general3A_51 {dimension_numbers = #tpu.dot_dimension_numbers<[1], [0], [0], [1], [0, 0, 1, 1], [], []>, transpose_lhs_hint = false} : vector<1000x128xf32>, vector<128x128xf32>, vector<1000x128xf32> -> vector<1000x128xf32>
    %add3A_53 = arith.addf %slice3A_47, %dot_general3A_52 : vector<1000x128xf32>
    %tanh3A = math.tanh %add3A_53 : vector<1000x128xf32>
    %sub3A = arith.constant 1.000000e+00 : f32
    %sub3A_54 = vector.broadcast %sub3A : f32 to vector<1000x128xf32>
    %sub3A_55 = arith.subf %sub3A_54, %logistic3A_37 : vector<1000x128xf32>
    %mul3A_56 = arith.mulf %sub3A_55, %get3A_11 : vector<1000x128xf32>
    %mul3A_57 = arith.mulf %logistic3A_37, %tanh3A : vector<1000x128xf32>
    %add3A_58 = arith.addf %mul3A_56, %mul3A_57 : vector<1000x128xf32>
    %get3A_59 = arith.constant 0 : index
    %get3A_60 = arith.constant 0 : index
    %get3A_61 = vector.load %arg9[%get3A_59, %get3A_60] : memref<128x64xf32, #tpu.memory_space<vmem>>, vector<128x64xf32>
    %dot_general3A_62 = arith.constant dense<0.000000e+00> : vector<1000x64xf32>
    %dot_general3A_63 = tpu.matmul %add3A_58, %get3A_61, %dot_general3A_62 {dimension_numbers = #tpu.dot_dimension_numbers<[1], [0], [0], [1], [0, 0, 1, 1], [], []>, transpose_lhs_hint = false} : vector<1000x128xf32>, vector<128x64xf32>, vector<1000x64xf32> -> vector<1000x64xf32>
    %get3A_64 = arith.constant 0 : index
    %get3A_65 = arith.constant 0 : index
    %get3A_66 = vector.load %arg10[%get3A_64, %get3A_65] : memref<1x64xf32, #tpu.memory_space<vmem>>, vector<1x64xf32>
    %add3A_67 = vector.broadcast %get3A_66 : vector<1x64xf32> to vector<1000x64xf32>
    %add3A_68 = arith.addf %dot_general3A_63, %add3A_67 : vector<1000x64xf32>
    %get3A_69 = arith.constant 0 : index
    %get3A_70 = arith.constant 0 : index
    %get3A_71 = vector.load %arg11[%get3A_69, %get3A_70] : memref<128x64xf32, #tpu.memory_space<vmem>>, vector<128x64xf32>
    %dot_general3A_72 = arith.constant dense<0.000000e+00> : vector<1000x64xf32>
    %dot_general3A_73 = tpu.matmul %add3A_58, %get3A_71, %dot_general3A_72 {dimension_numbers = #tpu.dot_dimension_numbers<[1], [0], [0], [1], [0, 0, 1, 1], [], []>, transpose_lhs_hint = false} : vector<1000x128xf32>, vector<128x64xf32>, vector<1000x64xf32> -> vector<1000x64xf32>
    %get3A_74 = arith.constant 0 : index
    %get3A_75 = arith.constant 0 : index
    %get3A_76 = vector.load %arg12[%get3A_74, %get3A_75] : memref<1x64xf32, #tpu.memory_space<vmem>>, vector<1x64xf32>
    %add3A_77 = vector.broadcast %get3A_76 : vector<1x64xf32> to vector<1000x64xf32>
    %add3A_78 = arith.addf %dot_general3A_73, %add3A_77 : vector<1000x64xf32>
    %logistic3A_79 = arith.negf %add3A_78 : vector<1000x64xf32>
    %logistic3A_80 = math.exp %logistic3A_79 : vector<1000x64xf32>
    %logistic3A_81 = arith.constant 1.000000e+00 : f32
    %logistic3A_82 = vector.broadcast %logistic3A_81 : f32 to vector<1000x64xf32>
    %logistic3A_83 = arith.addf %logistic3A_82, %logistic3A_80 : vector<1000x64xf32>
    %logistic3A_84 = arith.divf %logistic3A_82, %logistic3A_83 : vector<1000x64xf32>
    %mul3A_85 = arith.mulf %logistic3A_84, %add3A_68 : vector<1000x64xf32>
    %get3A_86 = arith.constant 0 : index
    %get3A_87 = arith.constant 0 : index
    %get3A_88 = arith.constant 0 : index
    %get3A_89 = vector.load %arg8[%get3A_86, %get3A_87, %get3A_88] : memref<1x1x1000xi32, #tpu.memory_space<vmem>>, vector<1x1x1000xi32>
    %get3A_90 = vector.shape_cast %get3A_89 : vector<1x1x1000xi32> to vector<1000xi32>
    %reshape3A = vector.shape_cast %get3A_90 : vector<1000xi32> to vector<1x1000xi32>
    %iota3A = tpu.iota {dimensions = array<i32: 0>} : vector<64x1000xi32>
    %eq3A = vector.broadcast %reshape3A : vector<1x1000xi32> to vector<64x1000xi32>
    %eq3A_91 = arith.cmpi eq, %iota3A, %eq3A : vector<64x1000xi32>
    %convert_element_type3A = arith.extui %eq3A_91 : vector<64x1000xi1> to vector<64x1000xi32>
    %convert_element_type3A_92 = arith.sitofp %convert_element_type3A : vector<64x1000xi32> to vector<64x1000xf32>
    %dot_general3A_93 = arith.constant dense<0.000000e+00> : vector<64x64xf32>
    %dot_general3A_94 = tpu.matmul %convert_element_type3A_92, %mul3A_85, %dot_general3A_93 {dimension_numbers = #tpu.dot_dimension_numbers<[1], [0], [0], [1], [0, 0, 1, 1], [], []>, transpose_lhs_hint = false} : vector<64x1000xf32>, vector<1000x64xf32>, vector<64x64xf32> -> vector<64x64xf32>
    %eq3A_95 = arith.constant 0 : i32
    %eq3A_96 = arith.cmpi eq, %arg0, %eq3A_95 : i32
    %convert_element_type3A_97 = arith.extui %eq3A_96 : i1 to i32
    %cond3A = arith.constant 0 : i32
    %cond3A_98 = arith.cmpi ne, %convert_element_type3A_97, %cond3A : i32
    scf.if %cond3A_98 {
      %broadcast_in_dim3A = arith.constant 0.000000e+00 : f32
      %broadcast_in_dim3A_105 = vector.broadcast %broadcast_in_dim3A : f32 to vector<64x64xf32>
      %swap3A_106 = arith.constant 0 : index
      %swap3A_107 = arith.constant 0 : index
      %swap3A_108 = vector.load %arg13[%swap3A_106, %swap3A_107] : memref<64x64xf32, #tpu.memory_space<vmem>>, vector<64x64xf32>
      tpu.vector_store %arg13[%swap3A_106, %swap3A_107], %broadcast_in_dim3A_105 {strides = array<i32>} : memref<64x64xf32, #tpu.memory_space<vmem>>, vector<64x64xf32>,
    } else {
    }
    %get3A_99 = arith.constant 0 : index
    %get3A_100 = arith.constant 0 : index
    %get3A_101 = vector.load %arg13[%get3A_99, %get3A_100] : memref<64x64xf32, #tpu.memory_space<vmem>>, vector<64x64xf32>
    %add3A_102 = arith.addf %get3A_101, %dot_general3A_94 : vector<64x64xf32>
    %swap3A = arith.constant 0 : index
    %swap3A_103 = arith.constant 0 : index
    %swap3A_104 = vector.load %arg13[%swap3A, %swap3A_103] : memref<64x64xf32, #tpu.memory_space<vmem>>, vector<64x64xf32>
    tpu.vector_store %arg13[%swap3A, %swap3A_103], %add3A_102 {strides = array<i32>} : memref<64x64xf32, #tpu.memory_space<vmem>>, vector<64x64xf32>,
    return
  }
  func.func @transform_0(%arg0: i32) -> (i32, i32, i32) {
    %c0_i32 = arith.constant 0 : i32
    %c0_i32_0 = arith.constant 0 : i32
    %c0_i32_1 = arith.constant 0 : i32
    return %c0_i32, %arg0, %c0_i32_0 : i32, i32, i32
  }
  func.func @transform_1(%arg0: i32) -> (i32, i32) {
    %c0_i32 = arith.constant 0 : i32
    %c0_i32_0 = arith.constant 0 : i32
    return %arg0, %c0_i32 : i32, i32
  }
  func.func @transform_2(%arg0: i32) -> (i32, i32) {
    %c0_i32 = arith.constant 0 : i32
    %c0_i32_0 = arith.constant 0 : i32
    %c0_i32_1 = arith.constant 0 : i32
    return %c0_i32, %c0_i32_0 : i32, i32
  }
  func.func @transform_3(%arg0: i32) -> (i32, i32) {
    %c0_i32 = arith.constant 0 : i32
    %c0_i32_0 = arith.constant 0 : i32
    %c0_i32_1 = arith.constant 0 : i32
    return %c0_i32, %c0_i32_0 : i32, i32
  }
  func.func @transform_4(%arg0: i32) -> (i32, i32) {
    %c0_i32 = arith.constant 0 : i32
    %c0_i32_0 = arith.constant 0 : i32
    %c0_i32_1 = arith.constant 0 : i32
    return %c0_i32, %c0_i32_0 : i32, i32
  }
  func.func @transform_5(%arg0: i32) -> (i32, i32) {
    %c0_i32 = arith.constant 0 : i32
    %c0_i32_0 = arith.constant 0 : i32
    %c0_i32_1 = arith.constant 0 : i32
    return %c0_i32, %c0_i32_0 : i32, i32
  }
  func.func @transform_6(%arg0: i32) -> (i32, i32) {
    %c0_i32 = arith.constant 0 : i32
    %c0_i32_0 = arith.constant 0 : i32
    %c0_i32_1 = arith.constant 0 : i32
    return %c0_i32, %c0_i32_0 : i32, i32
  }
  func.func @transform_7(%arg0: i32) -> (i32, i32, i32) {
    %c0_i32 = arith.constant 0 : i32
    %c0_i32_0 = arith.constant 0 : i32
    %c0_i32_1 = arith.constant 0 : i32
    return %arg0, %c0_i32, %c0_i32_0 : i32, i32, i32
  }
  func.func @transform_8(%arg0: i32) -> (i32, i32) {
    %c0_i32 = arith.constant 0 : i32
    %c0_i32_0 = arith.constant 0 : i32
    %c0_i32_1 = arith.constant 0 : i32
    return %c0_i32, %c0_i32_0 : i32, i32
  }
  func.func @transform_9(%arg0: i32) -> (i32, i32) {
    %c0_i32 = arith.constant 0 : i32
    %c0_i32_0 = arith.constant 0 : i32
    %c0_i32_1 = arith.constant 0 : i32
    return %c0_i32, %c0_i32_0 : i32, i32
  }
  func.func @transform_10(%arg0: i32) -> (i32, i32) {
    %c0_i32 = arith.constant 0 : i32
    %c0_i32_0 = arith.constant 0 : i32
    %c0_i32_1 = arith.constant 0 : i32
    return %c0_i32, %c0_i32_0 : i32, i32
  }
  func.func @transform_11(%arg0: i32) -> (i32, i32) {
    %c0_i32 = arith.constant 0 : i32
    %c0_i32_0 = arith.constant 0 : i32
    %c0_i32_1 = arith.constant 0 : i32
    return %c0_i32, %c0_i32_0 : i32, i32
  }
  func.func @transform_12(%arg0: i32) -> (i32, i32) {
    %c0_i32 = arith.constant 0 : i32
    %c0_i32_0 = arith.constant 0 : i32
    %c0_i32_1 = arith.constant 0 : i32
    return %c0_i32, %c0_i32_0 : i32, i32
  }
}

</mosaic_0001>

<sc_bundles>
// kernel: kernel.10.cloned.1.call-start
scs
__scs_entry_jumppad:
0x0: {  	(pc) =	sbr.rel $0x88, $3  }
0x1: {  	(tag) =	ssettag $0x0;
	lr =	simm.s32 $0x1  }
0x2: {  	[smem:$0x3F90] =	sst lr;
	_ =	strace $0xD0000000  }
0x3: {  	_ = 	snop  }
0x4: {  	_ = 	snop  }
0x5: {  	_ = 	snop  }
0x6: {  	_ = 	snop  }
0x7: {  	_ = 	snop  }
__scs_overlays_trampoline_lowered:
0x8: {  	[smem:$0x3F9F] =	sst s0  }
0x9: {  	[smem:$0x3FA0] =	sst s1  }
0xa: {  	[smem:$0x3FA1] =	sst s2  }
0xb: {  	[smem:$0x3FA2] =	sst s3  }
0xc: {  	[smem:$0x3FA3] =	sst s4  }
0xd: {  	[smem:$0x3FA4] =	sst s5  }
0xe: {  	[smem:$0x3FA5] =	sst s6  }
0xf: {  	[smem:$0x3FA6] =	sst s7  }
0x10: {  	[smem:$0x3FA7] =	sst s8  }
0x11: {  	[smem:$0x3FA8] =	sst s9;
	s0 =	simm.s32 @!p0 $0x0  }
0x12: {  	s1 =	sld [smem:$0x3F8E];
	s0 =	simm.s32 @p0 $0x1  }
0x13: {  	[smem:$0x3FA9] =	sst s0;
	s0 =	simm.s32 @!p1 $0x0  }
0x14: {  	s2 =	sld [smem:$0x3F8D];
	s0 =	simm.s32 @p1 $0x1  }
0x15: {  	[smem:$0x3FAA] =	sst s0;
	s0 =	simm.s32 @!p2 $0x0  }
0x16: {  	s3 =	sld [smem:$0x3FDB];
	s0 =	simm.s32 @p2 $0x1  }
0x17: {  	s4 =	simm.s32 $0x1BF5;
	[smem:$0x3FAC] =	sst s0  }
0x18: {  	s0 =	sld [smem:$0x3F8F];
	_ =	swait.ge [sflag:s4], $0x0  }
0x19: {  	s7 =	sld [smem:$0x3F90]  }
0x1a: {  	s8 =	sadd.s32 $0xFFFFE003, lr  }
0x1b: {  	s9 =	sadd.s32 $0xFFFFFEF7, lr;
	s5 =	simm.s32 $0xFFFFFFFF;
	p2 =	slt.u32 s8, $0xFFFFF086  }
0x1c: {  	p1 =	slt.u32 s9, $0xF7A;
	s5 =	simm.s32 @!p2 $0x0  }
0x1d: {  	s5 =	simm.s32 @p1 $0x1;
	p0 =	seq.s32 s7, s2  }
0x1e: {  	s7 =	smul.u32 @!p0 $0xF7A, s2;
	p2 =	seq.s32 @!p0 s5, $0x0  }
0x1f: {  	s9 =	smul.u32 $0xF7A, s1;
	s8 =	simm.s32 @!p0 $0x1BF5;
	p2 =	por !p2, p0  }
0x20: {  	[sflag:s8] =	ssyncset.s32 @!p0 $0xFFFFF086;
	s6 =	sadd.s32 @!p0 s3, s7;
	s7 =	simm.s32 @!p0 $0x108  }
0x21: {  	s3 =	sadd.s32 s3, s9;
	s6 =	sadd.s32 @!p0 $0x88, s6;
	s7 =	simm.s32 @p2 $0x1082  }
0x22: {  	[simem:s7], [sflag:s8] =	dma.local @!p0 [hbm:s6], $0xF7A  }
0x23: {  	s9 =	sor.u32 $0xD0000000, s2;
	s6 =	simm.s32 $0x108;
	_ =	swait.ge @!p0 [sflag:s8], $0x0  }
0x24: {  	s3 =	sadd.s32 $0x88, s3;
	s6 =	simm.s32 @!p1 $0x1082;
	[sflag:s4] =	ssyncset.s32 $0xFFFFF086  }
0x25: {  	[simem:s6], [sflag:s4] =	dma.local [hbm:s3], $0xF7A  }
0x26: {  	[smem:$0x3F90] =	sst s1;
	(tag) =	ssettag s2;
	_ =	strace s9  }
0x27: {  	s1 =	sld [smem:$0x3FA0]  }
0x28: {  	s2 =	sld [smem:$0x3FA1]  }
0x29: {  	s4 =	sld [smem:$0x3FA3]  }
0x2a: {  	p0 =	seq.s32 s5, $0x0;
	s5 =	sld [smem:$0x3FA4]  }
0x2b: {  	s6 =	sld [smem:$0x3FA5]  }
0x2c: {  	s7 =	sld [smem:$0x3FA6]  }
0x2d: {  	s3 =	simm.s32 $0x108;
	s8 =	sld [smem:$0x3FA7]  }
0x2e: {  	s3 =	simm.s32 @!p0 $0x1082;
	s9 =	sld [smem:$0x3FA8]  }
0x2f: {  	lr =	sadd.s32 s0, s3;
	s0 =	sld [smem:$0x3F9F]  }
0x30: {  	s3 =	sld [smem:$0x3FA2]  }
0x31: {  	[smem:$0x3FAB] =	sst s10  }
0x32: {  	s10 =	sld [smem:$0x3FA9];
	_ =	sdelay $0x3  }
0x33: {  	p0 =	seq.s32 s10, $0x1;
	s10 =	sld [smem:$0x3FAB];
	_ =	sdelay $0x3  }
0x34: {  	[smem:$0x3FAB] =	sst s10  }
0x35: {  	s10 =	sld [smem:$0x3FAA];
	_ =	sdelay $0x3  }
0x36: {  	p1 =	seq.s32 s10, $0x1;
	s10 =	sld [smem:$0x3FAB];
	_ =	sdelay $0x3  }
0x37: {  	[smem:$0x3FAB] =	sst s10  }
0x38: {  	s10 =	sld [smem:$0x3FAC]  }
0x39: {  	_ = 	snop;
	(pc) =	sbr.ind lr, $3  }
0x3a: {  	_ = 	snop  }
0x3b: {  	_ = 	snop  }
0x3c: {  	p2 =	seq.s32 s10, $0x1;
	s10 =	sld [smem:$0x3FAB]  }
0x3d: {  	_ =	shalt  }
0x3e: {  	_ =	shalt  }
0x3f: {  	_ =	shalt  }
0x40: {  	_ =	shalt  }
0x41: {  	_ =	shalt  }
0x42: {  	_ =	shalt  }
0x43: {  	_ =	shalt  }
0x44: {  	_ =	shalt  }
0x45: {  	_ =	shalt  }
0x46: {  	_ =	shalt  }
0x47: {  	_ =	shalt  }
0x48: {  	_ =	shalt  }
0x49: {  	_ =	shalt  }
0x4a: {  	_ =	shalt  }
0x4b: {  	_ =	shalt  }
0x4c: {  	_ =	shalt  }
0x4d: {  	_ =	shalt  }
0x4e: {  	_ =	shalt  }
0x4f: {  	_ =	shalt  }
0x50: {  	_ =	shalt  }
0x51: {  	_ =	shalt  }
0x52: {  	_ =	shalt  }
0x53: {  	_ =	shalt  }
0x54: {  	_ =	shalt  }
0x55: {  	_ =	shalt  }
0x56: {  	_ =	shalt  }
0x57: {  	_ =	shalt  }
0x58: {  	_ =	shalt  }
0x59: {  	_ =	shalt  }
0x5a: {  	_ =	shalt  }
0x5b: {  	_ =	shalt  }
0x5c: {  	_ =	shalt  }
0x5d: {  	_ =	shalt  }
0x5e: {  	_ =	shalt  }
0x5f: {  	_ =	shalt  }
0x60: {  	_ =	shalt  }
0x61: {  	_ =	shalt  }
0x62: {  	_ =	shalt  }
0x63: {  	_ =	shalt  }
0x64: {  	_ =	shalt  }
0x65: {  	_ =	shalt  }
0x66: {  	_ =	shalt  }
0x67: {  	_ =	shalt  }
0x68: {  	_ =	shalt  }
0x69: {  	_ =	shalt  }
0x6a: {  	_ =	shalt  }
0x6b: {  	_ =	shalt  }
0x6c: {  	_ =	shalt  }
0x6d: {  	_ =	shalt  }
0x6e: {  	_ =	shalt  }
0x6f: {  	_ =	shalt  }
0x70: {  	_ =	shalt  }
0x71: {  	_ =	shalt  }
0x72: {  	_ =	shalt  }
0x73: {  	_ =	shalt  }
0x74: {  	_ =	shalt  }
0x75: {  	_ =	shalt  }
0x76: {  	_ =	shalt  }
0x77: {  	_ =	shalt  }
0x78: {  	_ =	shalt  }
0x79: {  	_ =	shalt  }
0x7a: {  	_ =	shalt  }
0x7b: {  	_ =	shalt  }
0x7c: {  	_ =	shalt  }
0x7d: {  	_ =	shalt  }
0x7e: {  	_ =	shalt  }
0x7f: {  	_ =	shalt  }
0x80: {  	_ =	shalt  }
0x81: {  	_ =	shalt  }
0x82: {  	_ =	shalt  }
0x83: {  	_ =	shalt  }
0x84: {  	_ =	shalt  }
0x85: {  	_ =	shalt  }
0x86: {  	_ =	shalt  }
0x87: {  	_ =	shalt  }
.Lfunc_end0:
.L_simem_size_0:
called_computation_lowered:
.L_overlay_start_0:
0x88: {  	s2 =	sld [smem:$0x3FD9]  }
0x89: {  	s3 =	sld [smem:$0x3FFE];
	_ =	sdelay $0x1  }
0x8a: {  	s1 =	srdreg.scid  }
0x8b: {  	s0 =	sand.u32 $0x1, s1  }
0x8c: {  	s17 =	sshll.u32 s0, $0xA;
	s2 =	sadd.s32 s3, s2  }
0x8d: {  	s2 =	sadd.s32 s2, s17  }
0x8e: {  	[smem:$0x3FB7] =	sst s2  }
0x8f: {  	_ = 	snop  }
0x90: {  	s2 =	sld [smem:$0x3FC9];
	(tm) =	ssettm $0x1  }
0x91: {  	s18 =	sld [smem:$0x3FFB];
	_ =	sdelay $0x3  }
0x92: {  	_ =	strace s18  }
0x93: {  	s3 =	sld [smem:$0x3FFC];
	_ =	sdelay $0x3  }
0x94: {  	_ =	strace s3  }
0x95: {  	s3 =	sld [smem:$0x3FFD];
	_ =	sdelay $0x3  }
0x96: {  	_ =	strace s3  }
0x97: {  	_ =	strace $0x8FFFFFFF  }
0x98: {  	s19 =	sld [smem:$0x3FDB];
	_ =	sdelay $0x1  }
0x99: {  	s4 =	simm.s32 $_scs_section_size  }
0x9a: {  	s5 =	simm.s32 $_size__tile_overlayer_lowered;
	s6 =	simm.s32 $_tile_overlayer_lowered  }
0x9b: {  	s22 =	simm.s32 $0x1BFF;
	s21 =	sshll.u32 s6, $0x1;
	s3 =	sadd.s32 s4, s19  }
0x9c: {  	s7 =	simm.s32 $0x0;
	s20 =	sshll.u32 s5, $0x1;
	s5 =	sadd.s32 s21, s3  }
0x9d: {  	[timem:s7], [sflag:s22] =	dma.local [hbm:s5], s20  }
0x9e: {  	_ =	swait.ge [sflag:s22], s20  }
0x9f: {  	s4 =	ssub.s32 $0x0, s20;
	[sflag:s22] =	ssyncset.done $0x0  }
0xa0: {  	[sflag:s22] =	ssyncadd.s32 s4;
	_ =	sdelay $0x1  }
0xa1: {  	s23 =	simm.s32 $0x1B8B  }
0xa2: {  	_ =	swait.ge [sflag:s23], $0x1  }
0xa3: {  	[sflag:s23] =	ssyncset.done $0x0  }
0xa4: {  	s25 =	simm.s32 $0x1B8E;
	s24 =	sld [smem:$0x3FFE];
	[sflag:s23] =	ssyncadd.s32 $0xFFFFFFFF  }
0xa5: {  	s26 =	simm.s32 $execute0_lowered;
	[smem:$0x3FD2] =	sst s25  }
0xa6: {  	s5 =	sshll.u32 s26, $0x1;
	_ =	strace $0x80000046;
	[dreg:$0x1] =	wrdreg $0xFFFFFFFF  }
0xa7: {  	s28 =	simm.s32 $_size_execute0_lowered;
	s3 =	sadd.s32 s3, s5;
	[dreg:$0x0] =	wrdreg $0x0  }
0xa8: {  	s5 =	sshll.u32 s28, $0x1;
	[dreg:$0x2] =	wrdreg s3  }
0xa9: {  	[dreg:$0x3] =	wrdreg s5  }
0xaa: {  	[dreg:$0x4] =	wrdreg $0xC0  }
0xab: {  	_ =	task [dreg:s7], $0x5FFFF  }
0xac: {  	[dreg:$0x1] =	wrdreg $0xFFFFFFFF  }
0xad: {  	[dreg:$0x0] =	wrdreg $0x60  }
0xae: {  	[dreg:$0x2] =	wrdreg s24  }
0xaf: {  	[dreg:$0x3] =	wrdreg s2  }
0xb0: {  	[dreg:$0x4] =	wrdreg $0xA4000  }
0xb1: {  	[dreg:$0x5] =	wrdreg $0x9  }
0xb2: {  	_ =	task.clear_ibuf [dreg:s7], $0x6FFFF;
	_ =	strace $0x90000046  }
0xb3: {  	s29 =	simm.s32 $0x9;
	_ =	strace $0x80000048  }
0xb4: {  	_ =	swait.ge [sflag:s29], $0x1  }
0xb5: {  	[sflag:s29] =	ssyncadd.s32 $0xFFFFFFFF  }
0xb6: {  	_ =	strace $0x90000048  }
0xb7: {  	_ =	sfence  }
0xb8: {  	s30 =	sld [smem:$0x0];
	_ =	sdelay $0x2  }
0xb9: {  	s31 =	sshll.u32 s1, $0xD;
	s1 =	sshrl.u32 s1, $0x2  }
0xba: {  	s3 =	sand.u32 $0x4000, s31;
	s1 =	sadd.s32 s1, s30  }
0xbb: {  	s0 =	sor.u32 s3, s0;
	s1 =	sshll.u32 s1, $0x11  }
0xbc: {  	s0 =	sor.u32 s1, s0  }
0xbd: {  	s0 =	sadd.s32 $0x8F2B, s0  }
0xbe: {  	[sflag:s0] =	ssyncadd.remote.s32 $0x1  }
0xbf: {  	_ =	sfence.sel $0xFFFF  }
0xc0: {  	[dreg:$0x0] =	wrdreg $0xFFFFFFFF;
	(pc) =	sbr.abs _section_cstart, $3  }
0xc1: {  	[dreg:$0x1] =	wrdreg $0xFFFFFFFF  }
0xc2: {  	_ =	task.clear_ibuf [dreg:s7], $0x2FFFF;
	_ =	strace $0x9FFFFFFF  }
0xc3: {  	(tm) =	ssettm $0x7FFFFFFF  }
tec
execute0_lowered:
.L_overlay_start_1:
0x0: {  	(tag) =	ssettag $0x1  }
0x1: {  	s0 =	rddreg [dreg:$0x0]  }
0x2: {  	s2 =	rddreg [dreg:$0x1];
	s1 =	srdreg.scid  }
0x3: {  	s3 =	rddreg [dreg:$0x2];
	s10 =	stileid.u32  }
0x4: {  	s4 =	simm.s32 $0x0;
	s28 =	simm.s32 $0x3;
	s29 =	simm.s32 $0x5  }
0x5: {  	s30 =	simm.s32 $0x9;
	s1 =	sand.u32 $0x1, s1;
	s6 =	smul.u32 $0x14000, s10  }
0x6: {  	[smem:$0x7FF] =	sst s4;
	s22 =	smul.u32 $0x50000, s10;
	s7 =	sadd.s32 $0x4600, s0  }
0x7: {  	s24 =	sshll.u32 s10, $0xF;
	s5 =	smul.u32 $0x140000, s1;
	s8 =	ssub.s32 $0x2, s1  }
0x8: {  	_ =	strace $0x80000047;
	s1 =	sshll.u32 s1, $0x13;
	s9 =	sshrl.u32 s8, $0x1  }
0x9: {  	s23 =	sshrl.u32 s22, $0x2;
	s1 =	sor.u32 s24, s1;
	s24 =	simm.s32 $0x80  }
0xa: {  	s5 =	sadd.s32 s6, s5;
	s8 =	ssub.s32 s8, s9;
	s10 =	sshrl.u32 s1, $0x3  }
0xb: {  	s17 =	sor.u32 $0x600, s1;
	[dreg:$0x9] =	wrdreg s24;
	s6 =	sadd.s32 s10, s7  }
0xc: {  	s19 =	sor.u32 $0x500, s1;
	s22 =	smax.u32 s8, $0x1;
	[dreg:$0x11] =	wrdreg s6  }
0xd: {  	s1 =	sor.u32 $0x400, s1;
	s15 =	sadd.s32 $0x20, s6;
	[dreg:$0x17] =	wrdreg s22  }
0xe: {  	s5 =	sshrl.u32 s5, $0x3;
	s16 =	sadd.s32 $0x40, s6;
	[dreg:$0x14] =	wrdreg s15  }
0xf: {  	s1 =	sshrl.u32 s1, $0x3;
	s6 =	sadd.s32 $0x60, s6;
	[dreg:$0x15] =	wrdreg s16  }
0x10: {  	s0 =	sadd.s32 s5, s0;
	s21 =	sadd.s32 s1, s7;
	[dreg:$0x4] =	wrdreg s6  }
0x11: {  	s5 =	sadd.s32 s23, s3;
	s23 =	simm.s32 $0x5400;
	[dreg:$0x7] =	wrdreg s21  }
0x12: {  	s31 =	simm.s32 $0x4;
	s25 =	sadd.s32 $0x2800, s5;
	[dreg:$0x8] =	wrdreg s23  }
0x13: {  	s24 =	simm.s32 $0x2;
	s26 =	sadd.s32 $0x5000, s5;
	[dreg:$0xc] =	wrdreg s25  }
0x14: {  	s18 =	sshrl.u32 s17, $0x3;
	s9 =	sadd.s32 $0x7800, s5;
	[dreg:$0xd] =	wrdreg s26  }
0x15: {  	s8 =	simm.s32 $0xC;
	s11 =	sadd.s32 $0xA000, s5;
	[dreg:$0xe] =	wrdreg s9  }
0x16: {  	s10 =	simm.s32 $0x0;
	s12 =	sadd.s32 $0xC800, s5;
	[dreg:$0xf] =	wrdreg s11  }
0x17: {  	s1 =	simm.s32 $0x6;
	s13 =	sadd.s32 $0xF000, s5;
	[dreg:$0x10] =	wrdreg s12  }
0x18: {  	s14 =	sadd.s32 $0x11800, s5;
	s6 =	sadd.s32 s18, s7;
	[dreg:$0x12] =	wrdreg s13  }
0x19: {  	s0 =	sadd.s32 $0x24600, s0;
	s18 =	simm.s32 $0x400;
	[dreg:$0x13] =	wrdreg s14  }
0x1a: {  	s21 =	simm.s32 $0xD;
	s23 =	simm.s32 $0x50;
	[dreg:$0x5] =	wrdreg s6  }
0x1b: {  	s9 =	sshrl.u32 s19, $0x3;
	[dreg:$0x16] =	wrdreg s0;
	s25 =	simm.s32 $0x180  }
0x1c: {  	s26 =	simm.s32 $0x380;
	s0 =	simm.s32 $0x7C00;
	[dreg:$0xa] =	wrdreg s25  }
0x1d: {  	s6 =	simm.s32 $0xA;
	s20 =	sadd.s32 s9, s7;
	[dreg:$0xb] =	wrdreg s26  }
0x1e: {  	s25 =	simm.s32 $0x2C00;
	s26 =	simm.s32 $0x300;
	s7 =	simm.s32 $0x8  }
0x1f: {  	v0 =	vimm.f32 $0.0e+00;
	s9 =	simm.s32 $0xE;
	[dreg:$0x6] =	wrdreg s20;
	s20 =	simm.s32 $0x200  }
.LBB2_1:
0x20: {  	s12 =	simm.s32 $0x0;
	s13 =	simm.s32 $0x200  }
.LBB2_2:
0x21: {  	p0 =	sne.s32 s13, $0x9E00;
	[tilespmem:s12+$0x470] =	vst v0  }
0x22: {  	[tilespmem:s12+$0x400] =	vst v0  }
0x23: {  	[tilespmem:s12+$0x410] =	vst v0  }
.Ltmp0:
0x24: {  	[tilespmem:s12+$0x420] =	vst v0;
	(pc) =	sbr.rel @p0 .LBB2_2-.Ltmp0, $4  }
0x25: {  	[tilespmem:s12+$0x430] =	vst v0  }
0x26: {  	[tilespmem:s12+$0x440] =	vst v0  }
0x27: {  	[tilespmem:s12+$0x450] =	vst v0  }
0x28: {  	[tilespmem:s12+$0x460] =	vst v0;
	s12 =	sshra.s32 s13, $0x2;
	s13 =	sadd.s32 $0x200, s13  }
0x29: {  	[tilespmem:s12+$0x470] =	vst v0  }
0x2a: {  	[tilespmem:s12+$0x400] =	vst v0  }
0x2b: {  	[tilespmem:s12+$0x410] =	vst v0  }
0x2c: {  	[tilespmem:s12+$0x420] =	vst v0  }
0x2d: {  	[tilespmem:s12+$0x430] =	vst v0  }
0x2e: {  	[tilespmem:s12+$0x440] =	vst v0  }
0x2f: {  	[tilespmem:s12+$0x450] =	vst v0  }
0x30: {  	[tilespmem:s12+$0x460] =	vst v0  }
0x31: {  	[spmem:s5] =	stream.linear.scatter [tilespmem:s18], [sflag:$0xD], $0x2800, $0x38;
	[tilespmem:$0x1E400] =	vst v63  }
0x32: {  	s11 =	rddreg [dreg:$0xc]  }
0x33: {  	[spmem:s11] =	stream.linear.scatter [tilespmem:s18], [sflag:$0xD], $0x2800, $0x38;
	[tilespmem:$0x1E400] =	vst v63  }
0x34: {  	s19 =	rddreg [dreg:$0xd]  }
0x35: {  	[spmem:s19] =	stream.linear.scatter [tilespmem:s18], [sflag:$0xD], $0x2800, $0x38;
	[tilespmem:$0x1E400] =	vst v63  }
0x36: {  	s22 =	rddreg [dreg:$0xe]  }
0x37: {  	[spmem:s22] =	stream.linear.scatter [tilespmem:s18], [sflag:$0xD], $0x2800, $0x38;
	[tilespmem:$0x1E400] =	vst v63  }
0x38: {  	s12 =	rddreg [dreg:$0xf]  }
0x39: {  	[spmem:s12] =	stream.linear.scatter [tilespmem:s18], [sflag:$0xD], $0x2800, $0x38;
	[tilespmem:$0x1E400] =	vst v63  }
0x3a: {  	s13 =	rddreg [dreg:$0x10]  }
0x3b: {  	[spmem:s13] =	stream.linear.scatter [tilespmem:s18], [sflag:$0xD], $0x2800, $0x38;
	[tilespmem:$0x1E400] =	vst v63  }
0x3c: {  	s14 =	rddreg [dreg:$0x12]  }
0x3d: {  	[spmem:s14] =	stream.linear.scatter [tilespmem:s18], [sflag:$0xD], $0x2800, $0x38;
	[tilespmem:$0x1E400] =	vst v63  }
0x3e: {  	s15 =	rddreg [dreg:$0x13]  }
0x3f: {  	[spmem:s15] =	stream.linear.scatter [tilespmem:s18], [sflag:$0xD], $0x2800, $0x38;
	[tilespmem:$0x1E400] =	vst v63  }
0x40: {  	s16 =	simm.s32 $0x0;
	s17 =	rddreg [dreg:$0x11]  }
0x41: {  	[tilespmem:s16], [sflag:$0x1] =	stream.linear.gather [hbm4b:s17+s16], $0x100, $0x38;
	[tilespmem:$0x1E400] =	vst v63  }
0x42: {  	s19 =	rddreg [dreg:$0x14];
	s13 =	simm.s32 $0x100  }
0x43: {  	[tilespmem:s13], [sflag:$0x2] =	stream.linear.gather [hbm4b:s19+s16], $0x100, $0x38;
	[tilespmem:$0x1E400] =	vst v63  }
0x44: {  	s22 =	rddreg [dreg:$0x15]  }
0x45: {  	[tilespmem:s20], [sflag:$0x3] =	stream.linear.gather [hbm4b:s22+s16], $0x100, $0x38;
	[tilespmem:$0x1E400] =	vst v63  }
0x46: {  	_ =	swait.ge [sflag:s21], $0x2800  }
0x47: {  	[sflag:s21] =	ssyncset.done $0x0  }
0x48: {  	[sflag:s21] =	ssyncadd.s32 $0xFFFFD800  }
0x49: {  	_ =	swait.ge [sflag:s21], $0x2800  }
0x4a: {  	[sflag:s21] =	ssyncset.done $0x0  }
0x4b: {  	[sflag:s21] =	ssyncadd.s32 $0xFFFFD800  }
0x4c: {  	_ =	swait.ge [sflag:s21], $0x2800  }
0x4d: {  	[sflag:s21] =	ssyncset.done $0x0  }
0x4e: {  	[sflag:s21] =	ssyncadd.s32 $0xFFFFD800  }
0x4f: {  	_ =	swait.ge [sflag:s21], $0x2800  }
0x50: {  	[sflag:s21] =	ssyncset.done $0x0  }
0x51: {  	[sflag:s21] =	ssyncadd.s32 $0xFFFFD800  }
0x52: {  	_ =	swait.ge [sflag:s21], $0x2800  }
0x53: {  	[sflag:s21] =	ssyncset.done $0x0  }
0x54: {  	[sflag:s21] =	ssyncadd.s32 $0xFFFFD800  }
0x55: {  	_ =	swait.ge [sflag:s21], $0x2800  }
0x56: {  	[sflag:s21] =	ssyncset.done $0x0  }
0x57: {  	[sflag:s21] =	ssyncadd.s32 $0xFFFFD800  }
0x58: {  	_ =	swait.ge [sflag:s21], $0x2800  }
0x59: {  	[sflag:s21] =	ssyncset.done $0x0  }
0x5a: {  	[sflag:s21] =	ssyncadd.s32 $0xFFFFD800  }
0x5b: {  	_ =	swait.ge [sflag:s21], $0x2800  }
0x5c: {  	[sflag:s21] =	ssyncset.done $0x0  }
0x5d: {  	[sflag:s21] =	ssyncadd.s32 $0xFFFFD800  }
0x5e: {  	s14 =	simm.s32 $0x1;
	[bflag:$0x0] =	sbarrier.arrive $0xFFFF  }
0x5f: {  	_ =	swait.ge [sflag:s14], $0x100  }
0x60: {  	[sflag:s14] =	ssyncset.done $0x0  }
0x61: {  	[sflag:s14] =	ssyncadd.s32 $0xFFFFFF00  }
0x62: {  	[tilespmem:s18], [sflag:$0x5] =	stream.indirect.gather [hbm4b:s2+s23], $0x80, s16, s23, $0xb8;
	[tilespmem:$0x1E400] =	vst v63  }
0x63: {  	p0 =	por $0x1, $0x1;
	_ =	swait.ge [sflag:s24], $0x100  }
0x64: {  	p0 =	por p0, p0;
	[sflag:s24] =	ssyncset.done $0x0  }
0x65: {  	s12 =	simm.s32 @!p0 $0xC;
	[sflag:s24] =	ssyncadd.s32 $0xFFFFFF00  }
0x66: {  	[tilespmem:s25], [sflag:$0x6] =	stream.indirect.gather [hbm4b:s2+s23], $0x80, s13, s23, $0xb8;
	[tilespmem:$0x1E400] =	vst v63  }
0x67: {  	_ =	swait.ge @!p0 [sflag:s12], $0x2800  }
0x68: {  	s15 =	rddreg [dreg:$0x4];
	[sflag:s12] =	ssyncset.done @!p0 $0x0  }
0x69: {  	[sflag:s12] =	ssyncadd.s32 @!p0 $0xFFFFD800;
	s16 =	sadd.s32 $0x0, s15  }
0x6a: {  	[tilespmem:s26], [sflag:$0x4] =	stream.linear.gather [hbm4b:s16+s4], $0x100, $0x38;
	[tilespmem:$0x1E400] =	vst v63  }
0x6b: {  	_ =	swait.ge [sflag:s28], $0x100  }
0x6c: {  	[sflag:s28] =	ssyncset.done $0x0  }
0x6d: {  	s17 =	rddreg [dreg:$0x8];
	[sflag:s28] =	ssyncadd.s32 $0xFFFFFF00  }
0x6e: {  	[tilespmem:s17], [sflag:$0x7] =	stream.indirect.gather [hbm4b:s2+s23], $0x80, s20, s23, $0xb8;
	[tilespmem:$0x1E400] =	vst v63  }
0x6f: {  	_ =	swait.ge [sflag:s29], $0x2800  }
0x70: {  	[sflag:s29] =	ssyncset.done $0x0  }
0x71: {  	s19 =	rddreg [dreg:$0x9];
	[sflag:s29] =	ssyncadd.s32 $0xFFFFD800  }
0x72: {  	[spmem:s3] =	stream.indirect.scatter.add.f32 [tilespmem:s18], [sflag:$0x9], $0x80, s19, s23, $0xb8;
	[tilespmem:$0x1E400] =	vst v63  }
0x73: {  	_ =	swait.ge [sflag:s30], $0x2800  }
0x74: {  	p0 =	por $0x0, $0x0;
	s12 =	rddreg [dreg:$0x7];
	[sflag:s30] =	ssyncset.done $0x0  }
0x75: {  	s13 =	simm.s32 @!p0 $0x0;
	[sflag:s30] =	ssyncadd.s32 $0xFFFFD800;
	s12 =	sadd.s32 @!p0 $0x0, s12  }
0x76: {  	[tilespmem:s13], [sflag:$0x1] =	stream.linear.gather @!p0 [hbm4b:s12+s13], $0x100, $0x38;
	[tilespmem:$0x1E400] =	vst v63  }
0x77: {  	_ =	swait.ge [sflag:s31], $0x100  }
0x78: {  	[sflag:s31] =	ssyncset.done $0x0  }
0x79: {  	[sflag:s31] =	ssyncadd.s32 $0xFFFFFF00  }
0x7a: {  	[tilespmem:s0], [sflag:$0x8] =	stream.indirect.gather [hbm4b:s2+s23], $0x80, s26, s23, $0xb8;
	[tilespmem:$0x1E400] =	vst v63  }
0x7b: {  	_ =	swait.ge [sflag:s1], $0x2800  }
0x7c: {  	[sflag:s1] =	ssyncset.done $0x0  }
0x7d: {  	s22 =	rddreg [dreg:$0xa];
	[sflag:s1] =	ssyncadd.s32 $0xFFFFD800  }
0x7e: {  	[spmem:s3] =	stream.indirect.scatter.add.f32 [tilespmem:s25], [sflag:$0xA], $0x80, s22, s23, $0xb8;
	[tilespmem:$0x1E400] =	vst v63  }
0x7f: {  	_ =	swait.ge [sflag:s6], $0x2800  }
0x80: {  	[sflag:s6] =	ssyncset.done $0x0  }
0x81: {  	s12 =	simm.s32 @p0 $0x7;
	[sflag:s6] =	ssyncadd.s32 $0xFFFFD800  }
0x82: {  	_ =	swait.ge @p0 [sflag:s12], $0x2800  }
0x83: {  	s14 =	simm.s32 @p0 $0x5400;
	s15 =	simm.s32 @p0 $0xB;
	[sflag:s12] =	ssyncset.done @p0 $0x0  }
0x84: {  	s19 =	simm.s32 @p0 $0x280;
	[sflag:s12] =	ssyncadd.s32 @p0 $0xFFFFD800;
	s12 =	simm.s32 @p0 $0x50  }
0x85: {  	[spmem:s3] =	stream.indirect.scatter.add.f32 @p0 [tilespmem:s14], [sflag:$0xB], $0x80, s19, s12, $0xb8;
	[tilespmem:$0x1E400] =	vst v63  }
0x86: {  	_ =	swait.ge @p0 [sflag:s15], $0x2800  }
0x87: {  	s14 =	simm.s32 @!p0 $0x1;
	s12 =	rddreg [dreg:$0x6];
	[sflag:s15] =	ssyncset.done @p0 $0x0  }
0x88: {  	[sflag:s15] =	ssyncadd.s32 @p0 $0xFFFFD800;
	s12 =	sadd.s32 @!p0 $0x0, s12;
	s15 =	simm.s32 @!p0 $0x100  }
0x89: {  	[tilespmem:s15], [sflag:$0x2] =	stream.linear.gather @!p0 [hbm4b:s12+s13], $0x100, $0x38;
	[tilespmem:$0x1E400] =	vst v63  }
0x8a: {  	_ =	swait.ge @!p0 [sflag:s14], $0x100  }
0x8b: {  	s19 =	simm.s32 @!p0 $0x400;
	[sflag:s14] =	ssyncset.done @!p0 $0x0  }
0x8c: {  	s12 =	simm.s32 @!p0 $0x7;
	[sflag:s14] =	ssyncadd.s32 @!p0 $0xFFFFFF00;
	s14 =	simm.s32 @!p0 $0x50  }
0x8d: {  	[tilespmem:s19], [sflag:$0x5] =	stream.indirect.gather @!p0 [hbm4b:s2+s14], $0x80, s13, s14, $0xb8;
	[tilespmem:$0x1E400] =	vst v63  }
0x8e: {  	_ =	swait.ge @!p0 [sflag:s12], $0x2800  }
0x8f: {  	[sflag:s12] =	ssyncset.done @!p0 $0x0  }
0x90: {  	s19 =	simm.s32 @!p0 $0x5400;
	[sflag:s12] =	ssyncadd.s32 @!p0 $0xFFFFD800;
	s12 =	simm.s32 @!p0 $0x280  }
0x91: {  	[spmem:s3] =	stream.indirect.scatter.add.f32 @!p0 [tilespmem:s19], [sflag:$0xB], $0x80, s12, s14, $0xb8;
	[tilespmem:$0x1E400] =	vst v63  }
0x92: {  	s12 =	simm.s32 @!p0 $0xB  }
0x93: {  	_ =	swait.ge @!p0 [sflag:s12], $0x2800  }
0x94: {  	s19 =	rddreg [dreg:$0x5];
	[sflag:s12] =	ssyncset.done @!p0 $0x0  }
0x95: {  	[sflag:s12] =	ssyncadd.s32 @!p0 $0xFFFFD800;
	s12 =	sadd.s32 @!p0 $0x0, s19;
	s19 =	simm.s32 @!p0 $0x200  }
0x96: {  	[tilespmem:s19], [sflag:$0x3] =	stream.linear.gather @!p0 [hbm4b:s12+s13], $0x100, $0x38;
	[tilespmem:$0x1E400] =	vst v63  }
0x97: {  	s12 =	simm.s32 @!p0 $0x2  }
0x98: {  	_ =	swait.ge @!p0 [sflag:s12], $0x100  }
0x99: {  	[sflag:s12] =	ssyncset.done @!p0 $0x0  }
0x9a: {  	[sflag:s12] =	ssyncadd.s32 @!p0 $0xFFFFFF00;
	s12 =	simm.s32 @!p0 $0x2C00  }
0x9b: {  	[tilespmem:s12], [sflag:$0x6] =	stream.indirect.gather @!p0 [hbm4b:s2+s14], $0x80, s15, s14, $0xb8;
	[tilespmem:$0x1E400] =	vst v63  }
0x9c: {  	p6 =	por $0x0, $0x0;
	_ =	swait.ge [sflag:s7], $0x2800  }
0x9d: {  	s13 =	simm.s32 $0x100;
	s12 =	simm.s32 $0x80;
	[sflag:s7] =	ssyncset.done $0x0  }
0x9e: {  	p0 =	por p6, p6;
	s14 =	rddreg [dreg:$0xb];
	[sflag:s7] =	ssyncadd.s32 $0xFFFFD800  }
.LBB2_4:
0x9f: {  	[spmem:s3] =	stream.indirect.scatter.add.f32 [tilespmem:s0], [sflag:$0xC], $0x80, s14, s23, $0xb8;
	[tilespmem:$0x1E400] =	vst v63  }
0xa0: {  	s15 =	simm.s32 @!p0 $0xC  }
0xa1: {  	_ =	swait.ge @!p0 [sflag:s15], $0x2800  }
0xa2: {  	[sflag:s15] =	ssyncset.done @!p0 $0x0;
	s19 =	rddreg [dreg:$0x4]  }
0xa3: {  	[sflag:s15] =	ssyncadd.s32 @!p0 $0xFFFFD800;
	s16 =	sadd.s32 s12, s19  }
0xa4: {  	[tilespmem:s26], [sflag:$0x4] =	stream.linear.gather [hbm4b:s16+s4], $0x100, $0x38;
	[tilespmem:$0x1E400] =	vst v63  }
0xa5: {  	_ =	swait.ge [sflag:s28], $0x100  }
0xa6: {  	[sflag:s28] =	ssyncset.done $0x0  }
0xa7: {  	s17 =	rddreg [dreg:$0x8];
	[sflag:s28] =	ssyncadd.s32 $0xFFFFFF00  }
0xa8: {  	[tilespmem:s17], [sflag:$0x7] =	stream.indirect.gather [hbm4b:s2+s23], $0x80, s20, s23, $0xb8;
	[tilespmem:$0x1E400] =	vst v63  }
0xa9: {  	_ =	swait.ge [sflag:s29], $0x2800  }
0xaa: {  	s14 =	smov.u32 s13;
	[sflag:s29] =	ssyncset.done $0x0  }
0xab: {  	p2 =	seq.s32 s14, $0x0;
	s19 =	rddreg [dreg:$0x9];
	[sflag:s29] =	ssyncadd.s32 $0xFFFFD800  }
0xac: {  	[spmem:s3] =	stream.indirect.scatter.add.f32 [tilespmem:s18], [sflag:$0x9], $0x80, s19, s23, $0xb8;
	[tilespmem:$0x1E400] =	vst v63  }
0xad: {  	p0 =	por p2, p2;
	_ =	swait.ge [sflag:s30], $0x2800  }
0xae: {  	p2 =	seq.s32 s12, $0xF80;
	s15 =	rddreg [dreg:$0x7];
	[sflag:s30] =	ssyncset.done $0x0  }
0xaf: {  	[sflag:s30] =	ssyncadd.s32 $0xFFFFD800;
	s19 =	sadd.s32 @!p2 s12, s15;
	s15 =	simm.s32 @!p2 $0x0  }
0xb0: {  	[tilespmem:s15], [sflag:$0x1] =	stream.linear.gather @!p2 [hbm4b:s19+s15], $0x100, $0x38;
	[tilespmem:$0x1E400] =	vst v63  }
0xb1: {  	_ =	swait.ge [sflag:s31], $0x100  }
0xb2: {  	[sflag:s31] =	ssyncset.done $0x0  }
0xb3: {  	[sflag:s31] =	ssyncadd.s32 $0xFFFFFF00  }
0xb4: {  	[tilespmem:s0], [sflag:$0x8] =	stream.indirect.gather [hbm4b:s2+s23], $0x80, s26, s23, $0xb8;
	[tilespmem:$0x1E400] =	vst v63  }
0xb5: {  	_ =	swait.ge [sflag:s1], $0x2800  }
0xb6: {  	[sflag:s1] =	ssyncset.done $0x0  }
0xb7: {  	s22 =	rddreg [dreg:$0xa];
	[sflag:s1] =	ssyncadd.s32 $0xFFFFD800  }
0xb8: {  	[spmem:s3] =	stream.indirect.scatter.add.f32 [tilespmem:s25], [sflag:$0xA], $0x80, s22, s23, $0xb8;
	[tilespmem:$0x1E400] =	vst v63  }
0xb9: {  	_ =	swait.ge [sflag:s6], $0x2800  }
0xba: {  	[sflag:s6] =	ssyncset.done $0x0  }
0xbb: {  	s19 =	simm.s32 @p2 $0x7;
	[sflag:s6] =	ssyncadd.s32 $0xFFFFD800  }
0xbc: {  	_ =	swait.ge @p2 [sflag:s19], $0x2800  }
0xbd: {  	s16 =	simm.s32 @p2 $0x5400;
	s11 =	simm.s32 @p2 $0x280;
	[sflag:s19] =	ssyncset.done @p2 $0x0  }
0xbe: {  	s17 =	simm.s32 @p2 $0xB;
	[sflag:s19] =	ssyncadd.s32 @p2 $0xFFFFD800;
	s19 =	simm.s32 @p2 $0x50  }
0xbf: {  	[spmem:s3] =	stream.indirect.scatter.add.f32 @p2 [tilespmem:s16], [sflag:$0xB], $0x80, s11, s19, $0xb8;
	[tilespmem:$0x1E400] =	vst v63  }
0xc0: {  	_ =	swait.ge @p2 [sflag:s17], $0x2800  }
0xc1: {  	s16 =	simm.s32 @!p2 $0x1;
	s11 =	rddreg [dreg:$0x6];
	[sflag:s17] =	ssyncset.done @p2 $0x0  }
0xc2: {  	[sflag:s17] =	ssyncadd.s32 @p2 $0xFFFFD800;
	s11 =	sadd.s32 @!p2 s12, s11;
	s17 =	simm.s32 @!p2 $0x100  }
0xc3: {  	[tilespmem:s17], [sflag:$0x2] =	stream.linear.gather @!p2 [hbm4b:s11+s15], $0x100, $0x38;
	[tilespmem:$0x1E400] =	vst v63  }
0xc4: {  	_ =	swait.ge @!p2 [sflag:s16], $0x100  }
0xc5: {  	s19 =	simm.s32 @!p2 $0x400;
	[sflag:s16] =	ssyncset.done @!p2 $0x0  }
0xc6: {  	s11 =	simm.s32 @!p2 $0x7;
	[sflag:s16] =	ssyncadd.s32 @!p2 $0xFFFFFF00;
	s16 =	simm.s32 @!p2 $0x50  }
0xc7: {  	[tilespmem:s19], [sflag:$0x5] =	stream.indirect.gather @!p2 [hbm4b:s2+s16], $0x80, s15, s16, $0xb8;
	[tilespmem:$0x1E400] =	vst v63  }
0xc8: {  	_ =	swait.ge @!p2 [sflag:s11], $0x2800  }
0xc9: {  	s22 =	simm.s32 @!p2 $0x5400;
	[sflag:s11] =	ssyncset.done @!p2 $0x0  }
0xca: {  	s19 =	simm.s32 @!p2 $0xB;
	[sflag:s11] =	ssyncadd.s32 @!p2 $0xFFFFD800;
	s11 =	simm.s32 @!p2 $0x280  }
0xcb: {  	[spmem:s3] =	stream.indirect.scatter.add.f32 @!p2 [tilespmem:s22], [sflag:$0xB], $0x80, s11, s16, $0xb8;
	[tilespmem:$0x1E400] =	vst v63  }
0xcc: {  	_ =	swait.ge @!p2 [sflag:s19], $0x2800  }
0xcd: {  	s22 =	simm.s32 @!p2 $0x2;
	s11 =	rddreg [dreg:$0x5];
	[sflag:s19] =	ssyncset.done @!p2 $0x0  }
0xce: {  	[sflag:s19] =	ssyncadd.s32 @!p2 $0xFFFFD800;
	s11 =	sadd.s32 @!p2 s12, s11;
	s12 =	simm.s32 @!p2 $0x200  }
0xcf: {  	[tilespmem:s12], [sflag:$0x3] =	stream.linear.gather @!p2 [hbm4b:s11+s15], $0x100, $0x38;
	[tilespmem:$0x1E400] =	vst v63  }
0xd0: {  	s13 =	sadd.s32 $0x80, s13;
	_ =	swait.ge @!p2 [sflag:s22], $0x100  }
0xd1: {  	p1 =	sne.s32 s13, $0x1000;
	[sflag:s22] =	ssyncset.done @!p2 $0x0  }
.Ltmp1:
0xd2: {  	s11 =	simm.s32 @!p2 $0x2C00;
	[sflag:s22] =	ssyncadd.s32 @!p2 $0xFFFFFF00;
	(pc) =	sbr.rel @p1 .LBB2_4-.Ltmp1, $4  }
0xd3: {  	[tilespmem:s11], [sflag:$0x6] =	stream.indirect.gather @!p2 [hbm4b:s2+s16], $0x80, s17, s16, $0xb8;
	[tilespmem:$0x1E400] =	vst v63  }
0xd4: {  	_ =	swait.ge [sflag:s7], $0x2800  }
0xd5: {  	[sflag:s7] =	ssyncset.done $0x0  }
0xd6: {  	s12 =	smov.u32 s14;
	s14 =	rddreg [dreg:$0xb];
	[sflag:s7] =	ssyncadd.s32 $0xFFFFD800  }
0xd7: {  	[spmem:s3] =	stream.indirect.scatter.add.f32 [tilespmem:s0], [sflag:$0xC], $0x80, s14, s23, $0xb8;
	[tilespmem:$0x1E400] =	vst v63  }
0xd8: {  	s11 =	simm.s32 @!p0 $0xC  }
0xd9: {  	_ =	swait.ge @!p0 [sflag:s11], $0x2800  }
0xda: {  	s13 =	rddreg [dreg:$0x4];
	[sflag:s11] =	ssyncset.done @!p0 $0x0  }
0xdb: {  	[sflag:s11] =	ssyncadd.s32 @!p0 $0xFFFFD800;
	s19 =	sadd.s32 s12, s13  }
0xdc: {  	[tilespmem:s26], [sflag:$0x4] =	stream.linear.gather [hbm4b:s19+s4], $0x100, $0x38;
	[tilespmem:$0x1E400] =	vst v63  }
0xdd: {  	_ =	swait.ge [sflag:s28], $0x100  }
0xde: {  	[sflag:s28] =	ssyncset.done $0x0  }
0xdf: {  	s22 =	rddreg [dreg:$0x8];
	[sflag:s28] =	ssyncadd.s32 $0xFFFFFF00  }
0xe0: {  	[tilespmem:s22], [sflag:$0x7] =	stream.indirect.gather [hbm4b:s2+s23], $0x80, s20, s23, $0xb8;
	[tilespmem:$0x1E400] =	vst v63  }
0xe1: {  	_ =	swait.ge [sflag:s29], $0x2800  }
0xe2: {  	[sflag:s29] =	ssyncset.done $0x0  }
0xe3: {  	s13 =	rddreg [dreg:$0x9];
	[sflag:s29] =	ssyncadd.s32 $0xFFFFD800  }
0xe4: {  	[spmem:s3] =	stream.indirect.scatter.add.f32 [tilespmem:s18], [sflag:$0x9], $0x80, s13, s23, $0xb8;
	[tilespmem:$0x1E400] =	vst v63  }
0xe5: {  	_ =	swait.ge [sflag:s30], $0x2800  }
0xe6: {  	p0 =	seq.s32 s12, $0xF80;
	s11 =	rddreg [dreg:$0x7];
	[sflag:s30] =	ssyncset.done $0x0  }
0xe7: {  	s13 =	simm.s32 @!p0 $0x0;
	[sflag:s30] =	ssyncadd.s32 $0xFFFFD800;
	s11 =	sadd.s32 @!p0 s12, s11  }
0xe8: {  	[tilespmem:s13], [sflag:$0x1] =	stream.linear.gather @!p0 [hbm4b:s11+s13], $0x100, $0x38;
	[tilespmem:$0x1E400] =	vst v63  }
0xe9: {  	_ =	swait.ge [sflag:s31], $0x100  }
0xea: {  	[sflag:s31] =	ssyncset.done $0x0  }
0xeb: {  	[sflag:s31] =	ssyncadd.s32 $0xFFFFFF00  }
0xec: {  	[tilespmem:s0], [sflag:$0x8] =	stream.indirect.gather [hbm4b:s2+s23], $0x80, s26, s23, $0xb8;
	[tilespmem:$0x1E400] =	vst v63  }
0xed: {  	_ =	swait.ge [sflag:s1], $0x2800  }
0xee: {  	[sflag:s1] =	ssyncset.done $0x0  }
0xef: {  	s14 =	rddreg [dreg:$0xa];
	[sflag:s1] =	ssyncadd.s32 $0xFFFFD800  }
0xf0: {  	[spmem:s3] =	stream.indirect.scatter.add.f32 [tilespmem:s25], [sflag:$0xA], $0x80, s14, s23, $0xb8;
	[tilespmem:$0x1E400] =	vst v63  }
0xf1: {  	_ =	swait.ge [sflag:s6], $0x2800  }
0xf2: {  	[sflag:s6] =	ssyncset.done $0x0  }
0xf3: {  	s11 =	simm.s32 @p0 $0x7;
	[sflag:s6] =	ssyncadd.s32 $0xFFFFD800  }
0xf4: {  	_ =	swait.ge @p0 [sflag:s11], $0x2800  }
0xf5: {  	s15 =	simm.s32 @p0 $0xB;
	s16 =	simm.s32 @p0 $0x280;
	[sflag:s11] =	ssyncset.done @p0 $0x0  }
0xf6: {  	s14 =	simm.s32 @p0 $0x5400;
	[sflag:s11] =	ssyncadd.s32 @p0 $0xFFFFD800;
	s11 =	simm.s32 @p0 $0x50  }
0xf7: {  	[spmem:s3] =	stream.indirect.scatter.add.f32 @p0 [tilespmem:s14], [sflag:$0xB], $0x80, s16, s11, $0xb8;
	[tilespmem:$0x1E400] =	vst v63  }
0xf8: {  	_ =	swait.ge @p0 [sflag:s15], $0x2800  }
0xf9: {  	s14 =	simm.s32 @!p0 $0x1;
	s11 =	rddreg [dreg:$0x6];
	[sflag:s15] =	ssyncset.done @p0 $0x0  }
0xfa: {  	[sflag:s15] =	ssyncadd.s32 @p0 $0xFFFFD800;
	s11 =	sadd.s32 @!p0 s12, s11;
	s15 =	simm.s32 @!p0 $0x100  }
0xfb: {  	[tilespmem:s15], [sflag:$0x2] =	stream.linear.gather @!p0 [hbm4b:s11+s13], $0x100, $0x38;
	[tilespmem:$0x1E400] =	vst v63  }
0xfc: {  	_ =	swait.ge @!p0 [sflag:s14], $0x100  }
0xfd: {  	s16 =	simm.s32 @!p0 $0x400;
	[sflag:s14] =	ssyncset.done @!p0 $0x0  }
0xfe: {  	s11 =	simm.s32 @!p0 $0x7;
	[sflag:s14] =	ssyncadd.s32 @!p0 $0xFFFFFF00;
	s14 =	simm.s32 @!p0 $0x50  }
0xff: {  	[tilespmem:s16], [sflag:$0x5] =	stream.indirect.gather @!p0 [hbm4b:s2+s14], $0x80, s13, s14, $0xb8;
	[tilespmem:$0x1E400] =	vst v63  }
0x100: {  	_ =	swait.ge @!p0 [sflag:s11], $0x2800  }
0x101: {  	[sflag:s11] =	ssyncset.done @!p0 $0x0  }
0x102: {  	s16 =	simm.s32 @!p0 $0x5400;
	[sflag:s11] =	ssyncadd.s32 @!p0 $0xFFFFD800;
	s11 =	simm.s32 @!p0 $0x280  }
0x103: {  	[spmem:s3] =	stream.indirect.scatter.add.f32 @!p0 [tilespmem:s16], [sflag:$0xB], $0x80, s11, s14, $0xb8;
	[tilespmem:$0x1E400] =	vst v63  }
0x104: {  	s11 =	simm.s32 @!p0 $0xB  }
0x105: {  	_ =	swait.ge @!p0 [sflag:s11], $0x2800  }
0x106: {  	s16 =	rddreg [dreg:$0x5];
	[sflag:s11] =	ssyncset.done @!p0 $0x0  }
0x107: {  	[sflag:s11] =	ssyncadd.s32 @!p0 $0xFFFFD800;
	s11 =	sadd.s32 @!p0 s12, s16;
	s12 =	simm.s32 @!p0 $0x200  }
0x108: {  	[tilespmem:s12], [sflag:$0x3] =	stream.linear.gather @!p0 [hbm4b:s11+s13], $0x100, $0x38;
	[tilespmem:$0x1E400] =	vst v63  }
0x109: {  	s11 =	simm.s32 @!p0 $0x2  }
0x10a: {  	_ =	swait.ge @!p0 [sflag:s11], $0x100  }
0x10b: {  	[sflag:s11] =	ssyncset.done @!p0 $0x0  }
0x10c: {  	[sflag:s11] =	ssyncadd.s32 @!p0 $0xFFFFFF00;
	s11 =	simm.s32 @!p0 $0x2C00  }
0x10d: {  	[tilespmem:s11], [sflag:$0x6] =	stream.indirect.gather @!p0 [hbm4b:s2+s14], $0x80, s15, s14, $0xb8;
	[tilespmem:$0x1E400] =	vst v63  }
0x10e: {  	_ =	swait.ge [sflag:s7], $0x2800  }
0x10f: {  	[sflag:s7] =	ssyncset.done $0x0  }
0x110: {  	s15 =	rddreg [dreg:$0xb];
	[sflag:s7] =	ssyncadd.s32 $0xFFFFD800  }
0x111: {  	[spmem:s3] =	stream.indirect.scatter.add.f32 [tilespmem:s0], [sflag:$0xC], $0x80, s15, s23, $0xb8;
	[tilespmem:$0x1E400] =	vst v63  }
0x112: {  	_ =	swait.ge [sflag:s8], $0x2800  }
0x113: {  	[sflag:s8] =	ssyncset.done $0x0  }
0x114: {  	s16 =	stileid.u32;
	[sflag:s8] =	ssyncadd.s32 $0xFFFFD800  }
0x115: {  	s11 =	sshll.u32 s16, $0x6;
	[bflag:$0x0] =	sbarrier.arrive $0xFFFF  }
0x116: {  	s17 =	sshrl.u32 s5, $0x3;
	s11 =	sor.u32 $0x1C0E, s11;
	s19 =	rddreg [dreg:$0x16]  }
0x117: {  	[hbm:s19], [sflag:s11] =	dma.local [spmem:s17], $0x2800  }
0x118: {  	_ =	swait.ge [sflag:s9], $0x2800  }
0x119: {  	s10 =	sadd.s32 $0x1, s10;
	s22 =	rddreg [dreg:$0x17]  }
0x11a: {  	p0 =	sne.s32 s10, s22  }
.Ltmp2:
0x11b: {  	_ = 	snop;
	(pc) =	sbr.rel @p0 .LBB2_1-.Ltmp2, $3  }
0x11c: {  	_ =	sdelay $0x1  }
0x11d: {  	[sflag:s9] =	ssyncset.done $0x0  }
0x11e: {  	[sflag:s9] =	ssyncadd.s32 $0xFFFFD800  }
0x11f: {  	_ =	sfence.sel $0x180000  }
0x120: {  	[bflag:$0x0] =	sbarrier.arrive $0xFFFF  }
0x121: {  	_ =	strace $0x90000047  }
0x122: {  	s0 =	stileid.u32;
	[bflag:$0x2] =	sbarrier.arrive $0xFFFF  }
0x123: {  	p0 =	sne.s32 s0, $0x0;
	s0 =	rddreg [dreg:$0x3]  }
0x124: {  	s0 =	sadd.s32 @!p0 $0x100000, s0  }
0x125: {  	[sflag:s0] =	ssyncadd.tile.s32 @!p0 $0x1;
	_ =	shalt  }
.Lfunc_end2:
_tile_overlayer_lowered:
.L_overlay_start_2:
0x126: {  	(tag) =	ssettag $0x2  }
0x127: {  	s0 =	rddreg [dreg:$0x0];
	s2 =	stileid.u32  }
0x128: {  	s1 =	rddreg [dreg:$0x1];
	p0 =	sne.s32 s2, $0x0  }
0x129: {  	s3 =	rddreg [dreg:$0x2];
	[bflag:$0x3] =	sbarrier.arrive $0xFFFF;
	s2 =	simm.s32 @!p0 $0x1C0E  }
0x12a: {  	[timem:s3], [sflag:s2] =	dma.local @!p0 [hbm:s0], s1  }
0x12b: {  	s0 =	simm.s32 @!p0 $0xE  }
0x12c: {  	_ =	swait.ge @!p0 [sflag:s0], s1  }
0x12d: {  	s1 =	ssub.s32 @!p0 $0x0, s1;
	[sflag:s0] =	ssyncset.done @!p0 $0x0  }
0x12e: {  	[sflag:s0] =	ssyncadd.s32 @!p0 s1  }
0x12f: {  	[bflag:$0x3] =	sbarrier.arrive $0xFFFF  }
0x130: {  	_ =	shalt  }

// kernel: kernel.13.cloned.1.call-start
scs
__scs_entry_jumppad:
0x0: {  	(pc) =	sbr.rel $0x88, $3  }
0x1: {  	(tag) =	ssettag $0x0;
	lr =	simm.s32 $0x1  }
0x2: {  	[smem:$0x3F90] =	sst lr;
	_ =	strace $0xD0000000  }
0x3: {  	_ = 	snop  }
0x4: {  	_ = 	snop  }
0x5: {  	_ = 	snop  }
0x6: {  	_ = 	snop  }
0x7: {  	_ = 	snop  }
__scs_overlays_trampoline_lowered:
0x8: {  	[smem:$0x3F9F] =	sst s0  }
0x9: {  	[smem:$0x3FA0] =	sst s1  }
0xa: {  	[smem:$0x3FA1] =	sst s2  }
0xb: {  	[smem:$0x3FA2] =	sst s3  }
0xc: {  	[smem:$0x3FA3] =	sst s4  }
0xd: {  	[smem:$0x3FA4] =	sst s5  }
0xe: {  	[smem:$0x3FA5] =	sst s6  }
0xf: {  	[smem:$0x3FA6] =	sst s7  }
0x10: {  	[smem:$0x3FA7] =	sst s8  }
0x11: {  	[smem:$0x3FA8] =	sst s9;
	s0 =	simm.s32 @!p0 $0x0  }
0x12: {  	s1 =	sld [smem:$0x3F8E];
	s0 =	simm.s32 @p0 $0x1  }
0x13: {  	[smem:$0x3FA9] =	sst s0;
	s0 =	simm.s32 @!p1 $0x0  }
0x14: {  	s2 =	sld [smem:$0x3F8D];
	s0 =	simm.s32 @p1 $0x1  }
0x15: {  	[smem:$0x3FAA] =	sst s0;
	s0 =	simm.s32 @!p2 $0x0  }
0x16: {  	s3 =	sld [smem:$0x3FDB];
	s0 =	simm.s32 @p2 $0x1  }
0x17: {  	s4 =	simm.s32 $0x1BF5;
	[smem:$0x3FAC] =	sst s0  }
0x18: {  	s0 =	sld [smem:$0x3F8F];
	_ =	swait.ge [sflag:s4], $0x0  }
0x19: {  	s7 =	sld [smem:$0x3F90]  }
0x1a: {  	s8 =	sadd.s32 $0xFFFFE003, lr  }
0x1b: {  	s9 =	sadd.s32 $0xFFFFFEF7, lr;
	s5 =	simm.s32 $0xFFFFFFFF;
	p2 =	slt.u32 s8, $0xFFFFF086  }
0x1c: {  	p1 =	slt.u32 s9, $0xF7A;
	s5 =	simm.s32 @!p2 $0x0  }
0x1d: {  	s5 =	simm.s32 @p1 $0x1;
	p0 =	seq.s32 s7, s2  }
0x1e: {  	s7 =	smul.u32 @!p0 $0xF7A, s2;
	p2 =	seq.s32 @!p0 s5, $0x0  }
0x1f: {  	s9 =	smul.u32 $0xF7A, s1;
	s8 =	simm.s32 @!p0 $0x1BF5;
	p2 =	por !p2, p0  }
0x20: {  	[sflag:s8] =	ssyncset.s32 @!p0 $0xFFFFF086;
	s6 =	sadd.s32 @!p0 s3, s7;
	s7 =	simm.s32 @!p0 $0x108  }
0x21: {  	s3 =	sadd.s32 s3, s9;
	s6 =	sadd.s32 @!p0 $0x88, s6;
	s7 =	simm.s32 @p2 $0x1082  }
0x22: {  	[simem:s7], [sflag:s8] =	dma.local @!p0 [hbm:s6], $0xF7A  }
0x23: {  	s9 =	sor.u32 $0xD0000000, s2;
	s6 =	simm.s32 $0x108;
	_ =	swait.ge @!p0 [sflag:s8], $0x0  }
0x24: {  	s3 =	sadd.s32 $0x88, s3;
	s6 =	simm.s32 @!p1 $0x1082;
	[sflag:s4] =	ssyncset.s32 $0xFFFFF086  }
0x25: {  	[simem:s6], [sflag:s4] =	dma.local [hbm:s3], $0xF7A  }
0x26: {  	[smem:$0x3F90] =	sst s1;
	(tag) =	ssettag s2;
	_ =	strace s9  }
0x27: {  	s1 =	sld [smem:$0x3FA0]  }
0x28: {  	s2 =	sld [smem:$0x3FA1]  }
0x29: {  	s4 =	sld [smem:$0x3FA3]  }
0x2a: {  	p0 =	seq.s32 s5, $0x0;
	s5 =	sld [smem:$0x3FA4]  }
0x2b: {  	s6 =	sld [smem:$0x3FA5]  }
0x2c: {  	s7 =	sld [smem:$0x3FA6]  }
0x2d: {  	s3 =	simm.s32 $0x108;
	s8 =	sld [smem:$0x3FA7]  }
0x2e: {  	s3 =	simm.s32 @!p0 $0x1082;
	s9 =	sld [smem:$0x3FA8]  }
0x2f: {  	lr =	sadd.s32 s0, s3;
	s0 =	sld [smem:$0x3F9F]  }
0x30: {  	s3 =	sld [smem:$0x3FA2]  }
0x31: {  	[smem:$0x3FAB] =	sst s10  }
0x32: {  	s10 =	sld [smem:$0x3FA9];
	_ =	sdelay $0x3  }
0x33: {  	p0 =	seq.s32 s10, $0x1;
	s10 =	sld [smem:$0x3FAB];
	_ =	sdelay $0x3  }
0x34: {  	[smem:$0x3FAB] =	sst s10  }
0x35: {  	s10 =	sld [smem:$0x3FAA];
	_ =	sdelay $0x3  }
0x36: {  	p1 =	seq.s32 s10, $0x1;
	s10 =	sld [smem:$0x3FAB];
	_ =	sdelay $0x3  }
0x37: {  	[smem:$0x3FAB] =	sst s10  }
0x38: {  	s10 =	sld [smem:$0x3FAC]  }
0x39: {  	_ = 	snop;
	(pc) =	sbr.ind lr, $3  }
0x3a: {  	_ = 	snop  }
0x3b: {  	_ = 	snop  }
0x3c: {  	p2 =	seq.s32 s10, $0x1;
	s10 =	sld [smem:$0x3FAB]  }
0x3d: {  	_ =	shalt  }
0x3e: {  	_ =	shalt  }
0x3f: {  	_ =	shalt  }
0x40: {  	_ =	shalt  }
0x41: {  	_ =	shalt  }
0x42: {  	_ =	shalt  }
0x43: {  	_ =	shalt  }
0x44: {  	_ =	shalt  }
0x45: {  	_ =	shalt  }
0x46: {  	_ =	shalt  }
0x47: {  	_ =	shalt  }
0x48: {  	_ =	shalt  }
0x49: {  	_ =	shalt  }
0x4a: {  	_ =	shalt  }
0x4b: {  	_ =	shalt  }
0x4c: {  	_ =	shalt  }
0x4d: {  	_ =	shalt  }
0x4e: {  	_ =	shalt  }
0x4f: {  	_ =	shalt  }
0x50: {  	_ =	shalt  }
0x51: {  	_ =	shalt  }
0x52: {  	_ =	shalt  }
0x53: {  	_ =	shalt  }
0x54: {  	_ =	shalt  }
0x55: {  	_ =	shalt  }
0x56: {  	_ =	shalt  }
0x57: {  	_ =	shalt  }
0x58: {  	_ =	shalt  }
0x59: {  	_ =	shalt  }
0x5a: {  	_ =	shalt  }
0x5b: {  	_ =	shalt  }
0x5c: {  	_ =	shalt  }
0x5d: {  	_ =	shalt  }
0x5e: {  	_ =	shalt  }
0x5f: {  	_ =	shalt  }
0x60: {  	_ =	shalt  }
0x61: {  	_ =	shalt  }
0x62: {  	_ =	shalt  }
0x63: {  	_ =	shalt  }
0x64: {  	_ =	shalt  }
0x65: {  	_ =	shalt  }
0x66: {  	_ =	shalt  }
0x67: {  	_ =	shalt  }
0x68: {  	_ =	shalt  }
0x69: {  	_ =	shalt  }
0x6a: {  	_ =	shalt  }
0x6b: {  	_ =	shalt  }
0x6c: {  	_ =	shalt  }
0x6d: {  	_ =	shalt  }
0x6e: {  	_ =	shalt  }
0x6f: {  	_ =	shalt  }
0x70: {  	_ =	shalt  }
0x71: {  	_ =	shalt  }
0x72: {  	_ =	shalt  }
0x73: {  	_ =	shalt  }
0x74: {  	_ =	shalt  }
0x75: {  	_ =	shalt  }
0x76: {  	_ =	shalt  }
0x77: {  	_ =	shalt  }
0x78: {  	_ =	shalt  }
0x79: {  	_ =	shalt  }
0x7a: {  	_ =	shalt  }
0x7b: {  	_ =	shalt  }
0x7c: {  	_ =	shalt  }
0x7d: {  	_ =	shalt  }
0x7e: {  	_ =	shalt  }
0x7f: {  	_ =	shalt  }
0x80: {  	_ =	shalt  }
0x81: {  	_ =	shalt  }
0x82: {  	_ =	shalt  }
0x83: {  	_ =	shalt  }
0x84: {  	_ =	shalt  }
0x85: {  	_ =	shalt  }
0x86: {  	_ =	shalt  }
0x87: {  	_ =	shalt  }
.Lfunc_end0:
.L_simem_size_0:
called_computation.1_lowered:
.L_overlay_start_0:
0x88: {  	s2 =	sld [smem:$0x3FD9]  }
0x89: {  	s3 =	sld [smem:$0x3FFE];
	_ =	sdelay $0x1  }
0x8a: {  	s1 =	srdreg.scid  }
0x8b: {  	s0 =	sand.u32 $0x1, s1  }
0x8c: {  	s16 =	sshll.u32 s0, $0xA;
	s2 =	sadd.s32 s3, s2  }
0x8d: {  	s2 =	sadd.s32 s2, s16  }
0x8e: {  	[smem:$0x3FB7] =	sst s2  }
0x8f: {  	_ = 	snop  }
0x90: {  	(tm) =	ssettm $0x1  }
0x91: {  	s17 =	sld [smem:$0x3FFB];
	_ =	sdelay $0x3  }
0x92: {  	_ =	strace s17  }
0x93: {  	s2 =	sld [smem:$0x3FFC];
	_ =	sdelay $0x3  }
0x94: {  	_ =	strace s2  }
0x95: {  	s2 =	sld [smem:$0x3FFD];
	_ =	sdelay $0x3  }
0x96: {  	_ =	strace s2  }
0x97: {  	_ =	strace $0x8FFFFFFF  }
0x98: {  	s18 =	sld [smem:$0x3FDB];
	_ =	sdelay $0x1  }
0x99: {  	s19 =	simm.s32 $_scs_section_size  }
0x9a: {  	s4 =	simm.s32 $_size__tile_overlayer_lowered;
	s5 =	simm.s32 $_tile_overlayer_lowered  }
0x9b: {  	s22 =	simm.s32 $0x1BFF;
	s21 =	sshll.u32 s5, $0x1;
	s2 =	sadd.s32 s19, s18  }
0x9c: {  	s6 =	simm.s32 $0x0;
	s20 =	sshll.u32 s4, $0x1;
	s4 =	sadd.s32 s21, s2  }
0x9d: {  	[timem:s6], [sflag:s22] =	dma.local [hbm:s4], s20  }
0x9e: {  	_ =	swait.ge [sflag:s22], s20  }
0x9f: {  	s3 =	ssub.s32 $0x0, s20;
	[sflag:s22] =	ssyncset.done $0x0  }
0xa0: {  	[sflag:s22] =	ssyncadd.s32 s3;
	_ =	sdelay $0x1  }
0xa1: {  	s23 =	simm.s32 $0x1B8B  }
0xa2: {  	_ =	swait.ge [sflag:s23], $0x1  }
0xa3: {  	[sflag:s23] =	ssyncset.done $0x0  }
0xa4: {  	s25 =	simm.s32 $0x1B8E;
	s24 =	sld [smem:$0x3FFE];
	[sflag:s23] =	ssyncadd.s32 $0xFFFFFFFF  }
0xa5: {  	s26 =	simm.s32 $execute0_lowered;
	[smem:$0x3FD2] =	sst s25  }
0xa6: {  	s4 =	sshll.u32 s26, $0x1;
	_ =	strace $0x80000049;
	[dreg:$0x1] =	wrdreg $0xFFFFFFFF  }
0xa7: {  	s28 =	simm.s32 $_size_execute0_lowered;
	s2 =	sadd.s32 s2, s4;
	[dreg:$0x0] =	wrdreg $0x0  }
0xa8: {  	s4 =	sshll.u32 s28, $0x1;
	[dreg:$0x2] =	wrdreg s2  }
0xa9: {  	[dreg:$0x3] =	wrdreg s4  }
0xaa: {  	[dreg:$0x4] =	wrdreg $0xC0  }
0xab: {  	_ =	task [dreg:s6], $0x5FFFF  }
0xac: {  	[dreg:$0x1] =	wrdreg $0xFFFFFFFF  }
0xad: {  	[dreg:$0x0] =	wrdreg $0x60  }
0xae: {  	[dreg:$0x2] =	wrdreg s24  }
0xaf: {  	[dreg:$0x3] =	wrdreg $0xA4000  }
0xb0: {  	[dreg:$0x4] =	wrdreg $0x9  }
0xb1: {  	_ =	task.clear_ibuf [dreg:s6], $0x5FFFF;
	_ =	strace $0x90000049  }
0xb2: {  	s29 =	simm.s32 $0x9;
	_ =	strace $0x8000004B  }
0xb3: {  	_ =	swait.ge [sflag:s29], $0x1  }
0xb4: {  	[sflag:s29] =	ssyncadd.s32 $0xFFFFFFFF  }
0xb5: {  	_ =	strace $0x9000004B  }
0xb6: {  	_ =	sfence  }
0xb7: {  	s30 =	sld [smem:$0x0];
	_ =	sdelay $0x2  }
0xb8: {  	s31 =	sshll.u32 s1, $0xD;
	s1 =	sshrl.u32 s1, $0x2  }
0xb9: {  	s3 =	sand.u32 $0x4000, s31;
	s1 =	sadd.s32 s1, s30  }
0xba: {  	s0 =	sor.u32 s3, s0;
	s1 =	sshll.u32 s1, $0x11  }
0xbb: {  	s0 =	sor.u32 s1, s0  }
0xbc: {  	s0 =	sadd.s32 $0x8F2B, s0  }
0xbd: {  	[sflag:s0] =	ssyncadd.remote.s32 $0x1  }
0xbe: {  	_ =	sfence.sel $0xFFFF  }
0xbf: {  	[dreg:$0x0] =	wrdreg $0xFFFFFFFF;
	(pc) =	sbr.abs _section_cstart, $3  }
0xc0: {  	[dreg:$0x1] =	wrdreg $0xFFFFFFFF  }
0xc1: {  	_ =	task.clear_ibuf [dreg:s6], $0x2FFFF;
	_ =	strace $0x9FFFFFFF  }
0xc2: {  	(tm) =	ssettm $0x7FFFFFFF  }
0xc3: {  	_ =	shalt  }
tec
execute0_lowered:
.L_overlay_start_1:
0x0: {  	(tag) =	ssettag $0x1  }
0x1: {  	s0 =	rddreg [dreg:$0x0]  }
0x2: {  	s1 =	rddreg [dreg:$0x1]  }
0x3: {  	s2 =	srdreg.scid;
	s3 =	simm.s32 $0x0;
	s10 =	stileid.u32  }
0x4: {  	s28 =	simm.s32 $0x3;
	s29 =	simm.s32 $0x5;
	s30 =	simm.s32 $0x9  }
0x5: {  	s2 =	sand.u32 $0x1, s2;
	[smem:$0x7FF] =	sst s3;
	s5 =	smul.u32 $0x14000, s10  }
0x6: {  	s6 =	sadd.s32 $0x4600, s0;
	s7 =	smul.u32 $0x50000, s10;
	s24 =	sshll.u32 s10, $0xF  }
0x7: {  	s4 =	smul.u32 $0x140000, s2;
	_ =	strace $0x8000004A;
	s8 =	ssub.s32 $0x2, s2  }
0x8: {  	s2 =	sshll.u32 s2, $0x13;
	s9 =	sshrl.u32 s8, $0x1;
	s23 =	sshrl.u32 s7, $0x2  }
0x9: {  	s2 =	sor.u32 s24, s2;
	s24 =	simm.s32 $0x80;
	s5 =	sadd.s32 s5, s4  }
0xa: {  	s4 =	sadd.s32 $0x24600, s0;
	s8 =	ssub.s32 s8, s9;
	s10 =	sshrl.u32 s2, $0x3  }
0xb: {  	s17 =	sor.u32 $0x600, s2;
	[dreg:$0x8] =	wrdreg s24;
	s7 =	sadd.s32 s10, s6  }
0xc: {  	s19 =	sor.u32 $0x500, s2;
	s22 =	smax.u32 s8, $0x1;
	[dreg:$0x10] =	wrdreg s7  }
0xd: {  	s2 =	sor.u32 $0x400, s2;
	s15 =	sadd.s32 $0x20, s7;
	[dreg:$0x16] =	wrdreg s22  }
0xe: {  	s5 =	sshrl.u32 s5, $0x3;
	s16 =	sadd.s32 $0x40, s7;
	[dreg:$0x13] =	wrdreg s15  }
0xf: {  	s2 =	sshrl.u32 s2, $0x3;
	s7 =	sadd.s32 $0x60, s7;
	[dreg:$0x14] =	wrdreg s16  }
0x10: {  	s0 =	sadd.s32 s5, s0;
	s21 =	sadd.s32 s2, s6;
	[dreg:$0x3] =	wrdreg s7  }
0x11: {  	s5 =	sadd.s32 s23, s1;
	s23 =	simm.s32 $0x5400;
	[dreg:$0x6] =	wrdreg s21  }
0x12: {  	s31 =	simm.s32 $0x4;
	s25 =	sadd.s32 $0x2800, s5;
	[dreg:$0x7] =	wrdreg s23  }
0x13: {  	s24 =	simm.s32 $0x2;
	s26 =	sadd.s32 $0x5000, s5;
	[dreg:$0xb] =	wrdreg s25  }
0x14: {  	s18 =	sshrl.u32 s17, $0x3;
	s9 =	sadd.s32 $0x7800, s5;
	[dreg:$0xc] =	wrdreg s26  }
0x15: {  	s8 =	simm.s32 $0xC;
	s11 =	sadd.s32 $0xA000, s5;
	[dreg:$0xd] =	wrdreg s9  }
0x16: {  	s10 =	simm.s32 $0x0;
	s12 =	sadd.s32 $0xC800, s5;
	[dreg:$0xe] =	wrdreg s11  }
0x17: {  	s2 =	simm.s32 $0x6;
	s13 =	sadd.s32 $0xF000, s5;
	[dreg:$0xf] =	wrdreg s12  }
0x18: {  	s14 =	sadd.s32 $0x11800, s5;
	s7 =	sadd.s32 s18, s6;
	[dreg:$0x11] =	wrdreg s13  }
0x19: {  	s0 =	sadd.s32 $0x4B800, s0;
	s18 =	simm.s32 $0x400;
	[dreg:$0x12] =	wrdreg s14  }
0x1a: {  	s21 =	simm.s32 $0xD;
	s23 =	simm.s32 $0x50;
	[dreg:$0x4] =	wrdreg s7  }
0x1b: {  	s9 =	sshrl.u32 s19, $0x3;
	[dreg:$0x15] =	wrdreg s0;
	s25 =	simm.s32 $0x180  }
0x1c: {  	s26 =	simm.s32 $0x380;
	s0 =	simm.s32 $0x7C00;
	[dreg:$0x9] =	wrdreg s25  }
0x1d: {  	s7 =	simm.s32 $0x8;
	s20 =	sadd.s32 s9, s6;
	[dreg:$0xa] =	wrdreg s26  }
0x1e: {  	s25 =	simm.s32 $0x2C00;
	s26 =	simm.s32 $0x300;
	s6 =	simm.s32 $0xA  }
0x1f: {  	v0 =	vimm.f32 $0.0e+00;
	s9 =	simm.s32 $0xE;
	[dreg:$0x5] =	wrdreg s20;
	s20 =	simm.s32 $0x200  }
.LBB2_1:
0x20: {  	s12 =	simm.s32 $0x0;
	s13 =	simm.s32 $0x200  }
.LBB2_2:
0x21: {  	p0 =	sne.s32 s13, $0x9E00;
	[tilespmem:s12+$0x470] =	vst v0  }
0x22: {  	[tilespmem:s12+$0x400] =	vst v0  }
0x23: {  	[tilespmem:s12+$0x410] =	vst v0  }
.Ltmp0:
0x24: {  	[tilespmem:s12+$0x420] =	vst v0;
	(pc) =	sbr.rel @p0 .LBB2_2-.Ltmp0, $4  }
0x25: {  	[tilespmem:s12+$0x430] =	vst v0  }
0x26: {  	[tilespmem:s12+$0x440] =	vst v0  }
0x27: {  	[tilespmem:s12+$0x450] =	vst v0  }
0x28: {  	[tilespmem:s12+$0x460] =	vst v0;
	s12 =	sshra.s32 s13, $0x2;
	s13 =	sadd.s32 $0x200, s13  }
0x29: {  	[tilespmem:s12+$0x470] =	vst v0  }
0x2a: {  	[tilespmem:s12+$0x400] =	vst v0  }
0x2b: {  	[tilespmem:s12+$0x410] =	vst v0  }
0x2c: {  	[tilespmem:s12+$0x420] =	vst v0  }
0x2d: {  	[tilespmem:s12+$0x430] =	vst v0  }
0x2e: {  	[tilespmem:s12+$0x440] =	vst v0  }
0x2f: {  	[tilespmem:s12+$0x450] =	vst v0  }
0x30: {  	[tilespmem:s12+$0x460] =	vst v0  }
0x31: {  	[spmem:s5] =	stream.linear.scatter [tilespmem:s18], [sflag:$0xD], $0x2800, $0x38;
	[tilespmem:$0x1E400] =	vst v63  }
0x32: {  	s11 =	rddreg [dreg:$0xb]  }
0x33: {  	[spmem:s11] =	stream.linear.scatter [tilespmem:s18], [sflag:$0xD], $0x2800, $0x38;
	[tilespmem:$0x1E400] =	vst v63  }
0x34: {  	s19 =	rddreg [dreg:$0xc]  }
0x35: {  	[spmem:s19] =	stream.linear.scatter [tilespmem:s18], [sflag:$0xD], $0x2800, $0x38;
	[tilespmem:$0x1E400] =	vst v63  }
0x36: {  	s22 =	rddreg [dreg:$0xd]  }
0x37: {  	[spmem:s22] =	stream.linear.scatter [tilespmem:s18], [sflag:$0xD], $0x2800, $0x38;
	[tilespmem:$0x1E400] =	vst v63  }
0x38: {  	s12 =	rddreg [dreg:$0xe]  }
0x39: {  	[spmem:s12] =	stream.linear.scatter [tilespmem:s18], [sflag:$0xD], $0x2800, $0x38;
	[tilespmem:$0x1E400] =	vst v63  }
0x3a: {  	s13 =	rddreg [dreg:$0xf]  }
0x3b: {  	[spmem:s13] =	stream.linear.scatter [tilespmem:s18], [sflag:$0xD], $0x2800, $0x38;
	[tilespmem:$0x1E400] =	vst v63  }
0x3c: {  	s14 =	rddreg [dreg:$0x11]  }
0x3d: {  	[spmem:s14] =	stream.linear.scatter [tilespmem:s18], [sflag:$0xD], $0x2800, $0x38;
	[tilespmem:$0x1E400] =	vst v63  }
0x3e: {  	s15 =	rddreg [dreg:$0x12]  }
0x3f: {  	[spmem:s15] =	stream.linear.scatter [tilespmem:s18], [sflag:$0xD], $0x2800, $0x38;
	[tilespmem:$0x1E400] =	vst v63  }
0x40: {  	s16 =	simm.s32 $0x0;
	s17 =	rddreg [dreg:$0x10]  }
0x41: {  	[tilespmem:s16], [sflag:$0x1] =	stream.linear.gather [hbm4b:s17+s16], $0x100, $0x38;
	[tilespmem:$0x1E400] =	vst v63  }
0x42: {  	s19 =	rddreg [dreg:$0x13];
	s13 =	simm.s32 $0x100  }
0x43: {  	[tilespmem:s13], [sflag:$0x2] =	stream.linear.gather [hbm4b:s19+s16], $0x100, $0x38;
	[tilespmem:$0x1E400] =	vst v63  }
0x44: {  	s22 =	rddreg [dreg:$0x14]  }
0x45: {  	[tilespmem:s20], [sflag:$0x3] =	stream.linear.gather [hbm4b:s22+s16], $0x100, $0x38;
	[tilespmem:$0x1E400] =	vst v63  }
0x46: {  	_ =	swait.ge [sflag:s21], $0x2800  }
0x47: {  	[sflag:s21] =	ssyncset.done $0x0  }
0x48: {  	[sflag:s21] =	ssyncadd.s32 $0xFFFFD800  }
0x49: {  	_ =	swait.ge [sflag:s21], $0x2800  }
0x4a: {  	[sflag:s21] =	ssyncset.done $0x0  }
0x4b: {  	[sflag:s21] =	ssyncadd.s32 $0xFFFFD800  }
0x4c: {  	_ =	swait.ge [sflag:s21], $0x2800  }
0x4d: {  	[sflag:s21] =	ssyncset.done $0x0  }
0x4e: {  	[sflag:s21] =	ssyncadd.s32 $0xFFFFD800  }
0x4f: {  	_ =	swait.ge [sflag:s21], $0x2800  }
0x50: {  	[sflag:s21] =	ssyncset.done $0x0  }
0x51: {  	[sflag:s21] =	ssyncadd.s32 $0xFFFFD800  }
0x52: {  	_ =	swait.ge [sflag:s21], $0x2800  }
0x53: {  	[sflag:s21] =	ssyncset.done $0x0  }
0x54: {  	[sflag:s21] =	ssyncadd.s32 $0xFFFFD800  }
0x55: {  	_ =	swait.ge [sflag:s21], $0x2800  }
0x56: {  	[sflag:s21] =	ssyncset.done $0x0  }
0x57: {  	[sflag:s21] =	ssyncadd.s32 $0xFFFFD800  }
0x58: {  	_ =	swait.ge [sflag:s21], $0x2800  }
0x59: {  	[sflag:s21] =	ssyncset.done $0x0  }
0x5a: {  	[sflag:s21] =	ssyncadd.s32 $0xFFFFD800  }
0x5b: {  	_ =	swait.ge [sflag:s21], $0x2800  }
0x5c: {  	[sflag:s21] =	ssyncset.done $0x0  }
0x5d: {  	[sflag:s21] =	ssyncadd.s32 $0xFFFFD800  }
0x5e: {  	s14 =	simm.s32 $0x1;
	[bflag:$0x0] =	sbarrier.arrive $0xFFFF  }
0x5f: {  	_ =	swait.ge [sflag:s14], $0x100  }
0x60: {  	[sflag:s14] =	ssyncset.done $0x0  }
0x61: {  	[sflag:s14] =	ssyncadd.s32 $0xFFFFFF00  }
0x62: {  	[tilespmem:s18], [sflag:$0x5] =	stream.indirect.gather [hbm4b:s4+s23], $0x80, s16, s23, $0xb8;
	[tilespmem:$0x1E400] =	vst v63  }
0x63: {  	p0 =	por $0x1, $0x1;
	_ =	swait.ge [sflag:s24], $0x100  }
0x64: {  	p0 =	por p0, p0;
	[sflag:s24] =	ssyncset.done $0x0  }
0x65: {  	s12 =	simm.s32 @!p0 $0xC;
	[sflag:s24] =	ssyncadd.s32 $0xFFFFFF00  }
0x66: {  	[tilespmem:s25], [sflag:$0x6] =	stream.indirect.gather [hbm4b:s4+s23], $0x80, s13, s23, $0xb8;
	[tilespmem:$0x1E400] =	vst v63  }
0x67: {  	_ =	swait.ge @!p0 [sflag:s12], $0x2800  }
0x68: {  	s15 =	rddreg [dreg:$0x3];
	[sflag:s12] =	ssyncset.done @!p0 $0x0  }
0x69: {  	[sflag:s12] =	ssyncadd.s32 @!p0 $0xFFFFD800;
	s16 =	sadd.s32 $0x0, s15  }
0x6a: {  	[tilespmem:s26], [sflag:$0x4] =	stream.linear.gather [hbm4b:s16+s3], $0x100, $0x38;
	[tilespmem:$0x1E400] =	vst v63  }
0x6b: {  	_ =	swait.ge [sflag:s28], $0x100  }
0x6c: {  	[sflag:s28] =	ssyncset.done $0x0  }
0x6d: {  	s17 =	rddreg [dreg:$0x7];
	[sflag:s28] =	ssyncadd.s32 $0xFFFFFF00  }
0x6e: {  	[tilespmem:s17], [sflag:$0x7] =	stream.indirect.gather [hbm4b:s4+s23], $0x80, s20, s23, $0xb8;
	[tilespmem:$0x1E400] =	vst v63  }
0x6f: {  	_ =	swait.ge [sflag:s29], $0x2800  }
0x70: {  	[sflag:s29] =	ssyncset.done $0x0  }
0x71: {  	s19 =	rddreg [dreg:$0x8];
	[sflag:s29] =	ssyncadd.s32 $0xFFFFD800  }
0x72: {  	[spmem:s1] =	stream.indirect.scatter.add.f32 [tilespmem:s18], [sflag:$0x9], $0x80, s19, s23, $0xb8;
	[tilespmem:$0x1E400] =	vst v63  }
0x73: {  	_ =	swait.ge [sflag:s30], $0x2800  }
0x74: {  	p0 =	por $0x0, $0x0;
	s12 =	rddreg [dreg:$0x6];
	[sflag:s30] =	ssyncset.done $0x0  }
0x75: {  	s13 =	simm.s32 @!p0 $0x0;
	[sflag:s30] =	ssyncadd.s32 $0xFFFFD800;
	s12 =	sadd.s32 @!p0 $0x0, s12  }
0x76: {  	[tilespmem:s13], [sflag:$0x1] =	stream.linear.gather @!p0 [hbm4b:s12+s13], $0x100, $0x38;
	[tilespmem:$0x1E400] =	vst v63  }
0x77: {  	_ =	swait.ge [sflag:s31], $0x100  }
0x78: {  	[sflag:s31] =	ssyncset.done $0x0  }
0x79: {  	[sflag:s31] =	ssyncadd.s32 $0xFFFFFF00  }
0x7a: {  	[tilespmem:s0], [sflag:$0x8] =	stream.indirect.gather [hbm4b:s4+s23], $0x80, s26, s23, $0xb8;
	[tilespmem:$0x1E400] =	vst v63  }
0x7b: {  	_ =	swait.ge [sflag:s2], $0x2800  }
0x7c: {  	[sflag:s2] =	ssyncset.done $0x0  }
0x7d: {  	s22 =	rddreg [dreg:$0x9];
	[sflag:s2] =	ssyncadd.s32 $0xFFFFD800  }
0x7e: {  	[spmem:s1] =	stream.indirect.scatter.add.f32 [tilespmem:s25], [sflag:$0xA], $0x80, s22, s23, $0xb8;
	[tilespmem:$0x1E400] =	vst v63  }
0x7f: {  	_ =	swait.ge [sflag:s6], $0x2800  }
0x80: {  	[sflag:s6] =	ssyncset.done $0x0  }
0x81: {  	s12 =	simm.s32 @p0 $0x7;
	[sflag:s6] =	ssyncadd.s32 $0xFFFFD800  }
0x82: {  	_ =	swait.ge @p0 [sflag:s12], $0x2800  }
0x83: {  	s14 =	simm.s32 @p0 $0x5400;
	s15 =	simm.s32 @p0 $0xB;
	[sflag:s12] =	ssyncset.done @p0 $0x0  }
0x84: {  	s19 =	simm.s32 @p0 $0x280;
	[sflag:s12] =	ssyncadd.s32 @p0 $0xFFFFD800;
	s12 =	simm.s32 @p0 $0x50  }
0x85: {  	[spmem:s1] =	stream.indirect.scatter.add.f32 @p0 [tilespmem:s14], [sflag:$0xB], $0x80, s19, s12, $0xb8;
	[tilespmem:$0x1E400] =	vst v63  }
0x86: {  	_ =	swait.ge @p0 [sflag:s15], $0x2800  }
0x87: {  	s14 =	simm.s32 @!p0 $0x1;
	s12 =	rddreg [dreg:$0x5];
	[sflag:s15] =	ssyncset.done @p0 $0x0  }
0x88: {  	[sflag:s15] =	ssyncadd.s32 @p0 $0xFFFFD800;
	s12 =	sadd.s32 @!p0 $0x0, s12;
	s15 =	simm.s32 @!p0 $0x100  }
0x89: {  	[tilespmem:s15], [sflag:$0x2] =	stream.linear.gather @!p0 [hbm4b:s12+s13], $0x100, $0x38;
	[tilespmem:$0x1E400] =	vst v63  }
0x8a: {  	_ =	swait.ge @!p0 [sflag:s14], $0x100  }
0x8b: {  	s19 =	simm.s32 @!p0 $0x400;
	[sflag:s14] =	ssyncset.done @!p0 $0x0  }
0x8c: {  	s12 =	simm.s32 @!p0 $0x7;
	[sflag:s14] =	ssyncadd.s32 @!p0 $0xFFFFFF00;
	s14 =	simm.s32 @!p0 $0x50  }
0x8d: {  	[tilespmem:s19], [sflag:$0x5] =	stream.indirect.gather @!p0 [hbm4b:s4+s14], $0x80, s13, s14, $0xb8;
	[tilespmem:$0x1E400] =	vst v63  }
0x8e: {  	_ =	swait.ge @!p0 [sflag:s12], $0x2800  }
0x8f: {  	[sflag:s12] =	ssyncset.done @!p0 $0x0  }
0x90: {  	s19 =	simm.s32 @!p0 $0x5400;
	[sflag:s12] =	ssyncadd.s32 @!p0 $0xFFFFD800;
	s12 =	simm.s32 @!p0 $0x280  }
0x91: {  	[spmem:s1] =	stream.indirect.scatter.add.f32 @!p0 [tilespmem:s19], [sflag:$0xB], $0x80, s12, s14, $0xb8;
	[tilespmem:$0x1E400] =	vst v63  }
0x92: {  	s12 =	simm.s32 @!p0 $0xB  }
0x93: {  	_ =	swait.ge @!p0 [sflag:s12], $0x2800  }
0x94: {  	s19 =	rddreg [dreg:$0x4];
	[sflag:s12] =	ssyncset.done @!p0 $0x0  }
0x95: {  	[sflag:s12] =	ssyncadd.s32 @!p0 $0xFFFFD800;
	s12 =	sadd.s32 @!p0 $0x0, s19;
	s19 =	simm.s32 @!p0 $0x200  }
0x96: {  	[tilespmem:s19], [sflag:$0x3] =	stream.linear.gather @!p0 [hbm4b:s12+s13], $0x100, $0x38;
	[tilespmem:$0x1E400] =	vst v63  }
0x97: {  	s12 =	simm.s32 @!p0 $0x2  }
0x98: {  	_ =	swait.ge @!p0 [sflag:s12], $0x100  }
0x99: {  	[sflag:s12] =	ssyncset.done @!p0 $0x0  }
0x9a: {  	[sflag:s12] =	ssyncadd.s32 @!p0 $0xFFFFFF00;
	s12 =	simm.s32 @!p0 $0x2C00  }
0x9b: {  	[tilespmem:s12], [sflag:$0x6] =	stream.indirect.gather @!p0 [hbm4b:s4+s14], $0x80, s15, s14, $0xb8;
	[tilespmem:$0x1E400] =	vst v63  }
0x9c: {  	p6 =	por $0x0, $0x0;
	_ =	swait.ge [sflag:s7], $0x2800  }
0x9d: {  	s13 =	simm.s32 $0x100;
	s12 =	simm.s32 $0x80;
	[sflag:s7] =	ssyncset.done $0x0  }
0x9e: {  	p0 =	por p6, p6;
	s14 =	rddreg [dreg:$0xa];
	[sflag:s7] =	ssyncadd.s32 $0xFFFFD800  }
.LBB2_4:
0x9f: {  	[spmem:s1] =	stream.indirect.scatter.add.f32 [tilespmem:s0], [sflag:$0xC], $0x80, s14, s23, $0xb8;
	[tilespmem:$0x1E400] =	vst v63  }
0xa0: {  	s15 =	simm.s32 @!p0 $0xC  }
0xa1: {  	_ =	swait.ge @!p0 [sflag:s15], $0x2800  }
0xa2: {  	[sflag:s15] =	ssyncset.done @!p0 $0x0;
	s19 =	rddreg [dreg:$0x3]  }
0xa3: {  	[sflag:s15] =	ssyncadd.s32 @!p0 $0xFFFFD800;
	s16 =	sadd.s32 s12, s19  }
0xa4: {  	[tilespmem:s26], [sflag:$0x4] =	stream.linear.gather [hbm4b:s16+s3], $0x100, $0x38;
	[tilespmem:$0x1E400] =	vst v63  }
0xa5: {  	_ =	swait.ge [sflag:s28], $0x100  }
0xa6: {  	[sflag:s28] =	ssyncset.done $0x0  }
0xa7: {  	s17 =	rddreg [dreg:$0x7];
	[sflag:s28] =	ssyncadd.s32 $0xFFFFFF00  }
0xa8: {  	[tilespmem:s17], [sflag:$0x7] =	stream.indirect.gather [hbm4b:s4+s23], $0x80, s20, s23, $0xb8;
	[tilespmem:$0x1E400] =	vst v63  }
0xa9: {  	_ =	swait.ge [sflag:s29], $0x2800  }
0xaa: {  	s14 =	smov.u32 s13;
	[sflag:s29] =	ssyncset.done $0x0  }
0xab: {  	p2 =	seq.s32 s14, $0x0;
	s19 =	rddreg [dreg:$0x8];
	[sflag:s29] =	ssyncadd.s32 $0xFFFFD800  }
0xac: {  	[spmem:s1] =	stream.indirect.scatter.add.f32 [tilespmem:s18], [sflag:$0x9], $0x80, s19, s23, $0xb8;
	[tilespmem:$0x1E400] =	vst v63  }
0xad: {  	p0 =	por p2, p2;
	_ =	swait.ge [sflag:s30], $0x2800  }
0xae: {  	p2 =	seq.s32 s12, $0xF80;
	s15 =	rddreg [dreg:$0x6];
	[sflag:s30] =	ssyncset.done $0x0  }
0xaf: {  	[sflag:s30] =	ssyncadd.s32 $0xFFFFD800;
	s19 =	sadd.s32 @!p2 s12, s15;
	s15 =	simm.s32 @!p2 $0x0  }
0xb0: {  	[tilespmem:s15], [sflag:$0x1] =	stream.linear.gather @!p2 [hbm4b:s19+s15], $0x100, $0x38;
	[tilespmem:$0x1E400] =	vst v63  }
0xb1: {  	_ =	swait.ge [sflag:s31], $0x100  }
0xb2: {  	[sflag:s31] =	ssyncset.done $0x0  }
0xb3: {  	[sflag:s31] =	ssyncadd.s32 $0xFFFFFF00  }
0xb4: {  	[tilespmem:s0], [sflag:$0x8] =	stream.indirect.gather [hbm4b:s4+s23], $0x80, s26, s23, $0xb8;
	[tilespmem:$0x1E400] =	vst v63  }
0xb5: {  	_ =	swait.ge [sflag:s2], $0x2800  }
0xb6: {  	[sflag:s2] =	ssyncset.done $0x0  }
0xb7: {  	s22 =	rddreg [dreg:$0x9];
	[sflag:s2] =	ssyncadd.s32 $0xFFFFD800  }
0xb8: {  	[spmem:s1] =	stream.indirect.scatter.add.f32 [tilespmem:s25], [sflag:$0xA], $0x80, s22, s23, $0xb8;
	[tilespmem:$0x1E400] =	vst v63  }
0xb9: {  	_ =	swait.ge [sflag:s6], $0x2800  }
0xba: {  	[sflag:s6] =	ssyncset.done $0x0  }
0xbb: {  	s19 =	simm.s32 @p2 $0x7;
	[sflag:s6] =	ssyncadd.s32 $0xFFFFD800  }
0xbc: {  	_ =	swait.ge @p2 [sflag:s19], $0x2800  }
0xbd: {  	s16 =	simm.s32 @p2 $0x5400;
	s11 =	simm.s32 @p2 $0x280;
	[sflag:s19] =	ssyncset.done @p2 $0x0  }
0xbe: {  	s17 =	simm.s32 @p2 $0xB;
	[sflag:s19] =	ssyncadd.s32 @p2 $0xFFFFD800;
	s19 =	simm.s32 @p2 $0x50  }
0xbf: {  	[spmem:s1] =	stream.indirect.scatter.add.f32 @p2 [tilespmem:s16], [sflag:$0xB], $0x80, s11, s19, $0xb8;
	[tilespmem:$0x1E400] =	vst v63  }
0xc0: {  	_ =	swait.ge @p2 [sflag:s17], $0x2800  }
0xc1: {  	s16 =	simm.s32 @!p2 $0x1;
	s11 =	rddreg [dreg:$0x5];
	[sflag:s17] =	ssyncset.done @p2 $0x0  }
0xc2: {  	[sflag:s17] =	ssyncadd.s32 @p2 $0xFFFFD800;
	s11 =	sadd.s32 @!p2 s12, s11;
	s17 =	simm.s32 @!p2 $0x100  }
0xc3: {  	[tilespmem:s17], [sflag:$0x2] =	stream.linear.gather @!p2 [hbm4b:s11+s15], $0x100, $0x38;
	[tilespmem:$0x1E400] =	vst v63  }
0xc4: {  	_ =	swait.ge @!p2 [sflag:s16], $0x100  }
0xc5: {  	s19 =	simm.s32 @!p2 $0x400;
	[sflag:s16] =	ssyncset.done @!p2 $0x0  }
0xc6: {  	s11 =	simm.s32 @!p2 $0x7;
	[sflag:s16] =	ssyncadd.s32 @!p2 $0xFFFFFF00;
	s16 =	simm.s32 @!p2 $0x50  }
0xc7: {  	[tilespmem:s19], [sflag:$0x5] =	stream.indirect.gather @!p2 [hbm4b:s4+s16], $0x80, s15, s16, $0xb8;
	[tilespmem:$0x1E400] =	vst v63  }
0xc8: {  	_ =	swait.ge @!p2 [sflag:s11], $0x2800  }
0xc9: {  	s22 =	simm.s32 @!p2 $0x5400;
	[sflag:s11] =	ssyncset.done @!p2 $0x0  }
0xca: {  	s19 =	simm.s32 @!p2 $0xB;
	[sflag:s11] =	ssyncadd.s32 @!p2 $0xFFFFD800;
	s11 =	simm.s32 @!p2 $0x280  }
0xcb: {  	[spmem:s1] =	stream.indirect.scatter.add.f32 @!p2 [tilespmem:s22], [sflag:$0xB], $0x80, s11, s16, $0xb8;
	[tilespmem:$0x1E400] =	vst v63  }
0xcc: {  	_ =	swait.ge @!p2 [sflag:s19], $0x2800  }
0xcd: {  	s22 =	simm.s32 @!p2 $0x2;
	s11 =	rddreg [dreg:$0x4];
	[sflag:s19] =	ssyncset.done @!p2 $0x0  }
0xce: {  	[sflag:s19] =	ssyncadd.s32 @!p2 $0xFFFFD800;
	s11 =	sadd.s32 @!p2 s12, s11;
	s12 =	simm.s32 @!p2 $0x200  }
0xcf: {  	[tilespmem:s12], [sflag:$0x3] =	stream.linear.gather @!p2 [hbm4b:s11+s15], $0x100, $0x38;
	[tilespmem:$0x1E400] =	vst v63  }
0xd0: {  	s13 =	sadd.s32 $0x80, s13;
	_ =	swait.ge @!p2 [sflag:s22], $0x100  }
0xd1: {  	p1 =	sne.s32 s13, $0x1000;
	[sflag:s22] =	ssyncset.done @!p2 $0x0  }
.Ltmp1:
0xd2: {  	s11 =	simm.s32 @!p2 $0x2C00;
	[sflag:s22] =	ssyncadd.s32 @!p2 $0xFFFFFF00;
	(pc) =	sbr.rel @p1 .LBB2_4-.Ltmp1, $4  }
0xd3: {  	[tilespmem:s11], [sflag:$0x6] =	stream.indirect.gather @!p2 [hbm4b:s4+s16], $0x80, s17, s16, $0xb8;
	[tilespmem:$0x1E400] =	vst v63  }
0xd4: {  	_ =	swait.ge [sflag:s7], $0x2800  }
0xd5: {  	[sflag:s7] =	ssyncset.done $0x0  }
0xd6: {  	s12 =	smov.u32 s14;
	s14 =	rddreg [dreg:$0xa];
	[sflag:s7] =	ssyncadd.s32 $0xFFFFD800  }
0xd7: {  	[spmem:s1] =	stream.indirect.scatter.add.f32 [tilespmem:s0], [sflag:$0xC], $0x80, s14, s23, $0xb8;
	[tilespmem:$0x1E400] =	vst v63  }
0xd8: {  	s11 =	simm.s32 @!p0 $0xC  }
0xd9: {  	_ =	swait.ge @!p0 [sflag:s11], $0x2800  }
0xda: {  	s13 =	rddreg [dreg:$0x3];
	[sflag:s11] =	ssyncset.done @!p0 $0x0  }
0xdb: {  	[sflag:s11] =	ssyncadd.s32 @!p0 $0xFFFFD800;
	s19 =	sadd.s32 s12, s13  }
0xdc: {  	[tilespmem:s26], [sflag:$0x4] =	stream.linear.gather [hbm4b:s19+s3], $0x100, $0x38;
	[tilespmem:$0x1E400] =	vst v63  }
0xdd: {  	_ =	swait.ge [sflag:s28], $0x100  }
0xde: {  	[sflag:s28] =	ssyncset.done $0x0  }
0xdf: {  	s22 =	rddreg [dreg:$0x7];
	[sflag:s28] =	ssyncadd.s32 $0xFFFFFF00  }
0xe0: {  	[tilespmem:s22], [sflag:$0x7] =	stream.indirect.gather [hbm4b:s4+s23], $0x80, s20, s23, $0xb8;
	[tilespmem:$0x1E400] =	vst v63  }
0xe1: {  	_ =	swait.ge [sflag:s29], $0x2800  }
0xe2: {  	[sflag:s29] =	ssyncset.done $0x0  }
0xe3: {  	s13 =	rddreg [dreg:$0x8];
	[sflag:s29] =	ssyncadd.s32 $0xFFFFD800  }
0xe4: {  	[spmem:s1] =	stream.indirect.scatter.add.f32 [tilespmem:s18], [sflag:$0x9], $0x80, s13, s23, $0xb8;
	[tilespmem:$0x1E400] =	vst v63  }
0xe5: {  	_ =	swait.ge [sflag:s30], $0x2800  }
0xe6: {  	p0 =	seq.s32 s12, $0xF80;
	s11 =	rddreg [dreg:$0x6];
	[sflag:s30] =	ssyncset.done $0x0  }
0xe7: {  	s13 =	simm.s32 @!p0 $0x0;
	[sflag:s30] =	ssyncadd.s32 $0xFFFFD800;
	s11 =	sadd.s32 @!p0 s12, s11  }
0xe8: {  	[tilespmem:s13], [sflag:$0x1] =	stream.linear.gather @!p0 [hbm4b:s11+s13], $0x100, $0x38;
	[tilespmem:$0x1E400] =	vst v63  }
0xe9: {  	_ =	swait.ge [sflag:s31], $0x100  }
0xea: {  	[sflag:s31] =	ssyncset.done $0x0  }
0xeb: {  	[sflag:s31] =	ssyncadd.s32 $0xFFFFFF00  }
0xec: {  	[tilespmem:s0], [sflag:$0x8] =	stream.indirect.gather [hbm4b:s4+s23], $0x80, s26, s23, $0xb8;
	[tilespmem:$0x1E400] =	vst v63  }
0xed: {  	_ =	swait.ge [sflag:s2], $0x2800  }
0xee: {  	[sflag:s2] =	ssyncset.done $0x0  }
0xef: {  	s14 =	rddreg [dreg:$0x9];
	[sflag:s2] =	ssyncadd.s32 $0xFFFFD800  }
0xf0: {  	[spmem:s1] =	stream.indirect.scatter.add.f32 [tilespmem:s25], [sflag:$0xA], $0x80, s14, s23, $0xb8;
	[tilespmem:$0x1E400] =	vst v63  }
0xf1: {  	_ =	swait.ge [sflag:s6], $0x2800  }
0xf2: {  	[sflag:s6] =	ssyncset.done $0x0  }
0xf3: {  	s11 =	simm.s32 @p0 $0x7;
	[sflag:s6] =	ssyncadd.s32 $0xFFFFD800  }
0xf4: {  	_ =	swait.ge @p0 [sflag:s11], $0x2800  }
0xf5: {  	s15 =	simm.s32 @p0 $0xB;
	s16 =	simm.s32 @p0 $0x280;
	[sflag:s11] =	ssyncset.done @p0 $0x0  }
0xf6: {  	s14 =	simm.s32 @p0 $0x5400;
	[sflag:s11] =	ssyncadd.s32 @p0 $0xFFFFD800;
	s11 =	simm.s32 @p0 $0x50  }
0xf7: {  	[spmem:s1] =	stream.indirect.scatter.add.f32 @p0 [tilespmem:s14], [sflag:$0xB], $0x80, s16, s11, $0xb8;
	[tilespmem:$0x1E400] =	vst v63  }
0xf8: {  	_ =	swait.ge @p0 [sflag:s15], $0x2800  }
0xf9: {  	s14 =	simm.s32 @!p0 $0x1;
	s11 =	rddreg [dreg:$0x5];
	[sflag:s15] =	ssyncset.done @p0 $0x0  }
0xfa: {  	[sflag:s15] =	ssyncadd.s32 @p0 $0xFFFFD800;
	s11 =	sadd.s32 @!p0 s12, s11;
	s15 =	simm.s32 @!p0 $0x100  }
0xfb: {  	[tilespmem:s15], [sflag:$0x2] =	stream.linear.gather @!p0 [hbm4b:s11+s13], $0x100, $0x38;
	[tilespmem:$0x1E400] =	vst v63  }
0xfc: {  	_ =	swait.ge @!p0 [sflag:s14], $0x100  }
0xfd: {  	s16 =	simm.s32 @!p0 $0x400;
	[sflag:s14] =	ssyncset.done @!p0 $0x0  }
0xfe: {  	s11 =	simm.s32 @!p0 $0x7;
	[sflag:s14] =	ssyncadd.s32 @!p0 $0xFFFFFF00;
	s14 =	simm.s32 @!p0 $0x50  }
0xff: {  	[tilespmem:s16], [sflag:$0x5] =	stream.indirect.gather @!p0 [hbm4b:s4+s14], $0x80, s13, s14, $0xb8;
	[tilespmem:$0x1E400] =	vst v63  }
0x100: {  	_ =	swait.ge @!p0 [sflag:s11], $0x2800  }
0x101: {  	[sflag:s11] =	ssyncset.done @!p0 $0x0  }
0x102: {  	s16 =	simm.s32 @!p0 $0x5400;
	[sflag:s11] =	ssyncadd.s32 @!p0 $0xFFFFD800;
	s11 =	simm.s32 @!p0 $0x280  }
0x103: {  	[spmem:s1] =	stream.indirect.scatter.add.f32 @!p0 [tilespmem:s16], [sflag:$0xB], $0x80, s11, s14, $0xb8;
	[tilespmem:$0x1E400] =	vst v63  }
0x104: {  	s11 =	simm.s32 @!p0 $0xB  }
0x105: {  	_ =	swait.ge @!p0 [sflag:s11], $0x2800  }
0x106: {  	s16 =	rddreg [dreg:$0x4];
	[sflag:s11] =	ssyncset.done @!p0 $0x0  }
0x107: {  	[sflag:s11] =	ssyncadd.s32 @!p0 $0xFFFFD800;
	s11 =	sadd.s32 @!p0 s12, s16;
	s12 =	simm.s32 @!p0 $0x200  }
0x108: {  	[tilespmem:s12], [sflag:$0x3] =	stream.linear.gather @!p0 [hbm4b:s11+s13], $0x100, $0x38;
	[tilespmem:$0x1E400] =	vst v63  }
0x109: {  	s11 =	simm.s32 @!p0 $0x2  }
0x10a: {  	_ =	swait.ge @!p0 [sflag:s11], $0x100  }
0x10b: {  	[sflag:s11] =	ssyncset.done @!p0 $0x0  }
0x10c: {  	[sflag:s11] =	ssyncadd.s32 @!p0 $0xFFFFFF00;
	s11 =	simm.s32 @!p0 $0x2C00  }
0x10d: {  	[tilespmem:s11], [sflag:$0x6] =	stream.indirect.gather @!p0 [hbm4b:s4+s14], $0x80, s15, s14, $0xb8;
	[tilespmem:$0x1E400] =	vst v63  }
0x10e: {  	_ =	swait.ge [sflag:s7], $0x2800  }
0x10f: {  	[sflag:s7] =	ssyncset.done $0x0  }
0x110: {  	s15 =	rddreg [dreg:$0xa];
	[sflag:s7] =	ssyncadd.s32 $0xFFFFD800  }
0x111: {  	[spmem:s1] =	stream.indirect.scatter.add.f32 [tilespmem:s0], [sflag:$0xC], $0x80, s15, s23, $0xb8;
	[tilespmem:$0x1E400] =	vst v63  }
0x112: {  	_ =	swait.ge [sflag:s8], $0x2800  }
0x113: {  	[sflag:s8] =	ssyncset.done $0x0  }
0x114: {  	s16 =	stileid.u32;
	[sflag:s8] =	ssyncadd.s32 $0xFFFFD800  }
0x115: {  	s11 =	sshll.u32 s16, $0x6;
	[bflag:$0x0] =	sbarrier.arrive $0xFFFF  }
0x116: {  	s17 =	sshrl.u32 s5, $0x3;
	s11 =	sor.u32 $0x1C0E, s11;
	s19 =	rddreg [dreg:$0x15]  }
0x117: {  	[hbm:s19], [sflag:s11] =	dma.local [spmem:s17], $0x2800  }
0x118: {  	_ =	swait.ge [sflag:s9], $0x2800  }
0x119: {  	s10 =	sadd.s32 $0x1, s10;
	s22 =	rddreg [dreg:$0x16]  }
0x11a: {  	p0 =	sne.s32 s10, s22  }
.Ltmp2:
0x11b: {  	_ = 	snop;
	(pc) =	sbr.rel @p0 .LBB2_1-.Ltmp2, $3  }
0x11c: {  	_ =	sdelay $0x1  }
0x11d: {  	[sflag:s9] =	ssyncset.done $0x0  }
0x11e: {  	[sflag:s9] =	ssyncadd.s32 $0xFFFFD800  }
0x11f: {  	_ =	sfence.sel $0x180000  }
0x120: {  	[bflag:$0x0] =	sbarrier.arrive $0xFFFF  }
0x121: {  	_ =	strace $0x9000004A  }
0x122: {  	s0 =	stileid.u32;
	[bflag:$0x2] =	sbarrier.arrive $0xFFFF  }
0x123: {  	p0 =	sne.s32 s0, $0x0;
	s0 =	rddreg [dreg:$0x2]  }
0x124: {  	s0 =	sadd.s32 @!p0 $0x100000, s0  }
0x125: {  	[sflag:s0] =	ssyncadd.tile.s32 @!p0 $0x1;
	_ =	shalt  }
.Lfunc_end2:
_tile_overlayer_lowered:
.L_overlay_start_2:
0x126: {  	(tag) =	ssettag $0x2  }
0x127: {  	s0 =	rddreg [dreg:$0x0];
	s2 =	stileid.u32  }
0x128: {  	s1 =	rddreg [dreg:$0x1];
	p0 =	sne.s32 s2, $0x0  }
0x129: {  	s3 =	rddreg [dreg:$0x2];
	[bflag:$0x3] =	sbarrier.arrive $0xFFFF;
	s2 =	simm.s32 @!p0 $0x1C0E  }
0x12a: {  	[timem:s3], [sflag:s2] =	dma.local @!p0 [hbm:s0], s1  }
0x12b: {  	s0 =	simm.s32 @!p0 $0xE  }
0x12c: {  	_ =	swait.ge @!p0 [sflag:s0], s1  }
0x12d: {  	s1 =	ssub.s32 @!p0 $0x0, s1;
	[sflag:s0] =	ssyncset.done @!p0 $0x0  }
0x12e: {  	[sflag:s0] =	ssyncadd.s32 @!p0 s1  }
0x12f: {  	[bflag:$0x3] =	sbarrier.arrive $0xFFFF  }
0x130: {  	_ =	shalt  }

// kernel: kernel.16.cloned.1.call-start
scs
__scs_entry_jumppad:
0x0: {  	(pc) =	sbr.rel $0x88, $3  }
0x1: {  	(tag) =	ssettag $0x0;
	lr =	simm.s32 $0x1  }
0x2: {  	[smem:$0x3F90] =	sst lr;
	_ =	strace $0xD0000000  }
0x3: {  	_ = 	snop  }
0x4: {  	_ = 	snop  }
0x5: {  	_ = 	snop  }
0x6: {  	_ = 	snop  }
0x7: {  	_ = 	snop  }
__scs_overlays_trampoline_lowered:
0x8: {  	[smem:$0x3F9F] =	sst s0  }
0x9: {  	[smem:$0x3FA0] =	sst s1  }
0xa: {  	[smem:$0x3FA1] =	sst s2  }
0xb: {  	[smem:$0x3FA2] =	sst s3  }
0xc: {  	[smem:$0x3FA3] =	sst s4  }
0xd: {  	[smem:$0x3FA4] =	sst s5  }
0xe: {  	[smem:$0x3FA5] =	sst s6  }
0xf: {  	[smem:$0x3FA6] =	sst s7  }
0x10: {  	[smem:$0x3FA7] =	sst s8  }
0x11: {  	[smem:$0x3FA8] =	sst s9;
	s0 =	simm.s32 @!p0 $0x0  }
0x12: {  	s1 =	sld [smem:$0x3F8E];
	s0 =	simm.s32 @p0 $0x1  }
0x13: {  	[smem:$0x3FA9] =	sst s0;
	s0 =	simm.s32 @!p1 $0x0  }
0x14: {  	s2 =	sld [smem:$0x3F8D];
	s0 =	simm.s32 @p1 $0x1  }
0x15: {  	[smem:$0x3FAA] =	sst s0;
	s0 =	simm.s32 @!p2 $0x0  }
0x16: {  	s3 =	sld [smem:$0x3FDB];
	s0 =	simm.s32 @p2 $0x1  }
0x17: {  	s4 =	simm.s32 $0x1BF5;
	[smem:$0x3FAC] =	sst s0  }
0x18: {  	s0 =	sld [smem:$0x3F8F];
	_ =	swait.ge [sflag:s4], $0x0  }
0x19: {  	s7 =	sld [smem:$0x3F90]  }
0x1a: {  	s8 =	sadd.s32 $0xFFFFE003, lr  }
0x1b: {  	s9 =	sadd.s32 $0xFFFFFEF7, lr;
	s5 =	simm.s32 $0xFFFFFFFF;
	p2 =	slt.u32 s8, $0xFFFFF086  }
0x1c: {  	p1 =	slt.u32 s9, $0xF7A;
	s5 =	simm.s32 @!p2 $0x0  }
0x1d: {  	s5 =	simm.s32 @p1 $0x1;
	p0 =	seq.s32 s7, s2  }
0x1e: {  	s7 =	smul.u32 @!p0 $0xF7A, s2;
	p2 =	seq.s32 @!p0 s5, $0x0  }
0x1f: {  	s9 =	smul.u32 $0xF7A, s1;
	s8 =	simm.s32 @!p0 $0x1BF5;
	p2 =	por !p2, p0  }
0x20: {  	[sflag:s8] =	ssyncset.s32 @!p0 $0xFFFFF086;
	s6 =	sadd.s32 @!p0 s3, s7;
	s7 =	simm.s32 @!p0 $0x108  }
0x21: {  	s3 =	sadd.s32 s3, s9;
	s6 =	sadd.s32 @!p0 $0x88, s6;
	s7 =	simm.s32 @p2 $0x1082  }
0x22: {  	[simem:s7], [sflag:s8] =	dma.local @!p0 [hbm:s6], $0xF7A  }
0x23: {  	s9 =	sor.u32 $0xD0000000, s2;
	s6 =	simm.s32 $0x108;
	_ =	swait.ge @!p0 [sflag:s8], $0x0  }
0x24: {  	s3 =	sadd.s32 $0x88, s3;
	s6 =	simm.s32 @!p1 $0x1082;
	[sflag:s4] =	ssyncset.s32 $0xFFFFF086  }
0x25: {  	[simem:s6], [sflag:s4] =	dma.local [hbm:s3], $0xF7A  }
0x26: {  	[smem:$0x3F90] =	sst s1;
	(tag) =	ssettag s2;
	_ =	strace s9  }
0x27: {  	s1 =	sld [smem:$0x3FA0]  }
0x28: {  	s2 =	sld [smem:$0x3FA1]  }
0x29: {  	s4 =	sld [smem:$0x3FA3]  }
0x2a: {  	p0 =	seq.s32 s5, $0x0;
	s5 =	sld [smem:$0x3FA4]  }
0x2b: {  	s6 =	sld [smem:$0x3FA5]  }
0x2c: {  	s7 =	sld [smem:$0x3FA6]  }
0x2d: {  	s3 =	simm.s32 $0x108;
	s8 =	sld [smem:$0x3FA7]  }
0x2e: {  	s3 =	simm.s32 @!p0 $0x1082;
	s9 =	sld [smem:$0x3FA8]  }
0x2f: {  	lr =	sadd.s32 s0, s3;
	s0 =	sld [smem:$0x3F9F]  }
0x30: {  	s3 =	sld [smem:$0x3FA2]  }
0x31: {  	[smem:$0x3FAB] =	sst s10  }
0x32: {  	s10 =	sld [smem:$0x3FA9];
	_ =	sdelay $0x3  }
0x33: {  	p0 =	seq.s32 s10, $0x1;
	s10 =	sld [smem:$0x3FAB];
	_ =	sdelay $0x3  }
0x34: {  	[smem:$0x3FAB] =	sst s10  }
0x35: {  	s10 =	sld [smem:$0x3FAA];
	_ =	sdelay $0x3  }
0x36: {  	p1 =	seq.s32 s10, $0x1;
	s10 =	sld [smem:$0x3FAB];
	_ =	sdelay $0x3  }
0x37: {  	[smem:$0x3FAB] =	sst s10  }
0x38: {  	s10 =	sld [smem:$0x3FAC]  }
0x39: {  	_ = 	snop;
	(pc) =	sbr.ind lr, $3  }
0x3a: {  	_ = 	snop  }
0x3b: {  	_ = 	snop  }
0x3c: {  	p2 =	seq.s32 s10, $0x1;
	s10 =	sld [smem:$0x3FAB]  }
0x3d: {  	_ =	shalt  }
0x3e: {  	_ =	shalt  }
0x3f: {  	_ =	shalt  }
0x40: {  	_ =	shalt  }
0x41: {  	_ =	shalt  }
0x42: {  	_ =	shalt  }
0x43: {  	_ =	shalt  }
0x44: {  	_ =	shalt  }
0x45: {  	_ =	shalt  }
0x46: {  	_ =	shalt  }
0x47: {  	_ =	shalt  }
0x48: {  	_ =	shalt  }
0x49: {  	_ =	shalt  }
0x4a: {  	_ =	shalt  }
0x4b: {  	_ =	shalt  }
0x4c: {  	_ =	shalt  }
0x4d: {  	_ =	shalt  }
0x4e: {  	_ =	shalt  }
0x4f: {  	_ =	shalt  }
0x50: {  	_ =	shalt  }
0x51: {  	_ =	shalt  }
0x52: {  	_ =	shalt  }
0x53: {  	_ =	shalt  }
0x54: {  	_ =	shalt  }
0x55: {  	_ =	shalt  }
0x56: {  	_ =	shalt  }
0x57: {  	_ =	shalt  }
0x58: {  	_ =	shalt  }
0x59: {  	_ =	shalt  }
0x5a: {  	_ =	shalt  }
0x5b: {  	_ =	shalt  }
0x5c: {  	_ =	shalt  }
0x5d: {  	_ =	shalt  }
0x5e: {  	_ =	shalt  }
0x5f: {  	_ =	shalt  }
0x60: {  	_ =	shalt  }
0x61: {  	_ =	shalt  }
0x62: {  	_ =	shalt  }
0x63: {  	_ =	shalt  }
0x64: {  	_ =	shalt  }
0x65: {  	_ =	shalt  }
0x66: {  	_ =	shalt  }
0x67: {  	_ =	shalt  }
0x68: {  	_ =	shalt  }
0x69: {  	_ =	shalt  }
0x6a: {  	_ =	shalt  }
0x6b: {  	_ =	shalt  }
0x6c: {  	_ =	shalt  }
0x6d: {  	_ =	shalt  }
0x6e: {  	_ =	shalt  }
0x6f: {  	_ =	shalt  }
0x70: {  	_ =	shalt  }
0x71: {  	_ =	shalt  }
0x72: {  	_ =	shalt  }
0x73: {  	_ =	shalt  }
0x74: {  	_ =	shalt  }
0x75: {  	_ =	shalt  }
0x76: {  	_ =	shalt  }
0x77: {  	_ =	shalt  }
0x78: {  	_ =	shalt  }
0x79: {  	_ =	shalt  }
0x7a: {  	_ =	shalt  }
0x7b: {  	_ =	shalt  }
0x7c: {  	_ =	shalt  }
0x7d: {  	_ =	shalt  }
0x7e: {  	_ =	shalt  }
0x7f: {  	_ =	shalt  }
0x80: {  	_ =	shalt  }
0x81: {  	_ =	shalt  }
0x82: {  	_ =	shalt  }
0x83: {  	_ =	shalt  }
0x84: {  	_ =	shalt  }
0x85: {  	_ =	shalt  }
0x86: {  	_ =	shalt  }
0x87: {  	_ =	shalt  }
.Lfunc_end0:
.L_simem_size_0:
called_computation.2_lowered:
.L_overlay_start_0:
0x88: {  	s2 =	sld [smem:$0x3FD9]  }
0x89: {  	s3 =	sld [smem:$0x3FFE];
	_ =	sdelay $0x1  }
0x8a: {  	s1 =	srdreg.scid  }
0x8b: {  	s0 =	sand.u32 $0x1, s1  }
0x8c: {  	s16 =	sshll.u32 s0, $0xA;
	s2 =	sadd.s32 s3, s2  }
0x8d: {  	s2 =	sadd.s32 s2, s16  }
0x8e: {  	[smem:$0x3FB7] =	sst s2  }
0x8f: {  	_ = 	snop  }
0x90: {  	(tm) =	ssettm $0x1  }
0x91: {  	s17 =	sld [smem:$0x3FFB];
	_ =	sdelay $0x3  }
0x92: {  	_ =	strace s17  }
0x93: {  	s2 =	sld [smem:$0x3FFC];
	_ =	sdelay $0x3  }
0x94: {  	_ =	strace s2  }
0x95: {  	s2 =	sld [smem:$0x3FFD];
	_ =	sdelay $0x3  }
0x96: {  	_ =	strace s2  }
0x97: {  	_ =	strace $0x8FFFFFFF  }
0x98: {  	s18 =	sld [smem:$0x3FDB];
	_ =	sdelay $0x1  }
0x99: {  	s19 =	simm.s32 $_scs_section_size  }
0x9a: {  	s4 =	simm.s32 $_size__tile_overlayer_lowered;
	s5 =	simm.s32 $_tile_overlayer_lowered  }
0x9b: {  	s22 =	simm.s32 $0x1BFF;
	s21 =	sshll.u32 s5, $0x1;
	s2 =	sadd.s32 s19, s18  }
0x9c: {  	s6 =	simm.s32 $0x0;
	s20 =	sshll.u32 s4, $0x1;
	s4 =	sadd.s32 s21, s2  }
0x9d: {  	[timem:s6], [sflag:s22] =	dma.local [hbm:s4], s20  }
0x9e: {  	_ =	swait.ge [sflag:s22], s20  }
0x9f: {  	s3 =	ssub.s32 $0x0, s20;
	[sflag:s22] =	ssyncset.done $0x0  }
0xa0: {  	[sflag:s22] =	ssyncadd.s32 s3;
	_ =	sdelay $0x1  }
0xa1: {  	s23 =	simm.s32 $0x1B8B  }
0xa2: {  	_ =	swait.ge [sflag:s23], $0x1  }
0xa3: {  	[sflag:s23] =	ssyncset.done $0x0  }
0xa4: {  	s25 =	simm.s32 $0x1B8E;
	s24 =	sld [smem:$0x3FFE];
	[sflag:s23] =	ssyncadd.s32 $0xFFFFFFFF  }
0xa5: {  	s26 =	simm.s32 $execute0_lowered;
	[smem:$0x3FD2] =	sst s25  }
0xa6: {  	s4 =	sshll.u32 s26, $0x1;
	_ =	strace $0x8000004C;
	[dreg:$0x1] =	wrdreg $0xFFFFFFFF  }
0xa7: {  	s28 =	simm.s32 $_size_execute0_lowered;
	s2 =	sadd.s32 s2, s4;
	[dreg:$0x0] =	wrdreg $0x0  }
0xa8: {  	s4 =	sshll.u32 s28, $0x1;
	[dreg:$0x2] =	wrdreg s2  }
0xa9: {  	[dreg:$0x3] =	wrdreg s4  }
0xaa: {  	[dreg:$0x4] =	wrdreg $0xC0  }
0xab: {  	_ =	task [dreg:s6], $0x5FFFF  }
0xac: {  	[dreg:$0x1] =	wrdreg $0xFFFFFFFF  }
0xad: {  	[dreg:$0x0] =	wrdreg $0x60  }
0xae: {  	[dreg:$0x2] =	wrdreg s24  }
0xaf: {  	[dreg:$0x3] =	wrdreg $0xA4000  }
0xb0: {  	[dreg:$0x4] =	wrdreg $0x9  }
0xb1: {  	_ =	task.clear_ibuf [dreg:s6], $0x5FFFF;
	_ =	strace $0x9000004C  }
0xb2: {  	s29 =	simm.s32 $0x9;
	_ =	strace $0x8000004E  }
0xb3: {  	_ =	swait.ge [sflag:s29], $0x1  }
0xb4: {  	[sflag:s29] =	ssyncadd.s32 $0xFFFFFFFF  }
0xb5: {  	_ =	strace $0x9000004E  }
0xb6: {  	_ =	sfence  }
0xb7: {  	s30 =	sld [smem:$0x0];
	_ =	sdelay $0x2  }
0xb8: {  	s31 =	sshll.u32 s1, $0xD;
	s1 =	sshrl.u32 s1, $0x2  }
0xb9: {  	s3 =	sand.u32 $0x4000, s31;
	s1 =	sadd.s32 s1, s30  }
0xba: {  	s0 =	sor.u32 s3, s0;
	s1 =	sshll.u32 s1, $0x11  }
0xbb: {  	s0 =	sor.u32 s1, s0  }
0xbc: {  	s0 =	sadd.s32 $0x8F2B, s0  }
0xbd: {  	[sflag:s0] =	ssyncadd.remote.s32 $0x1  }
0xbe: {  	_ =	sfence.sel $0xFFFF  }
0xbf: {  	[dreg:$0x0] =	wrdreg $0xFFFFFFFF;
	(pc) =	sbr.abs _section_cstart, $3  }
0xc0: {  	[dreg:$0x1] =	wrdreg $0xFFFFFFFF  }
0xc1: {  	_ =	task.clear_ibuf [dreg:s6], $0x2FFFF;
	_ =	strace $0x9FFFFFFF  }
0xc2: {  	(tm) =	ssettm $0x7FFFFFFF  }
0xc3: {  	_ =	shalt  }
tec
execute0_lowered:
.L_overlay_start_1:
0x0: {  	(tag) =	ssettag $0x1  }
0x1: {  	s0 =	rddreg [dreg:$0x0]  }
0x2: {  	s1 =	rddreg [dreg:$0x1]  }
0x3: {  	s2 =	srdreg.scid;
	s3 =	simm.s32 $0x0;
	s10 =	stileid.u32  }
0x4: {  	s28 =	simm.s32 $0x3;
	s29 =	simm.s32 $0x5;
	s30 =	simm.s32 $0x9  }
0x5: {  	s2 =	sand.u32 $0x1, s2;
	[smem:$0x7FF] =	sst s3;
	s5 =	smul.u32 $0x14000, s10  }
0x6: {  	s6 =	sadd.s32 $0x4600, s0;
	s7 =	smul.u32 $0x50000, s10;
	s24 =	sshll.u32 s10, $0xF  }
0x7: {  	s4 =	smul.u32 $0x140000, s2;
	_ =	strace $0x8000004D;
	s8 =	ssub.s32 $0x2, s2  }
0x8: {  	s2 =	sshll.u32 s2, $0x13;
	s9 =	sshrl.u32 s8, $0x1;
	s23 =	sshrl.u32 s7, $0x2  }
0x9: {  	s2 =	sor.u32 s24, s2;
	s24 =	simm.s32 $0x80;
	s5 =	sadd.s32 s5, s4  }
0xa: {  	s4 =	sadd.s32 $0x24600, s0;
	s8 =	ssub.s32 s8, s9;
	s10 =	sshrl.u32 s2, $0x3  }
0xb: {  	s17 =	sor.u32 $0x600, s2;
	[dreg:$0x8] =	wrdreg s24;
	s7 =	sadd.s32 s10, s6  }
0xc: {  	s19 =	sor.u32 $0x500, s2;
	s22 =	smax.u32 s8, $0x1;
	[dreg:$0x10] =	wrdreg s7  }
0xd: {  	s2 =	sor.u32 $0x400, s2;
	s15 =	sadd.s32 $0x20, s7;
	[dreg:$0x16] =	wrdreg s22  }
0xe: {  	s5 =	sshrl.u32 s5, $0x3;
	s16 =	sadd.s32 $0x40, s7;
	[dreg:$0x13] =	wrdreg s15  }
0xf: {  	s2 =	sshrl.u32 s2, $0x3;
	s7 =	sadd.s32 $0x60, s7;
	[dreg:$0x14] =	wrdreg s16  }
0x10: {  	s0 =	sadd.s32 s5, s0;
	s21 =	sadd.s32 s2, s6;
	[dreg:$0x3] =	wrdreg s7  }
0x11: {  	s5 =	sadd.s32 s23, s1;
	s23 =	simm.s32 $0x5400;
	[dreg:$0x6] =	wrdreg s21  }
0x12: {  	s31 =	simm.s32 $0x4;
	s25 =	sadd.s32 $0x2800, s5;
	[dreg:$0x7] =	wrdreg s23  }
0x13: {  	s24 =	simm.s32 $0x2;
	s26 =	sadd.s32 $0x5000, s5;
	[dreg:$0xb] =	wrdreg s25  }
0x14: {  	s18 =	sshrl.u32 s17, $0x3;
	s9 =	sadd.s32 $0x7800, s5;
	[dreg:$0xc] =	wrdreg s26  }
0x15: {  	s8 =	simm.s32 $0xC;
	s11 =	sadd.s32 $0xA000, s5;
	[dreg:$0xd] =	wrdreg s9  }
0x16: {  	s10 =	simm.s32 $0x0;
	s12 =	sadd.s32 $0xC800, s5;
	[dreg:$0xe] =	wrdreg s11  }
0x17: {  	s2 =	simm.s32 $0x6;
	s13 =	sadd.s32 $0xF000, s5;
	[dreg:$0xf] =	wrdreg s12  }
0x18: {  	s14 =	sadd.s32 $0x11800, s5;
	s7 =	sadd.s32 s18, s6;
	[dreg:$0x11] =	wrdreg s13  }
0x19: {  	s0 =	sadd.s32 $0x4B800, s0;
	s18 =	simm.s32 $0x400;
	[dreg:$0x12] =	wrdreg s14  }
0x1a: {  	s21 =	simm.s32 $0xD;
	s23 =	simm.s32 $0x50;
	[dreg:$0x4] =	wrdreg s7  }
0x1b: {  	s9 =	sshrl.u32 s19, $0x3;
	[dreg:$0x15] =	wrdreg s0;
	s25 =	simm.s32 $0x180  }
0x1c: {  	s26 =	simm.s32 $0x380;
	s0 =	simm.s32 $0x7C00;
	[dreg:$0x9] =	wrdreg s25  }
0x1d: {  	s7 =	simm.s32 $0x8;
	s20 =	sadd.s32 s9, s6;
	[dreg:$0xa] =	wrdreg s26  }
0x1e: {  	s25 =	simm.s32 $0x2C00;
	s26 =	simm.s32 $0x300;
	s6 =	simm.s32 $0xA  }
0x1f: {  	v0 =	vimm.f32 $0.0e+00;
	s9 =	simm.s32 $0xE;
	[dreg:$0x5] =	wrdreg s20;
	s20 =	simm.s32 $0x200  }
.LBB2_1:
0x20: {  	s12 =	simm.s32 $0x0;
	s13 =	simm.s32 $0x200  }
.LBB2_2:
0x21: {  	p0 =	sne.s32 s13, $0x9E00;
	[tilespmem:s12+$0x470] =	vst v0  }
0x22: {  	[tilespmem:s12+$0x400] =	vst v0  }
0x23: {  	[tilespmem:s12+$0x410] =	vst v0  }
.Ltmp0:
0x24: {  	[tilespmem:s12+$0x420] =	vst v0;
	(pc) =	sbr.rel @p0 .LBB2_2-.Ltmp0, $4  }
0x25: {  	[tilespmem:s12+$0x430] =	vst v0  }
0x26: {  	[tilespmem:s12+$0x440] =	vst v0  }
0x27: {  	[tilespmem:s12+$0x450] =	vst v0  }
0x28: {  	[tilespmem:s12+$0x460] =	vst v0;
	s12 =	sshra.s32 s13, $0x2;
	s13 =	sadd.s32 $0x200, s13  }
0x29: {  	[tilespmem:s12+$0x470] =	vst v0  }
0x2a: {  	[tilespmem:s12+$0x400] =	vst v0  }
0x2b: {  	[tilespmem:s12+$0x410] =	vst v0  }
0x2c: {  	[tilespmem:s12+$0x420] =	vst v0  }
0x2d: {  	[tilespmem:s12+$0x430] =	vst v0  }
0x2e: {  	[tilespmem:s12+$0x440] =	vst v0  }
0x2f: {  	[tilespmem:s12+$0x450] =	vst v0  }
0x30: {  	[tilespmem:s12+$0x460] =	vst v0  }
0x31: {  	[spmem:s5] =	stream.linear.scatter [tilespmem:s18], [sflag:$0xD], $0x2800, $0x38;
	[tilespmem:$0x1E400] =	vst v63  }
0x32: {  	s11 =	rddreg [dreg:$0xb]  }
0x33: {  	[spmem:s11] =	stream.linear.scatter [tilespmem:s18], [sflag:$0xD], $0x2800, $0x38;
	[tilespmem:$0x1E400] =	vst v63  }
0x34: {  	s19 =	rddreg [dreg:$0xc]  }
0x35: {  	[spmem:s19] =	stream.linear.scatter [tilespmem:s18], [sflag:$0xD], $0x2800, $0x38;
	[tilespmem:$0x1E400] =	vst v63  }
0x36: {  	s22 =	rddreg [dreg:$0xd]  }
0x37: {  	[spmem:s22] =	stream.linear.scatter [tilespmem:s18], [sflag:$0xD], $0x2800, $0x38;
	[tilespmem:$0x1E400] =	vst v63  }
0x38: {  	s12 =	rddreg [dreg:$0xe]  }
0x39: {  	[spmem:s12] =	stream.linear.scatter [tilespmem:s18], [sflag:$0xD], $0x2800, $0x38;
	[tilespmem:$0x1E400] =	vst v63  }
0x3a: {  	s13 =	rddreg [dreg:$0xf]  }
0x3b: {  	[spmem:s13] =	stream.linear.scatter [tilespmem:s18], [sflag:$0xD], $0x2800, $0x38;
	[tilespmem:$0x1E400] =	vst v63  }
0x3c: {  	s14 =	rddreg [dreg:$0x11]  }
0x3d: {  	[spmem:s14] =	stream.linear.scatter [tilespmem:s18], [sflag:$0xD], $0x2800, $0x38;
	[tilespmem:$0x1E400] =	vst v63  }
0x3e: {  	s15 =	rddreg [dreg:$0x12]  }
0x3f: {  	[spmem:s15] =	stream.linear.scatter [tilespmem:s18], [sflag:$0xD], $0x2800, $0x38;
	[tilespmem:$0x1E400] =	vst v63  }
0x40: {  	s16 =	simm.s32 $0x0;
	s17 =	rddreg [dreg:$0x10]  }
0x41: {  	[tilespmem:s16], [sflag:$0x1] =	stream.linear.gather [hbm4b:s17+s16], $0x100, $0x38;
	[tilespmem:$0x1E400] =	vst v63  }
0x42: {  	s19 =	rddreg [dreg:$0x13];
	s13 =	simm.s32 $0x100  }
0x43: {  	[tilespmem:s13], [sflag:$0x2] =	stream.linear.gather [hbm4b:s19+s16], $0x100, $0x38;
	[tilespmem:$0x1E400] =	vst v63  }
0x44: {  	s22 =	rddreg [dreg:$0x14]  }
0x45: {  	[tilespmem:s20], [sflag:$0x3] =	stream.linear.gather [hbm4b:s22+s16], $0x100, $0x38;
	[tilespmem:$0x1E400] =	vst v63  }
0x46: {  	_ =	swait.ge [sflag:s21], $0x2800  }
0x47: {  	[sflag:s21] =	ssyncset.done $0x0  }
0x48: {  	[sflag:s21] =	ssyncadd.s32 $0xFFFFD800  }
0x49: {  	_ =	swait.ge [sflag:s21], $0x2800  }
0x4a: {  	[sflag:s21] =	ssyncset.done $0x0  }
0x4b: {  	[sflag:s21] =	ssyncadd.s32 $0xFFFFD800  }
0x4c: {  	_ =	swait.ge [sflag:s21], $0x2800  }
0x4d: {  	[sflag:s21] =	ssyncset.done $0x0  }
0x4e: {  	[sflag:s21] =	ssyncadd.s32 $0xFFFFD800  }
0x4f: {  	_ =	swait.ge [sflag:s21], $0x2800  }
0x50: {  	[sflag:s21] =	ssyncset.done $0x0  }
0x51: {  	[sflag:s21] =	ssyncadd.s32 $0xFFFFD800  }
0x52: {  	_ =	swait.ge [sflag:s21], $0x2800  }
0x53: {  	[sflag:s21] =	ssyncset.done $0x0  }
0x54: {  	[sflag:s21] =	ssyncadd.s32 $0xFFFFD800  }
0x55: {  	_ =	swait.ge [sflag:s21], $0x2800  }
0x56: {  	[sflag:s21] =	ssyncset.done $0x0  }
0x57: {  	[sflag:s21] =	ssyncadd.s32 $0xFFFFD800  }
0x58: {  	_ =	swait.ge [sflag:s21], $0x2800  }
0x59: {  	[sflag:s21] =	ssyncset.done $0x0  }
0x5a: {  	[sflag:s21] =	ssyncadd.s32 $0xFFFFD800  }
0x5b: {  	_ =	swait.ge [sflag:s21], $0x2800  }
0x5c: {  	[sflag:s21] =	ssyncset.done $0x0  }
0x5d: {  	[sflag:s21] =	ssyncadd.s32 $0xFFFFD800  }
0x5e: {  	s14 =	simm.s32 $0x1;
	[bflag:$0x0] =	sbarrier.arrive $0xFFFF  }
0x5f: {  	_ =	swait.ge [sflag:s14], $0x100  }
0x60: {  	[sflag:s14] =	ssyncset.done $0x0  }
0x61: {  	[sflag:s14] =	ssyncadd.s32 $0xFFFFFF00  }
0x62: {  	[tilespmem:s18], [sflag:$0x5] =	stream.indirect.gather [hbm4b:s4+s23], $0x80, s16, s23, $0xb8;
	[tilespmem:$0x1E400] =	vst v63  }
0x63: {  	p0 =	por $0x1, $0x1;
	_ =	swait.ge [sflag:s24], $0x100  }
0x64: {  	p0 =	por p0, p0;
	[sflag:s24] =	ssyncset.done $0x0  }
0x65: {  	s12 =	simm.s32 @!p0 $0xC;
	[sflag:s24] =	ssyncadd.s32 $0xFFFFFF00  }
0x66: {  	[tilespmem:s25], [sflag:$0x6] =	stream.indirect.gather [hbm4b:s4+s23], $0x80, s13, s23, $0xb8;
	[tilespmem:$0x1E400] =	vst v63  }
0x67: {  	_ =	swait.ge @!p0 [sflag:s12], $0x2800  }
0x68: {  	s15 =	rddreg [dreg:$0x3];
	[sflag:s12] =	ssyncset.done @!p0 $0x0  }
0x69: {  	[sflag:s12] =	ssyncadd.s32 @!p0 $0xFFFFD800;
	s16 =	sadd.s32 $0x0, s15  }
0x6a: {  	[tilespmem:s26], [sflag:$0x4] =	stream.linear.gather [hbm4b:s16+s3], $0x100, $0x38;
	[tilespmem:$0x1E400] =	vst v63  }
0x6b: {  	_ =	swait.ge [sflag:s28], $0x100  }
0x6c: {  	[sflag:s28] =	ssyncset.done $0x0  }
0x6d: {  	s17 =	rddreg [dreg:$0x7];
	[sflag:s28] =	ssyncadd.s32 $0xFFFFFF00  }
0x6e: {  	[tilespmem:s17], [sflag:$0x7] =	stream.indirect.gather [hbm4b:s4+s23], $0x80, s20, s23, $0xb8;
	[tilespmem:$0x1E400] =	vst v63  }
0x6f: {  	_ =	swait.ge [sflag:s29], $0x2800  }
0x70: {  	[sflag:s29] =	ssyncset.done $0x0  }
0x71: {  	s19 =	rddreg [dreg:$0x8];
	[sflag:s29] =	ssyncadd.s32 $0xFFFFD800  }
0x72: {  	[spmem:s1] =	stream.indirect.scatter.add.f32 [tilespmem:s18], [sflag:$0x9], $0x80, s19, s23, $0xb8;
	[tilespmem:$0x1E400] =	vst v63  }
0x73: {  	_ =	swait.ge [sflag:s30], $0x2800  }
0x74: {  	p0 =	por $0x0, $0x0;
	s12 =	rddreg [dreg:$0x6];
	[sflag:s30] =	ssyncset.done $0x0  }
0x75: {  	s13 =	simm.s32 @!p0 $0x0;
	[sflag:s30] =	ssyncadd.s32 $0xFFFFD800;
	s12 =	sadd.s32 @!p0 $0x0, s12  }
0x76: {  	[tilespmem:s13], [sflag:$0x1] =	stream.linear.gather @!p0 [hbm4b:s12+s13], $0x100, $0x38;
	[tilespmem:$0x1E400] =	vst v63  }
0x77: {  	_ =	swait.ge [sflag:s31], $0x100  }
0x78: {  	[sflag:s31] =	ssyncset.done $0x0  }
0x79: {  	[sflag:s31] =	ssyncadd.s32 $0xFFFFFF00  }
0x7a: {  	[tilespmem:s0], [sflag:$0x8] =	stream.indirect.gather [hbm4b:s4+s23], $0x80, s26, s23, $0xb8;
	[tilespmem:$0x1E400] =	vst v63  }
0x7b: {  	_ =	swait.ge [sflag:s2], $0x2800  }
0x7c: {  	[sflag:s2] =	ssyncset.done $0x0  }
0x7d: {  	s22 =	rddreg [dreg:$0x9];
	[sflag:s2] =	ssyncadd.s32 $0xFFFFD800  }
0x7e: {  	[spmem:s1] =	stream.indirect.scatter.add.f32 [tilespmem:s25], [sflag:$0xA], $0x80, s22, s23, $0xb8;
	[tilespmem:$0x1E400] =	vst v63  }
0x7f: {  	_ =	swait.ge [sflag:s6], $0x2800  }
0x80: {  	[sflag:s6] =	ssyncset.done $0x0  }
0x81: {  	s12 =	simm.s32 @p0 $0x7;
	[sflag:s6] =	ssyncadd.s32 $0xFFFFD800  }
0x82: {  	_ =	swait.ge @p0 [sflag:s12], $0x2800  }
0x83: {  	s14 =	simm.s32 @p0 $0x5400;
	s15 =	simm.s32 @p0 $0xB;
	[sflag:s12] =	ssyncset.done @p0 $0x0  }
0x84: {  	s19 =	simm.s32 @p0 $0x280;
	[sflag:s12] =	ssyncadd.s32 @p0 $0xFFFFD800;
	s12 =	simm.s32 @p0 $0x50  }
0x85: {  	[spmem:s1] =	stream.indirect.scatter.add.f32 @p0 [tilespmem:s14], [sflag:$0xB], $0x80, s19, s12, $0xb8;
	[tilespmem:$0x1E400] =	vst v63  }
0x86: {  	_ =	swait.ge @p0 [sflag:s15], $0x2800  }
0x87: {  	s14 =	simm.s32 @!p0 $0x1;
	s12 =	rddreg [dreg:$0x5];
	[sflag:s15] =	ssyncset.done @p0 $0x0  }
0x88: {  	[sflag:s15] =	ssyncadd.s32 @p0 $0xFFFFD800;
	s12 =	sadd.s32 @!p0 $0x0, s12;
	s15 =	simm.s32 @!p0 $0x100  }
0x89: {  	[tilespmem:s15], [sflag:$0x2] =	stream.linear.gather @!p0 [hbm4b:s12+s13], $0x100, $0x38;
	[tilespmem:$0x1E400] =	vst v63  }
0x8a: {  	_ =	swait.ge @!p0 [sflag:s14], $0x100  }
0x8b: {  	s19 =	simm.s32 @!p0 $0x400;
	[sflag:s14] =	ssyncset.done @!p0 $0x0  }
0x8c: {  	s12 =	simm.s32 @!p0 $0x7;
	[sflag:s14] =	ssyncadd.s32 @!p0 $0xFFFFFF00;
	s14 =	simm.s32 @!p0 $0x50  }
0x8d: {  	[tilespmem:s19], [sflag:$0x5] =	stream.indirect.gather @!p0 [hbm4b:s4+s14], $0x80, s13, s14, $0xb8;
	[tilespmem:$0x1E400] =	vst v63  }
0x8e: {  	_ =	swait.ge @!p0 [sflag:s12], $0x2800  }
0x8f: {  	[sflag:s12] =	ssyncset.done @!p0 $0x0  }
0x90: {  	s19 =	simm.s32 @!p0 $0x5400;
	[sflag:s12] =	ssyncadd.s32 @!p0 $0xFFFFD800;
	s12 =	simm.s32 @!p0 $0x280  }
0x91: {  	[spmem:s1] =	stream.indirect.scatter.add.f32 @!p0 [tilespmem:s19], [sflag:$0xB], $0x80, s12, s14, $0xb8;
	[tilespmem:$0x1E400] =	vst v63  }
0x92: {  	s12 =	simm.s32 @!p0 $0xB  }
0x93: {  	_ =	swait.ge @!p0 [sflag:s12], $0x2800  }
0x94: {  	s19 =	rddreg [dreg:$0x4];
	[sflag:s12] =	ssyncset.done @!p0 $0x0  }
0x95: {  	[sflag:s12] =	ssyncadd.s32 @!p0 $0xFFFFD800;
	s12 =	sadd.s32 @!p0 $0x0, s19;
	s19 =	simm.s32 @!p0 $0x200  }
0x96: {  	[tilespmem:s19], [sflag:$0x3] =	stream.linear.gather @!p0 [hbm4b:s12+s13], $0x100, $0x38;
	[tilespmem:$0x1E400] =	vst v63  }
0x97: {  	s12 =	simm.s32 @!p0 $0x2  }
0x98: {  	_ =	swait.ge @!p0 [sflag:s12], $0x100  }
0x99: {  	[sflag:s12] =	ssyncset.done @!p0 $0x0  }
0x9a: {  	[sflag:s12] =	ssyncadd.s32 @!p0 $0xFFFFFF00;
	s12 =	simm.s32 @!p0 $0x2C00  }
0x9b: {  	[tilespmem:s12], [sflag:$0x6] =	stream.indirect.gather @!p0 [hbm4b:s4+s14], $0x80, s15, s14, $0xb8;
	[tilespmem:$0x1E400] =	vst v63  }
0x9c: {  	p6 =	por $0x0, $0x0;
	_ =	swait.ge [sflag:s7], $0x2800  }
0x9d: {  	s13 =	simm.s32 $0x100;
	s12 =	simm.s32 $0x80;
	[sflag:s7] =	ssyncset.done $0x0  }
0x9e: {  	p0 =	por p6, p6;
	s14 =	rddreg [dreg:$0xa];
	[sflag:s7] =	ssyncadd.s32 $0xFFFFD800  }
.LBB2_4:
0x9f: {  	[spmem:s1] =	stream.indirect.scatter.add.f32 [tilespmem:s0], [sflag:$0xC], $0x80, s14, s23, $0xb8;
	[tilespmem:$0x1E400] =	vst v63  }
0xa0: {  	s15 =	simm.s32 @!p0 $0xC  }
0xa1: {  	_ =	swait.ge @!p0 [sflag:s15], $0x2800  }
0xa2: {  	[sflag:s15] =	ssyncset.done @!p0 $0x0;
	s19 =	rddreg [dreg:$0x3]  }
0xa3: {  	[sflag:s15] =	ssyncadd.s32 @!p0 $0xFFFFD800;
	s16 =	sadd.s32 s12, s19  }
0xa4: {  	[tilespmem:s26], [sflag:$0x4] =	stream.linear.gather [hbm4b:s16+s3], $0x100, $0x38;
	[tilespmem:$0x1E400] =	vst v63  }
0xa5: {  	_ =	swait.ge [sflag:s28], $0x100  }
0xa6: {  	[sflag:s28] =	ssyncset.done $0x0  }
0xa7: {  	s17 =	rddreg [dreg:$0x7];
	[sflag:s28] =	ssyncadd.s32 $0xFFFFFF00  }
0xa8: {  	[tilespmem:s17], [sflag:$0x7] =	stream.indirect.gather [hbm4b:s4+s23], $0x80, s20, s23, $0xb8;
	[tilespmem:$0x1E400] =	vst v63  }
0xa9: {  	_ =	swait.ge [sflag:s29], $0x2800  }
0xaa: {  	s14 =	smov.u32 s13;
	[sflag:s29] =	ssyncset.done $0x0  }
0xab: {  	p2 =	seq.s32 s14, $0x0;
	s19 =	rddreg [dreg:$0x8];
	[sflag:s29] =	ssyncadd.s32 $0xFFFFD800  }
0xac: {  	[spmem:s1] =	stream.indirect.scatter.add.f32 [tilespmem:s18], [sflag:$0x9], $0x80, s19, s23, $0xb8;
	[tilespmem:$0x1E400] =	vst v63  }
0xad: {  	p0 =	por p2, p2;
	_ =	swait.ge [sflag:s30], $0x2800  }
0xae: {  	p2 =	seq.s32 s12, $0xF80;
	s15 =	rddreg [dreg:$0x6];
	[sflag:s30] =	ssyncset.done $0x0  }
0xaf: {  	[sflag:s30] =	ssyncadd.s32 $0xFFFFD800;
	s19 =	sadd.s32 @!p2 s12, s15;
	s15 =	simm.s32 @!p2 $0x0  }
0xb0: {  	[tilespmem:s15], [sflag:$0x1] =	stream.linear.gather @!p2 [hbm4b:s19+s15], $0x100, $0x38;
	[tilespmem:$0x1E400] =	vst v63  }
0xb1: {  	_ =	swait.ge [sflag:s31], $0x100  }
0xb2: {  	[sflag:s31] =	ssyncset.done $0x0  }
0xb3: {  	[sflag:s31] =	ssyncadd.s32 $0xFFFFFF00  }
0xb4: {  	[tilespmem:s0], [sflag:$0x8] =	stream.indirect.gather [hbm4b:s4+s23], $0x80, s26, s23, $0xb8;
	[tilespmem:$0x1E400] =	vst v63  }
0xb5: {  	_ =	swait.ge [sflag:s2], $0x2800  }
0xb6: {  	[sflag:s2] =	ssyncset.done $0x0  }
0xb7: {  	s22 =	rddreg [dreg:$0x9];
	[sflag:s2] =	ssyncadd.s32 $0xFFFFD800  }
0xb8: {  	[spmem:s1] =	stream.indirect.scatter.add.f32 [tilespmem:s25], [sflag:$0xA], $0x80, s22, s23, $0xb8;
	[tilespmem:$0x1E400] =	vst v63  }
0xb9: {  	_ =	swait.ge [sflag:s6], $0x2800  }
0xba: {  	[sflag:s6] =	ssyncset.done $0x0  }
0xbb: {  	s19 =	simm.s32 @p2 $0x7;
	[sflag:s6] =	ssyncadd.s32 $0xFFFFD800  }
0xbc: {  	_ =	swait.ge @p2 [sflag:s19], $0x2800  }
0xbd: {  	s16 =	simm.s32 @p2 $0x5400;
	s11 =	simm.s32 @p2 $0x280;
	[sflag:s19] =	ssyncset.done @p2 $0x0  }
0xbe: {  	s17 =	simm.s32 @p2 $0xB;
	[sflag:s19] =	ssyncadd.s32 @p2 $0xFFFFD800;
	s19 =	simm.s32 @p2 $0x50  }
0xbf: {  	[spmem:s1] =	stream.indirect.scatter.add.f32 @p2 [tilespmem:s16], [sflag:$0xB], $0x80, s11, s19, $0xb8;
	[tilespmem:$0x1E400] =	vst v63  }
0xc0: {  	_ =	swait.ge @p2 [sflag:s17], $0x2800  }
0xc1: {  	s16 =	simm.s32 @!p2 $0x1;
	s11 =	rddreg [dreg:$0x5];
	[sflag:s17] =	ssyncset.done @p2 $0x0  }
0xc2: {  	[sflag:s17] =	ssyncadd.s32 @p2 $0xFFFFD800;
	s11 =	sadd.s32 @!p2 s12, s11;
	s17 =	simm.s32 @!p2 $0x100  }
0xc3: {  	[tilespmem:s17], [sflag:$0x2] =	stream.linear.gather @!p2 [hbm4b:s11+s15], $0x100, $0x38;
	[tilespmem:$0x1E400] =	vst v63  }
0xc4: {  	_ =	swait.ge @!p2 [sflag:s16], $0x100  }
0xc5: {  	s19 =	simm.s32 @!p2 $0x400;
	[sflag:s16] =	ssyncset.done @!p2 $0x0  }
0xc6: {  	s11 =	simm.s32 @!p2 $0x7;
	[sflag:s16] =	ssyncadd.s32 @!p2 $0xFFFFFF00;
	s16 =	simm.s32 @!p2 $0x50  }
0xc7: {  	[tilespmem:s19], [sflag:$0x5] =	stream.indirect.gather @!p2 [hbm4b:s4+s16], $0x80, s15, s16, $0xb8;
	[tilespmem:$0x1E400] =	vst v63  }
0xc8: {  	_ =	swait.ge @!p2 [sflag:s11], $0x2800  }
0xc9: {  	s22 =	simm.s32 @!p2 $0x5400;
	[sflag:s11] =	ssyncset.done @!p2 $0x0  }
0xca: {  	s19 =	simm.s32 @!p2 $0xB;
	[sflag:s11] =	ssyncadd.s32 @!p2 $0xFFFFD800;
	s11 =	simm.s32 @!p2 $0x280  }
0xcb: {  	[spmem:s1] =	stream.indirect.scatter.add.f32 @!p2 [tilespmem:s22], [sflag:$0xB], $0x80, s11, s16, $0xb8;
	[tilespmem:$0x1E400] =	vst v63  }
0xcc: {  	_ =	swait.ge @!p2 [sflag:s19], $0x2800  }
0xcd: {  	s22 =	simm.s32 @!p2 $0x2;
	s11 =	rddreg [dreg:$0x4];
	[sflag:s19] =	ssyncset.done @!p2 $0x0  }
0xce: {  	[sflag:s19] =	ssyncadd.s32 @!p2 $0xFFFFD800;
	s11 =	sadd.s32 @!p2 s12, s11;
	s12 =	simm.s32 @!p2 $0x200  }
0xcf: {  	[tilespmem:s12], [sflag:$0x3] =	stream.linear.gather @!p2 [hbm4b:s11+s15], $0x100, $0x38;
	[tilespmem:$0x1E400] =	vst v63  }
0xd0: {  	s13 =	sadd.s32 $0x80, s13;
	_ =	swait.ge @!p2 [sflag:s22], $0x100  }
0xd1: {  	p1 =	sne.s32 s13, $0x1000;
	[sflag:s22] =	ssyncset.done @!p2 $0x0  }
.Ltmp1:
0xd2: {  	s11 =	simm.s32 @!p2 $0x2C00;
	[sflag:s22] =	ssyncadd.s32 @!p2 $0xFFFFFF00;
	(pc) =	sbr.rel @p1 .LBB2_4-.Ltmp1, $4  }
0xd3: {  	[tilespmem:s11], [sflag:$0x6] =	stream.indirect.gather @!p2 [hbm4b:s4+s16], $0x80, s17, s16, $0xb8;
	[tilespmem:$0x1E400] =	vst v63  }
0xd4: {  	_ =	swait.ge [sflag:s7], $0x2800  }
0xd5: {  	[sflag:s7] =	ssyncset.done $0x0  }
0xd6: {  	s12 =	smov.u32 s14;
	s14 =	rddreg [dreg:$0xa];
	[sflag:s7] =	ssyncadd.s32 $0xFFFFD800  }
0xd7: {  	[spmem:s1] =	stream.indirect.scatter.add.f32 [tilespmem:s0], [sflag:$0xC], $0x80, s14, s23, $0xb8;
	[tilespmem:$0x1E400] =	vst v63  }
0xd8: {  	s11 =	simm.s32 @!p0 $0xC  }
0xd9: {  	_ =	swait.ge @!p0 [sflag:s11], $0x2800  }
0xda: {  	s13 =	rddreg [dreg:$0x3];
	[sflag:s11] =	ssyncset.done @!p0 $0x0  }
0xdb: {  	[sflag:s11] =	ssyncadd.s32 @!p0 $0xFFFFD800;
	s19 =	sadd.s32 s12, s13  }
0xdc: {  	[tilespmem:s26], [sflag:$0x4] =	stream.linear.gather [hbm4b:s19+s3], $0x100, $0x38;
	[tilespmem:$0x1E400] =	vst v63  }
0xdd: {  	_ =	swait.ge [sflag:s28], $0x100  }
0xde: {  	[sflag:s28] =	ssyncset.done $0x0  }
0xdf: {  	s22 =	rddreg [dreg:$0x7];
	[sflag:s28] =	ssyncadd.s32 $0xFFFFFF00  }
0xe0: {  	[tilespmem:s22], [sflag:$0x7] =	stream.indirect.gather [hbm4b:s4+s23], $0x80, s20, s23, $0xb8;
	[tilespmem:$0x1E400] =	vst v63  }
0xe1: {  	_ =	swait.ge [sflag:s29], $0x2800  }
0xe2: {  	[sflag:s29] =	ssyncset.done $0x0  }
0xe3: {  	s13 =	rddreg [dreg:$0x8];
	[sflag:s29] =	ssyncadd.s32 $0xFFFFD800  }
0xe4: {  	[spmem:s1] =	stream.indirect.scatter.add.f32 [tilespmem:s18], [sflag:$0x9], $0x80, s13, s23, $0xb8;
	[tilespmem:$0x1E400] =	vst v63  }
0xe5: {  	_ =	swait.ge [sflag:s30], $0x2800  }
0xe6: {  	p0 =	seq.s32 s12, $0xF80;
	s11 =	rddreg [dreg:$0x6];
	[sflag:s30] =	ssyncset.done $0x0  }
0xe7: {  	s13 =	simm.s32 @!p0 $0x0;
	[sflag:s30] =	ssyncadd.s32 $0xFFFFD800;
	s11 =	sadd.s32 @!p0 s12, s11  }
0xe8: {  	[tilespmem:s13], [sflag:$0x1] =	stream.linear.gather @!p0 [hbm4b:s11+s13], $0x100, $0x38;
	[tilespmem:$0x1E400] =	vst v63  }
0xe9: {  	_ =	swait.ge [sflag:s31], $0x100  }
0xea: {  	[sflag:s31] =	ssyncset.done $0x0  }
0xeb: {  	[sflag:s31] =	ssyncadd.s32 $0xFFFFFF00  }
0xec: {  	[tilespmem:s0], [sflag:$0x8] =	stream.indirect.gather [hbm4b:s4+s23], $0x80, s26, s23, $0xb8;
	[tilespmem:$0x1E400] =	vst v63  }
0xed: {  	_ =	swait.ge [sflag:s2], $0x2800  }
0xee: {  	[sflag:s2] =	ssyncset.done $0x0  }
0xef: {  	s14 =	rddreg [dreg:$0x9];
	[sflag:s2] =	ssyncadd.s32 $0xFFFFD800  }
0xf0: {  	[spmem:s1] =	stream.indirect.scatter.add.f32 [tilespmem:s25], [sflag:$0xA], $0x80, s14, s23, $0xb8;
	[tilespmem:$0x1E400] =	vst v63  }
0xf1: {  	_ =	swait.ge [sflag:s6], $0x2800  }
0xf2: {  	[sflag:s6] =	ssyncset.done $0x0  }
0xf3: {  	s11 =	simm.s32 @p0 $0x7;
	[sflag:s6] =	ssyncadd.s32 $0xFFFFD800  }
0xf4: {  	_ =	swait.ge @p0 [sflag:s11], $0x2800  }
0xf5: {  	s15 =	simm.s32 @p0 $0xB;
	s16 =	simm.s32 @p0 $0x280;
	[sflag:s11] =	ssyncset.done @p0 $0x0  }
0xf6: {  	s14 =	simm.s32 @p0 $0x5400;
	[sflag:s11] =	ssyncadd.s32 @p0 $0xFFFFD800;
	s11 =	simm.s32 @p0 $0x50  }
0xf7: {  	[spmem:s1] =	stream.indirect.scatter.add.f32 @p0 [tilespmem:s14], [sflag:$0xB], $0x80, s16, s11, $0xb8;
	[tilespmem:$0x1E400] =	vst v63  }
0xf8: {  	_ =	swait.ge @p0 [sflag:s15], $0x2800  }
0xf9: {  	s14 =	simm.s32 @!p0 $0x1;
	s11 =	rddreg [dreg:$0x5];
	[sflag:s15] =	ssyncset.done @p0 $0x0  }
0xfa: {  	[sflag:s15] =	ssyncadd.s32 @p0 $0xFFFFD800;
	s11 =	sadd.s32 @!p0 s12, s11;
	s15 =	simm.s32 @!p0 $0x100  }
0xfb: {  	[tilespmem:s15], [sflag:$0x2] =	stream.linear.gather @!p0 [hbm4b:s11+s13], $0x100, $0x38;
	[tilespmem:$0x1E400] =	vst v63  }
0xfc: {  	_ =	swait.ge @!p0 [sflag:s14], $0x100  }
0xfd: {  	s16 =	simm.s32 @!p0 $0x400;
	[sflag:s14] =	ssyncset.done @!p0 $0x0  }
0xfe: {  	s11 =	simm.s32 @!p0 $0x7;
	[sflag:s14] =	ssyncadd.s32 @!p0 $0xFFFFFF00;
	s14 =	simm.s32 @!p0 $0x50  }
0xff: {  	[tilespmem:s16], [sflag:$0x5] =	stream.indirect.gather @!p0 [hbm4b:s4+s14], $0x80, s13, s14, $0xb8;
	[tilespmem:$0x1E400] =	vst v63  }
0x100: {  	_ =	swait.ge @!p0 [sflag:s11], $0x2800  }
0x101: {  	[sflag:s11] =	ssyncset.done @!p0 $0x0  }
0x102: {  	s16 =	simm.s32 @!p0 $0x5400;
	[sflag:s11] =	ssyncadd.s32 @!p0 $0xFFFFD800;
	s11 =	simm.s32 @!p0 $0x280  }
0x103: {  	[spmem:s1] =	stream.indirect.scatter.add.f32 @!p0 [tilespmem:s16], [sflag:$0xB], $0x80, s11, s14, $0xb8;
	[tilespmem:$0x1E400] =	vst v63  }
0x104: {  	s11 =	simm.s32 @!p0 $0xB  }
0x105: {  	_ =	swait.ge @!p0 [sflag:s11], $0x2800  }
0x106: {  	s16 =	rddreg [dreg:$0x4];
	[sflag:s11] =	ssyncset.done @!p0 $0x0  }
0x107: {  	[sflag:s11] =	ssyncadd.s32 @!p0 $0xFFFFD800;
	s11 =	sadd.s32 @!p0 s12, s16;
	s12 =	simm.s32 @!p0 $0x200  }
0x108: {  	[tilespmem:s12], [sflag:$0x3] =	stream.linear.gather @!p0 [hbm4b:s11+s13], $0x100, $0x38;
	[tilespmem:$0x1E400] =	vst v63  }
0x109: {  	s11 =	simm.s32 @!p0 $0x2  }
0x10a: {  	_ =	swait.ge @!p0 [sflag:s11], $0x100  }
0x10b: {  	[sflag:s11] =	ssyncset.done @!p0 $0x0  }
0x10c: {  	[sflag:s11] =	ssyncadd.s32 @!p0 $0xFFFFFF00;
	s11 =	simm.s32 @!p0 $0x2C00  }
0x10d: {  	[tilespmem:s11], [sflag:$0x6] =	stream.indirect.gather @!p0 [hbm4b:s4+s14], $0x80, s15, s14, $0xb8;
	[tilespmem:$0x1E400] =	vst v63  }
0x10e: {  	_ =	swait.ge [sflag:s7], $0x2800  }
0x10f: {  	[sflag:s7] =	ssyncset.done $0x0  }
0x110: {  	s15 =	rddreg [dreg:$0xa];
	[sflag:s7] =	ssyncadd.s32 $0xFFFFD800  }
0x111: {  	[spmem:s1] =	stream.indirect.scatter.add.f32 [tilespmem:s0], [sflag:$0xC], $0x80, s15, s23, $0xb8;
	[tilespmem:$0x1E400] =	vst v63  }
0x112: {  	_ =	swait.ge [sflag:s8], $0x2800  }
0x113: {  	[sflag:s8] =	ssyncset.done $0x0  }
0x114: {  	s16 =	stileid.u32;
	[sflag:s8] =	ssyncadd.s32 $0xFFFFD800  }
0x115: {  	s11 =	sshll.u32 s16, $0x6;
	[bflag:$0x0] =	sbarrier.arrive $0xFFFF  }
0x116: {  	s17 =	sshrl.u32 s5, $0x3;
	s11 =	sor.u32 $0x1C0E, s11;
	s19 =	rddreg [dreg:$0x15]  }
0x117: {  	[hbm:s19], [sflag:s11] =	dma.local [spmem:s17], $0x2800  }
0x118: {  	_ =	swait.ge [sflag:s9], $0x2800  }
0x119: {  	s10 =	sadd.s32 $0x1, s10;
	s22 =	rddreg [dreg:$0x16]  }
0x11a: {  	p0 =	sne.s32 s10, s22  }
.Ltmp2:
0x11b: {  	_ = 	snop;
	(pc) =	sbr.rel @p0 .LBB2_1-.Ltmp2, $3  }
0x11c: {  	_ =	sdelay $0x1  }
0x11d: {  	[sflag:s9] =	ssyncset.done $0x0  }
0x11e: {  	[sflag:s9] =	ssyncadd.s32 $0xFFFFD800  }
0x11f: {  	_ =	sfence.sel $0x180000  }
0x120: {  	[bflag:$0x0] =	sbarrier.arrive $0xFFFF  }
0x121: {  	_ =	strace $0x9000004D  }
0x122: {  	s0 =	stileid.u32;
	[bflag:$0x2] =	sbarrier.arrive $0xFFFF  }
0x123: {  	p0 =	sne.s32 s0, $0x0;
	s0 =	rddreg [dreg:$0x2]  }
0x124: {  	s0 =	sadd.s32 @!p0 $0x100000, s0  }
0x125: {  	[sflag:s0] =	ssyncadd.tile.s32 @!p0 $0x1;
	_ =	shalt  }
.Lfunc_end2:
_tile_overlayer_lowered:
.L_overlay_start_2:
0x126: {  	(tag) =	ssettag $0x2  }
0x127: {  	s0 =	rddreg [dreg:$0x0];
	s2 =	stileid.u32  }
0x128: {  	s1 =	rddreg [dreg:$0x1];
	p0 =	sne.s32 s2, $0x0  }
0x129: {  	s3 =	rddreg [dreg:$0x2];
	[bflag:$0x3] =	sbarrier.arrive $0xFFFF;
	s2 =	simm.s32 @!p0 $0x1C0E  }
0x12a: {  	[timem:s3], [sflag:s2] =	dma.local @!p0 [hbm:s0], s1  }
0x12b: {  	s0 =	simm.s32 @!p0 $0xE  }
0x12c: {  	_ =	swait.ge @!p0 [sflag:s0], s1  }
0x12d: {  	s1 =	ssub.s32 @!p0 $0x0, s1;
	[sflag:s0] =	ssyncset.done @!p0 $0x0  }
0x12e: {  	[sflag:s0] =	ssyncadd.s32 @!p0 s1  }
0x12f: {  	[bflag:$0x3] =	sbarrier.arrive $0xFFFF  }
0x130: {  	_ =	shalt  }

// kernel: kernel.19.cloned.1.call-start
scs
__scs_entry_jumppad:
0x0: {  	(pc) =	sbr.rel $0x88, $3  }
0x1: {  	(tag) =	ssettag $0x0;
	lr =	simm.s32 $0x1  }
0x2: {  	[smem:$0x3F90] =	sst lr;
	_ =	strace $0xD0000000  }
0x3: {  	_ = 	snop  }
0x4: {  	_ = 	snop  }
0x5: {  	_ = 	snop  }
0x6: {  	_ = 	snop  }
0x7: {  	_ = 	snop  }
__scs_overlays_trampoline_lowered:
0x8: {  	[smem:$0x3F9F] =	sst s0  }
0x9: {  	[smem:$0x3FA0] =	sst s1  }
0xa: {  	[smem:$0x3FA1] =	sst s2  }
0xb: {  	[smem:$0x3FA2] =	sst s3  }
0xc: {  	[smem:$0x3FA3] =	sst s4  }
0xd: {  	[smem:$0x3FA4] =	sst s5  }
0xe: {  	[smem:$0x3FA5] =	sst s6  }
0xf: {  	[smem:$0x3FA6] =	sst s7  }
0x10: {  	[smem:$0x3FA7] =	sst s8  }
0x11: {  	[smem:$0x3FA8] =	sst s9;
	s0 =	simm.s32 @!p0 $0x0  }
0x12: {  	s1 =	sld [smem:$0x3F8E];
	s0 =	simm.s32 @p0 $0x1  }
0x13: {  	[smem:$0x3FA9] =	sst s0;
	s0 =	simm.s32 @!p1 $0x0  }
0x14: {  	s2 =	sld [smem:$0x3F8D];
	s0 =	simm.s32 @p1 $0x1  }
0x15: {  	[smem:$0x3FAA] =	sst s0;
	s0 =	simm.s32 @!p2 $0x0  }
0x16: {  	s3 =	sld [smem:$0x3FDB];
	s0 =	simm.s32 @p2 $0x1  }
0x17: {  	s4 =	simm.s32 $0x1BF5;
	[smem:$0x3FAC] =	sst s0  }
0x18: {  	s0 =	sld [smem:$0x3F8F];
	_ =	swait.ge [sflag:s4], $0x0  }
0x19: {  	s7 =	sld [smem:$0x3F90]  }
0x1a: {  	s8 =	sadd.s32 $0xFFFFE003, lr  }
0x1b: {  	s9 =	sadd.s32 $0xFFFFFEF7, lr;
	s5 =	simm.s32 $0xFFFFFFFF;
	p2 =	slt.u32 s8, $0xFFFFF086  }
0x1c: {  	p1 =	slt.u32 s9, $0xF7A;
	s5 =	simm.s32 @!p2 $0x0  }
0x1d: {  	s5 =	simm.s32 @p1 $0x1;
	p0 =	seq.s32 s7, s2  }
0x1e: {  	s7 =	smul.u32 @!p0 $0xF7A, s2;
	p2 =	seq.s32 @!p0 s5, $0x0  }
0x1f: {  	s9 =	smul.u32 $0xF7A, s1;
	s8 =	simm.s32 @!p0 $0x1BF5;
	p2 =	por !p2, p0  }
0x20: {  	[sflag:s8] =	ssyncset.s32 @!p0 $0xFFFFF086;
	s6 =	sadd.s32 @!p0 s3, s7;
	s7 =	simm.s32 @!p0 $0x108  }
0x21: {  	s3 =	sadd.s32 s3, s9;
	s6 =	sadd.s32 @!p0 $0x88, s6;
	s7 =	simm.s32 @p2 $0x1082  }
0x22: {  	[simem:s7], [sflag:s8] =	dma.local @!p0 [hbm:s6], $0xF7A  }
0x23: {  	s9 =	sor.u32 $0xD0000000, s2;
	s6 =	simm.s32 $0x108;
	_ =	swait.ge @!p0 [sflag:s8], $0x0  }
0x24: {  	s3 =	sadd.s32 $0x88, s3;
	s6 =	simm.s32 @!p1 $0x1082;
	[sflag:s4] =	ssyncset.s32 $0xFFFFF086  }
0x25: {  	[simem:s6], [sflag:s4] =	dma.local [hbm:s3], $0xF7A  }
0x26: {  	[smem:$0x3F90] =	sst s1;
	(tag) =	ssettag s2;
	_ =	strace s9  }
0x27: {  	s1 =	sld [smem:$0x3FA0]  }
0x28: {  	s2 =	sld [smem:$0x3FA1]  }
0x29: {  	s4 =	sld [smem:$0x3FA3]  }
0x2a: {  	p0 =	seq.s32 s5, $0x0;
	s5 =	sld [smem:$0x3FA4]  }
0x2b: {  	s6 =	sld [smem:$0x3FA5]  }
0x2c: {  	s7 =	sld [smem:$0x3FA6]  }
0x2d: {  	s3 =	simm.s32 $0x108;
	s8 =	sld [smem:$0x3FA7]  }
0x2e: {  	s3 =	simm.s32 @!p0 $0x1082;
	s9 =	sld [smem:$0x3FA8]  }
0x2f: {  	lr =	sadd.s32 s0, s3;
	s0 =	sld [smem:$0x3F9F]  }
0x30: {  	s3 =	sld [smem:$0x3FA2]  }
0x31: {  	[smem:$0x3FAB] =	sst s10  }
0x32: {  	s10 =	sld [smem:$0x3FA9];
	_ =	sdelay $0x3  }
0x33: {  	p0 =	seq.s32 s10, $0x1;
	s10 =	sld [smem:$0x3FAB];
	_ =	sdelay $0x3  }
0x34: {  	[smem:$0x3FAB] =	sst s10  }
0x35: {  	s10 =	sld [smem:$0x3FAA];
	_ =	sdelay $0x3  }
0x36: {  	p1 =	seq.s32 s10, $0x1;
	s10 =	sld [smem:$0x3FAB];
	_ =	sdelay $0x3  }
0x37: {  	[smem:$0x3FAB] =	sst s10  }
0x38: {  	s10 =	sld [smem:$0x3FAC]  }
0x39: {  	_ = 	snop;
	(pc) =	sbr.ind lr, $3  }
0x3a: {  	_ = 	snop  }
0x3b: {  	_ = 	snop  }
0x3c: {  	p2 =	seq.s32 s10, $0x1;
	s10 =	sld [smem:$0x3FAB]  }
0x3d: {  	_ =	shalt  }
0x3e: {  	_ =	shalt  }
0x3f: {  	_ =	shalt  }
0x40: {  	_ =	shalt  }
0x41: {  	_ =	shalt  }
0x42: {  	_ =	shalt  }
0x43: {  	_ =	shalt  }
0x44: {  	_ =	shalt  }
0x45: {  	_ =	shalt  }
0x46: {  	_ =	shalt  }
0x47: {  	_ =	shalt  }
0x48: {  	_ =	shalt  }
0x49: {  	_ =	shalt  }
0x4a: {  	_ =	shalt  }
0x4b: {  	_ =	shalt  }
0x4c: {  	_ =	shalt  }
0x4d: {  	_ =	shalt  }
0x4e: {  	_ =	shalt  }
0x4f: {  	_ =	shalt  }
0x50: {  	_ =	shalt  }
0x51: {  	_ =	shalt  }
0x52: {  	_ =	shalt  }
0x53: {  	_ =	shalt  }
0x54: {  	_ =	shalt  }
0x55: {  	_ =	shalt  }
0x56: {  	_ =	shalt  }
0x57: {  	_ =	shalt  }
0x58: {  	_ =	shalt  }
0x59: {  	_ =	shalt  }
0x5a: {  	_ =	shalt  }
0x5b: {  	_ =	shalt  }
0x5c: {  	_ =	shalt  }
0x5d: {  	_ =	shalt  }
0x5e: {  	_ =	shalt  }
0x5f: {  	_ =	shalt  }
0x60: {  	_ =	shalt  }
0x61: {  	_ =	shalt  }
0x62: {  	_ =	shalt  }
0x63: {  	_ =	shalt  }
0x64: {  	_ =	shalt  }
0x65: {  	_ =	shalt  }
0x66: {  	_ =	shalt  }
0x67: {  	_ =	shalt  }
0x68: {  	_ =	shalt  }
0x69: {  	_ =	shalt  }
0x6a: {  	_ =	shalt  }
0x6b: {  	_ =	shalt  }
0x6c: {  	_ =	shalt  }
0x6d: {  	_ =	shalt  }
0x6e: {  	_ =	shalt  }
0x6f: {  	_ =	shalt  }
0x70: {  	_ =	shalt  }
0x71: {  	_ =	shalt  }
0x72: {  	_ =	shalt  }
0x73: {  	_ =	shalt  }
0x74: {  	_ =	shalt  }
0x75: {  	_ =	shalt  }
0x76: {  	_ =	shalt  }
0x77: {  	_ =	shalt  }
0x78: {  	_ =	shalt  }
0x79: {  	_ =	shalt  }
0x7a: {  	_ =	shalt  }
0x7b: {  	_ =	shalt  }
0x7c: {  	_ =	shalt  }
0x7d: {  	_ =	shalt  }
0x7e: {  	_ =	shalt  }
0x7f: {  	_ =	shalt  }
0x80: {  	_ =	shalt  }
0x81: {  	_ =	shalt  }
0x82: {  	_ =	shalt  }
0x83: {  	_ =	shalt  }
0x84: {  	_ =	shalt  }
0x85: {  	_ =	shalt  }
0x86: {  	_ =	shalt  }
0x87: {  	_ =	shalt  }
.Lfunc_end0:
.L_simem_size_0:
called_computation.3_lowered:
.L_overlay_start_0:
0x88: {  	s2 =	sld [smem:$0x3FD9]  }
0x89: {  	s3 =	sld [smem:$0x3FFE];
	_ =	sdelay $0x1  }
0x8a: {  	s1 =	srdreg.scid  }
0x8b: {  	s0 =	sand.u32 $0x1, s1  }
0x8c: {  	s16 =	sshll.u32 s0, $0xA;
	s2 =	sadd.s32 s3, s2  }
0x8d: {  	s2 =	sadd.s32 s2, s16  }
0x8e: {  	[smem:$0x3FB7] =	sst s2  }
0x8f: {  	_ = 	snop  }
0x90: {  	(tm) =	ssettm $0x1  }
0x91: {  	s17 =	sld [smem:$0x3FFB];
	_ =	sdelay $0x3  }
0x92: {  	_ =	strace s17  }
0x93: {  	s2 =	sld [smem:$0x3FFC];
	_ =	sdelay $0x3  }
0x94: {  	_ =	strace s2  }
0x95: {  	s2 =	sld [smem:$0x3FFD];
	_ =	sdelay $0x3  }
0x96: {  	_ =	strace s2  }
0x97: {  	_ =	strace $0x8FFFFFFF  }
0x98: {  	s18 =	sld [smem:$0x3FDB];
	_ =	sdelay $0x1  }
0x99: {  	s19 =	simm.s32 $_scs_section_size  }
0x9a: {  	s4 =	simm.s32 $_size__tile_overlayer_lowered;
	s5 =	simm.s32 $_tile_overlayer_lowered  }
0x9b: {  	s22 =	simm.s32 $0x1BFF;
	s21 =	sshll.u32 s5, $0x1;
	s2 =	sadd.s32 s19, s18  }
0x9c: {  	s6 =	simm.s32 $0x0;
	s20 =	sshll.u32 s4, $0x1;
	s4 =	sadd.s32 s21, s2  }
0x9d: {  	[timem:s6], [sflag:s22] =	dma.local [hbm:s4], s20  }
0x9e: {  	_ =	swait.ge [sflag:s22], s20  }
0x9f: {  	s3 =	ssub.s32 $0x0, s20;
	[sflag:s22] =	ssyncset.done $0x0  }
0xa0: {  	[sflag:s22] =	ssyncadd.s32 s3;
	_ =	sdelay $0x1  }
0xa1: {  	s23 =	simm.s32 $0x1B8B  }
0xa2: {  	_ =	swait.ge [sflag:s23], $0x1  }
0xa3: {  	[sflag:s23] =	ssyncset.done $0x0  }
0xa4: {  	s25 =	simm.s32 $0x1B8E;
	s24 =	sld [smem:$0x3FFE];
	[sflag:s23] =	ssyncadd.s32 $0xFFFFFFFF  }
0xa5: {  	s26 =	simm.s32 $execute0_lowered;
	[smem:$0x3FD2] =	sst s25  }
0xa6: {  	s4 =	sshll.u32 s26, $0x1;
	_ =	strace $0x8000004F;
	[dreg:$0x1] =	wrdreg $0xFFFFFFFF  }
0xa7: {  	s28 =	simm.s32 $_size_execute0_lowered;
	s2 =	sadd.s32 s2, s4;
	[dreg:$0x0] =	wrdreg $0x0  }
0xa8: {  	s4 =	sshll.u32 s28, $0x1;
	[dreg:$0x2] =	wrdreg s2  }
0xa9: {  	[dreg:$0x3] =	wrdreg s4  }
0xaa: {  	[dreg:$0x4] =	wrdreg $0xC0  }
0xab: {  	_ =	task [dreg:s6], $0x5FFFF  }
0xac: {  	[dreg:$0x1] =	wrdreg $0xFFFFFFFF  }
0xad: {  	[dreg:$0x0] =	wrdreg $0x60  }
0xae: {  	[dreg:$0x2] =	wrdreg s24  }
0xaf: {  	[dreg:$0x3] =	wrdreg $0xA4000  }
0xb0: {  	[dreg:$0x4] =	wrdreg $0x9  }
0xb1: {  	_ =	task.clear_ibuf [dreg:s6], $0x5FFFF;
	_ =	strace $0x9000004F  }
0xb2: {  	s29 =	simm.s32 $0x9;
	_ =	strace $0x80000051  }
0xb3: {  	_ =	swait.ge [sflag:s29], $0x1  }
0xb4: {  	[sflag:s29] =	ssyncadd.s32 $0xFFFFFFFF  }
0xb5: {  	_ =	strace $0x90000051  }
0xb6: {  	_ =	sfence  }
0xb7: {  	s30 =	sld [smem:$0x0];
	_ =	sdelay $0x2  }
0xb8: {  	s31 =	sshll.u32 s1, $0xD;
	s1 =	sshrl.u32 s1, $0x2  }
0xb9: {  	s3 =	sand.u32 $0x4000, s31;
	s1 =	sadd.s32 s1, s30  }
0xba: {  	s0 =	sor.u32 s3, s0;
	s1 =	sshll.u32 s1, $0x11  }
0xbb: {  	s0 =	sor.u32 s1, s0  }
0xbc: {  	s0 =	sadd.s32 $0x8F2B, s0  }
0xbd: {  	[sflag:s0] =	ssyncadd.remote.s32 $0x1  }
0xbe: {  	_ =	sfence.sel $0xFFFF  }
0xbf: {  	[dreg:$0x0] =	wrdreg $0xFFFFFFFF;
	(pc) =	sbr.abs _section_cstart, $3  }
0xc0: {  	[dreg:$0x1] =	wrdreg $0xFFFFFFFF  }
0xc1: {  	_ =	task.clear_ibuf [dreg:s6], $0x2FFFF;
	_ =	strace $0x9FFFFFFF  }
0xc2: {  	(tm) =	ssettm $0x7FFFFFFF  }
0xc3: {  	_ =	shalt  }
tec
execute0_lowered:
.L_overlay_start_1:
0x0: {  	(tag) =	ssettag $0x1  }
0x1: {  	s0 =	rddreg [dreg:$0x0]  }
0x2: {  	s1 =	rddreg [dreg:$0x1]  }
0x3: {  	s2 =	srdreg.scid;
	s3 =	simm.s32 $0x0;
	s10 =	stileid.u32  }
0x4: {  	s28 =	simm.s32 $0x3;
	s29 =	simm.s32 $0x5;
	s30 =	simm.s32 $0x9  }
0x5: {  	s2 =	sand.u32 $0x1, s2;
	[smem:$0x7FF] =	sst s3;
	s5 =	smul.u32 $0x14000, s10  }
0x6: {  	s6 =	sadd.s32 $0x4600, s0;
	s7 =	smul.u32 $0x50000, s10;
	s24 =	sshll.u32 s10, $0xF  }
0x7: {  	s4 =	smul.u32 $0x140000, s2;
	_ =	strace $0x80000050;
	s8 =	ssub.s32 $0x2, s2  }
0x8: {  	s2 =	sshll.u32 s2, $0x13;
	s9 =	sshrl.u32 s8, $0x1;
	s23 =	sshrl.u32 s7, $0x2  }
0x9: {  	s2 =	sor.u32 s24, s2;
	s24 =	simm.s32 $0x80;
	s5 =	sadd.s32 s5, s4  }
0xa: {  	s4 =	sadd.s32 $0x24600, s0;
	s8 =	ssub.s32 s8, s9;
	s10 =	sshrl.u32 s2, $0x3  }
0xb: {  	s17 =	sor.u32 $0x600, s2;
	[dreg:$0x8] =	wrdreg s24;
	s7 =	sadd.s32 s10, s6  }
0xc: {  	s19 =	sor.u32 $0x500, s2;
	s22 =	smax.u32 s8, $0x1;
	[dreg:$0x10] =	wrdreg s7  }
0xd: {  	s2 =	sor.u32 $0x400, s2;
	s15 =	sadd.s32 $0x20, s7;
	[dreg:$0x16] =	wrdreg s22  }
0xe: {  	s5 =	sshrl.u32 s5, $0x3;
	s16 =	sadd.s32 $0x40, s7;
	[dreg:$0x13] =	wrdreg s15  }
0xf: {  	s2 =	sshrl.u32 s2, $0x3;
	s7 =	sadd.s32 $0x60, s7;
	[dreg:$0x14] =	wrdreg s16  }
0x10: {  	s0 =	sadd.s32 s5, s0;
	s21 =	sadd.s32 s2, s6;
	[dreg:$0x3] =	wrdreg s7  }
0x11: {  	s5 =	sadd.s32 s23, s1;
	s23 =	simm.s32 $0x5400;
	[dreg:$0x6] =	wrdreg s21  }
0x12: {  	s31 =	simm.s32 $0x4;
	s25 =	sadd.s32 $0x2800, s5;
	[dreg:$0x7] =	wrdreg s23  }
0x13: {  	s24 =	simm.s32 $0x2;
	s26 =	sadd.s32 $0x5000, s5;
	[dreg:$0xb] =	wrdreg s25  }
0x14: {  	s18 =	sshrl.u32 s17, $0x3;
	s9 =	sadd.s32 $0x7800, s5;
	[dreg:$0xc] =	wrdreg s26  }
0x15: {  	s8 =	simm.s32 $0xC;
	s11 =	sadd.s32 $0xA000, s5;
	[dreg:$0xd] =	wrdreg s9  }
0x16: {  	s10 =	simm.s32 $0x0;
	s12 =	sadd.s32 $0xC800, s5;
	[dreg:$0xe] =	wrdreg s11  }
0x17: {  	s2 =	simm.s32 $0x6;
	s13 =	sadd.s32 $0xF000, s5;
	[dreg:$0xf] =	wrdreg s12  }
0x18: {  	s14 =	sadd.s32 $0x11800, s5;
	s7 =	sadd.s32 s18, s6;
	[dreg:$0x11] =	wrdreg s13  }
0x19: {  	s0 =	sadd.s32 $0x4B800, s0;
	s18 =	simm.s32 $0x400;
	[dreg:$0x12] =	wrdreg s14  }
0x1a: {  	s21 =	simm.s32 $0xD;
	s23 =	simm.s32 $0x50;
	[dreg:$0x4] =	wrdreg s7  }
0x1b: {  	s9 =	sshrl.u32 s19, $0x3;
	[dreg:$0x15] =	wrdreg s0;
	s25 =	simm.s32 $0x180  }
0x1c: {  	s26 =	simm.s32 $0x380;
	s0 =	simm.s32 $0x7C00;
	[dreg:$0x9] =	wrdreg s25  }
0x1d: {  	s7 =	simm.s32 $0x8;
	s20 =	sadd.s32 s9, s6;
	[dreg:$0xa] =	wrdreg s26  }
0x1e: {  	s25 =	simm.s32 $0x2C00;
	s26 =	simm.s32 $0x300;
	s6 =	simm.s32 $0xA  }
0x1f: {  	v0 =	vimm.f32 $0.0e+00;
	s9 =	simm.s32 $0xE;
	[dreg:$0x5] =	wrdreg s20;
	s20 =	simm.s32 $0x200  }
.LBB2_1:
0x20: {  	s12 =	simm.s32 $0x0;
	s13 =	simm.s32 $0x200  }
.LBB2_2:
0x21: {  	p0 =	sne.s32 s13, $0x9E00;
	[tilespmem:s12+$0x470] =	vst v0  }
0x22: {  	[tilespmem:s12+$0x400] =	vst v0  }
0x23: {  	[tilespmem:s12+$0x410] =	vst v0  }
.Ltmp0:
0x24: {  	[tilespmem:s12+$0x420] =	vst v0;
	(pc) =	sbr.rel @p0 .LBB2_2-.Ltmp0, $4  }
0x25: {  	[tilespmem:s12+$0x430] =	vst v0  }
0x26: {  	[tilespmem:s12+$0x440] =	vst v0  }
0x27: {  	[tilespmem:s12+$0x450] =	vst v0  }
0x28: {  	[tilespmem:s12+$0x460] =	vst v0;
	s12 =	sshra.s32 s13, $0x2;
	s13 =	sadd.s32 $0x200, s13  }
0x29: {  	[tilespmem:s12+$0x470] =	vst v0  }
0x2a: {  	[tilespmem:s12+$0x400] =	vst v0  }
0x2b: {  	[tilespmem:s12+$0x410] =	vst v0  }
0x2c: {  	[tilespmem:s12+$0x420] =	vst v0  }
0x2d: {  	[tilespmem:s12+$0x430] =	vst v0  }
0x2e: {  	[tilespmem:s12+$0x440] =	vst v0  }
0x2f: {  	[tilespmem:s12+$0x450] =	vst v0  }
0x30: {  	[tilespmem:s12+$0x460] =	vst v0  }
0x31: {  	[spmem:s5] =	stream.linear.scatter [tilespmem:s18], [sflag:$0xD], $0x2800, $0x38;
	[tilespmem:$0x1E400] =	vst v63  }
0x32: {  	s11 =	rddreg [dreg:$0xb]  }
0x33: {  	[spmem:s11] =	stream.linear.scatter [tilespmem:s18], [sflag:$0xD], $0x2800, $0x38;
	[tilespmem:$0x1E400] =	vst v63  }
0x34: {  	s19 =	rddreg [dreg:$0xc]  }
0x35: {  	[spmem:s19] =	stream.linear.scatter [tilespmem:s18], [sflag:$0xD], $0x2800, $0x38;
	[tilespmem:$0x1E400] =	vst v63  }
0x36: {  	s22 =	rddreg [dreg:$0xd]  }
0x37: {  	[spmem:s22] =	stream.linear.scatter [tilespmem:s18], [sflag:$0xD], $0x2800, $0x38;
	[tilespmem:$0x1E400] =	vst v63  }
0x38: {  	s12 =	rddreg [dreg:$0xe]  }
0x39: {  	[spmem:s12] =	stream.linear.scatter [tilespmem:s18], [sflag:$0xD], $0x2800, $0x38;
	[tilespmem:$0x1E400] =	vst v63  }
0x3a: {  	s13 =	rddreg [dreg:$0xf]  }
0x3b: {  	[spmem:s13] =	stream.linear.scatter [tilespmem:s18], [sflag:$0xD], $0x2800, $0x38;
	[tilespmem:$0x1E400] =	vst v63  }
0x3c: {  	s14 =	rddreg [dreg:$0x11]  }
0x3d: {  	[spmem:s14] =	stream.linear.scatter [tilespmem:s18], [sflag:$0xD], $0x2800, $0x38;
	[tilespmem:$0x1E400] =	vst v63  }
0x3e: {  	s15 =	rddreg [dreg:$0x12]  }
0x3f: {  	[spmem:s15] =	stream.linear.scatter [tilespmem:s18], [sflag:$0xD], $0x2800, $0x38;
	[tilespmem:$0x1E400] =	vst v63  }
0x40: {  	s16 =	simm.s32 $0x0;
	s17 =	rddreg [dreg:$0x10]  }
0x41: {  	[tilespmem:s16], [sflag:$0x1] =	stream.linear.gather [hbm4b:s17+s16], $0x100, $0x38;
	[tilespmem:$0x1E400] =	vst v63  }
0x42: {  	s19 =	rddreg [dreg:$0x13];
	s13 =	simm.s32 $0x100  }
0x43: {  	[tilespmem:s13], [sflag:$0x2] =	stream.linear.gather [hbm4b:s19+s16], $0x100, $0x38;
	[tilespmem:$0x1E400] =	vst v63  }
0x44: {  	s22 =	rddreg [dreg:$0x14]  }
0x45: {  	[tilespmem:s20], [sflag:$0x3] =	stream.linear.gather [hbm4b:s22+s16], $0x100, $0x38;
	[tilespmem:$0x1E400] =	vst v63  }
0x46: {  	_ =	swait.ge [sflag:s21], $0x2800  }
0x47: {  	[sflag:s21] =	ssyncset.done $0x0  }
0x48: {  	[sflag:s21] =	ssyncadd.s32 $0xFFFFD800  }
0x49: {  	_ =	swait.ge [sflag:s21], $0x2800  }
0x4a: {  	[sflag:s21] =	ssyncset.done $0x0  }
0x4b: {  	[sflag:s21] =	ssyncadd.s32 $0xFFFFD800  }
0x4c: {  	_ =	swait.ge [sflag:s21], $0x2800  }
0x4d: {  	[sflag:s21] =	ssyncset.done $0x0  }
0x4e: {  	[sflag:s21] =	ssyncadd.s32 $0xFFFFD800  }
0x4f: {  	_ =	swait.ge [sflag:s21], $0x2800  }
0x50: {  	[sflag:s21] =	ssyncset.done $0x0  }
0x51: {  	[sflag:s21] =	ssyncadd.s32 $0xFFFFD800  }
0x52: {  	_ =	swait.ge [sflag:s21], $0x2800  }
0x53: {  	[sflag:s21] =	ssyncset.done $0x0  }
0x54: {  	[sflag:s21] =	ssyncadd.s32 $0xFFFFD800  }
0x55: {  	_ =	swait.ge [sflag:s21], $0x2800  }
0x56: {  	[sflag:s21] =	ssyncset.done $0x0  }
0x57: {  	[sflag:s21] =	ssyncadd.s32 $0xFFFFD800  }
0x58: {  	_ =	swait.ge [sflag:s21], $0x2800  }
0x59: {  	[sflag:s21] =	ssyncset.done $0x0  }
0x5a: {  	[sflag:s21] =	ssyncadd.s32 $0xFFFFD800  }
0x5b: {  	_ =	swait.ge [sflag:s21], $0x2800  }
0x5c: {  	[sflag:s21] =	ssyncset.done $0x0  }
0x5d: {  	[sflag:s21] =	ssyncadd.s32 $0xFFFFD800  }
0x5e: {  	s14 =	simm.s32 $0x1;
	[bflag:$0x0] =	sbarrier.arrive $0xFFFF  }
0x5f: {  	_ =	swait.ge [sflag:s14], $0x100  }
0x60: {  	[sflag:s14] =	ssyncset.done $0x0  }
0x61: {  	[sflag:s14] =	ssyncadd.s32 $0xFFFFFF00  }
0x62: {  	[tilespmem:s18], [sflag:$0x5] =	stream.indirect.gather [hbm4b:s4+s23], $0x80, s16, s23, $0xb8;
	[tilespmem:$0x1E400] =	vst v63  }
0x63: {  	p0 =	por $0x1, $0x1;
	_ =	swait.ge [sflag:s24], $0x100  }
0x64: {  	p0 =	por p0, p0;
	[sflag:s24] =	ssyncset.done $0x0  }
0x65: {  	s12 =	simm.s32 @!p0 $0xC;
	[sflag:s24] =	ssyncadd.s32 $0xFFFFFF00  }
0x66: {  	[tilespmem:s25], [sflag:$0x6] =	stream.indirect.gather [hbm4b:s4+s23], $0x80, s13, s23, $0xb8;
	[tilespmem:$0x1E400] =	vst v63  }
0x67: {  	_ =	swait.ge @!p0 [sflag:s12], $0x2800  }
0x68: {  	s15 =	rddreg [dreg:$0x3];
	[sflag:s12] =	ssyncset.done @!p0 $0x0  }
0x69: {  	[sflag:s12] =	ssyncadd.s32 @!p0 $0xFFFFD800;
	s16 =	sadd.s32 $0x0, s15  }
0x6a: {  	[tilespmem:s26], [sflag:$0x4] =	stream.linear.gather [hbm4b:s16+s3], $0x100, $0x38;
	[tilespmem:$0x1E400] =	vst v63  }
0x6b: {  	_ =	swait.ge [sflag:s28], $0x100  }
0x6c: {  	[sflag:s28] =	ssyncset.done $0x0  }
0x6d: {  	s17 =	rddreg [dreg:$0x7];
	[sflag:s28] =	ssyncadd.s32 $0xFFFFFF00  }
0x6e: {  	[tilespmem:s17], [sflag:$0x7] =	stream.indirect.gather [hbm4b:s4+s23], $0x80, s20, s23, $0xb8;
	[tilespmem:$0x1E400] =	vst v63  }
0x6f: {  	_ =	swait.ge [sflag:s29], $0x2800  }
0x70: {  	[sflag:s29] =	ssyncset.done $0x0  }
0x71: {  	s19 =	rddreg [dreg:$0x8];
	[sflag:s29] =	ssyncadd.s32 $0xFFFFD800  }
0x72: {  	[spmem:s1] =	stream.indirect.scatter.add.f32 [tilespmem:s18], [sflag:$0x9], $0x80, s19, s23, $0xb8;
	[tilespmem:$0x1E400] =	vst v63  }
0x73: {  	_ =	swait.ge [sflag:s30], $0x2800  }
0x74: {  	p0 =	por $0x0, $0x0;
	s12 =	rddreg [dreg:$0x6];
	[sflag:s30] =	ssyncset.done $0x0  }
0x75: {  	s13 =	simm.s32 @!p0 $0x0;
	[sflag:s30] =	ssyncadd.s32 $0xFFFFD800;
	s12 =	sadd.s32 @!p0 $0x0, s12  }
0x76: {  	[tilespmem:s13], [sflag:$0x1] =	stream.linear.gather @!p0 [hbm4b:s12+s13], $0x100, $0x38;
	[tilespmem:$0x1E400] =	vst v63  }
0x77: {  	_ =	swait.ge [sflag:s31], $0x100  }
0x78: {  	[sflag:s31] =	ssyncset.done $0x0  }
0x79: {  	[sflag:s31] =	ssyncadd.s32 $0xFFFFFF00  }
0x7a: {  	[tilespmem:s0], [sflag:$0x8] =	stream.indirect.gather [hbm4b:s4+s23], $0x80, s26, s23, $0xb8;
	[tilespmem:$0x1E400] =	vst v63  }
0x7b: {  	_ =	swait.ge [sflag:s2], $0x2800  }
0x7c: {  	[sflag:s2] =	ssyncset.done $0x0  }
0x7d: {  	s22 =	rddreg [dreg:$0x9];
	[sflag:s2] =	ssyncadd.s32 $0xFFFFD800  }
0x7e: {  	[spmem:s1] =	stream.indirect.scatter.add.f32 [tilespmem:s25], [sflag:$0xA], $0x80, s22, s23, $0xb8;
	[tilespmem:$0x1E400] =	vst v63  }
0x7f: {  	_ =	swait.ge [sflag:s6], $0x2800  }
0x80: {  	[sflag:s6] =	ssyncset.done $0x0  }
0x81: {  	s12 =	simm.s32 @p0 $0x7;
	[sflag:s6] =	ssyncadd.s32 $0xFFFFD800  }
0x82: {  	_ =	swait.ge @p0 [sflag:s12], $0x2800  }
0x83: {  	s14 =	simm.s32 @p0 $0x5400;
	s15 =	simm.s32 @p0 $0xB;
	[sflag:s12] =	ssyncset.done @p0 $0x0  }
0x84: {  	s19 =	simm.s32 @p0 $0x280;
	[sflag:s12] =	ssyncadd.s32 @p0 $0xFFFFD800;
	s12 =	simm.s32 @p0 $0x50  }
0x85: {  	[spmem:s1] =	stream.indirect.scatter.add.f32 @p0 [tilespmem:s14], [sflag:$0xB], $0x80, s19, s12, $0xb8;
	[tilespmem:$0x1E400] =	vst v63  }
0x86: {  	_ =	swait.ge @p0 [sflag:s15], $0x2800  }
0x87: {  	s14 =	simm.s32 @!p0 $0x1;
	s12 =	rddreg [dreg:$0x5];
	[sflag:s15] =	ssyncset.done @p0 $0x0  }
0x88: {  	[sflag:s15] =	ssyncadd.s32 @p0 $0xFFFFD800;
	s12 =	sadd.s32 @!p0 $0x0, s12;
	s15 =	simm.s32 @!p0 $0x100  }
0x89: {  	[tilespmem:s15], [sflag:$0x2] =	stream.linear.gather @!p0 [hbm4b:s12+s13], $0x100, $0x38;
	[tilespmem:$0x1E400] =	vst v63  }
0x8a: {  	_ =	swait.ge @!p0 [sflag:s14], $0x100  }
0x8b: {  	s19 =	simm.s32 @!p0 $0x400;
	[sflag:s14] =	ssyncset.done @!p0 $0x0  }
0x8c: {  	s12 =	simm.s32 @!p0 $0x7;
	[sflag:s14] =	ssyncadd.s32 @!p0 $0xFFFFFF00;
	s14 =	simm.s32 @!p0 $0x50  }
0x8d: {  	[tilespmem:s19], [sflag:$0x5] =	stream.indirect.gather @!p0 [hbm4b:s4+s14], $0x80, s13, s14, $0xb8;
	[tilespmem:$0x1E400] =	vst v63  }
0x8e: {  	_ =	swait.ge @!p0 [sflag:s12], $0x2800  }
0x8f: {  	[sflag:s12] =	ssyncset.done @!p0 $0x0  }
0x90: {  	s19 =	simm.s32 @!p0 $0x5400;
	[sflag:s12] =	ssyncadd.s32 @!p0 $0xFFFFD800;
	s12 =	simm.s32 @!p0 $0x280  }
0x91: {  	[spmem:s1] =	stream.indirect.scatter.add.f32 @!p0 [tilespmem:s19], [sflag:$0xB], $0x80, s12, s14, $0xb8;
	[tilespmem:$0x1E400] =	vst v63  }
0x92: {  	s12 =	simm.s32 @!p0 $0xB  }
0x93: {  	_ =	swait.ge @!p0 [sflag:s12], $0x2800  }
0x94: {  	s19 =	rddreg [dreg:$0x4];
	[sflag:s12] =	ssyncset.done @!p0 $0x0  }
0x95: {  	[sflag:s12] =	ssyncadd.s32 @!p0 $0xFFFFD800;
	s12 =	sadd.s32 @!p0 $0x0, s19;
	s19 =	simm.s32 @!p0 $0x200  }
0x96: {  	[tilespmem:s19], [sflag:$0x3] =	stream.linear.gather @!p0 [hbm4b:s12+s13], $0x100, $0x38;
	[tilespmem:$0x1E400] =	vst v63  }
0x97: {  	s12 =	simm.s32 @!p0 $0x2  }
0x98: {  	_ =	swait.ge @!p0 [sflag:s12], $0x100  }
0x99: {  	[sflag:s12] =	ssyncset.done @!p0 $0x0  }
0x9a: {  	[sflag:s12] =	ssyncadd.s32 @!p0 $0xFFFFFF00;
	s12 =	simm.s32 @!p0 $0x2C00  }
0x9b: {  	[tilespmem:s12], [sflag:$0x6] =	stream.indirect.gather @!p0 [hbm4b:s4+s14], $0x80, s15, s14, $0xb8;
	[tilespmem:$0x1E400] =	vst v63  }
0x9c: {  	p6 =	por $0x0, $0x0;
	_ =	swait.ge [sflag:s7], $0x2800  }
0x9d: {  	s13 =	simm.s32 $0x100;
	s12 =	simm.s32 $0x80;
	[sflag:s7] =	ssyncset.done $0x0  }
0x9e: {  	p0 =	por p6, p6;
	s14 =	rddreg [dreg:$0xa];
	[sflag:s7] =	ssyncadd.s32 $0xFFFFD800  }
.LBB2_4:
0x9f: {  	[spmem:s1] =	stream.indirect.scatter.add.f32 [tilespmem:s0], [sflag:$0xC], $0x80, s14, s23, $0xb8;
	[tilespmem:$0x1E400] =	vst v63  }
0xa0: {  	s15 =	simm.s32 @!p0 $0xC  }
0xa1: {  	_ =	swait.ge @!p0 [sflag:s15], $0x2800  }
0xa2: {  	[sflag:s15] =	ssyncset.done @!p0 $0x0;
	s19 =	rddreg [dreg:$0x3]  }
0xa3: {  	[sflag:s15] =	ssyncadd.s32 @!p0 $0xFFFFD800;
	s16 =	sadd.s32 s12, s19  }
0xa4: {  	[tilespmem:s26], [sflag:$0x4] =	stream.linear.gather [hbm4b:s16+s3], $0x100, $0x38;
	[tilespmem:$0x1E400] =	vst v63  }
0xa5: {  	_ =	swait.ge [sflag:s28], $0x100  }
0xa6: {  	[sflag:s28] =	ssyncset.done $0x0  }
0xa7: {  	s17 =	rddreg [dreg:$0x7];
	[sflag:s28] =	ssyncadd.s32 $0xFFFFFF00  }
0xa8: {  	[tilespmem:s17], [sflag:$0x7] =	stream.indirect.gather [hbm4b:s4+s23], $0x80, s20, s23, $0xb8;
	[tilespmem:$0x1E400] =	vst v63  }
0xa9: {  	_ =	swait.ge [sflag:s29], $0x2800  }
0xaa: {  	s14 =	smov.u32 s13;
	[sflag:s29] =	ssyncset.done $0x0  }
0xab: {  	p2 =	seq.s32 s14, $0x0;
	s19 =	rddreg [dreg:$0x8];
	[sflag:s29] =	ssyncadd.s32 $0xFFFFD800  }
0xac: {  	[spmem:s1] =	stream.indirect.scatter.add.f32 [tilespmem:s18], [sflag:$0x9], $0x80, s19, s23, $0xb8;
	[tilespmem:$0x1E400] =	vst v63  }
0xad: {  	p0 =	por p2, p2;
	_ =	swait.ge [sflag:s30], $0x2800  }
0xae: {  	p2 =	seq.s32 s12, $0xF80;
	s15 =	rddreg [dreg:$0x6];
	[sflag:s30] =	ssyncset.done $0x0  }
0xaf: {  	[sflag:s30] =	ssyncadd.s32 $0xFFFFD800;
	s19 =	sadd.s32 @!p2 s12, s15;
	s15 =	simm.s32 @!p2 $0x0  }
0xb0: {  	[tilespmem:s15], [sflag:$0x1] =	stream.linear.gather @!p2 [hbm4b:s19+s15], $0x100, $0x38;
	[tilespmem:$0x1E400] =	vst v63  }
0xb1: {  	_ =	swait.ge [sflag:s31], $0x100  }
0xb2: {  	[sflag:s31] =	ssyncset.done $0x0  }
0xb3: {  	[sflag:s31] =	ssyncadd.s32 $0xFFFFFF00  }
0xb4: {  	[tilespmem:s0], [sflag:$0x8] =	stream.indirect.gather [hbm4b:s4+s23], $0x80, s26, s23, $0xb8;
	[tilespmem:$0x1E400] =	vst v63  }
0xb5: {  	_ =	swait.ge [sflag:s2], $0x2800  }
0xb6: {  	[sflag:s2] =	ssyncset.done $0x0  }
0xb7: {  	s22 =	rddreg [dreg:$0x9];
	[sflag:s2] =	ssyncadd.s32 $0xFFFFD800  }
0xb8: {  	[spmem:s1] =	stream.indirect.scatter.add.f32 [tilespmem:s25], [sflag:$0xA], $0x80, s22, s23, $0xb8;
	[tilespmem:$0x1E400] =	vst v63  }
0xb9: {  	_ =	swait.ge [sflag:s6], $0x2800  }
0xba: {  	[sflag:s6] =	ssyncset.done $0x0  }
0xbb: {  	s19 =	simm.s32 @p2 $0x7;
	[sflag:s6] =	ssyncadd.s32 $0xFFFFD800  }
0xbc: {  	_ =	swait.ge @p2 [sflag:s19], $0x2800  }
0xbd: {  	s16 =	simm.s32 @p2 $0x5400;
	s11 =	simm.s32 @p2 $0x280;
	[sflag:s19] =	ssyncset.done @p2 $0x0  }
0xbe: {  	s17 =	simm.s32 @p2 $0xB;
	[sflag:s19] =	ssyncadd.s32 @p2 $0xFFFFD800;
	s19 =	simm.s32 @p2 $0x50  }
0xbf: {  	[spmem:s1] =	stream.indirect.scatter.add.f32 @p2 [tilespmem:s16], [sflag:$0xB], $0x80, s11, s19, $0xb8;
	[tilespmem:$0x1E400] =	vst v63  }
0xc0: {  	_ =	swait.ge @p2 [sflag:s17], $0x2800  }
0xc1: {  	s16 =	simm.s32 @!p2 $0x1;
	s11 =	rddreg [dreg:$0x5];
	[sflag:s17] =	ssyncset.done @p2 $0x0  }
0xc2: {  	[sflag:s17] =	ssyncadd.s32 @p2 $0xFFFFD800;
	s11 =	sadd.s32 @!p2 s12, s11;
	s17 =	simm.s32 @!p2 $0x100  }
0xc3: {  	[tilespmem:s17], [sflag:$0x2] =	stream.linear.gather @!p2 [hbm4b:s11+s15], $0x100, $0x38;
	[tilespmem:$0x1E400] =	vst v63  }
0xc4: {  	_ =	swait.ge @!p2 [sflag:s16], $0x100  }
0xc5: {  	s19 =	simm.s32 @!p2 $0x400;
	[sflag:s16] =	ssyncset.done @!p2 $0x0  }
0xc6: {  	s11 =	simm.s32 @!p2 $0x7;
	[sflag:s16] =	ssyncadd.s32 @!p2 $0xFFFFFF00;
	s16 =	simm.s32 @!p2 $0x50  }
0xc7: {  	[tilespmem:s19], [sflag:$0x5] =	stream.indirect.gather @!p2 [hbm4b:s4+s16], $0x80, s15, s16, $0xb8;
	[tilespmem:$0x1E400] =	vst v63  }
0xc8: {  	_ =	swait.ge @!p2 [sflag:s11], $0x2800  }
0xc9: {  	s22 =	simm.s32 @!p2 $0x5400;
	[sflag:s11] =	ssyncset.done @!p2 $0x0  }
0xca: {  	s19 =	simm.s32 @!p2 $0xB;
	[sflag:s11] =	ssyncadd.s32 @!p2 $0xFFFFD800;
	s11 =	simm.s32 @!p2 $0x280  }
0xcb: {  	[spmem:s1] =	stream.indirect.scatter.add.f32 @!p2 [tilespmem:s22], [sflag:$0xB], $0x80, s11, s16, $0xb8;
	[tilespmem:$0x1E400] =	vst v63  }
0xcc: {  	_ =	swait.ge @!p2 [sflag:s19], $0x2800  }
0xcd: {  	s22 =	simm.s32 @!p2 $0x2;
	s11 =	rddreg [dreg:$0x4];
	[sflag:s19] =	ssyncset.done @!p2 $0x0  }
0xce: {  	[sflag:s19] =	ssyncadd.s32 @!p2 $0xFFFFD800;
	s11 =	sadd.s32 @!p2 s12, s11;
	s12 =	simm.s32 @!p2 $0x200  }
0xcf: {  	[tilespmem:s12], [sflag:$0x3] =	stream.linear.gather @!p2 [hbm4b:s11+s15], $0x100, $0x38;
	[tilespmem:$0x1E400] =	vst v63  }
0xd0: {  	s13 =	sadd.s32 $0x80, s13;
	_ =	swait.ge @!p2 [sflag:s22], $0x100  }
0xd1: {  	p1 =	sne.s32 s13, $0x1000;
	[sflag:s22] =	ssyncset.done @!p2 $0x0  }
.Ltmp1:
0xd2: {  	s11 =	simm.s32 @!p2 $0x2C00;
	[sflag:s22] =	ssyncadd.s32 @!p2 $0xFFFFFF00;
	(pc) =	sbr.rel @p1 .LBB2_4-.Ltmp1, $4  }
0xd3: {  	[tilespmem:s11], [sflag:$0x6] =	stream.indirect.gather @!p2 [hbm4b:s4+s16], $0x80, s17, s16, $0xb8;
	[tilespmem:$0x1E400] =	vst v63  }
0xd4: {  	_ =	swait.ge [sflag:s7], $0x2800  }
0xd5: {  	[sflag:s7] =	ssyncset.done $0x0  }
0xd6: {  	s12 =	smov.u32 s14;
	s14 =	rddreg [dreg:$0xa];
	[sflag:s7] =	ssyncadd.s32 $0xFFFFD800  }
0xd7: {  	[spmem:s1] =	stream.indirect.scatter.add.f32 [tilespmem:s0], [sflag:$0xC], $0x80, s14, s23, $0xb8;
	[tilespmem:$0x1E400] =	vst v63  }
0xd8: {  	s11 =	simm.s32 @!p0 $0xC  }
0xd9: {  	_ =	swait.ge @!p0 [sflag:s11], $0x2800  }
0xda: {  	s13 =	rddreg [dreg:$0x3];
	[sflag:s11] =	ssyncset.done @!p0 $0x0  }
0xdb: {  	[sflag:s11] =	ssyncadd.s32 @!p0 $0xFFFFD800;
	s19 =	sadd.s32 s12, s13  }
0xdc: {  	[tilespmem:s26], [sflag:$0x4] =	stream.linear.gather [hbm4b:s19+s3], $0x100, $0x38;
	[tilespmem:$0x1E400] =	vst v63  }
0xdd: {  	_ =	swait.ge [sflag:s28], $0x100  }
0xde: {  	[sflag:s28] =	ssyncset.done $0x0  }
0xdf: {  	s22 =	rddreg [dreg:$0x7];
	[sflag:s28] =	ssyncadd.s32 $0xFFFFFF00  }
0xe0: {  	[tilespmem:s22], [sflag:$0x7] =	stream.indirect.gather [hbm4b:s4+s23], $0x80, s20, s23, $0xb8;
	[tilespmem:$0x1E400] =	vst v63  }
0xe1: {  	_ =	swait.ge [sflag:s29], $0x2800  }
0xe2: {  	[sflag:s29] =	ssyncset.done $0x0  }
0xe3: {  	s13 =	rddreg [dreg:$0x8];
	[sflag:s29] =	ssyncadd.s32 $0xFFFFD800  }
0xe4: {  	[spmem:s1] =	stream.indirect.scatter.add.f32 [tilespmem:s18], [sflag:$0x9], $0x80, s13, s23, $0xb8;
	[tilespmem:$0x1E400] =	vst v63  }
0xe5: {  	_ =	swait.ge [sflag:s30], $0x2800  }
0xe6: {  	p0 =	seq.s32 s12, $0xF80;
	s11 =	rddreg [dreg:$0x6];
	[sflag:s30] =	ssyncset.done $0x0  }
0xe7: {  	s13 =	simm.s32 @!p0 $0x0;
	[sflag:s30] =	ssyncadd.s32 $0xFFFFD800;
	s11 =	sadd.s32 @!p0 s12, s11  }
0xe8: {  	[tilespmem:s13], [sflag:$0x1] =	stream.linear.gather @!p0 [hbm4b:s11+s13], $0x100, $0x38;
	[tilespmem:$0x1E400] =	vst v63  }
0xe9: {  	_ =	swait.ge [sflag:s31], $0x100  }
0xea: {  	[sflag:s31] =	ssyncset.done $0x0  }
0xeb: {  	[sflag:s31] =	ssyncadd.s32 $0xFFFFFF00  }
0xec: {  	[tilespmem:s0], [sflag:$0x8] =	stream.indirect.gather [hbm4b:s4+s23], $0x80, s26, s23, $0xb8;
	[tilespmem:$0x1E400] =	vst v63  }
0xed: {  	_ =	swait.ge [sflag:s2], $0x2800  }
0xee: {  	[sflag:s2] =	ssyncset.done $0x0  }
0xef: {  	s14 =	rddreg [dreg:$0x9];
	[sflag:s2] =	ssyncadd.s32 $0xFFFFD800  }
0xf0: {  	[spmem:s1] =	stream.indirect.scatter.add.f32 [tilespmem:s25], [sflag:$0xA], $0x80, s14, s23, $0xb8;
	[tilespmem:$0x1E400] =	vst v63  }
0xf1: {  	_ =	swait.ge [sflag:s6], $0x2800  }
0xf2: {  	[sflag:s6] =	ssyncset.done $0x0  }
0xf3: {  	s11 =	simm.s32 @p0 $0x7;
	[sflag:s6] =	ssyncadd.s32 $0xFFFFD800  }
0xf4: {  	_ =	swait.ge @p0 [sflag:s11], $0x2800  }
0xf5: {  	s15 =	simm.s32 @p0 $0xB;
	s16 =	simm.s32 @p0 $0x280;
	[sflag:s11] =	ssyncset.done @p0 $0x0  }
0xf6: {  	s14 =	simm.s32 @p0 $0x5400;
	[sflag:s11] =	ssyncadd.s32 @p0 $0xFFFFD800;
	s11 =	simm.s32 @p0 $0x50  }
0xf7: {  	[spmem:s1] =	stream.indirect.scatter.add.f32 @p0 [tilespmem:s14], [sflag:$0xB], $0x80, s16, s11, $0xb8;
	[tilespmem:$0x1E400] =	vst v63  }
0xf8: {  	_ =	swait.ge @p0 [sflag:s15], $0x2800  }
0xf9: {  	s14 =	simm.s32 @!p0 $0x1;
	s11 =	rddreg [dreg:$0x5];
	[sflag:s15] =	ssyncset.done @p0 $0x0  }
0xfa: {  	[sflag:s15] =	ssyncadd.s32 @p0 $0xFFFFD800;
	s11 =	sadd.s32 @!p0 s12, s11;
	s15 =	simm.s32 @!p0 $0x100  }
0xfb: {  	[tilespmem:s15], [sflag:$0x2] =	stream.linear.gather @!p0 [hbm4b:s11+s13], $0x100, $0x38;
	[tilespmem:$0x1E400] =	vst v63  }
0xfc: {  	_ =	swait.ge @!p0 [sflag:s14], $0x100  }
0xfd: {  	s16 =	simm.s32 @!p0 $0x400;
	[sflag:s14] =	ssyncset.done @!p0 $0x0  }
0xfe: {  	s11 =	simm.s32 @!p0 $0x7;
	[sflag:s14] =	ssyncadd.s32 @!p0 $0xFFFFFF00;
	s14 =	simm.s32 @!p0 $0x50  }
0xff: {  	[tilespmem:s16], [sflag:$0x5] =	stream.indirect.gather @!p0 [hbm4b:s4+s14], $0x80, s13, s14, $0xb8;
	[tilespmem:$0x1E400] =	vst v63  }
0x100: {  	_ =	swait.ge @!p0 [sflag:s11], $0x2800  }
0x101: {  	[sflag:s11] =	ssyncset.done @!p0 $0x0  }
0x102: {  	s16 =	simm.s32 @!p0 $0x5400;
	[sflag:s11] =	ssyncadd.s32 @!p0 $0xFFFFD800;
	s11 =	simm.s32 @!p0 $0x280  }
0x103: {  	[spmem:s1] =	stream.indirect.scatter.add.f32 @!p0 [tilespmem:s16], [sflag:$0xB], $0x80, s11, s14, $0xb8;
	[tilespmem:$0x1E400] =	vst v63  }
0x104: {  	s11 =	simm.s32 @!p0 $0xB  }
0x105: {  	_ =	swait.ge @!p0 [sflag:s11], $0x2800  }
0x106: {  	s16 =	rddreg [dreg:$0x4];
	[sflag:s11] =	ssyncset.done @!p0 $0x0  }
0x107: {  	[sflag:s11] =	ssyncadd.s32 @!p0 $0xFFFFD800;
	s11 =	sadd.s32 @!p0 s12, s16;
	s12 =	simm.s32 @!p0 $0x200  }
0x108: {  	[tilespmem:s12], [sflag:$0x3] =	stream.linear.gather @!p0 [hbm4b:s11+s13], $0x100, $0x38;
	[tilespmem:$0x1E400] =	vst v63  }
0x109: {  	s11 =	simm.s32 @!p0 $0x2  }
0x10a: {  	_ =	swait.ge @!p0 [sflag:s11], $0x100  }
0x10b: {  	[sflag:s11] =	ssyncset.done @!p0 $0x0  }
0x10c: {  	[sflag:s11] =	ssyncadd.s32 @!p0 $0xFFFFFF00;
	s11 =	simm.s32 @!p0 $0x2C00  }
0x10d: {  	[tilespmem:s11], [sflag:$0x6] =	stream.indirect.gather @!p0 [hbm4b:s4+s14], $0x80, s15, s14, $0xb8;
	[tilespmem:$0x1E400] =	vst v63  }
0x10e: {  	_ =	swait.ge [sflag:s7], $0x2800  }
0x10f: {  	[sflag:s7] =	ssyncset.done $0x0  }
0x110: {  	s15 =	rddreg [dreg:$0xa];
	[sflag:s7] =	ssyncadd.s32 $0xFFFFD800  }
0x111: {  	[spmem:s1] =	stream.indirect.scatter.add.f32 [tilespmem:s0], [sflag:$0xC], $0x80, s15, s23, $0xb8;
	[tilespmem:$0x1E400] =	vst v63  }
0x112: {  	_ =	swait.ge [sflag:s8], $0x2800  }
0x113: {  	[sflag:s8] =	ssyncset.done $0x0  }
0x114: {  	s16 =	stileid.u32;
	[sflag:s8] =	ssyncadd.s32 $0xFFFFD800  }
0x115: {  	s11 =	sshll.u32 s16, $0x6;
	[bflag:$0x0] =	sbarrier.arrive $0xFFFF  }
0x116: {  	s17 =	sshrl.u32 s5, $0x3;
	s11 =	sor.u32 $0x1C0E, s11;
	s19 =	rddreg [dreg:$0x15]  }
0x117: {  	[hbm:s19], [sflag:s11] =	dma.local [spmem:s17], $0x2800  }
0x118: {  	_ =	swait.ge [sflag:s9], $0x2800  }
0x119: {  	s10 =	sadd.s32 $0x1, s10;
	s22 =	rddreg [dreg:$0x16]  }
0x11a: {  	p0 =	sne.s32 s10, s22  }
.Ltmp2:
0x11b: {  	_ = 	snop;
	(pc) =	sbr.rel @p0 .LBB2_1-.Ltmp2, $3  }
0x11c: {  	_ =	sdelay $0x1  }
0x11d: {  	[sflag:s9] =	ssyncset.done $0x0  }
0x11e: {  	[sflag:s9] =	ssyncadd.s32 $0xFFFFD800  }
0x11f: {  	_ =	sfence.sel $0x180000  }
0x120: {  	[bflag:$0x0] =	sbarrier.arrive $0xFFFF  }
0x121: {  	_ =	strace $0x90000050  }
0x122: {  	s0 =	stileid.u32;
	[bflag:$0x2] =	sbarrier.arrive $0xFFFF  }
0x123: {  	p0 =	sne.s32 s0, $0x0;
	s0 =	rddreg [dreg:$0x2]  }
0x124: {  	s0 =	sadd.s32 @!p0 $0x100000, s0  }
0x125: {  	[sflag:s0] =	ssyncadd.tile.s32 @!p0 $0x1;
	_ =	shalt  }
.Lfunc_end2:
_tile_overlayer_lowered:
.L_overlay_start_2:
0x126: {  	(tag) =	ssettag $0x2  }
0x127: {  	s0 =	rddreg [dreg:$0x0];
	s2 =	stileid.u32  }
0x128: {  	s1 =	rddreg [dreg:$0x1];
	p0 =	sne.s32 s2, $0x0  }
0x129: {  	s3 =	rddreg [dreg:$0x2];
	[bflag:$0x3] =	sbarrier.arrive $0xFFFF;
	s2 =	simm.s32 @!p0 $0x1C0E  }
0x12a: {  	[timem:s3], [sflag:s2] =	dma.local @!p0 [hbm:s0], s1  }
0x12b: {  	s0 =	simm.s32 @!p0 $0xE  }
0x12c: {  	_ =	swait.ge @!p0 [sflag:s0], s1  }
0x12d: {  	s1 =	ssub.s32 @!p0 $0x0, s1;
	[sflag:s0] =	ssyncset.done @!p0 $0x0  }
0x12e: {  	[sflag:s0] =	ssyncadd.s32 @!p0 s1  }
0x12f: {  	[bflag:$0x3] =	sbarrier.arrive $0xFFFF  }
0x130: {  	_ =	shalt  }

</sc_bundles>
